<compile_context>
chip_gen: v7x
topology: tpu7x:2x2x1
jax: 0.10.2.dev20260603
libtpu: 0.0.44.dev20260713+nightly
codegen_flags: <defaults>
</compile_context>

<pallas_src>
import functools

import jax
import jax.numpy as jnp
from jax import lax
from jax.experimental import pallas as pl
from jax.experimental.pallas import tpu as pltpu
from jax.experimental.pallas import tpu_sc as plsc

N_NODES = 10000
N_PAD = 10240
N_EDGES = 320000
D = 128
NC = 2
NS = 16
NW = NC * NS
EPT = N_EDGES // NW
CH = 80
NCHUNK = EPT // CH
ROWS_PT = N_PAD // NS

_MESH = plsc.VectorSubcoreMesh(core_axis_name="c", subcore_axis_name="s")


@functools.partial(
    pl.kernel, mesh=_MESH,
    out_type=jax.ShapeDtypeStruct((NC * N_PAD, D), jnp.float32),
    scratch_types=[
        pltpu.VMEM((EPT,), jnp.int32),
        pltpu.VMEM((EPT,), jnp.int32),
        pltpu.VMEM((CH, D), jnp.float32),
        pltpu.VMEM((CH, D), jnp.float32),
        pltpu.VMEM_SHARED((N_PAD, D), jnp.float32),
        pltpu.SemaphoreType.DMA,
        pltpu.SemaphoreType.DMA,
    ],
)
def _segsum(table, src, dst, z128, out,
            src_v, dst_v, r0, r1, acc_sh, g0, g1):
    cid = lax.axis_index("c")
    sid = lax.axis_index("s")
    tid = cid * NS + sid
    rs = sid * ROWS_PT
    rows = (r0, r1)
    gsems = (g0, g1)

    pltpu.sync_copy(src.at[pl.ds(tid * EPT, EPT)], src_v)
    pltpu.sync_copy(dst.at[pl.ds(tid * EPT, EPT)], dst_v)

    pltpu.sync_copy(z128.at[pl.ds(0, CH)], r0)
    for j in range(ROWS_PT // CH):
        pltpu.sync_copy(r0, acc_sh.at[pl.ds(rs + j * CH, CH)])
    plsc.subcore_barrier()

    def start_gather(c, b):
        pltpu.async_copy(table.at[src_v.at[pl.ds(c * CH, CH)]], rows[b],
                         gsems[b])

    def wait_gather(c, b):
        pltpu.make_async_copy(
            table.at[src_v.at[pl.ds(c * CH, CH)]], rows[b], gsems[b]).wait()

    start_gather(0, 0)
    start_gather(1, 1)

    def body(i, carry):
        for b in range(2):
            c = 2 * i + b
            wait_gather(c, b)
            pltpu.sync_copy(rows[b], acc_sh.at[dst_v.at[pl.ds(c * CH, CH)]],
                            add=True)

            @pl.when(c + 2 < NCHUNK)
            def _():
                start_gather(c + 2, b)
        return carry

    lax.fori_loop(0, NCHUNK // 2, body, 0)
    if NCHUNK % 2:
        c = NCHUNK - 1
        wait_gather(c, c % 2)
        pltpu.sync_copy(rows[c % 2], acc_sh.at[dst_v.at[pl.ds(c * CH, CH)]],
                        add=True)

    plsc.subcore_barrier()
    obase = cid * N_PAD + rs
    NJ = ROWS_PT // CH

    def wait_write(j, b):
        pltpu.make_async_copy(rows[b], out.at[pl.ds(obase + j * CH, CH)],
                              gsems[b]).wait()

    for j in range(NJ):
        b = j % 2
        if j >= 2:
            wait_write(j - 2, b)
        pltpu.sync_copy(acc_sh.at[pl.ds(rs + j * CH, CH)], rows[b])
        pltpu.async_copy(rows[b], out.at[pl.ds(obase + j * CH, CH)], gsems[b])
    wait_write(NJ - 2, (NJ - 2) % 2)
    wait_write(NJ - 1, (NJ - 1) % 2)


@functools.partial(
    pl.kernel, mesh=_MESH,
    out_type=jax.ShapeDtypeStruct((NC * N_PAD, D), jnp.float32),
    scratch_types=[
        pltpu.VMEM((EPT,), jnp.int32),
        pltpu.VMEM((CH, D), jnp.float32),
        pltpu.VMEM((CH, D), jnp.float32),
        pltpu.VMEM_SHARED((N_PAD, D), jnp.float32),
        pltpu.SemaphoreType.DMA,
        pltpu.SemaphoreType.DMA,
    ],
)
def _cnt128(dst, z128, ones, out, dst_v, rows_v, rows_w, acc_sh, sem_a, sem_b):
    cid = lax.axis_index("c")
    sid = lax.axis_index("s")
    tid = cid * NS + sid
    rs = sid * ROWS_PT
    pltpu.sync_copy(dst.at[pl.ds(tid * EPT, EPT)], dst_v)
    pltpu.sync_copy(z128.at[pl.ds(0, CH)], rows_v)
    for j in range(ROWS_PT // CH):
        pltpu.sync_copy(rows_v, acc_sh.at[pl.ds(rs + j * CH, CH)])
    pltpu.sync_copy(ones, rows_v)
    plsc.subcore_barrier()

    def body(i, carry):
        for j in range(5):
            c = 5 * i + j
            pltpu.async_copy(rows_v, acc_sh.at[dst_v.at[pl.ds(c * CH, CH)]],
                             sem_a, add=True)
        for j in range(5):
            c = 5 * i + j
            pltpu.make_async_copy(
                rows_v, acc_sh.at[dst_v.at[pl.ds(c * CH, CH)]], sem_a).wait()
        return carry

    lax.fori_loop(0, NCHUNK // 5, body, 0)
    plsc.subcore_barrier()
    obase = cid * N_PAD + rs
    rows = (rows_v, rows_w)
    sems = (sem_a, sem_b)
    NJ = ROWS_PT // CH

    def wait_write(j, b):
        pltpu.make_async_copy(rows[b], out.at[pl.ds(obase + j * CH, CH)],
                              sems[b]).wait()

    for j in range(NJ):
        b = j % 2
        if j >= 2:
            wait_write(j - 2, b)
        pltpu.sync_copy(acc_sh.at[pl.ds(rs + j * CH, CH)], rows[b])
        pltpu.async_copy(rows[b], out.at[pl.ds(obase + j * CH, CH)], sems[b])
    wait_write(NJ - 2, (NJ - 2) % 2)
    wait_write(NJ - 1, (NJ - 1) % 2)


_RB = 1000


def _invcnt_body(cntp_ref, out_ref):
    c = jnp.maximum(cntp_ref[0][:, 0:1] + cntp_ref[1][:, 0:1], 1.0)
    out_ref[...] = 1.0 / c


def _invcnt(cntp):
    return pl.pallas_call(
        _invcnt_body,
        grid=(N_NODES // _RB,),
        in_specs=[pl.BlockSpec((NC, _RB, D), lambda i: (0, i, 0))],
        out_specs=pl.BlockSpec((_RB, 1), lambda i: (i, 0)),
        out_shape=jax.ShapeDtypeStruct((N_NODES, 1), jnp.float32),
    )(cntp)


def _linear_body(parts_ref, inv_ref, x_ref, wl_ref, wr_ref, b_ref, out_ref,
                 *, relu):
    mean = (parts_ref[0] + parts_ref[1]) * inv_ref[...]
    h = (jnp.dot(mean, wl_ref[...], preferred_element_type=jnp.float32)
         + jnp.dot(x_ref[...], wr_ref[...], preferred_element_type=jnp.float32)
         + b_ref[...])
    out_ref[...] = jnp.maximum(h, 0.0) if relu else h


def _linear(parts, inv, x, wlT, wrT, b, relu):
    return pl.pallas_call(
        functools.partial(_linear_body, relu=relu),
        grid=(N_NODES // _RB,),
        in_specs=[
            pl.BlockSpec((NC, _RB, D), lambda i: (0, i, 0)),
            pl.BlockSpec((_RB, 1), lambda i: (i, 0)),
            pl.BlockSpec((_RB, D), lambda i: (i, 0)),
            pl.BlockSpec((D, D), lambda i: (0, 0)),
            pl.BlockSpec((D, D), lambda i: (0, 0)),
            pl.BlockSpec((1, D), lambda i: (0, 0)),
        ],
        out_specs=pl.BlockSpec((_RB, D), lambda i: (i, 0)),
        out_shape=jax.ShapeDtypeStruct((N_NODES, D), jnp.float32),
    )(parts, inv, x, wlT, wrT, b)


def kernel(x, edge_index, W1l, W1r, b1, W2l, W2r, b2, W3l, W3r, b3):
    src = edge_index[0].astype(jnp.int32)
    dst = edge_index[1].astype(jnp.int32)
    z128 = jnp.zeros((N_PAD, D), jnp.float32)
    ones = jnp.ones((CH, D), jnp.float32)

    w3l = jnp.pad(W3l.T, ((0, 0), (0, D - W3l.shape[0])))
    w3r = jnp.pad(W3r.T, ((0, 0), (0, D - W3r.shape[0])))
    b3p = jnp.pad(b3, (0, D - b3.shape[0]))

    cntp = _cnt128(dst, z128, ones)
    inv = _invcnt(cntp.reshape(NC, N_PAD, D))

    parts1 = _segsum(x, src, dst, z128).reshape(NC, N_PAD, D)
    h1 = _linear(parts1, inv, x, W1l.T, W1r.T, b1.reshape(1, D), relu=True)
    parts2 = _segsum(h1, src, dst, z128).reshape(NC, N_PAD, D)
    h2 = _linear(parts2, inv, h1, W2l.T, W2r.T, b2.reshape(1, D), relu=True)
    parts3 = _segsum(h2, src, dst, z128).reshape(NC, N_PAD, D)
    out = _linear(parts3, inv, h2, w3l, w3r, b3p.reshape(1, D), relu=False)
    return out[:, :W3l.shape[0]]

# --- scband reference (transcript-rebuilt; emitter-appended) ---
"""Pipeline reference for scband-elliptic-graph-sage-37452114821140 (READ-ONLY COPY).

The authoritative reference and input builder live on the scoring server;
editing this copy changes nothing except your own understanding.
"""

import jax, jax.numpy as jnp
import numpy as np

N_NODES = 10000
N_EDGES = 320000
IN_CH = 128
HID_CH = 128
OUT_CH = 2


def _sage_conv(x, edge_index, w_l, w_r, b):
    # PyG SAGEConv: out = lin_l(mean_{j in N(i)} x_j) + lin_r(x_i)
    src = edge_index[0]
    dst = edge_index[1]
    msg = jnp.take(x, src, axis=0)
    agg = jax.ops.segment_sum(msg, dst, num_segments=N_NODES)
    cnt = jax.ops.segment_sum(jnp.ones((msg.shape[0],), dtype=x.dtype), dst, num_segments=N_NODES)
    mean = agg / jnp.maximum(cnt, 1.0)[:, None]
    return mean @ w_l.T + b + x @ w_r.T


def setup_inputs(seed: int = 0) -> dict:
    key = jax.random.key(seed)
    ks = jax.random.split(key, 9)
    x = jax.random.normal(ks[0], (N_NODES, IN_CH), dtype=jnp.float32)
    edge_index = jax.random.randint(ks[1], (2, N_EDGES), 0, N_NODES, dtype=jnp.int64)
    s1 = 1.0 / np.sqrt(IN_CH)
    s2 = 1.0 / np.sqrt(HID_CH)
    W1l = jax.random.uniform(ks[2], (HID_CH, IN_CH), jnp.float32, -s1, s1)
    W1r = jax.random.uniform(ks[3], (HID_CH, IN_CH), jnp.float32, -s1, s1)
    b1 = jnp.zeros((HID_CH,), dtype=jnp.float32)
    W2l = jax.random.uniform(ks[4], (HID_CH, HID_CH), jnp.float32, -s2, s2)
    W2r = jax.random.uniform(ks[5], (HID_CH, HID_CH), jnp.float32, -s2, s2)
    b2 = jnp.zeros((HID_CH,), dtype=jnp.float32)
    W3l = jax.random.uniform(ks[6], (OUT_CH, HID_CH), jnp.float32, -s2, s2)
    W3r = jax.random.uniform(ks[7], (OUT_CH, HID_CH), jnp.float32, -s2, s2)
    b3 = jnp.zeros((OUT_CH,), dtype=jnp.float32)
    return {"x": x, "edge_index": edge_index,
            "W1l": W1l, "W1r": W1r, "b1": b1,
            "W2l": W2l, "W2r": W2r, "b2": b2,
            "W3l": W3l, "W3r": W3r, "b3": b3}


def reference(x, edge_index, W1l, W1r, b1, W2l, W2r, b2, W3l, W3r, b3):
    # eval mode: dropout is identity
    h = jax.nn.relu(_sage_conv(x, edge_index, W1l, W1r, b1))
    h = jax.nn.relu(_sage_conv(h, edge_index, W2l, W2r, b2))
    out = _sage_conv(h, edge_index, W3l, W3r, b3)
    return out

if __name__ == "__main__":
    import jax
    _d = setup_inputs()
    print(jax.jit(kernel)(*tuple(_d.values())))

</pallas_src>

<mosaic_0001>
#map = affine_map<(d0, d1) -> (0, 0)>
#map1 = affine_map<(d0, d1) -> (0)>
module attributes {stable_mosaic.version = 14 : i64} {
  func.func @_segsum(%arg0: i32, %arg1: i32, %arg2: memref<10000x128xf32, #tpu.memory_space<hbm>>, %arg3: memref<320000xi32, #tpu.memory_space<hbm>>, %arg4: memref<320000xi32, #tpu.memory_space<hbm>>, %arg5: memref<10240x128xf32, #tpu.memory_space<hbm>>, %arg6: memref<20480x128xf32, #tpu.memory_space<hbm>>, %arg7: memref<10000xi32, #tpu.memory_space<vmem>>, %arg8: memref<10000xi32, #tpu.memory_space<vmem>>, %arg9: memref<80x128xf32, #tpu.memory_space<vmem>>, %arg10: memref<80x128xf32, #tpu.memory_space<vmem>>, %arg11: memref<10240x128xf32, #tpu.memory_space<vmem_shared>>, %arg12: memref<!tpu.dma_semaphore, #tpu.memory_space<semaphore_mem>>, %arg13: memref<!tpu.dma_semaphore, #tpu.memory_space<semaphore_mem>>) attributes {dimension_semantics = [#tpu.dimension_semantics<core_parallel>, #tpu.dimension_semantics<subcore_parallel>], iteration_bounds = array<i64: 2, 16>, scalar_prefetch = 0 : i64, scratch_operands = 7 : i64, tpu.core_type = #tpu.core_type<sc_vector_subcore>, window_params = [{transform_indices = #map}, {transform_indices = #map1}, {transform_indices = #map1}, {transform_indices = #map}, {transform_indices = #map}]} {
    %mul3A = arith.constant 16 : i32
    %mul3A_0 = arith.muli %arg0, %mul3A : i32
    %add3A = arith.addi %mul3A_0, %arg1 : i32
    %mul3A_1 = arith.constant 640 : i32
    %mul3A_2 = arith.muli %arg1, %mul3A_1 : i32
    %mul3A_3 = arith.constant 10000 : i32
    %mul3A_4 = arith.muli %add3A, %mul3A_3 : i32
    "tpu.region"() ({
      %run_scoped3A = tpu.sem_alloc : memref<!tpu.dma_semaphore, #tpu.memory_space<semaphore_mem>>
      %dma_start3A_157 = tpu.memref_slice %arg3[%mul3A_4] : memref<320000xi32, #tpu.memory_space<hbm>> -> memref<10000xi32, #tpu.memory_space<hbm>>
      %dma_start3A_158 = tpu.memref_slice %arg3[%mul3A_4] : memref<320000xi32, #tpu.memory_space<hbm>> -> memref<10000xi32, #tpu.memory_space<hbm>>
      tpu.enqueue_dma source(%dma_start3A_158 : memref<10000xi32, #tpu.memory_space<hbm>>) target(%arg7 : memref<10000xi32, #tpu.memory_space<vmem>>) target_semaphore(%run_scoped3A : memref<!tpu.dma_semaphore, #tpu.memory_space<semaphore_mem>>)
      %dma_wait3A_159 = tpu.memref_slice %arg3[%mul3A_4] : memref<320000xi32, #tpu.memory_space<hbm>> -> memref<10000xi32, #tpu.memory_space<hbm>>
      %dma_wait3A_160 = tpu.memref_slice %arg3[%mul3A_4] : memref<320000xi32, #tpu.memory_space<hbm>> -> memref<10000xi32, #tpu.memory_space<hbm>>
      tpu.wait_dma2 semaphore(%run_scoped3A : memref<!tpu.dma_semaphore, #tpu.memory_space<semaphore_mem>>) src(%dma_wait3A_160 : memref<10000xi32, #tpu.memory_space<hbm>>) dst(%arg7 : memref<10000xi32, #tpu.memory_space<vmem>>)
      tpu.yield
    }) : () -> ()
    %mul3A_5 = arith.constant 10000 : i32
    %mul3A_6 = arith.muli %add3A, %mul3A_5 : i32
    "tpu.region"() ({
      %run_scoped3A = tpu.sem_alloc : memref<!tpu.dma_semaphore, #tpu.memory_space<semaphore_mem>>
      %dma_start3A_157 = tpu.memref_slice %arg4[%mul3A_6] : memref<320000xi32, #tpu.memory_space<hbm>> -> memref<10000xi32, #tpu.memory_space<hbm>>
      %dma_start3A_158 = tpu.memref_slice %arg4[%mul3A_6] : memref<320000xi32, #tpu.memory_space<hbm>> -> memref<10000xi32, #tpu.memory_space<hbm>>
      tpu.enqueue_dma source(%dma_start3A_158 : memref<10000xi32, #tpu.memory_space<hbm>>) target(%arg8 : memref<10000xi32, #tpu.memory_space<vmem>>) target_semaphore(%run_scoped3A : memref<!tpu.dma_semaphore, #tpu.memory_space<semaphore_mem>>)
      %dma_wait3A_159 = tpu.memref_slice %arg4[%mul3A_6] : memref<320000xi32, #tpu.memory_space<hbm>> -> memref<10000xi32, #tpu.memory_space<hbm>>
      %dma_wait3A_160 = tpu.memref_slice %arg4[%mul3A_6] : memref<320000xi32, #tpu.memory_space<hbm>> -> memref<10000xi32, #tpu.memory_space<hbm>>
      tpu.wait_dma2 semaphore(%run_scoped3A : memref<!tpu.dma_semaphore, #tpu.memory_space<semaphore_mem>>) src(%dma_wait3A_160 : memref<10000xi32, #tpu.memory_space<hbm>>) dst(%arg8 : memref<10000xi32, #tpu.memory_space<vmem>>)
      tpu.yield
    }) : () -> ()
    "tpu.region"() ({
      %run_scoped3A = tpu.sem_alloc : memref<!tpu.dma_semaphore, #tpu.memory_space<semaphore_mem>>
      %dma_start3A_157 = arith.constant 0 : i32
      %dma_start3A_158 = arith.constant 0 : i32
      %dma_start3A_159 = tpu.memref_slice %arg5[%dma_start3A_157, %dma_start3A_158] : memref<10240x128xf32, #tpu.memory_space<hbm>> -> memref<80x128xf32, #tpu.memory_space<hbm>>
      %dma_start3A_160 = arith.constant 0 : i32
      %dma_start3A_161 = arith.constant 0 : i32
      %dma_start3A_162 = tpu.memref_slice %arg5[%dma_start3A_160, %dma_start3A_161] : memref<10240x128xf32, #tpu.memory_space<hbm>> -> memref<80x128xf32, #tpu.memory_space<hbm>>
      tpu.enqueue_dma source(%dma_start3A_162 : memref<80x128xf32, #tpu.memory_space<hbm>>) target(%arg9 : memref<80x128xf32, #tpu.memory_space<vmem>>) target_semaphore(%run_scoped3A : memref<!tpu.dma_semaphore, #tpu.memory_space<semaphore_mem>>)
      %dma_wait3A_163 = arith.constant 0 : i32
      %dma_wait3A_164 = arith.constant 0 : i32
      %dma_wait3A_165 = tpu.memref_slice %arg5[%dma_wait3A_163, %dma_wait3A_164] : memref<10240x128xf32, #tpu.memory_space<hbm>> -> memref<80x128xf32, #tpu.memory_space<hbm>>
      %dma_wait3A_166 = arith.constant 0 : i32
      %dma_wait3A_167 = arith.constant 0 : i32
      %dma_wait3A_168 = tpu.memref_slice %arg5[%dma_wait3A_166, %dma_wait3A_167] : memref<10240x128xf32, #tpu.memory_space<hbm>> -> memref<80x128xf32, #tpu.memory_space<hbm>>
      tpu.wait_dma2 semaphore(%run_scoped3A : memref<!tpu.dma_semaphore, #tpu.memory_space<semaphore_mem>>) src(%dma_wait3A_168 : memref<80x128xf32, #tpu.memory_space<hbm>>) dst(%arg9 : memref<80x128xf32, #tpu.memory_space<vmem>>)
      tpu.yield
    }) : () -> ()
    %add3A_7 = arith.constant 0 : i32
    %add3A_8 = arith.addi %mul3A_2, %add3A_7 : i32
    "tpu.region"() ({
      %run_scoped3A = tpu.sem_alloc : memref<!tpu.dma_semaphore, #tpu.memory_space<semaphore_mem>>
      %dma_start3A_157 = arith.constant 0 : i32
      %dma_start3A_158 = tpu.memref_slice %arg11[%add3A_8, %dma_start3A_157] : memref<10240x128xf32, #tpu.memory_space<vmem_shared>> -> memref<80x128xf32, #tpu.memory_space<vmem_shared>>
      %dma_start3A_159 = arith.constant 0 : i32
      %dma_start3A_160 = tpu.memref_slice %arg11[%add3A_8, %dma_start3A_159] : memref<10240x128xf32, #tpu.memory_space<vmem_shared>> -> memref<80x128xf32, #tpu.memory_space<vmem_shared>>
      tpu.enqueue_dma source(%arg9 : memref<80x128xf32, #tpu.memory_space<vmem>>) target(%dma_start3A_160 : memref<80x128xf32, #tpu.memory_space<vmem_shared>>) target_semaphore(%run_scoped3A : memref<!tpu.dma_semaphore, #tpu.memory_space<semaphore_mem>>)
      %dma_wait3A_161 = arith.constant 0 : i32
      %dma_wait3A_162 = tpu.memref_slice %arg11[%add3A_8, %dma_wait3A_161] : memref<10240x128xf32, #tpu.memory_space<vmem_shared>> -> memref<80x128xf32, #tpu.memory_space<vmem_shared>>
      %dma_wait3A_163 = arith.constant 0 : i32
      %dma_wait3A_164 = tpu.memref_slice %arg11[%add3A_8, %dma_wait3A_163] : memref<10240x128xf32, #tpu.memory_space<vmem_shared>> -> memref<80x128xf32, #tpu.memory_space<vmem_shared>>
      tpu.wait_dma2 semaphore(%run_scoped3A : memref<!tpu.dma_semaphore, #tpu.memory_space<semaphore_mem>>) src(%arg9 : memref<80x128xf32, #tpu.memory_space<vmem>>) dst(%dma_wait3A_164 : memref<80x128xf32, #tpu.memory_space<vmem_shared>>)
      tpu.yield
    }) : () -> ()
    %add3A_9 = arith.constant 80 : i32
    %add3A_10 = arith.addi %mul3A_2, %add3A_9 : i32
    "tpu.region"() ({
      %run_scoped3A = tpu.sem_alloc : memref<!tpu.dma_semaphore, #tpu.memory_space<semaphore_mem>>
      %dma_start3A_157 = arith.constant 0 : i32
      %dma_start3A_158 = tpu.memref_slice %arg11[%add3A_10, %dma_start3A_157] : memref<10240x128xf32, #tpu.memory_space<vmem_shared>> -> memref<80x128xf32, #tpu.memory_space<vmem_shared>>
      %dma_start3A_159 = arith.constant 0 : i32
      %dma_start3A_160 = tpu.memref_slice %arg11[%add3A_10, %dma_start3A_159] : memref<10240x128xf32, #tpu.memory_space<vmem_shared>> -> memref<80x128xf32, #tpu.memory_space<vmem_shared>>
      tpu.enqueue_dma source(%arg9 : memref<80x128xf32, #tpu.memory_space<vmem>>) target(%dma_start3A_160 : memref<80x128xf32, #tpu.memory_space<vmem_shared>>) target_semaphore(%run_scoped3A : memref<!tpu.dma_semaphore, #tpu.memory_space<semaphore_mem>>)
      %dma_wait3A_161 = arith.constant 0 : i32
      %dma_wait3A_162 = tpu.memref_slice %arg11[%add3A_10, %dma_wait3A_161] : memref<10240x128xf32, #tpu.memory_space<vmem_shared>> -> memref<80x128xf32, #tpu.memory_space<vmem_shared>>
      %dma_wait3A_163 = arith.constant 0 : i32
      %dma_wait3A_164 = tpu.memref_slice %arg11[%add3A_10, %dma_wait3A_163] : memref<10240x128xf32, #tpu.memory_space<vmem_shared>> -> memref<80x128xf32, #tpu.memory_space<vmem_shared>>
      tpu.wait_dma2 semaphore(%run_scoped3A : memref<!tpu.dma_semaphore, #tpu.memory_space<semaphore_mem>>) src(%arg9 : memref<80x128xf32, #tpu.memory_space<vmem>>) dst(%dma_wait3A_164 : memref<80x128xf32, #tpu.memory_space<vmem_shared>>)
      tpu.yield
    }) : () -> ()
    %add3A_11 = arith.constant 160 : i32
    %add3A_12 = arith.addi %mul3A_2, %add3A_11 : i32
    "tpu.region"() ({
      %run_scoped3A = tpu.sem_alloc : memref<!tpu.dma_semaphore, #tpu.memory_space<semaphore_mem>>
      %dma_start3A_157 = arith.constant 0 : i32
      %dma_start3A_158 = tpu.memref_slice %arg11[%add3A_12, %dma_start3A_157] : memref<10240x128xf32, #tpu.memory_space<vmem_shared>> -> memref<80x128xf32, #tpu.memory_space<vmem_shared>>
      %dma_start3A_159 = arith.constant 0 : i32
      %dma_start3A_160 = tpu.memref_slice %arg11[%add3A_12, %dma_start3A_159] : memref<10240x128xf32, #tpu.memory_space<vmem_shared>> -> memref<80x128xf32, #tpu.memory_space<vmem_shared>>
      tpu.enqueue_dma source(%arg9 : memref<80x128xf32, #tpu.memory_space<vmem>>) target(%dma_start3A_160 : memref<80x128xf32, #tpu.memory_space<vmem_shared>>) target_semaphore(%run_scoped3A : memref<!tpu.dma_semaphore, #tpu.memory_space<semaphore_mem>>)
      %dma_wait3A_161 = arith.constant 0 : i32
      %dma_wait3A_162 = tpu.memref_slice %arg11[%add3A_12, %dma_wait3A_161] : memref<10240x128xf32, #tpu.memory_space<vmem_shared>> -> memref<80x128xf32, #tpu.memory_space<vmem_shared>>
      %dma_wait3A_163 = arith.constant 0 : i32
      %dma_wait3A_164 = tpu.memref_slice %arg11[%add3A_12, %dma_wait3A_163] : memref<10240x128xf32, #tpu.memory_space<vmem_shared>> -> memref<80x128xf32, #tpu.memory_space<vmem_shared>>
      tpu.wait_dma2 semaphore(%run_scoped3A : memref<!tpu.dma_semaphore, #tpu.memory_space<semaphore_mem>>) src(%arg9 : memref<80x128xf32, #tpu.memory_space<vmem>>) dst(%dma_wait3A_164 : memref<80x128xf32, #tpu.memory_space<vmem_shared>>)
      tpu.yield
    }) : () -> ()
    %add3A_13 = arith.constant 240 : i32
    %add3A_14 = arith.addi %mul3A_2, %add3A_13 : i32
    "tpu.region"() ({
      %run_scoped3A = tpu.sem_alloc : memref<!tpu.dma_semaphore, #tpu.memory_space<semaphore_mem>>
      %dma_start3A_157 = arith.constant 0 : i32
      %dma_start3A_158 = tpu.memref_slice %arg11[%add3A_14, %dma_start3A_157] : memref<10240x128xf32, #tpu.memory_space<vmem_shared>> -> memref<80x128xf32, #tpu.memory_space<vmem_shared>>
      %dma_start3A_159 = arith.constant 0 : i32
      %dma_start3A_160 = tpu.memref_slice %arg11[%add3A_14, %dma_start3A_159] : memref<10240x128xf32, #tpu.memory_space<vmem_shared>> -> memref<80x128xf32, #tpu.memory_space<vmem_shared>>
      tpu.enqueue_dma source(%arg9 : memref<80x128xf32, #tpu.memory_space<vmem>>) target(%dma_start3A_160 : memref<80x128xf32, #tpu.memory_space<vmem_shared>>) target_semaphore(%run_scoped3A : memref<!tpu.dma_semaphore, #tpu.memory_space<semaphore_mem>>)
      %dma_wait3A_161 = arith.constant 0 : i32
      %dma_wait3A_162 = tpu.memref_slice %arg11[%add3A_14, %dma_wait3A_161] : memref<10240x128xf32, #tpu.memory_space<vmem_shared>> -> memref<80x128xf32, #tpu.memory_space<vmem_shared>>
      %dma_wait3A_163 = arith.constant 0 : i32
      %dma_wait3A_164 = tpu.memref_slice %arg11[%add3A_14, %dma_wait3A_163] : memref<10240x128xf32, #tpu.memory_space<vmem_shared>> -> memref<80x128xf32, #tpu.memory_space<vmem_shared>>
      tpu.wait_dma2 semaphore(%run_scoped3A : memref<!tpu.dma_semaphore, #tpu.memory_space<semaphore_mem>>) src(%arg9 : memref<80x128xf32, #tpu.memory_space<vmem>>) dst(%dma_wait3A_164 : memref<80x128xf32, #tpu.memory_space<vmem_shared>>)
      tpu.yield
    }) : () -> ()
    %add3A_15 = arith.constant 320 : i32
    %add3A_16 = arith.addi %mul3A_2, %add3A_15 : i32
    "tpu.region"() ({
      %run_scoped3A = tpu.sem_alloc : memref<!tpu.dma_semaphore, #tpu.memory_space<semaphore_mem>>
      %dma_start3A_157 = arith.constant 0 : i32
      %dma_start3A_158 = tpu.memref_slice %arg11[%add3A_16, %dma_start3A_157] : memref<10240x128xf32, #tpu.memory_space<vmem_shared>> -> memref<80x128xf32, #tpu.memory_space<vmem_shared>>
      %dma_start3A_159 = arith.constant 0 : i32
      %dma_start3A_160 = tpu.memref_slice %arg11[%add3A_16, %dma_start3A_159] : memref<10240x128xf32, #tpu.memory_space<vmem_shared>> -> memref<80x128xf32, #tpu.memory_space<vmem_shared>>
      tpu.enqueue_dma source(%arg9 : memref<80x128xf32, #tpu.memory_space<vmem>>) target(%dma_start3A_160 : memref<80x128xf32, #tpu.memory_space<vmem_shared>>) target_semaphore(%run_scoped3A : memref<!tpu.dma_semaphore, #tpu.memory_space<semaphore_mem>>)
      %dma_wait3A_161 = arith.constant 0 : i32
      %dma_wait3A_162 = tpu.memref_slice %arg11[%add3A_16, %dma_wait3A_161] : memref<10240x128xf32, #tpu.memory_space<vmem_shared>> -> memref<80x128xf32, #tpu.memory_space<vmem_shared>>
      %dma_wait3A_163 = arith.constant 0 : i32
      %dma_wait3A_164 = tpu.memref_slice %arg11[%add3A_16, %dma_wait3A_163] : memref<10240x128xf32, #tpu.memory_space<vmem_shared>> -> memref<80x128xf32, #tpu.memory_space<vmem_shared>>
      tpu.wait_dma2 semaphore(%run_scoped3A : memref<!tpu.dma_semaphore, #tpu.memory_space<semaphore_mem>>) src(%arg9 : memref<80x128xf32, #tpu.memory_space<vmem>>) dst(%dma_wait3A_164 : memref<80x128xf32, #tpu.memory_space<vmem_shared>>)
      tpu.yield
    }) : () -> ()
    %add3A_17 = arith.constant 400 : i32
    %add3A_18 = arith.addi %mul3A_2, %add3A_17 : i32
    "tpu.region"() ({
      %run_scoped3A = tpu.sem_alloc : memref<!tpu.dma_semaphore, #tpu.memory_space<semaphore_mem>>
      %dma_start3A_157 = arith.constant 0 : i32
      %dma_start3A_158 = tpu.memref_slice %arg11[%add3A_18, %dma_start3A_157] : memref<10240x128xf32, #tpu.memory_space<vmem_shared>> -> memref<80x128xf32, #tpu.memory_space<vmem_shared>>
      %dma_start3A_159 = arith.constant 0 : i32
      %dma_start3A_160 = tpu.memref_slice %arg11[%add3A_18, %dma_start3A_159] : memref<10240x128xf32, #tpu.memory_space<vmem_shared>> -> memref<80x128xf32, #tpu.memory_space<vmem_shared>>
      tpu.enqueue_dma source(%arg9 : memref<80x128xf32, #tpu.memory_space<vmem>>) target(%dma_start3A_160 : memref<80x128xf32, #tpu.memory_space<vmem_shared>>) target_semaphore(%run_scoped3A : memref<!tpu.dma_semaphore, #tpu.memory_space<semaphore_mem>>)
      %dma_wait3A_161 = arith.constant 0 : i32
      %dma_wait3A_162 = tpu.memref_slice %arg11[%add3A_18, %dma_wait3A_161] : memref<10240x128xf32, #tpu.memory_space<vmem_shared>> -> memref<80x128xf32, #tpu.memory_space<vmem_shared>>
      %dma_wait3A_163 = arith.constant 0 : i32
      %dma_wait3A_164 = tpu.memref_slice %arg11[%add3A_18, %dma_wait3A_163] : memref<10240x128xf32, #tpu.memory_space<vmem_shared>> -> memref<80x128xf32, #tpu.memory_space<vmem_shared>>
      tpu.wait_dma2 semaphore(%run_scoped3A : memref<!tpu.dma_semaphore, #tpu.memory_space<semaphore_mem>>) src(%arg9 : memref<80x128xf32, #tpu.memory_space<vmem>>) dst(%dma_wait3A_164 : memref<80x128xf32, #tpu.memory_space<vmem_shared>>)
      tpu.yield
    }) : () -> ()
    %add3A_19 = arith.constant 480 : i32
    %add3A_20 = arith.addi %mul3A_2, %add3A_19 : i32
    "tpu.region"() ({
      %run_scoped3A = tpu.sem_alloc : memref<!tpu.dma_semaphore, #tpu.memory_space<semaphore_mem>>
      %dma_start3A_157 = arith.constant 0 : i32
      %dma_start3A_158 = tpu.memref_slice %arg11[%add3A_20, %dma_start3A_157] : memref<10240x128xf32, #tpu.memory_space<vmem_shared>> -> memref<80x128xf32, #tpu.memory_space<vmem_shared>>
      %dma_start3A_159 = arith.constant 0 : i32
      %dma_start3A_160 = tpu.memref_slice %arg11[%add3A_20, %dma_start3A_159] : memref<10240x128xf32, #tpu.memory_space<vmem_shared>> -> memref<80x128xf32, #tpu.memory_space<vmem_shared>>
      tpu.enqueue_dma source(%arg9 : memref<80x128xf32, #tpu.memory_space<vmem>>) target(%dma_start3A_160 : memref<80x128xf32, #tpu.memory_space<vmem_shared>>) target_semaphore(%run_scoped3A : memref<!tpu.dma_semaphore, #tpu.memory_space<semaphore_mem>>)
      %dma_wait3A_161 = arith.constant 0 : i32
      %dma_wait3A_162 = tpu.memref_slice %arg11[%add3A_20, %dma_wait3A_161] : memref<10240x128xf32, #tpu.memory_space<vmem_shared>> -> memref<80x128xf32, #tpu.memory_space<vmem_shared>>
      %dma_wait3A_163 = arith.constant 0 : i32
      %dma_wait3A_164 = tpu.memref_slice %arg11[%add3A_20, %dma_wait3A_163] : memref<10240x128xf32, #tpu.memory_space<vmem_shared>> -> memref<80x128xf32, #tpu.memory_space<vmem_shared>>
      tpu.wait_dma2 semaphore(%run_scoped3A : memref<!tpu.dma_semaphore, #tpu.memory_space<semaphore_mem>>) src(%arg9 : memref<80x128xf32, #tpu.memory_space<vmem>>) dst(%dma_wait3A_164 : memref<80x128xf32, #tpu.memory_space<vmem_shared>>)
      tpu.yield
    }) : () -> ()
    %add3A_21 = arith.constant 560 : i32
    %add3A_22 = arith.addi %mul3A_2, %add3A_21 : i32
    "tpu.region"() ({
      %run_scoped3A = tpu.sem_alloc : memref<!tpu.dma_semaphore, #tpu.memory_space<semaphore_mem>>
      %dma_start3A_157 = arith.constant 0 : i32
      %dma_start3A_158 = tpu.memref_slice %arg11[%add3A_22, %dma_start3A_157] : memref<10240x128xf32, #tpu.memory_space<vmem_shared>> -> memref<80x128xf32, #tpu.memory_space<vmem_shared>>
      %dma_start3A_159 = arith.constant 0 : i32
      %dma_start3A_160 = tpu.memref_slice %arg11[%add3A_22, %dma_start3A_159] : memref<10240x128xf32, #tpu.memory_space<vmem_shared>> -> memref<80x128xf32, #tpu.memory_space<vmem_shared>>
      tpu.enqueue_dma source(%arg9 : memref<80x128xf32, #tpu.memory_space<vmem>>) target(%dma_start3A_160 : memref<80x128xf32, #tpu.memory_space<vmem_shared>>) target_semaphore(%run_scoped3A : memref<!tpu.dma_semaphore, #tpu.memory_space<semaphore_mem>>)
      %dma_wait3A_161 = arith.constant 0 : i32
      %dma_wait3A_162 = tpu.memref_slice %arg11[%add3A_22, %dma_wait3A_161] : memref<10240x128xf32, #tpu.memory_space<vmem_shared>> -> memref<80x128xf32, #tpu.memory_space<vmem_shared>>
      %dma_wait3A_163 = arith.constant 0 : i32
      %dma_wait3A_164 = tpu.memref_slice %arg11[%add3A_22, %dma_wait3A_163] : memref<10240x128xf32, #tpu.memory_space<vmem_shared>> -> memref<80x128xf32, #tpu.memory_space<vmem_shared>>
      tpu.wait_dma2 semaphore(%run_scoped3A : memref<!tpu.dma_semaphore, #tpu.memory_space<semaphore_mem>>) src(%arg9 : memref<80x128xf32, #tpu.memory_space<vmem>>) dst(%dma_wait3A_164 : memref<80x128xf32, #tpu.memory_space<vmem_shared>>)
      tpu.yield
    }) : () -> ()
    %barrier3A = arith.constant 0 : index
    tpu.barrier barrier_id(%barrier3A)
    %dma_start3A = arith.constant 0 : i32
    %dma_start3A_23 = tpu.memref_slice %arg7[%dma_start3A] : memref<10000xi32, #tpu.memory_space<vmem>> -> memref<80xi32, #tpu.memory_space<vmem>>
    %dma_start3A_24 = arith.constant 0 : i32
    %dma_start3A_25 = arith.constant 0 : i32
    %dma_start3A_26 = tpu.memref_slice %arg2[%dma_start3A_24, %dma_start3A_25] : memref<10000x128xf32, #tpu.memory_space<hbm>> -> memref<10000x128xf32, #tpu.memory_space<hbm>>
    tpu.enqueue_indirect_dma source(%dma_start3A_26 : memref<10000x128xf32, #tpu.memory_space<hbm>>) target(%arg9 : memref<80x128xf32, #tpu.memory_space<vmem>>) offsets(%dma_start3A_23 : memref<80xi32, #tpu.memory_space<vmem>>) semaphore(%arg12 : memref<!tpu.dma_semaphore, #tpu.memory_space<semaphore_mem>>)
    %dma_start3A_27 = arith.constant 80 : i32
    %dma_start3A_28 = tpu.memref_slice %arg7[%dma_start3A_27] : memref<10000xi32, #tpu.memory_space<vmem>> -> memref<80xi32, #tpu.memory_space<vmem>>
    %dma_start3A_29 = arith.constant 0 : i32
    %dma_start3A_30 = arith.constant 0 : i32
    %dma_start3A_31 = tpu.memref_slice %arg2[%dma_start3A_29, %dma_start3A_30] : memref<10000x128xf32, #tpu.memory_space<hbm>> -> memref<10000x128xf32, #tpu.memory_space<hbm>>
    tpu.enqueue_indirect_dma source(%dma_start3A_31 : memref<10000x128xf32, #tpu.memory_space<hbm>>) target(%arg10 : memref<80x128xf32, #tpu.memory_space<vmem>>) offsets(%dma_start3A_28 : memref<80xi32, #tpu.memory_space<vmem>>) semaphore(%arg13 : memref<!tpu.dma_semaphore, #tpu.memory_space<semaphore_mem>>)
    %scan3A = arith.constant 0 : i32
    %scan3A_32 = arith.constant 0 : i32
    %scan3A_33 = arith.constant 62 : i32
    %scan3A_34 = arith.addi %scan3A_32, %scan3A_33 : i32
    %scan3A_35 = arith.constant 1 : i32
    scf.for %scan3A_157 = %scan3A_32 to %scan3A_34 step %scan3A_35  : i32 {
      %mul3A_158 = arith.constant 2 : i32
      %mul3A_159 = arith.muli %mul3A_158, %scan3A_157 : i32
      %add3A_160 = arith.constant 0 : i32
      %add3A_161 = arith.addi %mul3A_159, %add3A_160 : i32
      %mul3A_162 = arith.constant 80 : i32
      %mul3A_163 = arith.muli %add3A_161, %mul3A_162 : i32
      %dma_wait3A_164 = tpu.memref_slice %arg7[%mul3A_163] : memref<10000xi32, #tpu.memory_space<vmem>> -> memref<80xi32, #tpu.memory_space<vmem>>
      %dma_wait3A_165 = arith.constant 0 : i32
      %dma_wait3A_166 = arith.constant 0 : i32
      %dma_wait3A_167 = tpu.memref_slice %arg2[%dma_wait3A_165, %dma_wait3A_166] : memref<10000x128xf32, #tpu.memory_space<hbm>> -> memref<10000x128xf32, #tpu.memory_space<hbm>>
      tpu.wait_indirect_dma semaphore(%arg12 : memref<!tpu.dma_semaphore, #tpu.memory_space<semaphore_mem>>) src(%dma_wait3A_167 : memref<10000x128xf32, #tpu.memory_space<hbm>>) dst(%arg9 : memref<80x128xf32, #tpu.memory_space<vmem>>)
      %mul3A_168 = arith.constant 80 : i32
      %mul3A_169 = arith.muli %add3A_161, %mul3A_168 : i32
      "tpu.region"() ({
        %run_scoped3A = tpu.sem_alloc : memref<!tpu.dma_semaphore, #tpu.memory_space<semaphore_mem>>
        %dma_start3A_193 = tpu.memref_slice %arg8[%mul3A_169] : memref<10000xi32, #tpu.memory_space<vmem>> -> memref<80xi32, #tpu.memory_space<vmem>>
        %dma_start3A_194 = arith.constant 0 : i32
        %dma_start3A_195 = arith.constant 0 : i32
        %dma_start3A_196 = tpu.memref_slice %arg11[%dma_start3A_194, %dma_start3A_195] : memref<10240x128xf32, #tpu.memory_space<vmem_shared>> -> memref<10240x128xf32, #tpu.memory_space<vmem_shared>>
        tpu.enqueue_indirect_dma source(%arg9 : memref<80x128xf32, #tpu.memory_space<vmem>>) target(%dma_start3A_196 : memref<10240x128xf32, #tpu.memory_space<vmem_shared>>) offsets(%dma_start3A_193 : memref<80xi32, #tpu.memory_space<vmem>>) semaphore(%run_scoped3A : memref<!tpu.dma_semaphore, #tpu.memory_space<semaphore_mem>>) {add = true}
        %dma_wait3A_197 = tpu.memref_slice %arg8[%mul3A_169] : memref<10000xi32, #tpu.memory_space<vmem>> -> memref<80xi32, #tpu.memory_space<vmem>>
        %dma_wait3A_198 = arith.constant 0 : i32
        %dma_wait3A_199 = arith.constant 0 : i32
        %dma_wait3A_200 = tpu.memref_slice %arg11[%dma_wait3A_198, %dma_wait3A_199] : memref<10240x128xf32, #tpu.memory_space<vmem_shared>> -> memref<10240x128xf32, #tpu.memory_space<vmem_shared>>
        tpu.wait_indirect_dma semaphore(%run_scoped3A : memref<!tpu.dma_semaphore, #tpu.memory_space<semaphore_mem>>) src(%arg9 : memref<80x128xf32, #tpu.memory_space<vmem>>) dst(%dma_wait3A_200 : memref<10240x128xf32, #tpu.memory_space<vmem_shared>>)
        tpu.yield
      }) : () -> ()
      %add3A_170 = arith.constant 2 : i32
      %add3A_171 = arith.addi %add3A_161, %add3A_170 : i32
      %lt3A = arith.constant 125 : i32
      %lt3A_172 = arith.cmpi slt, %add3A_171, %lt3A : i32
      %convert_element_type3A = arith.extui %lt3A_172 : i1 to i32
      %cond3A = arith.constant 0 : i32
      %cond3A_173 = arith.cmpi ne, %convert_element_type3A, %cond3A : i32
      scf.if %cond3A_173 {
        %add3A_193 = arith.constant 2 : i32
        %add3A_194 = arith.addi %add3A_161, %add3A_193 : i32
        %mul3A_195 = arith.constant 80 : i32
        %mul3A_196 = arith.muli %add3A_194, %mul3A_195 : i32
        %dma_start3A_197 = tpu.memref_slice %arg7[%mul3A_196] : memref<10000xi32, #tpu.memory_space<vmem>> -> memref<80xi32, #tpu.memory_space<vmem>>
        %dma_start3A_198 = arith.constant 0 : i32
        %dma_start3A_199 = arith.constant 0 : i32
        %dma_start3A_200 = tpu.memref_slice %arg2[%dma_start3A_198, %dma_start3A_199] : memref<10000x128xf32, #tpu.memory_space<hbm>> -> memref<10000x128xf32, #tpu.memory_space<hbm>>
        tpu.enqueue_indirect_dma source(%dma_start3A_200 : memref<10000x128xf32, #tpu.memory_space<hbm>>) target(%arg9 : memref<80x128xf32, #tpu.memory_space<vmem>>) offsets(%dma_start3A_197 : memref<80xi32, #tpu.memory_space<vmem>>) semaphore(%arg12 : memref<!tpu.dma_semaphore, #tpu.memory_space<semaphore_mem>>)
      } else {
      }
      %mul3A_174 = arith.constant 2 : i32
      %mul3A_175 = arith.muli %mul3A_174, %scan3A_157 : i32
      %add3A_176 = arith.constant 1 : i32
      %add3A_177 = arith.addi %mul3A_175, %add3A_176 : i32
      %mul3A_178 = arith.constant 80 : i32
      %mul3A_179 = arith.muli %add3A_177, %mul3A_178 : i32
      %dma_wait3A_180 = tpu.memref_slice %arg7[%mul3A_179] : memref<10000xi32, #tpu.memory_space<vmem>> -> memref<80xi32, #tpu.memory_space<vmem>>
      %dma_wait3A_181 = arith.constant 0 : i32
      %dma_wait3A_182 = arith.constant 0 : i32
      %dma_wait3A_183 = tpu.memref_slice %arg2[%dma_wait3A_181, %dma_wait3A_182] : memref<10000x128xf32, #tpu.memory_space<hbm>> -> memref<10000x128xf32, #tpu.memory_space<hbm>>
      tpu.wait_indirect_dma semaphore(%arg13 : memref<!tpu.dma_semaphore, #tpu.memory_space<semaphore_mem>>) src(%dma_wait3A_183 : memref<10000x128xf32, #tpu.memory_space<hbm>>) dst(%arg10 : memref<80x128xf32, #tpu.memory_space<vmem>>)
      %mul3A_184 = arith.constant 80 : i32
      %mul3A_185 = arith.muli %add3A_177, %mul3A_184 : i32
      "tpu.region"() ({
        %run_scoped3A = tpu.sem_alloc : memref<!tpu.dma_semaphore, #tpu.memory_space<semaphore_mem>>
        %dma_start3A_193 = tpu.memref_slice %arg8[%mul3A_185] : memref<10000xi32, #tpu.memory_space<vmem>> -> memref<80xi32, #tpu.memory_space<vmem>>
        %dma_start3A_194 = arith.constant 0 : i32
        %dma_start3A_195 = arith.constant 0 : i32
        %dma_start3A_196 = tpu.memref_slice %arg11[%dma_start3A_194, %dma_start3A_195] : memref<10240x128xf32, #tpu.memory_space<vmem_shared>> -> memref<10240x128xf32, #tpu.memory_space<vmem_shared>>
        tpu.enqueue_indirect_dma source(%arg10 : memref<80x128xf32, #tpu.memory_space<vmem>>) target(%dma_start3A_196 : memref<10240x128xf32, #tpu.memory_space<vmem_shared>>) offsets(%dma_start3A_193 : memref<80xi32, #tpu.memory_space<vmem>>) semaphore(%run_scoped3A : memref<!tpu.dma_semaphore, #tpu.memory_space<semaphore_mem>>) {add = true}
        %dma_wait3A_197 = tpu.memref_slice %arg8[%mul3A_185] : memref<10000xi32, #tpu.memory_space<vmem>> -> memref<80xi32, #tpu.memory_space<vmem>>
        %dma_wait3A_198 = arith.constant 0 : i32
        %dma_wait3A_199 = arith.constant 0 : i32
        %dma_wait3A_200 = tpu.memref_slice %arg11[%dma_wait3A_198, %dma_wait3A_199] : memref<10240x128xf32, #tpu.memory_space<vmem_shared>> -> memref<10240x128xf32, #tpu.memory_space<vmem_shared>>
        tpu.wait_indirect_dma semaphore(%run_scoped3A : memref<!tpu.dma_semaphore, #tpu.memory_space<semaphore_mem>>) src(%arg10 : memref<80x128xf32, #tpu.memory_space<vmem>>) dst(%dma_wait3A_200 : memref<10240x128xf32, #tpu.memory_space<vmem_shared>>)
        tpu.yield
      }) : () -> ()
      %add3A_186 = arith.constant 2 : i32
      %add3A_187 = arith.addi %add3A_177, %add3A_186 : i32
      %lt3A_188 = arith.constant 125 : i32
      %lt3A_189 = arith.cmpi slt, %add3A_187, %lt3A_188 : i32
      %convert_element_type3A_190 = arith.extui %lt3A_189 : i1 to i32
      %cond3A_191 = arith.constant 0 : i32
      %cond3A_192 = arith.cmpi ne, %convert_element_type3A_190, %cond3A_191 : i32
      scf.if %cond3A_192 {
        %add3A_193 = arith.constant 2 : i32
        %add3A_194 = arith.addi %add3A_177, %add3A_193 : i32
        %mul3A_195 = arith.constant 80 : i32
        %mul3A_196 = arith.muli %add3A_194, %mul3A_195 : i32
        %dma_start3A_197 = tpu.memref_slice %arg7[%mul3A_196] : memref<10000xi32, #tpu.memory_space<vmem>> -> memref<80xi32, #tpu.memory_space<vmem>>
        %dma_start3A_198 = arith.constant 0 : i32
        %dma_start3A_199 = arith.constant 0 : i32
        %dma_start3A_200 = tpu.memref_slice %arg2[%dma_start3A_198, %dma_start3A_199] : memref<10000x128xf32, #tpu.memory_space<hbm>> -> memref<10000x128xf32, #tpu.memory_space<hbm>>
        tpu.enqueue_indirect_dma source(%dma_start3A_200 : memref<10000x128xf32, #tpu.memory_space<hbm>>) target(%arg10 : memref<80x128xf32, #tpu.memory_space<vmem>>) offsets(%dma_start3A_197 : memref<80xi32, #tpu.memory_space<vmem>>) semaphore(%arg13 : memref<!tpu.dma_semaphore, #tpu.memory_space<semaphore_mem>>)
      } else {
      }
    }
    %scan3A_36 = arith.constant 62 : i32
    %dma_wait3A = arith.constant 9920 : i32
    %dma_wait3A_37 = tpu.memref_slice %arg7[%dma_wait3A] : memref<10000xi32, #tpu.memory_space<vmem>> -> memref<80xi32, #tpu.memory_space<vmem>>
    %dma_wait3A_38 = arith.constant 0 : i32
    %dma_wait3A_39 = arith.constant 0 : i32
    %dma_wait3A_40 = tpu.memref_slice %arg2[%dma_wait3A_38, %dma_wait3A_39] : memref<10000x128xf32, #tpu.memory_space<hbm>> -> memref<10000x128xf32, #tpu.memory_space<hbm>>
    tpu.wait_indirect_dma semaphore(%arg12 : memref<!tpu.dma_semaphore, #tpu.memory_space<semaphore_mem>>) src(%dma_wait3A_40 : memref<10000x128xf32, #tpu.memory_space<hbm>>) dst(%arg9 : memref<80x128xf32, #tpu.memory_space<vmem>>)
    "tpu.region"() ({
      %run_scoped3A = tpu.sem_alloc : memref<!tpu.dma_semaphore, #tpu.memory_space<semaphore_mem>>
      %dma_start3A_157 = arith.constant 9920 : i32
      %dma_start3A_158 = tpu.memref_slice %arg8[%dma_start3A_157] : memref<10000xi32, #tpu.memory_space<vmem>> -> memref<80xi32, #tpu.memory_space<vmem>>
      %dma_start3A_159 = arith.constant 0 : i32
      %dma_start3A_160 = arith.constant 0 : i32
      %dma_start3A_161 = tpu.memref_slice %arg11[%dma_start3A_159, %dma_start3A_160] : memref<10240x128xf32, #tpu.memory_space<vmem_shared>> -> memref<10240x128xf32, #tpu.memory_space<vmem_shared>>
      tpu.enqueue_indirect_dma source(%arg9 : memref<80x128xf32, #tpu.memory_space<vmem>>) target(%dma_start3A_161 : memref<10240x128xf32, #tpu.memory_space<vmem_shared>>) offsets(%dma_start3A_158 : memref<80xi32, #tpu.memory_space<vmem>>) semaphore(%run_scoped3A : memref<!tpu.dma_semaphore, #tpu.memory_space<semaphore_mem>>) {add = true}
      %dma_wait3A_162 = arith.constant 9920 : i32
      %dma_wait3A_163 = tpu.memref_slice %arg8[%dma_wait3A_162] : memref<10000xi32, #tpu.memory_space<vmem>> -> memref<80xi32, #tpu.memory_space<vmem>>
      %dma_wait3A_164 = arith.constant 0 : i32
      %dma_wait3A_165 = arith.constant 0 : i32
      %dma_wait3A_166 = tpu.memref_slice %arg11[%dma_wait3A_164, %dma_wait3A_165] : memref<10240x128xf32, #tpu.memory_space<vmem_shared>> -> memref<10240x128xf32, #tpu.memory_space<vmem_shared>>
      tpu.wait_indirect_dma semaphore(%run_scoped3A : memref<!tpu.dma_semaphore, #tpu.memory_space<semaphore_mem>>) src(%arg9 : memref<80x128xf32, #tpu.memory_space<vmem>>) dst(%dma_wait3A_166 : memref<10240x128xf32, #tpu.memory_space<vmem_shared>>)
      tpu.yield
    }) : () -> ()
    %barrier3A_41 = arith.constant 0 : index
    tpu.barrier barrier_id(%barrier3A_41)
    %mul3A_42 = arith.constant 10240 : i32
    %mul3A_43 = arith.muli %arg0, %mul3A_42 : i32
    %add3A_44 = arith.addi %mul3A_43, %mul3A_2 : i32
    %add3A_45 = arith.constant 0 : i32
    %add3A_46 = arith.addi %mul3A_2, %add3A_45 : i32
    "tpu.region"() ({
      %run_scoped3A = tpu.sem_alloc : memref<!tpu.dma_semaphore, #tpu.memory_space<semaphore_mem>>
      %dma_start3A_157 = arith.constant 0 : i32
      %dma_start3A_158 = tpu.memref_slice %arg11[%add3A_46, %dma_start3A_157] : memref<10240x128xf32, #tpu.memory_space<vmem_shared>> -> memref<80x128xf32, #tpu.memory_space<vmem_shared>>
      %dma_start3A_159 = arith.constant 0 : i32
      %dma_start3A_160 = tpu.memref_slice %arg11[%add3A_46, %dma_start3A_159] : memref<10240x128xf32, #tpu.memory_space<vmem_shared>> -> memref<80x128xf32, #tpu.memory_space<vmem_shared>>
      tpu.enqueue_dma source(%dma_start3A_160 : memref<80x128xf32, #tpu.memory_space<vmem_shared>>) target(%arg9 : memref<80x128xf32, #tpu.memory_space<vmem>>) target_semaphore(%run_scoped3A : memref<!tpu.dma_semaphore, #tpu.memory_space<semaphore_mem>>)
      %dma_wait3A_161 = arith.constant 0 : i32
      %dma_wait3A_162 = tpu.memref_slice %arg11[%add3A_46, %dma_wait3A_161] : memref<10240x128xf32, #tpu.memory_space<vmem_shared>> -> memref<80x128xf32, #tpu.memory_space<vmem_shared>>
      %dma_wait3A_163 = arith.constant 0 : i32
      %dma_wait3A_164 = tpu.memref_slice %arg11[%add3A_46, %dma_wait3A_163] : memref<10240x128xf32, #tpu.memory_space<vmem_shared>> -> memref<80x128xf32, #tpu.memory_space<vmem_shared>>
      tpu.wait_dma2 semaphore(%run_scoped3A : memref<!tpu.dma_semaphore, #tpu.memory_space<semaphore_mem>>) src(%dma_wait3A_164 : memref<80x128xf32, #tpu.memory_space<vmem_shared>>) dst(%arg9 : memref<80x128xf32, #tpu.memory_space<vmem>>)
      tpu.yield
    }) : () -> ()
    %add3A_47 = arith.constant 0 : i32
    %add3A_48 = arith.addi %add3A_44, %add3A_47 : i32
    %dma_start3A_49 = arith.constant 0 : i32
    %dma_start3A_50 = tpu.memref_slice %arg6[%add3A_48, %dma_start3A_49] : memref<20480x128xf32, #tpu.memory_space<hbm>> -> memref<80x128xf32, #tpu.memory_space<hbm>>
    %dma_start3A_51 = arith.constant 0 : i32
    %dma_start3A_52 = tpu.memref_slice %arg6[%add3A_48, %dma_start3A_51] : memref<20480x128xf32, #tpu.memory_space<hbm>> -> memref<80x128xf32, #tpu.memory_space<hbm>>
    tpu.enqueue_dma source(%arg9 : memref<80x128xf32, #tpu.memory_space<vmem>>) target(%dma_start3A_52 : memref<80x128xf32, #tpu.memory_space<hbm>>) target_semaphore(%arg12 : memref<!tpu.dma_semaphore, #tpu.memory_space<semaphore_mem>>)
    %add3A_53 = arith.constant 80 : i32
    %add3A_54 = arith.addi %mul3A_2, %add3A_53 : i32
    "tpu.region"() ({
      %run_scoped3A = tpu.sem_alloc : memref<!tpu.dma_semaphore, #tpu.memory_space<semaphore_mem>>
      %dma_start3A_157 = arith.constant 0 : i32
      %dma_start3A_158 = tpu.memref_slice %arg11[%add3A_54, %dma_start3A_157] : memref<10240x128xf32, #tpu.memory_space<vmem_shared>> -> memref<80x128xf32, #tpu.memory_space<vmem_shared>>
      %dma_start3A_159 = arith.constant 0 : i32
      %dma_start3A_160 = tpu.memref_slice %arg11[%add3A_54, %dma_start3A_159] : memref<10240x128xf32, #tpu.memory_space<vmem_shared>> -> memref<80x128xf32, #tpu.memory_space<vmem_shared>>
      tpu.enqueue_dma source(%dma_start3A_160 : memref<80x128xf32, #tpu.memory_space<vmem_shared>>) target(%arg10 : memref<80x128xf32, #tpu.memory_space<vmem>>) target_semaphore(%run_scoped3A : memref<!tpu.dma_semaphore, #tpu.memory_space<semaphore_mem>>)
      %dma_wait3A_161 = arith.constant 0 : i32
      %dma_wait3A_162 = tpu.memref_slice %arg11[%add3A_54, %dma_wait3A_161] : memref<10240x128xf32, #tpu.memory_space<vmem_shared>> -> memref<80x128xf32, #tpu.memory_space<vmem_shared>>
      %dma_wait3A_163 = arith.constant 0 : i32
      %dma_wait3A_164 = tpu.memref_slice %arg11[%add3A_54, %dma_wait3A_163] : memref<10240x128xf32, #tpu.memory_space<vmem_shared>> -> memref<80x128xf32, #tpu.memory_space<vmem_shared>>
      tpu.wait_dma2 semaphore(%run_scoped3A : memref<!tpu.dma_semaphore, #tpu.memory_space<semaphore_mem>>) src(%dma_wait3A_164 : memref<80x128xf32, #tpu.memory_space<vmem_shared>>) dst(%arg10 : memref<80x128xf32, #tpu.memory_space<vmem>>)
      tpu.yield
    }) : () -> ()
    %add3A_55 = arith.constant 80 : i32
    %add3A_56 = arith.addi %add3A_44, %add3A_55 : i32
    %dma_start3A_57 = arith.constant 0 : i32
    %dma_start3A_58 = tpu.memref_slice %arg6[%add3A_56, %dma_start3A_57] : memref<20480x128xf32, #tpu.memory_space<hbm>> -> memref<80x128xf32, #tpu.memory_space<hbm>>
    %dma_start3A_59 = arith.constant 0 : i32
    %dma_start3A_60 = tpu.memref_slice %arg6[%add3A_56, %dma_start3A_59] : memref<20480x128xf32, #tpu.memory_space<hbm>> -> memref<80x128xf32, #tpu.memory_space<hbm>>
    tpu.enqueue_dma source(%arg10 : memref<80x128xf32, #tpu.memory_space<vmem>>) target(%dma_start3A_60 : memref<80x128xf32, #tpu.memory_space<hbm>>) target_semaphore(%arg13 : memref<!tpu.dma_semaphore, #tpu.memory_space<semaphore_mem>>)
    %add3A_61 = arith.constant 0 : i32
    %add3A_62 = arith.addi %add3A_44, %add3A_61 : i32
    %dma_wait3A_63 = arith.constant 0 : i32
    %dma_wait3A_64 = tpu.memref_slice %arg6[%add3A_62, %dma_wait3A_63] : memref<20480x128xf32, #tpu.memory_space<hbm>> -> memref<80x128xf32, #tpu.memory_space<hbm>>
    %dma_wait3A_65 = arith.constant 0 : i32
    %dma_wait3A_66 = tpu.memref_slice %arg6[%add3A_62, %dma_wait3A_65] : memref<20480x128xf32, #tpu.memory_space<hbm>> -> memref<80x128xf32, #tpu.memory_space<hbm>>
    tpu.wait_dma2 semaphore(%arg12 : memref<!tpu.dma_semaphore, #tpu.memory_space<semaphore_mem>>) src(%arg9 : memref<80x128xf32, #tpu.memory_space<vmem>>) dst(%dma_wait3A_66 : memref<80x128xf32, #tpu.memory_space<hbm>>)
    %add3A_67 = arith.constant 160 : i32
    %add3A_68 = arith.addi %mul3A_2, %add3A_67 : i32
    "tpu.region"() ({
      %run_scoped3A = tpu.sem_alloc : memref<!tpu.dma_semaphore, #tpu.memory_space<semaphore_mem>>
      %dma_start3A_157 = arith.constant 0 : i32
      %dma_start3A_158 = tpu.memref_slice %arg11[%add3A_68, %dma_start3A_157] : memref<10240x128xf32, #tpu.memory_space<vmem_shared>> -> memref<80x128xf32, #tpu.memory_space<vmem_shared>>
      %dma_start3A_159 = arith.constant 0 : i32
      %dma_start3A_160 = tpu.memref_slice %arg11[%add3A_68, %dma_start3A_159] : memref<10240x128xf32, #tpu.memory_space<vmem_shared>> -> memref<80x128xf32, #tpu.memory_space<vmem_shared>>
      tpu.enqueue_dma source(%dma_start3A_160 : memref<80x128xf32, #tpu.memory_space<vmem_shared>>) target(%arg9 : memref<80x128xf32, #tpu.memory_space<vmem>>) target_semaphore(%run_scoped3A : memref<!tpu.dma_semaphore, #tpu.memory_space<semaphore_mem>>)
      %dma_wait3A_161 = arith.constant 0 : i32
      %dma_wait3A_162 = tpu.memref_slice %arg11[%add3A_68, %dma_wait3A_161] : memref<10240x128xf32, #tpu.memory_space<vmem_shared>> -> memref<80x128xf32, #tpu.memory_space<vmem_shared>>
      %dma_wait3A_163 = arith.constant 0 : i32
      %dma_wait3A_164 = tpu.memref_slice %arg11[%add3A_68, %dma_wait3A_163] : memref<10240x128xf32, #tpu.memory_space<vmem_shared>> -> memref<80x128xf32, #tpu.memory_space<vmem_shared>>
      tpu.wait_dma2 semaphore(%run_scoped3A : memref<!tpu.dma_semaphore, #tpu.memory_space<semaphore_mem>>) src(%dma_wait3A_164 : memref<80x128xf32, #tpu.memory_space<vmem_shared>>) dst(%arg9 : memref<80x128xf32, #tpu.memory_space<vmem>>)
      tpu.yield
    }) : () -> ()
    %add3A_69 = arith.constant 160 : i32
    %add3A_70 = arith.addi %add3A_44, %add3A_69 : i32
    %dma_start3A_71 = arith.constant 0 : i32
    %dma_start3A_72 = tpu.memref_slice %arg6[%add3A_70, %dma_start3A_71] : memref<20480x128xf32, #tpu.memory_space<hbm>> -> memref<80x128xf32, #tpu.memory_space<hbm>>
    %dma_start3A_73 = arith.constant 0 : i32
    %dma_start3A_74 = tpu.memref_slice %arg6[%add3A_70, %dma_start3A_73] : memref<20480x128xf32, #tpu.memory_space<hbm>> -> memref<80x128xf32, #tpu.memory_space<hbm>>
    tpu.enqueue_dma source(%arg9 : memref<80x128xf32, #tpu.memory_space<vmem>>) target(%dma_start3A_74 : memref<80x128xf32, #tpu.memory_space<hbm>>) target_semaphore(%arg12 : memref<!tpu.dma_semaphore, #tpu.memory_space<semaphore_mem>>)
    %add3A_75 = arith.constant 80 : i32
    %add3A_76 = arith.addi %add3A_44, %add3A_75 : i32
    %dma_wait3A_77 = arith.constant 0 : i32
    %dma_wait3A_78 = tpu.memref_slice %arg6[%add3A_76, %dma_wait3A_77] : memref<20480x128xf32, #tpu.memory_space<hbm>> -> memref<80x128xf32, #tpu.memory_space<hbm>>
    %dma_wait3A_79 = arith.constant 0 : i32
    %dma_wait3A_80 = tpu.memref_slice %arg6[%add3A_76, %dma_wait3A_79] : memref<20480x128xf32, #tpu.memory_space<hbm>> -> memref<80x128xf32, #tpu.memory_space<hbm>>
    tpu.wait_dma2 semaphore(%arg13 : memref<!tpu.dma_semaphore, #tpu.memory_space<semaphore_mem>>) src(%arg10 : memref<80x128xf32, #tpu.memory_space<vmem>>) dst(%dma_wait3A_80 : memref<80x128xf32, #tpu.memory_space<hbm>>)
    %add3A_81 = arith.constant 240 : i32
    %add3A_82 = arith.addi %mul3A_2, %add3A_81 : i32
    "tpu.region"() ({
      %run_scoped3A = tpu.sem_alloc : memref<!tpu.dma_semaphore, #tpu.memory_space<semaphore_mem>>
      %dma_start3A_157 = arith.constant 0 : i32
      %dma_start3A_158 = tpu.memref_slice %arg11[%add3A_82, %dma_start3A_157] : memref<10240x128xf32, #tpu.memory_space<vmem_shared>> -> memref<80x128xf32, #tpu.memory_space<vmem_shared>>
      %dma_start3A_159 = arith.constant 0 : i32
      %dma_start3A_160 = tpu.memref_slice %arg11[%add3A_82, %dma_start3A_159] : memref<10240x128xf32, #tpu.memory_space<vmem_shared>> -> memref<80x128xf32, #tpu.memory_space<vmem_shared>>
      tpu.enqueue_dma source(%dma_start3A_160 : memref<80x128xf32, #tpu.memory_space<vmem_shared>>) target(%arg10 : memref<80x128xf32, #tpu.memory_space<vmem>>) target_semaphore(%run_scoped3A : memref<!tpu.dma_semaphore, #tpu.memory_space<semaphore_mem>>)
      %dma_wait3A_161 = arith.constant 0 : i32
      %dma_wait3A_162 = tpu.memref_slice %arg11[%add3A_82, %dma_wait3A_161] : memref<10240x128xf32, #tpu.memory_space<vmem_shared>> -> memref<80x128xf32, #tpu.memory_space<vmem_shared>>
      %dma_wait3A_163 = arith.constant 0 : i32
      %dma_wait3A_164 = tpu.memref_slice %arg11[%add3A_82, %dma_wait3A_163] : memref<10240x128xf32, #tpu.memory_space<vmem_shared>> -> memref<80x128xf32, #tpu.memory_space<vmem_shared>>
      tpu.wait_dma2 semaphore(%run_scoped3A : memref<!tpu.dma_semaphore, #tpu.memory_space<semaphore_mem>>) src(%dma_wait3A_164 : memref<80x128xf32, #tpu.memory_space<vmem_shared>>) dst(%arg10 : memref<80x128xf32, #tpu.memory_space<vmem>>)
      tpu.yield
    }) : () -> ()
    %add3A_83 = arith.constant 240 : i32
    %add3A_84 = arith.addi %add3A_44, %add3A_83 : i32
    %dma_start3A_85 = arith.constant 0 : i32
    %dma_start3A_86 = tpu.memref_slice %arg6[%add3A_84, %dma_start3A_85] : memref<20480x128xf32, #tpu.memory_space<hbm>> -> memref<80x128xf32, #tpu.memory_space<hbm>>
    %dma_start3A_87 = arith.constant 0 : i32
    %dma_start3A_88 = tpu.memref_slice %arg6[%add3A_84, %dma_start3A_87] : memref<20480x128xf32, #tpu.memory_space<hbm>> -> memref<80x128xf32, #tpu.memory_space<hbm>>
    tpu.enqueue_dma source(%arg10 : memref<80x128xf32, #tpu.memory_space<vmem>>) target(%dma_start3A_88 : memref<80x128xf32, #tpu.memory_space<hbm>>) target_semaphore(%arg13 : memref<!tpu.dma_semaphore, #tpu.memory_space<semaphore_mem>>)
    %add3A_89 = arith.constant 160 : i32
    %add3A_90 = arith.addi %add3A_44, %add3A_89 : i32
    %dma_wait3A_91 = arith.constant 0 : i32
    %dma_wait3A_92 = tpu.memref_slice %arg6[%add3A_90, %dma_wait3A_91] : memref<20480x128xf32, #tpu.memory_space<hbm>> -> memref<80x128xf32, #tpu.memory_space<hbm>>
    %dma_wait3A_93 = arith.constant 0 : i32
    %dma_wait3A_94 = tpu.memref_slice %arg6[%add3A_90, %dma_wait3A_93] : memref<20480x128xf32, #tpu.memory_space<hbm>> -> memref<80x128xf32, #tpu.memory_space<hbm>>
    tpu.wait_dma2 semaphore(%arg12 : memref<!tpu.dma_semaphore, #tpu.memory_space<semaphore_mem>>) src(%arg9 : memref<80x128xf32, #tpu.memory_space<vmem>>) dst(%dma_wait3A_94 : memref<80x128xf32, #tpu.memory_space<hbm>>)
    %add3A_95 = arith.constant 320 : i32
    %add3A_96 = arith.addi %mul3A_2, %add3A_95 : i32
    "tpu.region"() ({
      %run_scoped3A = tpu.sem_alloc : memref<!tpu.dma_semaphore, #tpu.memory_space<semaphore_mem>>
      %dma_start3A_157 = arith.constant 0 : i32
      %dma_start3A_158 = tpu.memref_slice %arg11[%add3A_96, %dma_start3A_157] : memref<10240x128xf32, #tpu.memory_space<vmem_shared>> -> memref<80x128xf32, #tpu.memory_space<vmem_shared>>
      %dma_start3A_159 = arith.constant 0 : i32
      %dma_start3A_160 = tpu.memref_slice %arg11[%add3A_96, %dma_start3A_159] : memref<10240x128xf32, #tpu.memory_space<vmem_shared>> -> memref<80x128xf32, #tpu.memory_space<vmem_shared>>
      tpu.enqueue_dma source(%dma_start3A_160 : memref<80x128xf32, #tpu.memory_space<vmem_shared>>) target(%arg9 : memref<80x128xf32, #tpu.memory_space<vmem>>) target_semaphore(%run_scoped3A : memref<!tpu.dma_semaphore, #tpu.memory_space<semaphore_mem>>)
      %dma_wait3A_161 = arith.constant 0 : i32
      %dma_wait3A_162 = tpu.memref_slice %arg11[%add3A_96, %dma_wait3A_161] : memref<10240x128xf32, #tpu.memory_space<vmem_shared>> -> memref<80x128xf32, #tpu.memory_space<vmem_shared>>
      %dma_wait3A_163 = arith.constant 0 : i32
      %dma_wait3A_164 = tpu.memref_slice %arg11[%add3A_96, %dma_wait3A_163] : memref<10240x128xf32, #tpu.memory_space<vmem_shared>> -> memref<80x128xf32, #tpu.memory_space<vmem_shared>>
      tpu.wait_dma2 semaphore(%run_scoped3A : memref<!tpu.dma_semaphore, #tpu.memory_space<semaphore_mem>>) src(%dma_wait3A_164 : memref<80x128xf32, #tpu.memory_space<vmem_shared>>) dst(%arg9 : memref<80x128xf32, #tpu.memory_space<vmem>>)
      tpu.yield
    }) : () -> ()
    %add3A_97 = arith.constant 320 : i32
    %add3A_98 = arith.addi %add3A_44, %add3A_97 : i32
    %dma_start3A_99 = arith.constant 0 : i32
    %dma_start3A_100 = tpu.memref_slice %arg6[%add3A_98, %dma_start3A_99] : memref<20480x128xf32, #tpu.memory_space<hbm>> -> memref<80x128xf32, #tpu.memory_space<hbm>>
    %dma_start3A_101 = arith.constant 0 : i32
    %dma_start3A_102 = tpu.memref_slice %arg6[%add3A_98, %dma_start3A_101] : memref<20480x128xf32, #tpu.memory_space<hbm>> -> memref<80x128xf32, #tpu.memory_space<hbm>>
    tpu.enqueue_dma source(%arg9 : memref<80x128xf32, #tpu.memory_space<vmem>>) target(%dma_start3A_102 : memref<80x128xf32, #tpu.memory_space<hbm>>) target_semaphore(%arg12 : memref<!tpu.dma_semaphore, #tpu.memory_space<semaphore_mem>>)
    %add3A_103 = arith.constant 240 : i32
    %add3A_104 = arith.addi %add3A_44, %add3A_103 : i32
    %dma_wait3A_105 = arith.constant 0 : i32
    %dma_wait3A_106 = tpu.memref_slice %arg6[%add3A_104, %dma_wait3A_105] : memref<20480x128xf32, #tpu.memory_space<hbm>> -> memref<80x128xf32, #tpu.memory_space<hbm>>
    %dma_wait3A_107 = arith.constant 0 : i32
    %dma_wait3A_108 = tpu.memref_slice %arg6[%add3A_104, %dma_wait3A_107] : memref<20480x128xf32, #tpu.memory_space<hbm>> -> memref<80x128xf32, #tpu.memory_space<hbm>>
    tpu.wait_dma2 semaphore(%arg13 : memref<!tpu.dma_semaphore, #tpu.memory_space<semaphore_mem>>) src(%arg10 : memref<80x128xf32, #tpu.memory_space<vmem>>) dst(%dma_wait3A_108 : memref<80x128xf32, #tpu.memory_space<hbm>>)
    %add3A_109 = arith.constant 400 : i32
    %add3A_110 = arith.addi %mul3A_2, %add3A_109 : i32
    "tpu.region"() ({
      %run_scoped3A = tpu.sem_alloc : memref<!tpu.dma_semaphore, #tpu.memory_space<semaphore_mem>>
      %dma_start3A_157 = arith.constant 0 : i32
      %dma_start3A_158 = tpu.memref_slice %arg11[%add3A_110, %dma_start3A_157] : memref<10240x128xf32, #tpu.memory_space<vmem_shared>> -> memref<80x128xf32, #tpu.memory_space<vmem_shared>>
      %dma_start3A_159 = arith.constant 0 : i32
      %dma_start3A_160 = tpu.memref_slice %arg11[%add3A_110, %dma_start3A_159] : memref<10240x128xf32, #tpu.memory_space<vmem_shared>> -> memref<80x128xf32, #tpu.memory_space<vmem_shared>>
      tpu.enqueue_dma source(%dma_start3A_160 : memref<80x128xf32, #tpu.memory_space<vmem_shared>>) target(%arg10 : memref<80x128xf32, #tpu.memory_space<vmem>>) target_semaphore(%run_scoped3A : memref<!tpu.dma_semaphore, #tpu.memory_space<semaphore_mem>>)
      %dma_wait3A_161 = arith.constant 0 : i32
      %dma_wait3A_162 = tpu.memref_slice %arg11[%add3A_110, %dma_wait3A_161] : memref<10240x128xf32, #tpu.memory_space<vmem_shared>> -> memref<80x128xf32, #tpu.memory_space<vmem_shared>>
      %dma_wait3A_163 = arith.constant 0 : i32
      %dma_wait3A_164 = tpu.memref_slice %arg11[%add3A_110, %dma_wait3A_163] : memref<10240x128xf32, #tpu.memory_space<vmem_shared>> -> memref<80x128xf32, #tpu.memory_space<vmem_shared>>
      tpu.wait_dma2 semaphore(%run_scoped3A : memref<!tpu.dma_semaphore, #tpu.memory_space<semaphore_mem>>) src(%dma_wait3A_164 : memref<80x128xf32, #tpu.memory_space<vmem_shared>>) dst(%arg10 : memref<80x128xf32, #tpu.memory_space<vmem>>)
      tpu.yield
    }) : () -> ()
    %add3A_111 = arith.constant 400 : i32
    %add3A_112 = arith.addi %add3A_44, %add3A_111 : i32
    %dma_start3A_113 = arith.constant 0 : i32
    %dma_start3A_114 = tpu.memref_slice %arg6[%add3A_112, %dma_start3A_113] : memref<20480x128xf32, #tpu.memory_space<hbm>> -> memref<80x128xf32, #tpu.memory_space<hbm>>
    %dma_start3A_115 = arith.constant 0 : i32
    %dma_start3A_116 = tpu.memref_slice %arg6[%add3A_112, %dma_start3A_115] : memref<20480x128xf32, #tpu.memory_space<hbm>> -> memref<80x128xf32, #tpu.memory_space<hbm>>
    tpu.enqueue_dma source(%arg10 : memref<80x128xf32, #tpu.memory_space<vmem>>) target(%dma_start3A_116 : memref<80x128xf32, #tpu.memory_space<hbm>>) target_semaphore(%arg13 : memref<!tpu.dma_semaphore, #tpu.memory_space<semaphore_mem>>)
    %add3A_117 = arith.constant 320 : i32
    %add3A_118 = arith.addi %add3A_44, %add3A_117 : i32
    %dma_wait3A_119 = arith.constant 0 : i32
    %dma_wait3A_120 = tpu.memref_slice %arg6[%add3A_118, %dma_wait3A_119] : memref<20480x128xf32, #tpu.memory_space<hbm>> -> memref<80x128xf32, #tpu.memory_space<hbm>>
    %dma_wait3A_121 = arith.constant 0 : i32
    %dma_wait3A_122 = tpu.memref_slice %arg6[%add3A_118, %dma_wait3A_121] : memref<20480x128xf32, #tpu.memory_space<hbm>> -> memref<80x128xf32, #tpu.memory_space<hbm>>
    tpu.wait_dma2 semaphore(%arg12 : memref<!tpu.dma_semaphore, #tpu.memory_space<semaphore_mem>>) src(%arg9 : memref<80x128xf32, #tpu.memory_space<vmem>>) dst(%dma_wait3A_122 : memref<80x128xf32, #tpu.memory_space<hbm>>)
    %add3A_123 = arith.constant 480 : i32
    %add3A_124 = arith.addi %mul3A_2, %add3A_123 : i32
    "tpu.region"() ({
      %run_scoped3A = tpu.sem_alloc : memref<!tpu.dma_semaphore, #tpu.memory_space<semaphore_mem>>
      %dma_start3A_157 = arith.constant 0 : i32
      %dma_start3A_158 = tpu.memref_slice %arg11[%add3A_124, %dma_start3A_157] : memref<10240x128xf32, #tpu.memory_space<vmem_shared>> -> memref<80x128xf32, #tpu.memory_space<vmem_shared>>
      %dma_start3A_159 = arith.constant 0 : i32
      %dma_start3A_160 = tpu.memref_slice %arg11[%add3A_124, %dma_start3A_159] : memref<10240x128xf32, #tpu.memory_space<vmem_shared>> -> memref<80x128xf32, #tpu.memory_space<vmem_shared>>
      tpu.enqueue_dma source(%dma_start3A_160 : memref<80x128xf32, #tpu.memory_space<vmem_shared>>) target(%arg9 : memref<80x128xf32, #tpu.memory_space<vmem>>) target_semaphore(%run_scoped3A : memref<!tpu.dma_semaphore, #tpu.memory_space<semaphore_mem>>)
      %dma_wait3A_161 = arith.constant 0 : i32
      %dma_wait3A_162 = tpu.memref_slice %arg11[%add3A_124, %dma_wait3A_161] : memref<10240x128xf32, #tpu.memory_space<vmem_shared>> -> memref<80x128xf32, #tpu.memory_space<vmem_shared>>
      %dma_wait3A_163 = arith.constant 0 : i32
      %dma_wait3A_164 = tpu.memref_slice %arg11[%add3A_124, %dma_wait3A_163] : memref<10240x128xf32, #tpu.memory_space<vmem_shared>> -> memref<80x128xf32, #tpu.memory_space<vmem_shared>>
      tpu.wait_dma2 semaphore(%run_scoped3A : memref<!tpu.dma_semaphore, #tpu.memory_space<semaphore_mem>>) src(%dma_wait3A_164 : memref<80x128xf32, #tpu.memory_space<vmem_shared>>) dst(%arg9 : memref<80x128xf32, #tpu.memory_space<vmem>>)
      tpu.yield
    }) : () -> ()
    %add3A_125 = arith.constant 480 : i32
    %add3A_126 = arith.addi %add3A_44, %add3A_125 : i32
    %dma_start3A_127 = arith.constant 0 : i32
    %dma_start3A_128 = tpu.memref_slice %arg6[%add3A_126, %dma_start3A_127] : memref<20480x128xf32, #tpu.memory_space<hbm>> -> memref<80x128xf32, #tpu.memory_space<hbm>>
    %dma_start3A_129 = arith.constant 0 : i32
    %dma_start3A_130 = tpu.memref_slice %arg6[%add3A_126, %dma_start3A_129] : memref<20480x128xf32, #tpu.memory_space<hbm>> -> memref<80x128xf32, #tpu.memory_space<hbm>>
    tpu.enqueue_dma source(%arg9 : memref<80x128xf32, #tpu.memory_space<vmem>>) target(%dma_start3A_130 : memref<80x128xf32, #tpu.memory_space<hbm>>) target_semaphore(%arg12 : memref<!tpu.dma_semaphore, #tpu.memory_space<semaphore_mem>>)
    %add3A_131 = arith.constant 400 : i32
    %add3A_132 = arith.addi %add3A_44, %add3A_131 : i32
    %dma_wait3A_133 = arith.constant 0 : i32
    %dma_wait3A_134 = tpu.memref_slice %arg6[%add3A_132, %dma_wait3A_133] : memref<20480x128xf32, #tpu.memory_space<hbm>> -> memref<80x128xf32, #tpu.memory_space<hbm>>
    %dma_wait3A_135 = arith.constant 0 : i32
    %dma_wait3A_136 = tpu.memref_slice %arg6[%add3A_132, %dma_wait3A_135] : memref<20480x128xf32, #tpu.memory_space<hbm>> -> memref<80x128xf32, #tpu.memory_space<hbm>>
    tpu.wait_dma2 semaphore(%arg13 : memref<!tpu.dma_semaphore, #tpu.memory_space<semaphore_mem>>) src(%arg10 : memref<80x128xf32, #tpu.memory_space<vmem>>) dst(%dma_wait3A_136 : memref<80x128xf32, #tpu.memory_space<hbm>>)
    %add3A_137 = arith.constant 560 : i32
    %add3A_138 = arith.addi %mul3A_2, %add3A_137 : i32
    "tpu.region"() ({
      %run_scoped3A = tpu.sem_alloc : memref<!tpu.dma_semaphore, #tpu.memory_space<semaphore_mem>>
      %dma_start3A_157 = arith.constant 0 : i32
      %dma_start3A_158 = tpu.memref_slice %arg11[%add3A_138, %dma_start3A_157] : memref<10240x128xf32, #tpu.memory_space<vmem_shared>> -> memref<80x128xf32, #tpu.memory_space<vmem_shared>>
      %dma_start3A_159 = arith.constant 0 : i32
      %dma_start3A_160 = tpu.memref_slice %arg11[%add3A_138, %dma_start3A_159] : memref<10240x128xf32, #tpu.memory_space<vmem_shared>> -> memref<80x128xf32, #tpu.memory_space<vmem_shared>>
      tpu.enqueue_dma source(%dma_start3A_160 : memref<80x128xf32, #tpu.memory_space<vmem_shared>>) target(%arg10 : memref<80x128xf32, #tpu.memory_space<vmem>>) target_semaphore(%run_scoped3A : memref<!tpu.dma_semaphore, #tpu.memory_space<semaphore_mem>>)
      %dma_wait3A_161 = arith.constant 0 : i32
      %dma_wait3A_162 = tpu.memref_slice %arg11[%add3A_138, %dma_wait3A_161] : memref<10240x128xf32, #tpu.memory_space<vmem_shared>> -> memref<80x128xf32, #tpu.memory_space<vmem_shared>>
      %dma_wait3A_163 = arith.constant 0 : i32
      %dma_wait3A_164 = tpu.memref_slice %arg11[%add3A_138, %dma_wait3A_163] : memref<10240x128xf32, #tpu.memory_space<vmem_shared>> -> memref<80x128xf32, #tpu.memory_space<vmem_shared>>
      tpu.wait_dma2 semaphore(%run_scoped3A : memref<!tpu.dma_semaphore, #tpu.memory_space<semaphore_mem>>) src(%dma_wait3A_164 : memref<80x128xf32, #tpu.memory_space<vmem_shared>>) dst(%arg10 : memref<80x128xf32, #tpu.memory_space<vmem>>)
      tpu.yield
    }) : () -> ()
    %add3A_139 = arith.constant 560 : i32
    %add3A_140 = arith.addi %add3A_44, %add3A_139 : i32
    %dma_start3A_141 = arith.constant 0 : i32
    %dma_start3A_142 = tpu.memref_slice %arg6[%add3A_140, %dma_start3A_141] : memref<20480x128xf32, #tpu.memory_space<hbm>> -> memref<80x128xf32, #tpu.memory_space<hbm>>
    %dma_start3A_143 = arith.constant 0 : i32
    %dma_start3A_144 = tpu.memref_slice %arg6[%add3A_140, %dma_start3A_143] : memref<20480x128xf32, #tpu.memory_space<hbm>> -> memref<80x128xf32, #tpu.memory_space<hbm>>
    tpu.enqueue_dma source(%arg10 : memref<80x128xf32, #tpu.memory_space<vmem>>) target(%dma_start3A_144 : memref<80x128xf32, #tpu.memory_space<hbm>>) target_semaphore(%arg13 : memref<!tpu.dma_semaphore, #tpu.memory_space<semaphore_mem>>)
    %add3A_145 = arith.constant 480 : i32
    %add3A_146 = arith.addi %add3A_44, %add3A_145 : i32
    %dma_wait3A_147 = arith.constant 0 : i32
    %dma_wait3A_148 = tpu.memref_slice %arg6[%add3A_146, %dma_wait3A_147] : memref<20480x128xf32, #tpu.memory_space<hbm>> -> memref<80x128xf32, #tpu.memory_space<hbm>>
    %dma_wait3A_149 = arith.constant 0 : i32
    %dma_wait3A_150 = tpu.memref_slice %arg6[%add3A_146, %dma_wait3A_149] : memref<20480x128xf32, #tpu.memory_space<hbm>> -> memref<80x128xf32, #tpu.memory_space<hbm>>
    tpu.wait_dma2 semaphore(%arg12 : memref<!tpu.dma_semaphore, #tpu.memory_space<semaphore_mem>>) src(%arg9 : memref<80x128xf32, #tpu.memory_space<vmem>>) dst(%dma_wait3A_150 : memref<80x128xf32, #tpu.memory_space<hbm>>)
    %add3A_151 = arith.constant 560 : i32
    %add3A_152 = arith.addi %add3A_44, %add3A_151 : i32
    %dma_wait3A_153 = arith.constant 0 : i32
    %dma_wait3A_154 = tpu.memref_slice %arg6[%add3A_152, %dma_wait3A_153] : memref<20480x128xf32, #tpu.memory_space<hbm>> -> memref<80x128xf32, #tpu.memory_space<hbm>>
    %dma_wait3A_155 = arith.constant 0 : i32
    %dma_wait3A_156 = tpu.memref_slice %arg6[%add3A_152, %dma_wait3A_155] : memref<20480x128xf32, #tpu.memory_space<hbm>> -> memref<80x128xf32, #tpu.memory_space<hbm>>
    tpu.wait_dma2 semaphore(%arg13 : memref<!tpu.dma_semaphore, #tpu.memory_space<semaphore_mem>>) src(%arg10 : memref<80x128xf32, #tpu.memory_space<vmem>>) dst(%dma_wait3A_156 : memref<80x128xf32, #tpu.memory_space<hbm>>)
    return
  }
}

#map = affine_map<(d0, d1) -> (0, 0)>
#map1 = affine_map<(d0, d1) -> (0)>
module attributes {stable_mosaic.version = 14 : i64} {
  func.func @_segsum(%arg0: i32, %arg1: i32, %arg2: memref<10000x128xf32, #tpu.memory_space<hbm>>, %arg3: memref<320000xi32, #tpu.memory_space<hbm>>, %arg4: memref<320000xi32, #tpu.memory_space<hbm>>, %arg5: memref<10240x128xf32, #tpu.memory_space<hbm>>, %arg6: memref<20480x128xf32, #tpu.memory_space<hbm>>, %arg7: memref<10000xi32, #tpu.memory_space<vmem>>, %arg8: memref<10000xi32, #tpu.memory_space<vmem>>, %arg9: memref<80x128xf32, #tpu.memory_space<vmem>>, %arg10: memref<80x128xf32, #tpu.memory_space<vmem>>, %arg11: memref<10240x128xf32, #tpu.memory_space<vmem_shared>>, %arg12: memref<!tpu.dma_semaphore, #tpu.memory_space<semaphore_mem>>, %arg13: memref<!tpu.dma_semaphore, #tpu.memory_space<semaphore_mem>>) attributes {dimension_semantics = [#tpu.dimension_semantics<core_parallel>, #tpu.dimension_semantics<subcore_parallel>], iteration_bounds = array<i64: 2, 16>, scalar_prefetch = 0 : i64, scratch_operands = 7 : i64, tpu.core_type = #tpu.core_type<sc_vector_subcore>, window_params = [{transform_indices = #map}, {transform_indices = #map1}, {transform_indices = #map1}, {transform_indices = #map}, {transform_indices = #map}]} {
    %mul3A = arith.constant 16 : i32
    %mul3A_0 = arith.muli %arg0, %mul3A : i32
    %add3A = arith.addi %mul3A_0, %arg1 : i32
    %mul3A_1 = arith.constant 640 : i32
    %mul3A_2 = arith.muli %arg1, %mul3A_1 : i32
    %mul3A_3 = arith.constant 10000 : i32
    %mul3A_4 = arith.muli %add3A, %mul3A_3 : i32
    "tpu.region"() ({
      %run_scoped3A = tpu.sem_alloc : memref<!tpu.dma_semaphore, #tpu.memory_space<semaphore_mem>>
      %dma_start3A_157 = tpu.memref_slice %arg3[%mul3A_4] : memref<320000xi32, #tpu.memory_space<hbm>> -> memref<10000xi32, #tpu.memory_space<hbm>>
      %dma_start3A_158 = tpu.memref_slice %arg3[%mul3A_4] : memref<320000xi32, #tpu.memory_space<hbm>> -> memref<10000xi32, #tpu.memory_space<hbm>>
      tpu.enqueue_dma source(%dma_start3A_158 : memref<10000xi32, #tpu.memory_space<hbm>>) target(%arg7 : memref<10000xi32, #tpu.memory_space<vmem>>) target_semaphore(%run_scoped3A : memref<!tpu.dma_semaphore, #tpu.memory_space<semaphore_mem>>)
      %dma_wait3A_159 = tpu.memref_slice %arg3[%mul3A_4] : memref<320000xi32, #tpu.memory_space<hbm>> -> memref<10000xi32, #tpu.memory_space<hbm>>
      %dma_wait3A_160 = tpu.memref_slice %arg3[%mul3A_4] : memref<320000xi32, #tpu.memory_space<hbm>> -> memref<10000xi32, #tpu.memory_space<hbm>>
      tpu.wait_dma2 semaphore(%run_scoped3A : memref<!tpu.dma_semaphore, #tpu.memory_space<semaphore_mem>>) src(%dma_wait3A_160 : memref<10000xi32, #tpu.memory_space<hbm>>) dst(%arg7 : memref<10000xi32, #tpu.memory_space<vmem>>)
      tpu.yield
    }) : () -> ()
    %mul3A_5 = arith.constant 10000 : i32
    %mul3A_6 = arith.muli %add3A, %mul3A_5 : i32
    "tpu.region"() ({
      %run_scoped3A = tpu.sem_alloc : memref<!tpu.dma_semaphore, #tpu.memory_space<semaphore_mem>>
      %dma_start3A_157 = tpu.memref_slice %arg4[%mul3A_6] : memref<320000xi32, #tpu.memory_space<hbm>> -> memref<10000xi32, #tpu.memory_space<hbm>>
      %dma_start3A_158 = tpu.memref_slice %arg4[%mul3A_6] : memref<320000xi32, #tpu.memory_space<hbm>> -> memref<10000xi32, #tpu.memory_space<hbm>>
      tpu.enqueue_dma source(%dma_start3A_158 : memref<10000xi32, #tpu.memory_space<hbm>>) target(%arg8 : memref<10000xi32, #tpu.memory_space<vmem>>) target_semaphore(%run_scoped3A : memref<!tpu.dma_semaphore, #tpu.memory_space<semaphore_mem>>)
      %dma_wait3A_159 = tpu.memref_slice %arg4[%mul3A_6] : memref<320000xi32, #tpu.memory_space<hbm>> -> memref<10000xi32, #tpu.memory_space<hbm>>
      %dma_wait3A_160 = tpu.memref_slice %arg4[%mul3A_6] : memref<320000xi32, #tpu.memory_space<hbm>> -> memref<10000xi32, #tpu.memory_space<hbm>>
      tpu.wait_dma2 semaphore(%run_scoped3A : memref<!tpu.dma_semaphore, #tpu.memory_space<semaphore_mem>>) src(%dma_wait3A_160 : memref<10000xi32, #tpu.memory_space<hbm>>) dst(%arg8 : memref<10000xi32, #tpu.memory_space<vmem>>)
      tpu.yield
    }) : () -> ()
    "tpu.region"() ({
      %run_scoped3A = tpu.sem_alloc : memref<!tpu.dma_semaphore, #tpu.memory_space<semaphore_mem>>
      %dma_start3A_157 = arith.constant 0 : i32
      %dma_start3A_158 = arith.constant 0 : i32
      %dma_start3A_159 = tpu.memref_slice %arg5[%dma_start3A_157, %dma_start3A_158] : memref<10240x128xf32, #tpu.memory_space<hbm>> -> memref<80x128xf32, #tpu.memory_space<hbm>>
      %dma_start3A_160 = arith.constant 0 : i32
      %dma_start3A_161 = arith.constant 0 : i32
      %dma_start3A_162 = tpu.memref_slice %arg5[%dma_start3A_160, %dma_start3A_161] : memref<10240x128xf32, #tpu.memory_space<hbm>> -> memref<80x128xf32, #tpu.memory_space<hbm>>
      tpu.enqueue_dma source(%dma_start3A_162 : memref<80x128xf32, #tpu.memory_space<hbm>>) target(%arg9 : memref<80x128xf32, #tpu.memory_space<vmem>>) target_semaphore(%run_scoped3A : memref<!tpu.dma_semaphore, #tpu.memory_space<semaphore_mem>>)
      %dma_wait3A_163 = arith.constant 0 : i32
      %dma_wait3A_164 = arith.constant 0 : i32
      %dma_wait3A_165 = tpu.memref_slice %arg5[%dma_wait3A_163, %dma_wait3A_164] : memref<10240x128xf32, #tpu.memory_space<hbm>> -> memref<80x128xf32, #tpu.memory_space<hbm>>
      %dma_wait3A_166 = arith.constant 0 : i32
      %dma_wait3A_167 = arith.constant 0 : i32
      %dma_wait3A_168 = tpu.memref_slice %arg5[%dma_wait3A_166, %dma_wait3A_167] : memref<10240x128xf32, #tpu.memory_space<hbm>> -> memref<80x128xf32, #tpu.memory_space<hbm>>
      tpu.wait_dma2 semaphore(%run_scoped3A : memref<!tpu.dma_semaphore, #tpu.memory_space<semaphore_mem>>) src(%dma_wait3A_168 : memref<80x128xf32, #tpu.memory_space<hbm>>) dst(%arg9 : memref<80x128xf32, #tpu.memory_space<vmem>>)
      tpu.yield
    }) : () -> ()
    %add3A_7 = arith.constant 0 : i32
    %add3A_8 = arith.addi %mul3A_2, %add3A_7 : i32
    "tpu.region"() ({
      %run_scoped3A = tpu.sem_alloc : memref<!tpu.dma_semaphore, #tpu.memory_space<semaphore_mem>>
      %dma_start3A_157 = arith.constant 0 : i32
      %dma_start3A_158 = tpu.memref_slice %arg11[%add3A_8, %dma_start3A_157] : memref<10240x128xf32, #tpu.memory_space<vmem_shared>> -> memref<80x128xf32, #tpu.memory_space<vmem_shared>>
      %dma_start3A_159 = arith.constant 0 : i32
      %dma_start3A_160 = tpu.memref_slice %arg11[%add3A_8, %dma_start3A_159] : memref<10240x128xf32, #tpu.memory_space<vmem_shared>> -> memref<80x128xf32, #tpu.memory_space<vmem_shared>>
      tpu.enqueue_dma source(%arg9 : memref<80x128xf32, #tpu.memory_space<vmem>>) target(%dma_start3A_160 : memref<80x128xf32, #tpu.memory_space<vmem_shared>>) target_semaphore(%run_scoped3A : memref<!tpu.dma_semaphore, #tpu.memory_space<semaphore_mem>>)
      %dma_wait3A_161 = arith.constant 0 : i32
      %dma_wait3A_162 = tpu.memref_slice %arg11[%add3A_8, %dma_wait3A_161] : memref<10240x128xf32, #tpu.memory_space<vmem_shared>> -> memref<80x128xf32, #tpu.memory_space<vmem_shared>>
      %dma_wait3A_163 = arith.constant 0 : i32
      %dma_wait3A_164 = tpu.memref_slice %arg11[%add3A_8, %dma_wait3A_163] : memref<10240x128xf32, #tpu.memory_space<vmem_shared>> -> memref<80x128xf32, #tpu.memory_space<vmem_shared>>
      tpu.wait_dma2 semaphore(%run_scoped3A : memref<!tpu.dma_semaphore, #tpu.memory_space<semaphore_mem>>) src(%arg9 : memref<80x128xf32, #tpu.memory_space<vmem>>) dst(%dma_wait3A_164 : memref<80x128xf32, #tpu.memory_space<vmem_shared>>)
      tpu.yield
    }) : () -> ()
    %add3A_9 = arith.constant 80 : i32
    %add3A_10 = arith.addi %mul3A_2, %add3A_9 : i32
    "tpu.region"() ({
      %run_scoped3A = tpu.sem_alloc : memref<!tpu.dma_semaphore, #tpu.memory_space<semaphore_mem>>
      %dma_start3A_157 = arith.constant 0 : i32
      %dma_start3A_158 = tpu.memref_slice %arg11[%add3A_10, %dma_start3A_157] : memref<10240x128xf32, #tpu.memory_space<vmem_shared>> -> memref<80x128xf32, #tpu.memory_space<vmem_shared>>
      %dma_start3A_159 = arith.constant 0 : i32
      %dma_start3A_160 = tpu.memref_slice %arg11[%add3A_10, %dma_start3A_159] : memref<10240x128xf32, #tpu.memory_space<vmem_shared>> -> memref<80x128xf32, #tpu.memory_space<vmem_shared>>
      tpu.enqueue_dma source(%arg9 : memref<80x128xf32, #tpu.memory_space<vmem>>) target(%dma_start3A_160 : memref<80x128xf32, #tpu.memory_space<vmem_shared>>) target_semaphore(%run_scoped3A : memref<!tpu.dma_semaphore, #tpu.memory_space<semaphore_mem>>)
      %dma_wait3A_161 = arith.constant 0 : i32
      %dma_wait3A_162 = tpu.memref_slice %arg11[%add3A_10, %dma_wait3A_161] : memref<10240x128xf32, #tpu.memory_space<vmem_shared>> -> memref<80x128xf32, #tpu.memory_space<vmem_shared>>
      %dma_wait3A_163 = arith.constant 0 : i32
      %dma_wait3A_164 = tpu.memref_slice %arg11[%add3A_10, %dma_wait3A_163] : memref<10240x128xf32, #tpu.memory_space<vmem_shared>> -> memref<80x128xf32, #tpu.memory_space<vmem_shared>>
      tpu.wait_dma2 semaphore(%run_scoped3A : memref<!tpu.dma_semaphore, #tpu.memory_space<semaphore_mem>>) src(%arg9 : memref<80x128xf32, #tpu.memory_space<vmem>>) dst(%dma_wait3A_164 : memref<80x128xf32, #tpu.memory_space<vmem_shared>>)
      tpu.yield
    }) : () -> ()
    %add3A_11 = arith.constant 160 : i32
    %add3A_12 = arith.addi %mul3A_2, %add3A_11 : i32
    "tpu.region"() ({
      %run_scoped3A = tpu.sem_alloc : memref<!tpu.dma_semaphore, #tpu.memory_space<semaphore_mem>>
      %dma_start3A_157 = arith.constant 0 : i32
      %dma_start3A_158 = tpu.memref_slice %arg11[%add3A_12, %dma_start3A_157] : memref<10240x128xf32, #tpu.memory_space<vmem_shared>> -> memref<80x128xf32, #tpu.memory_space<vmem_shared>>
      %dma_start3A_159 = arith.constant 0 : i32
      %dma_start3A_160 = tpu.memref_slice %arg11[%add3A_12, %dma_start3A_159] : memref<10240x128xf32, #tpu.memory_space<vmem_shared>> -> memref<80x128xf32, #tpu.memory_space<vmem_shared>>
      tpu.enqueue_dma source(%arg9 : memref<80x128xf32, #tpu.memory_space<vmem>>) target(%dma_start3A_160 : memref<80x128xf32, #tpu.memory_space<vmem_shared>>) target_semaphore(%run_scoped3A : memref<!tpu.dma_semaphore, #tpu.memory_space<semaphore_mem>>)
      %dma_wait3A_161 = arith.constant 0 : i32
      %dma_wait3A_162 = tpu.memref_slice %arg11[%add3A_12, %dma_wait3A_161] : memref<10240x128xf32, #tpu.memory_space<vmem_shared>> -> memref<80x128xf32, #tpu.memory_space<vmem_shared>>
      %dma_wait3A_163 = arith.constant 0 : i32
      %dma_wait3A_164 = tpu.memref_slice %arg11[%add3A_12, %dma_wait3A_163] : memref<10240x128xf32, #tpu.memory_space<vmem_shared>> -> memref<80x128xf32, #tpu.memory_space<vmem_shared>>
      tpu.wait_dma2 semaphore(%run_scoped3A : memref<!tpu.dma_semaphore, #tpu.memory_space<semaphore_mem>>) src(%arg9 : memref<80x128xf32, #tpu.memory_space<vmem>>) dst(%dma_wait3A_164 : memref<80x128xf32, #tpu.memory_space<vmem_shared>>)
      tpu.yield
    }) : () -> ()
    %add3A_13 = arith.constant 240 : i32
    %add3A_14 = arith.addi %mul3A_2, %add3A_13 : i32
    "tpu.region"() ({
      %run_scoped3A = tpu.sem_alloc : memref<!tpu.dma_semaphore, #tpu.memory_space<semaphore_mem>>
      %dma_start3A_157 = arith.constant 0 : i32
      %dma_start3A_158 = tpu.memref_slice %arg11[%add3A_14, %dma_start3A_157] : memref<10240x128xf32, #tpu.memory_space<vmem_shared>> -> memref<80x128xf32, #tpu.memory_space<vmem_shared>>
      %dma_start3A_159 = arith.constant 0 : i32
      %dma_start3A_160 = tpu.memref_slice %arg11[%add3A_14, %dma_start3A_159] : memref<10240x128xf32, #tpu.memory_space<vmem_shared>> -> memref<80x128xf32, #tpu.memory_space<vmem_shared>>
      tpu.enqueue_dma source(%arg9 : memref<80x128xf32, #tpu.memory_space<vmem>>) target(%dma_start3A_160 : memref<80x128xf32, #tpu.memory_space<vmem_shared>>) target_semaphore(%run_scoped3A : memref<!tpu.dma_semaphore, #tpu.memory_space<semaphore_mem>>)
      %dma_wait3A_161 = arith.constant 0 : i32
      %dma_wait3A_162 = tpu.memref_slice %arg11[%add3A_14, %dma_wait3A_161] : memref<10240x128xf32, #tpu.memory_space<vmem_shared>> -> memref<80x128xf32, #tpu.memory_space<vmem_shared>>
      %dma_wait3A_163 = arith.constant 0 : i32
      %dma_wait3A_164 = tpu.memref_slice %arg11[%add3A_14, %dma_wait3A_163] : memref<10240x128xf32, #tpu.memory_space<vmem_shared>> -> memref<80x128xf32, #tpu.memory_space<vmem_shared>>
      tpu.wait_dma2 semaphore(%run_scoped3A : memref<!tpu.dma_semaphore, #tpu.memory_space<semaphore_mem>>) src(%arg9 : memref<80x128xf32, #tpu.memory_space<vmem>>) dst(%dma_wait3A_164 : memref<80x128xf32, #tpu.memory_space<vmem_shared>>)
      tpu.yield
    }) : () -> ()
    %add3A_15 = arith.constant 320 : i32
    %add3A_16 = arith.addi %mul3A_2, %add3A_15 : i32
    "tpu.region"() ({
      %run_scoped3A = tpu.sem_alloc : memref<!tpu.dma_semaphore, #tpu.memory_space<semaphore_mem>>
      %dma_start3A_157 = arith.constant 0 : i32
      %dma_start3A_158 = tpu.memref_slice %arg11[%add3A_16, %dma_start3A_157] : memref<10240x128xf32, #tpu.memory_space<vmem_shared>> -> memref<80x128xf32, #tpu.memory_space<vmem_shared>>
      %dma_start3A_159 = arith.constant 0 : i32
      %dma_start3A_160 = tpu.memref_slice %arg11[%add3A_16, %dma_start3A_159] : memref<10240x128xf32, #tpu.memory_space<vmem_shared>> -> memref<80x128xf32, #tpu.memory_space<vmem_shared>>
      tpu.enqueue_dma source(%arg9 : memref<80x128xf32, #tpu.memory_space<vmem>>) target(%dma_start3A_160 : memref<80x128xf32, #tpu.memory_space<vmem_shared>>) target_semaphore(%run_scoped3A : memref<!tpu.dma_semaphore, #tpu.memory_space<semaphore_mem>>)
      %dma_wait3A_161 = arith.constant 0 : i32
      %dma_wait3A_162 = tpu.memref_slice %arg11[%add3A_16, %dma_wait3A_161] : memref<10240x128xf32, #tpu.memory_space<vmem_shared>> -> memref<80x128xf32, #tpu.memory_space<vmem_shared>>
      %dma_wait3A_163 = arith.constant 0 : i32
      %dma_wait3A_164 = tpu.memref_slice %arg11[%add3A_16, %dma_wait3A_163] : memref<10240x128xf32, #tpu.memory_space<vmem_shared>> -> memref<80x128xf32, #tpu.memory_space<vmem_shared>>
      tpu.wait_dma2 semaphore(%run_scoped3A : memref<!tpu.dma_semaphore, #tpu.memory_space<semaphore_mem>>) src(%arg9 : memref<80x128xf32, #tpu.memory_space<vmem>>) dst(%dma_wait3A_164 : memref<80x128xf32, #tpu.memory_space<vmem_shared>>)
      tpu.yield
    }) : () -> ()
    %add3A_17 = arith.constant 400 : i32
    %add3A_18 = arith.addi %mul3A_2, %add3A_17 : i32
    "tpu.region"() ({
      %run_scoped3A = tpu.sem_alloc : memref<!tpu.dma_semaphore, #tpu.memory_space<semaphore_mem>>
      %dma_start3A_157 = arith.constant 0 : i32
      %dma_start3A_158 = tpu.memref_slice %arg11[%add3A_18, %dma_start3A_157] : memref<10240x128xf32, #tpu.memory_space<vmem_shared>> -> memref<80x128xf32, #tpu.memory_space<vmem_shared>>
      %dma_start3A_159 = arith.constant 0 : i32
      %dma_start3A_160 = tpu.memref_slice %arg11[%add3A_18, %dma_start3A_159] : memref<10240x128xf32, #tpu.memory_space<vmem_shared>> -> memref<80x128xf32, #tpu.memory_space<vmem_shared>>
      tpu.enqueue_dma source(%arg9 : memref<80x128xf32, #tpu.memory_space<vmem>>) target(%dma_start3A_160 : memref<80x128xf32, #tpu.memory_space<vmem_shared>>) target_semaphore(%run_scoped3A : memref<!tpu.dma_semaphore, #tpu.memory_space<semaphore_mem>>)
      %dma_wait3A_161 = arith.constant 0 : i32
      %dma_wait3A_162 = tpu.memref_slice %arg11[%add3A_18, %dma_wait3A_161] : memref<10240x128xf32, #tpu.memory_space<vmem_shared>> -> memref<80x128xf32, #tpu.memory_space<vmem_shared>>
      %dma_wait3A_163 = arith.constant 0 : i32
      %dma_wait3A_164 = tpu.memref_slice %arg11[%add3A_18, %dma_wait3A_163] : memref<10240x128xf32, #tpu.memory_space<vmem_shared>> -> memref<80x128xf32, #tpu.memory_space<vmem_shared>>
      tpu.wait_dma2 semaphore(%run_scoped3A : memref<!tpu.dma_semaphore, #tpu.memory_space<semaphore_mem>>) src(%arg9 : memref<80x128xf32, #tpu.memory_space<vmem>>) dst(%dma_wait3A_164 : memref<80x128xf32, #tpu.memory_space<vmem_shared>>)
      tpu.yield
    }) : () -> ()
    %add3A_19 = arith.constant 480 : i32
    %add3A_20 = arith.addi %mul3A_2, %add3A_19 : i32
    "tpu.region"() ({
      %run_scoped3A = tpu.sem_alloc : memref<!tpu.dma_semaphore, #tpu.memory_space<semaphore_mem>>
      %dma_start3A_157 = arith.constant 0 : i32
      %dma_start3A_158 = tpu.memref_slice %arg11[%add3A_20, %dma_start3A_157] : memref<10240x128xf32, #tpu.memory_space<vmem_shared>> -> memref<80x128xf32, #tpu.memory_space<vmem_shared>>
      %dma_start3A_159 = arith.constant 0 : i32
      %dma_start3A_160 = tpu.memref_slice %arg11[%add3A_20, %dma_start3A_159] : memref<10240x128xf32, #tpu.memory_space<vmem_shared>> -> memref<80x128xf32, #tpu.memory_space<vmem_shared>>
      tpu.enqueue_dma source(%arg9 : memref<80x128xf32, #tpu.memory_space<vmem>>) target(%dma_start3A_160 : memref<80x128xf32, #tpu.memory_space<vmem_shared>>) target_semaphore(%run_scoped3A : memref<!tpu.dma_semaphore, #tpu.memory_space<semaphore_mem>>)
      %dma_wait3A_161 = arith.constant 0 : i32
      %dma_wait3A_162 = tpu.memref_slice %arg11[%add3A_20, %dma_wait3A_161] : memref<10240x128xf32, #tpu.memory_space<vmem_shared>> -> memref<80x128xf32, #tpu.memory_space<vmem_shared>>
      %dma_wait3A_163 = arith.constant 0 : i32
      %dma_wait3A_164 = tpu.memref_slice %arg11[%add3A_20, %dma_wait3A_163] : memref<10240x128xf32, #tpu.memory_space<vmem_shared>> -> memref<80x128xf32, #tpu.memory_space<vmem_shared>>
      tpu.wait_dma2 semaphore(%run_scoped3A : memref<!tpu.dma_semaphore, #tpu.memory_space<semaphore_mem>>) src(%arg9 : memref<80x128xf32, #tpu.memory_space<vmem>>) dst(%dma_wait3A_164 : memref<80x128xf32, #tpu.memory_space<vmem_shared>>)
      tpu.yield
    }) : () -> ()
    %add3A_21 = arith.constant 560 : i32
    %add3A_22 = arith.addi %mul3A_2, %add3A_21 : i32
    "tpu.region"() ({
      %run_scoped3A = tpu.sem_alloc : memref<!tpu.dma_semaphore, #tpu.memory_space<semaphore_mem>>
      %dma_start3A_157 = arith.constant 0 : i32
      %dma_start3A_158 = tpu.memref_slice %arg11[%add3A_22, %dma_start3A_157] : memref<10240x128xf32, #tpu.memory_space<vmem_shared>> -> memref<80x128xf32, #tpu.memory_space<vmem_shared>>
      %dma_start3A_159 = arith.constant 0 : i32
      %dma_start3A_160 = tpu.memref_slice %arg11[%add3A_22, %dma_start3A_159] : memref<10240x128xf32, #tpu.memory_space<vmem_shared>> -> memref<80x128xf32, #tpu.memory_space<vmem_shared>>
      tpu.enqueue_dma source(%arg9 : memref<80x128xf32, #tpu.memory_space<vmem>>) target(%dma_start3A_160 : memref<80x128xf32, #tpu.memory_space<vmem_shared>>) target_semaphore(%run_scoped3A : memref<!tpu.dma_semaphore, #tpu.memory_space<semaphore_mem>>)
      %dma_wait3A_161 = arith.constant 0 : i32
      %dma_wait3A_162 = tpu.memref_slice %arg11[%add3A_22, %dma_wait3A_161] : memref<10240x128xf32, #tpu.memory_space<vmem_shared>> -> memref<80x128xf32, #tpu.memory_space<vmem_shared>>
      %dma_wait3A_163 = arith.constant 0 : i32
      %dma_wait3A_164 = tpu.memref_slice %arg11[%add3A_22, %dma_wait3A_163] : memref<10240x128xf32, #tpu.memory_space<vmem_shared>> -> memref<80x128xf32, #tpu.memory_space<vmem_shared>>
      tpu.wait_dma2 semaphore(%run_scoped3A : memref<!tpu.dma_semaphore, #tpu.memory_space<semaphore_mem>>) src(%arg9 : memref<80x128xf32, #tpu.memory_space<vmem>>) dst(%dma_wait3A_164 : memref<80x128xf32, #tpu.memory_space<vmem_shared>>)
      tpu.yield
    }) : () -> ()
    %barrier3A = arith.constant 0 : index
    tpu.barrier barrier_id(%barrier3A)
    %dma_start3A = arith.constant 0 : i32
    %dma_start3A_23 = tpu.memref_slice %arg7[%dma_start3A] : memref<10000xi32, #tpu.memory_space<vmem>> -> memref<80xi32, #tpu.memory_space<vmem>>
    %dma_start3A_24 = arith.constant 0 : i32
    %dma_start3A_25 = arith.constant 0 : i32
    %dma_start3A_26 = tpu.memref_slice %arg2[%dma_start3A_24, %dma_start3A_25] : memref<10000x128xf32, #tpu.memory_space<hbm>> -> memref<10000x128xf32, #tpu.memory_space<hbm>>
    tpu.enqueue_indirect_dma source(%dma_start3A_26 : memref<10000x128xf32, #tpu.memory_space<hbm>>) target(%arg9 : memref<80x128xf32, #tpu.memory_space<vmem>>) offsets(%dma_start3A_23 : memref<80xi32, #tpu.memory_space<vmem>>) semaphore(%arg12 : memref<!tpu.dma_semaphore, #tpu.memory_space<semaphore_mem>>)
    %dma_start3A_27 = arith.constant 80 : i32
    %dma_start3A_28 = tpu.memref_slice %arg7[%dma_start3A_27] : memref<10000xi32, #tpu.memory_space<vmem>> -> memref<80xi32, #tpu.memory_space<vmem>>
    %dma_start3A_29 = arith.constant 0 : i32
    %dma_start3A_30 = arith.constant 0 : i32
    %dma_start3A_31 = tpu.memref_slice %arg2[%dma_start3A_29, %dma_start3A_30] : memref<10000x128xf32, #tpu.memory_space<hbm>> -> memref<10000x128xf32, #tpu.memory_space<hbm>>
    tpu.enqueue_indirect_dma source(%dma_start3A_31 : memref<10000x128xf32, #tpu.memory_space<hbm>>) target(%arg10 : memref<80x128xf32, #tpu.memory_space<vmem>>) offsets(%dma_start3A_28 : memref<80xi32, #tpu.memory_space<vmem>>) semaphore(%arg13 : memref<!tpu.dma_semaphore, #tpu.memory_space<semaphore_mem>>)
    %scan3A = arith.constant 0 : i32
    %scan3A_32 = arith.constant 0 : i32
    %scan3A_33 = arith.constant 62 : i32
    %scan3A_34 = arith.addi %scan3A_32, %scan3A_33 : i32
    %scan3A_35 = arith.constant 1 : i32
    scf.for %scan3A_157 = %scan3A_32 to %scan3A_34 step %scan3A_35  : i32 {
      %mul3A_158 = arith.constant 2 : i32
      %mul3A_159 = arith.muli %mul3A_158, %scan3A_157 : i32
      %add3A_160 = arith.constant 0 : i32
      %add3A_161 = arith.addi %mul3A_159, %add3A_160 : i32
      %mul3A_162 = arith.constant 80 : i32
      %mul3A_163 = arith.muli %add3A_161, %mul3A_162 : i32
      %dma_wait3A_164 = tpu.memref_slice %arg7[%mul3A_163] : memref<10000xi32, #tpu.memory_space<vmem>> -> memref<80xi32, #tpu.memory_space<vmem>>
      %dma_wait3A_165 = arith.constant 0 : i32
      %dma_wait3A_166 = arith.constant 0 : i32
      %dma_wait3A_167 = tpu.memref_slice %arg2[%dma_wait3A_165, %dma_wait3A_166] : memref<10000x128xf32, #tpu.memory_space<hbm>> -> memref<10000x128xf32, #tpu.memory_space<hbm>>
      tpu.wait_indirect_dma semaphore(%arg12 : memref<!tpu.dma_semaphore, #tpu.memory_space<semaphore_mem>>) src(%dma_wait3A_167 : memref<10000x128xf32, #tpu.memory_space<hbm>>) dst(%arg9 : memref<80x128xf32, #tpu.memory_space<vmem>>)
      %mul3A_168 = arith.constant 80 : i32
      %mul3A_169 = arith.muli %add3A_161, %mul3A_168 : i32
      "tpu.region"() ({
        %run_scoped3A = tpu.sem_alloc : memref<!tpu.dma_semaphore, #tpu.memory_space<semaphore_mem>>
        %dma_start3A_193 = tpu.memref_slice %arg8[%mul3A_169] : memref<10000xi32, #tpu.memory_space<vmem>> -> memref<80xi32, #tpu.memory_space<vmem>>
        %dma_start3A_194 = arith.constant 0 : i32
        %dma_start3A_195 = arith.constant 0 : i32
        %dma_start3A_196 = tpu.memref_slice %arg11[%dma_start3A_194, %dma_start3A_195] : memref<10240x128xf32, #tpu.memory_space<vmem_shared>> -> memref<10240x128xf32, #tpu.memory_space<vmem_shared>>
        tpu.enqueue_indirect_dma source(%arg9 : memref<80x128xf32, #tpu.memory_space<vmem>>) target(%dma_start3A_196 : memref<10240x128xf32, #tpu.memory_space<vmem_shared>>) offsets(%dma_start3A_193 : memref<80xi32, #tpu.memory_space<vmem>>) semaphore(%run_scoped3A : memref<!tpu.dma_semaphore, #tpu.memory_space<semaphore_mem>>) {add = true}
        %dma_wait3A_197 = tpu.memref_slice %arg8[%mul3A_169] : memref<10000xi32, #tpu.memory_space<vmem>> -> memref<80xi32, #tpu.memory_space<vmem>>
        %dma_wait3A_198 = arith.constant 0 : i32
        %dma_wait3A_199 = arith.constant 0 : i32
        %dma_wait3A_200 = tpu.memref_slice %arg11[%dma_wait3A_198, %dma_wait3A_199] : memref<10240x128xf32, #tpu.memory_space<vmem_shared>> -> memref<10240x128xf32, #tpu.memory_space<vmem_shared>>
        tpu.wait_indirect_dma semaphore(%run_scoped3A : memref<!tpu.dma_semaphore, #tpu.memory_space<semaphore_mem>>) src(%arg9 : memref<80x128xf32, #tpu.memory_space<vmem>>) dst(%dma_wait3A_200 : memref<10240x128xf32, #tpu.memory_space<vmem_shared>>)
        tpu.yield
      }) : () -> ()
      %add3A_170 = arith.constant 2 : i32
      %add3A_171 = arith.addi %add3A_161, %add3A_170 : i32
      %lt3A = arith.constant 125 : i32
      %lt3A_172 = arith.cmpi slt, %add3A_171, %lt3A : i32
      %convert_element_type3A = arith.extui %lt3A_172 : i1 to i32
      %cond3A = arith.constant 0 : i32
      %cond3A_173 = arith.cmpi ne, %convert_element_type3A, %cond3A : i32
      scf.if %cond3A_173 {
        %add3A_193 = arith.constant 2 : i32
        %add3A_194 = arith.addi %add3A_161, %add3A_193 : i32
        %mul3A_195 = arith.constant 80 : i32
        %mul3A_196 = arith.muli %add3A_194, %mul3A_195 : i32
        %dma_start3A_197 = tpu.memref_slice %arg7[%mul3A_196] : memref<10000xi32, #tpu.memory_space<vmem>> -> memref<80xi32, #tpu.memory_space<vmem>>
        %dma_start3A_198 = arith.constant 0 : i32
        %dma_start3A_199 = arith.constant 0 : i32
        %dma_start3A_200 = tpu.memref_slice %arg2[%dma_start3A_198, %dma_start3A_199] : memref<10000x128xf32, #tpu.memory_space<hbm>> -> memref<10000x128xf32, #tpu.memory_space<hbm>>
        tpu.enqueue_indirect_dma source(%dma_start3A_200 : memref<10000x128xf32, #tpu.memory_space<hbm>>) target(%arg9 : memref<80x128xf32, #tpu.memory_space<vmem>>) offsets(%dma_start3A_197 : memref<80xi32, #tpu.memory_space<vmem>>) semaphore(%arg12 : memref<!tpu.dma_semaphore, #tpu.memory_space<semaphore_mem>>)
      } else {
      }
      %mul3A_174 = arith.constant 2 : i32
      %mul3A_175 = arith.muli %mul3A_174, %scan3A_157 : i32
      %add3A_176 = arith.constant 1 : i32
      %add3A_177 = arith.addi %mul3A_175, %add3A_176 : i32
      %mul3A_178 = arith.constant 80 : i32
      %mul3A_179 = arith.muli %add3A_177, %mul3A_178 : i32
      %dma_wait3A_180 = tpu.memref_slice %arg7[%mul3A_179] : memref<10000xi32, #tpu.memory_space<vmem>> -> memref<80xi32, #tpu.memory_space<vmem>>
      %dma_wait3A_181 = arith.constant 0 : i32
      %dma_wait3A_182 = arith.constant 0 : i32
      %dma_wait3A_183 = tpu.memref_slice %arg2[%dma_wait3A_181, %dma_wait3A_182] : memref<10000x128xf32, #tpu.memory_space<hbm>> -> memref<10000x128xf32, #tpu.memory_space<hbm>>
      tpu.wait_indirect_dma semaphore(%arg13 : memref<!tpu.dma_semaphore, #tpu.memory_space<semaphore_mem>>) src(%dma_wait3A_183 : memref<10000x128xf32, #tpu.memory_space<hbm>>) dst(%arg10 : memref<80x128xf32, #tpu.memory_space<vmem>>)
      %mul3A_184 = arith.constant 80 : i32
      %mul3A_185 = arith.muli %add3A_177, %mul3A_184 : i32
      "tpu.region"() ({
        %run_scoped3A = tpu.sem_alloc : memref<!tpu.dma_semaphore, #tpu.memory_space<semaphore_mem>>
        %dma_start3A_193 = tpu.memref_slice %arg8[%mul3A_185] : memref<10000xi32, #tpu.memory_space<vmem>> -> memref<80xi32, #tpu.memory_space<vmem>>
        %dma_start3A_194 = arith.constant 0 : i32
        %dma_start3A_195 = arith.constant 0 : i32
        %dma_start3A_196 = tpu.memref_slice %arg11[%dma_start3A_194, %dma_start3A_195] : memref<10240x128xf32, #tpu.memory_space<vmem_shared>> -> memref<10240x128xf32, #tpu.memory_space<vmem_shared>>
        tpu.enqueue_indirect_dma source(%arg10 : memref<80x128xf32, #tpu.memory_space<vmem>>) target(%dma_start3A_196 : memref<10240x128xf32, #tpu.memory_space<vmem_shared>>) offsets(%dma_start3A_193 : memref<80xi32, #tpu.memory_space<vmem>>) semaphore(%run_scoped3A : memref<!tpu.dma_semaphore, #tpu.memory_space<semaphore_mem>>) {add = true}
        %dma_wait3A_197 = tpu.memref_slice %arg8[%mul3A_185] : memref<10000xi32, #tpu.memory_space<vmem>> -> memref<80xi32, #tpu.memory_space<vmem>>
        %dma_wait3A_198 = arith.constant 0 : i32
        %dma_wait3A_199 = arith.constant 0 : i32
        %dma_wait3A_200 = tpu.memref_slice %arg11[%dma_wait3A_198, %dma_wait3A_199] : memref<10240x128xf32, #tpu.memory_space<vmem_shared>> -> memref<10240x128xf32, #tpu.memory_space<vmem_shared>>
        tpu.wait_indirect_dma semaphore(%run_scoped3A : memref<!tpu.dma_semaphore, #tpu.memory_space<semaphore_mem>>) src(%arg10 : memref<80x128xf32, #tpu.memory_space<vmem>>) dst(%dma_wait3A_200 : memref<10240x128xf32, #tpu.memory_space<vmem_shared>>)
        tpu.yield
      }) : () -> ()
      %add3A_186 = arith.constant 2 : i32
      %add3A_187 = arith.addi %add3A_177, %add3A_186 : i32
      %lt3A_188 = arith.constant 125 : i32
      %lt3A_189 = arith.cmpi slt, %add3A_187, %lt3A_188 : i32
      %convert_element_type3A_190 = arith.extui %lt3A_189 : i1 to i32
      %cond3A_191 = arith.constant 0 : i32
      %cond3A_192 = arith.cmpi ne, %convert_element_type3A_190, %cond3A_191 : i32
      scf.if %cond3A_192 {
        %add3A_193 = arith.constant 2 : i32
        %add3A_194 = arith.addi %add3A_177, %add3A_193 : i32
        %mul3A_195 = arith.constant 80 : i32
        %mul3A_196 = arith.muli %add3A_194, %mul3A_195 : i32
        %dma_start3A_197 = tpu.memref_slice %arg7[%mul3A_196] : memref<10000xi32, #tpu.memory_space<vmem>> -> memref<80xi32, #tpu.memory_space<vmem>>
        %dma_start3A_198 = arith.constant 0 : i32
        %dma_start3A_199 = arith.constant 0 : i32
        %dma_start3A_200 = tpu.memref_slice %arg2[%dma_start3A_198, %dma_start3A_199] : memref<10000x128xf32, #tpu.memory_space<hbm>> -> memref<10000x128xf32, #tpu.memory_space<hbm>>
        tpu.enqueue_indirect_dma source(%dma_start3A_200 : memref<10000x128xf32, #tpu.memory_space<hbm>>) target(%arg10 : memref<80x128xf32, #tpu.memory_space<vmem>>) offsets(%dma_start3A_197 : memref<80xi32, #tpu.memory_space<vmem>>) semaphore(%arg13 : memref<!tpu.dma_semaphore, #tpu.memory_space<semaphore_mem>>)
      } else {
      }
    }
    %scan3A_36 = arith.constant 62 : i32
    %dma_wait3A = arith.constant 9920 : i32
    %dma_wait3A_37 = tpu.memref_slice %arg7[%dma_wait3A] : memref<10000xi32, #tpu.memory_space<vmem>> -> memref<80xi32, #tpu.memory_space<vmem>>
    %dma_wait3A_38 = arith.constant 0 : i32
    %dma_wait3A_39 = arith.constant 0 : i32
    %dma_wait3A_40 = tpu.memref_slice %arg2[%dma_wait3A_38, %dma_wait3A_39] : memref<10000x128xf32, #tpu.memory_space<hbm>> -> memref<10000x128xf32, #tpu.memory_space<hbm>>
    tpu.wait_indirect_dma semaphore(%arg12 : memref<!tpu.dma_semaphore, #tpu.memory_space<semaphore_mem>>) src(%dma_wait3A_40 : memref<10000x128xf32, #tpu.memory_space<hbm>>) dst(%arg9 : memref<80x128xf32, #tpu.memory_space<vmem>>)
    "tpu.region"() ({
      %run_scoped3A = tpu.sem_alloc : memref<!tpu.dma_semaphore, #tpu.memory_space<semaphore_mem>>
      %dma_start3A_157 = arith.constant 9920 : i32
      %dma_start3A_158 = tpu.memref_slice %arg8[%dma_start3A_157] : memref<10000xi32, #tpu.memory_space<vmem>> -> memref<80xi32, #tpu.memory_space<vmem>>
      %dma_start3A_159 = arith.constant 0 : i32
      %dma_start3A_160 = arith.constant 0 : i32
      %dma_start3A_161 = tpu.memref_slice %arg11[%dma_start3A_159, %dma_start3A_160] : memref<10240x128xf32, #tpu.memory_space<vmem_shared>> -> memref<10240x128xf32, #tpu.memory_space<vmem_shared>>
      tpu.enqueue_indirect_dma source(%arg9 : memref<80x128xf32, #tpu.memory_space<vmem>>) target(%dma_start3A_161 : memref<10240x128xf32, #tpu.memory_space<vmem_shared>>) offsets(%dma_start3A_158 : memref<80xi32, #tpu.memory_space<vmem>>) semaphore(%run_scoped3A : memref<!tpu.dma_semaphore, #tpu.memory_space<semaphore_mem>>) {add = true}
      %dma_wait3A_162 = arith.constant 9920 : i32
      %dma_wait3A_163 = tpu.memref_slice %arg8[%dma_wait3A_162] : memref<10000xi32, #tpu.memory_space<vmem>> -> memref<80xi32, #tpu.memory_space<vmem>>
      %dma_wait3A_164 = arith.constant 0 : i32
      %dma_wait3A_165 = arith.constant 0 : i32
      %dma_wait3A_166 = tpu.memref_slice %arg11[%dma_wait3A_164, %dma_wait3A_165] : memref<10240x128xf32, #tpu.memory_space<vmem_shared>> -> memref<10240x128xf32, #tpu.memory_space<vmem_shared>>
      tpu.wait_indirect_dma semaphore(%run_scoped3A : memref<!tpu.dma_semaphore, #tpu.memory_space<semaphore_mem>>) src(%arg9 : memref<80x128xf32, #tpu.memory_space<vmem>>) dst(%dma_wait3A_166 : memref<10240x128xf32, #tpu.memory_space<vmem_shared>>)
      tpu.yield
    }) : () -> ()
    %barrier3A_41 = arith.constant 0 : index
    tpu.barrier barrier_id(%barrier3A_41)
    %mul3A_42 = arith.constant 10240 : i32
    %mul3A_43 = arith.muli %arg0, %mul3A_42 : i32
    %add3A_44 = arith.addi %mul3A_43, %mul3A_2 : i32
    %add3A_45 = arith.constant 0 : i32
    %add3A_46 = arith.addi %mul3A_2, %add3A_45 : i32
    "tpu.region"() ({
      %run_scoped3A = tpu.sem_alloc : memref<!tpu.dma_semaphore, #tpu.memory_space<semaphore_mem>>
      %dma_start3A_157 = arith.constant 0 : i32
      %dma_start3A_158 = tpu.memref_slice %arg11[%add3A_46, %dma_start3A_157] : memref<10240x128xf32, #tpu.memory_space<vmem_shared>> -> memref<80x128xf32, #tpu.memory_space<vmem_shared>>
      %dma_start3A_159 = arith.constant 0 : i32
      %dma_start3A_160 = tpu.memref_slice %arg11[%add3A_46, %dma_start3A_159] : memref<10240x128xf32, #tpu.memory_space<vmem_shared>> -> memref<80x128xf32, #tpu.memory_space<vmem_shared>>
      tpu.enqueue_dma source(%dma_start3A_160 : memref<80x128xf32, #tpu.memory_space<vmem_shared>>) target(%arg9 : memref<80x128xf32, #tpu.memory_space<vmem>>) target_semaphore(%run_scoped3A : memref<!tpu.dma_semaphore, #tpu.memory_space<semaphore_mem>>)
      %dma_wait3A_161 = arith.constant 0 : i32
      %dma_wait3A_162 = tpu.memref_slice %arg11[%add3A_46, %dma_wait3A_161] : memref<10240x128xf32, #tpu.memory_space<vmem_shared>> -> memref<80x128xf32, #tpu.memory_space<vmem_shared>>
      %dma_wait3A_163 = arith.constant 0 : i32
      %dma_wait3A_164 = tpu.memref_slice %arg11[%add3A_46, %dma_wait3A_163] : memref<10240x128xf32, #tpu.memory_space<vmem_shared>> -> memref<80x128xf32, #tpu.memory_space<vmem_shared>>
      tpu.wait_dma2 semaphore(%run_scoped3A : memref<!tpu.dma_semaphore, #tpu.memory_space<semaphore_mem>>) src(%dma_wait3A_164 : memref<80x128xf32, #tpu.memory_space<vmem_shared>>) dst(%arg9 : memref<80x128xf32, #tpu.memory_space<vmem>>)
      tpu.yield
    }) : () -> ()
    %add3A_47 = arith.constant 0 : i32
    %add3A_48 = arith.addi %add3A_44, %add3A_47 : i32
    %dma_start3A_49 = arith.constant 0 : i32
    %dma_start3A_50 = tpu.memref_slice %arg6[%add3A_48, %dma_start3A_49] : memref<20480x128xf32, #tpu.memory_space<hbm>> -> memref<80x128xf32, #tpu.memory_space<hbm>>
    %dma_start3A_51 = arith.constant 0 : i32
    %dma_start3A_52 = tpu.memref_slice %arg6[%add3A_48, %dma_start3A_51] : memref<20480x128xf32, #tpu.memory_space<hbm>> -> memref<80x128xf32, #tpu.memory_space<hbm>>
    tpu.enqueue_dma source(%arg9 : memref<80x128xf32, #tpu.memory_space<vmem>>) target(%dma_start3A_52 : memref<80x128xf32, #tpu.memory_space<hbm>>) target_semaphore(%arg12 : memref<!tpu.dma_semaphore, #tpu.memory_space<semaphore_mem>>)
    %add3A_53 = arith.constant 80 : i32
    %add3A_54 = arith.addi %mul3A_2, %add3A_53 : i32
    "tpu.region"() ({
      %run_scoped3A = tpu.sem_alloc : memref<!tpu.dma_semaphore, #tpu.memory_space<semaphore_mem>>
      %dma_start3A_157 = arith.constant 0 : i32
      %dma_start3A_158 = tpu.memref_slice %arg11[%add3A_54, %dma_start3A_157] : memref<10240x128xf32, #tpu.memory_space<vmem_shared>> -> memref<80x128xf32, #tpu.memory_space<vmem_shared>>
      %dma_start3A_159 = arith.constant 0 : i32
      %dma_start3A_160 = tpu.memref_slice %arg11[%add3A_54, %dma_start3A_159] : memref<10240x128xf32, #tpu.memory_space<vmem_shared>> -> memref<80x128xf32, #tpu.memory_space<vmem_shared>>
      tpu.enqueue_dma source(%dma_start3A_160 : memref<80x128xf32, #tpu.memory_space<vmem_shared>>) target(%arg10 : memref<80x128xf32, #tpu.memory_space<vmem>>) target_semaphore(%run_scoped3A : memref<!tpu.dma_semaphore, #tpu.memory_space<semaphore_mem>>)
      %dma_wait3A_161 = arith.constant 0 : i32
      %dma_wait3A_162 = tpu.memref_slice %arg11[%add3A_54, %dma_wait3A_161] : memref<10240x128xf32, #tpu.memory_space<vmem_shared>> -> memref<80x128xf32, #tpu.memory_space<vmem_shared>>
      %dma_wait3A_163 = arith.constant 0 : i32
      %dma_wait3A_164 = tpu.memref_slice %arg11[%add3A_54, %dma_wait3A_163] : memref<10240x128xf32, #tpu.memory_space<vmem_shared>> -> memref<80x128xf32, #tpu.memory_space<vmem_shared>>
      tpu.wait_dma2 semaphore(%run_scoped3A : memref<!tpu.dma_semaphore, #tpu.memory_space<semaphore_mem>>) src(%dma_wait3A_164 : memref<80x128xf32, #tpu.memory_space<vmem_shared>>) dst(%arg10 : memref<80x128xf32, #tpu.memory_space<vmem>>)
      tpu.yield
    }) : () -> ()
    %add3A_55 = arith.constant 80 : i32
    %add3A_56 = arith.addi %add3A_44, %add3A_55 : i32
    %dma_start3A_57 = arith.constant 0 : i32
    %dma_start3A_58 = tpu.memref_slice %arg6[%add3A_56, %dma_start3A_57] : memref<20480x128xf32, #tpu.memory_space<hbm>> -> memref<80x128xf32, #tpu.memory_space<hbm>>
    %dma_start3A_59 = arith.constant 0 : i32
    %dma_start3A_60 = tpu.memref_slice %arg6[%add3A_56, %dma_start3A_59] : memref<20480x128xf32, #tpu.memory_space<hbm>> -> memref<80x128xf32, #tpu.memory_space<hbm>>
    tpu.enqueue_dma source(%arg10 : memref<80x128xf32, #tpu.memory_space<vmem>>) target(%dma_start3A_60 : memref<80x128xf32, #tpu.memory_space<hbm>>) target_semaphore(%arg13 : memref<!tpu.dma_semaphore, #tpu.memory_space<semaphore_mem>>)
    %add3A_61 = arith.constant 0 : i32
    %add3A_62 = arith.addi %add3A_44, %add3A_61 : i32
    %dma_wait3A_63 = arith.constant 0 : i32
    %dma_wait3A_64 = tpu.memref_slice %arg6[%add3A_62, %dma_wait3A_63] : memref<20480x128xf32, #tpu.memory_space<hbm>> -> memref<80x128xf32, #tpu.memory_space<hbm>>
    %dma_wait3A_65 = arith.constant 0 : i32
    %dma_wait3A_66 = tpu.memref_slice %arg6[%add3A_62, %dma_wait3A_65] : memref<20480x128xf32, #tpu.memory_space<hbm>> -> memref<80x128xf32, #tpu.memory_space<hbm>>
    tpu.wait_dma2 semaphore(%arg12 : memref<!tpu.dma_semaphore, #tpu.memory_space<semaphore_mem>>) src(%arg9 : memref<80x128xf32, #tpu.memory_space<vmem>>) dst(%dma_wait3A_66 : memref<80x128xf32, #tpu.memory_space<hbm>>)
    %add3A_67 = arith.constant 160 : i32
    %add3A_68 = arith.addi %mul3A_2, %add3A_67 : i32
    "tpu.region"() ({
      %run_scoped3A = tpu.sem_alloc : memref<!tpu.dma_semaphore, #tpu.memory_space<semaphore_mem>>
      %dma_start3A_157 = arith.constant 0 : i32
      %dma_start3A_158 = tpu.memref_slice %arg11[%add3A_68, %dma_start3A_157] : memref<10240x128xf32, #tpu.memory_space<vmem_shared>> -> memref<80x128xf32, #tpu.memory_space<vmem_shared>>
      %dma_start3A_159 = arith.constant 0 : i32
      %dma_start3A_160 = tpu.memref_slice %arg11[%add3A_68, %dma_start3A_159] : memref<10240x128xf32, #tpu.memory_space<vmem_shared>> -> memref<80x128xf32, #tpu.memory_space<vmem_shared>>
      tpu.enqueue_dma source(%dma_start3A_160 : memref<80x128xf32, #tpu.memory_space<vmem_shared>>) target(%arg9 : memref<80x128xf32, #tpu.memory_space<vmem>>) target_semaphore(%run_scoped3A : memref<!tpu.dma_semaphore, #tpu.memory_space<semaphore_mem>>)
      %dma_wait3A_161 = arith.constant 0 : i32
      %dma_wait3A_162 = tpu.memref_slice %arg11[%add3A_68, %dma_wait3A_161] : memref<10240x128xf32, #tpu.memory_space<vmem_shared>> -> memref<80x128xf32, #tpu.memory_space<vmem_shared>>
      %dma_wait3A_163 = arith.constant 0 : i32
      %dma_wait3A_164 = tpu.memref_slice %arg11[%add3A_68, %dma_wait3A_163] : memref<10240x128xf32, #tpu.memory_space<vmem_shared>> -> memref<80x128xf32, #tpu.memory_space<vmem_shared>>
      tpu.wait_dma2 semaphore(%run_scoped3A : memref<!tpu.dma_semaphore, #tpu.memory_space<semaphore_mem>>) src(%dma_wait3A_164 : memref<80x128xf32, #tpu.memory_space<vmem_shared>>) dst(%arg9 : memref<80x128xf32, #tpu.memory_space<vmem>>)
      tpu.yield
    }) : () -> ()
    %add3A_69 = arith.constant 160 : i32
    %add3A_70 = arith.addi %add3A_44, %add3A_69 : i32
    %dma_start3A_71 = arith.constant 0 : i32
    %dma_start3A_72 = tpu.memref_slice %arg6[%add3A_70, %dma_start3A_71] : memref<20480x128xf32, #tpu.memory_space<hbm>> -> memref<80x128xf32, #tpu.memory_space<hbm>>
    %dma_start3A_73 = arith.constant 0 : i32
    %dma_start3A_74 = tpu.memref_slice %arg6[%add3A_70, %dma_start3A_73] : memref<20480x128xf32, #tpu.memory_space<hbm>> -> memref<80x128xf32, #tpu.memory_space<hbm>>
    tpu.enqueue_dma source(%arg9 : memref<80x128xf32, #tpu.memory_space<vmem>>) target(%dma_start3A_74 : memref<80x128xf32, #tpu.memory_space<hbm>>) target_semaphore(%arg12 : memref<!tpu.dma_semaphore, #tpu.memory_space<semaphore_mem>>)
    %add3A_75 = arith.constant 80 : i32
    %add3A_76 = arith.addi %add3A_44, %add3A_75 : i32
    %dma_wait3A_77 = arith.constant 0 : i32
    %dma_wait3A_78 = tpu.memref_slice %arg6[%add3A_76, %dma_wait3A_77] : memref<20480x128xf32, #tpu.memory_space<hbm>> -> memref<80x128xf32, #tpu.memory_space<hbm>>
    %dma_wait3A_79 = arith.constant 0 : i32
    %dma_wait3A_80 = tpu.memref_slice %arg6[%add3A_76, %dma_wait3A_79] : memref<20480x128xf32, #tpu.memory_space<hbm>> -> memref<80x128xf32, #tpu.memory_space<hbm>>
    tpu.wait_dma2 semaphore(%arg13 : memref<!tpu.dma_semaphore, #tpu.memory_space<semaphore_mem>>) src(%arg10 : memref<80x128xf32, #tpu.memory_space<vmem>>) dst(%dma_wait3A_80 : memref<80x128xf32, #tpu.memory_space<hbm>>)
    %add3A_81 = arith.constant 240 : i32
    %add3A_82 = arith.addi %mul3A_2, %add3A_81 : i32
    "tpu.region"() ({
      %run_scoped3A = tpu.sem_alloc : memref<!tpu.dma_semaphore, #tpu.memory_space<semaphore_mem>>
      %dma_start3A_157 = arith.constant 0 : i32
      %dma_start3A_158 = tpu.memref_slice %arg11[%add3A_82, %dma_start3A_157] : memref<10240x128xf32, #tpu.memory_space<vmem_shared>> -> memref<80x128xf32, #tpu.memory_space<vmem_shared>>
      %dma_start3A_159 = arith.constant 0 : i32
      %dma_start3A_160 = tpu.memref_slice %arg11[%add3A_82, %dma_start3A_159] : memref<10240x128xf32, #tpu.memory_space<vmem_shared>> -> memref<80x128xf32, #tpu.memory_space<vmem_shared>>
      tpu.enqueue_dma source(%dma_start3A_160 : memref<80x128xf32, #tpu.memory_space<vmem_shared>>) target(%arg10 : memref<80x128xf32, #tpu.memory_space<vmem>>) target_semaphore(%run_scoped3A : memref<!tpu.dma_semaphore, #tpu.memory_space<semaphore_mem>>)
      %dma_wait3A_161 = arith.constant 0 : i32
      %dma_wait3A_162 = tpu.memref_slice %arg11[%add3A_82, %dma_wait3A_161] : memref<10240x128xf32, #tpu.memory_space<vmem_shared>> -> memref<80x128xf32, #tpu.memory_space<vmem_shared>>
      %dma_wait3A_163 = arith.constant 0 : i32
      %dma_wait3A_164 = tpu.memref_slice %arg11[%add3A_82, %dma_wait3A_163] : memref<10240x128xf32, #tpu.memory_space<vmem_shared>> -> memref<80x128xf32, #tpu.memory_space<vmem_shared>>
      tpu.wait_dma2 semaphore(%run_scoped3A : memref<!tpu.dma_semaphore, #tpu.memory_space<semaphore_mem>>) src(%dma_wait3A_164 : memref<80x128xf32, #tpu.memory_space<vmem_shared>>) dst(%arg10 : memref<80x128xf32, #tpu.memory_space<vmem>>)
      tpu.yield
    }) : () -> ()
    %add3A_83 = arith.constant 240 : i32
    %add3A_84 = arith.addi %add3A_44, %add3A_83 : i32
    %dma_start3A_85 = arith.constant 0 : i32
    %dma_start3A_86 = tpu.memref_slice %arg6[%add3A_84, %dma_start3A_85] : memref<20480x128xf32, #tpu.memory_space<hbm>> -> memref<80x128xf32, #tpu.memory_space<hbm>>
    %dma_start3A_87 = arith.constant 0 : i32
    %dma_start3A_88 = tpu.memref_slice %arg6[%add3A_84, %dma_start3A_87] : memref<20480x128xf32, #tpu.memory_space<hbm>> -> memref<80x128xf32, #tpu.memory_space<hbm>>
    tpu.enqueue_dma source(%arg10 : memref<80x128xf32, #tpu.memory_space<vmem>>) target(%dma_start3A_88 : memref<80x128xf32, #tpu.memory_space<hbm>>) target_semaphore(%arg13 : memref<!tpu.dma_semaphore, #tpu.memory_space<semaphore_mem>>)
    %add3A_89 = arith.constant 160 : i32
    %add3A_90 = arith.addi %add3A_44, %add3A_89 : i32
    %dma_wait3A_91 = arith.constant 0 : i32
    %dma_wait3A_92 = tpu.memref_slice %arg6[%add3A_90, %dma_wait3A_91] : memref<20480x128xf32, #tpu.memory_space<hbm>> -> memref<80x128xf32, #tpu.memory_space<hbm>>
    %dma_wait3A_93 = arith.constant 0 : i32
    %dma_wait3A_94 = tpu.memref_slice %arg6[%add3A_90, %dma_wait3A_93] : memref<20480x128xf32, #tpu.memory_space<hbm>> -> memref<80x128xf32, #tpu.memory_space<hbm>>
    tpu.wait_dma2 semaphore(%arg12 : memref<!tpu.dma_semaphore, #tpu.memory_space<semaphore_mem>>) src(%arg9 : memref<80x128xf32, #tpu.memory_space<vmem>>) dst(%dma_wait3A_94 : memref<80x128xf32, #tpu.memory_space<hbm>>)
    %add3A_95 = arith.constant 320 : i32
    %add3A_96 = arith.addi %mul3A_2, %add3A_95 : i32
    "tpu.region"() ({
      %run_scoped3A = tpu.sem_alloc : memref<!tpu.dma_semaphore, #tpu.memory_space<semaphore_mem>>
      %dma_start3A_157 = arith.constant 0 : i32
      %dma_start3A_158 = tpu.memref_slice %arg11[%add3A_96, %dma_start3A_157] : memref<10240x128xf32, #tpu.memory_space<vmem_shared>> -> memref<80x128xf32, #tpu.memory_space<vmem_shared>>
      %dma_start3A_159 = arith.constant 0 : i32
      %dma_start3A_160 = tpu.memref_slice %arg11[%add3A_96, %dma_start3A_159] : memref<10240x128xf32, #tpu.memory_space<vmem_shared>> -> memref<80x128xf32, #tpu.memory_space<vmem_shared>>
      tpu.enqueue_dma source(%dma_start3A_160 : memref<80x128xf32, #tpu.memory_space<vmem_shared>>) target(%arg9 : memref<80x128xf32, #tpu.memory_space<vmem>>) target_semaphore(%run_scoped3A : memref<!tpu.dma_semaphore, #tpu.memory_space<semaphore_mem>>)
      %dma_wait3A_161 = arith.constant 0 : i32
      %dma_wait3A_162 = tpu.memref_slice %arg11[%add3A_96, %dma_wait3A_161] : memref<10240x128xf32, #tpu.memory_space<vmem_shared>> -> memref<80x128xf32, #tpu.memory_space<vmem_shared>>
      %dma_wait3A_163 = arith.constant 0 : i32
      %dma_wait3A_164 = tpu.memref_slice %arg11[%add3A_96, %dma_wait3A_163] : memref<10240x128xf32, #tpu.memory_space<vmem_shared>> -> memref<80x128xf32, #tpu.memory_space<vmem_shared>>
      tpu.wait_dma2 semaphore(%run_scoped3A : memref<!tpu.dma_semaphore, #tpu.memory_space<semaphore_mem>>) src(%dma_wait3A_164 : memref<80x128xf32, #tpu.memory_space<vmem_shared>>) dst(%arg9 : memref<80x128xf32, #tpu.memory_space<vmem>>)
      tpu.yield
    }) : () -> ()
    %add3A_97 = arith.constant 320 : i32
    %add3A_98 = arith.addi %add3A_44, %add3A_97 : i32
    %dma_start3A_99 = arith.constant 0 : i32
    %dma_start3A_100 = tpu.memref_slice %arg6[%add3A_98, %dma_start3A_99] : memref<20480x128xf32, #tpu.memory_space<hbm>> -> memref<80x128xf32, #tpu.memory_space<hbm>>
    %dma_start3A_101 = arith.constant 0 : i32
    %dma_start3A_102 = tpu.memref_slice %arg6[%add3A_98, %dma_start3A_101] : memref<20480x128xf32, #tpu.memory_space<hbm>> -> memref<80x128xf32, #tpu.memory_space<hbm>>
    tpu.enqueue_dma source(%arg9 : memref<80x128xf32, #tpu.memory_space<vmem>>) target(%dma_start3A_102 : memref<80x128xf32, #tpu.memory_space<hbm>>) target_semaphore(%arg12 : memref<!tpu.dma_semaphore, #tpu.memory_space<semaphore_mem>>)
    %add3A_103 = arith.constant 240 : i32
    %add3A_104 = arith.addi %add3A_44, %add3A_103 : i32
    %dma_wait3A_105 = arith.constant 0 : i32
    %dma_wait3A_106 = tpu.memref_slice %arg6[%add3A_104, %dma_wait3A_105] : memref<20480x128xf32, #tpu.memory_space<hbm>> -> memref<80x128xf32, #tpu.memory_space<hbm>>
    %dma_wait3A_107 = arith.constant 0 : i32
    %dma_wait3A_108 = tpu.memref_slice %arg6[%add3A_104, %dma_wait3A_107] : memref<20480x128xf32, #tpu.memory_space<hbm>> -> memref<80x128xf32, #tpu.memory_space<hbm>>
    tpu.wait_dma2 semaphore(%arg13 : memref<!tpu.dma_semaphore, #tpu.memory_space<semaphore_mem>>) src(%arg10 : memref<80x128xf32, #tpu.memory_space<vmem>>) dst(%dma_wait3A_108 : memref<80x128xf32, #tpu.memory_space<hbm>>)
    %add3A_109 = arith.constant 400 : i32
    %add3A_110 = arith.addi %mul3A_2, %add3A_109 : i32
    "tpu.region"() ({
      %run_scoped3A = tpu.sem_alloc : memref<!tpu.dma_semaphore, #tpu.memory_space<semaphore_mem>>
      %dma_start3A_157 = arith.constant 0 : i32
      %dma_start3A_158 = tpu.memref_slice %arg11[%add3A_110, %dma_start3A_157] : memref<10240x128xf32, #tpu.memory_space<vmem_shared>> -> memref<80x128xf32, #tpu.memory_space<vmem_shared>>
      %dma_start3A_159 = arith.constant 0 : i32
      %dma_start3A_160 = tpu.memref_slice %arg11[%add3A_110, %dma_start3A_159] : memref<10240x128xf32, #tpu.memory_space<vmem_shared>> -> memref<80x128xf32, #tpu.memory_space<vmem_shared>>
      tpu.enqueue_dma source(%dma_start3A_160 : memref<80x128xf32, #tpu.memory_space<vmem_shared>>) target(%arg10 : memref<80x128xf32, #tpu.memory_space<vmem>>) target_semaphore(%run_scoped3A : memref<!tpu.dma_semaphore, #tpu.memory_space<semaphore_mem>>)
      %dma_wait3A_161 = arith.constant 0 : i32
      %dma_wait3A_162 = tpu.memref_slice %arg11[%add3A_110, %dma_wait3A_161] : memref<10240x128xf32, #tpu.memory_space<vmem_shared>> -> memref<80x128xf32, #tpu.memory_space<vmem_shared>>
      %dma_wait3A_163 = arith.constant 0 : i32
      %dma_wait3A_164 = tpu.memref_slice %arg11[%add3A_110, %dma_wait3A_163] : memref<10240x128xf32, #tpu.memory_space<vmem_shared>> -> memref<80x128xf32, #tpu.memory_space<vmem_shared>>
      tpu.wait_dma2 semaphore(%run_scoped3A : memref<!tpu.dma_semaphore, #tpu.memory_space<semaphore_mem>>) src(%dma_wait3A_164 : memref<80x128xf32, #tpu.memory_space<vmem_shared>>) dst(%arg10 : memref<80x128xf32, #tpu.memory_space<vmem>>)
      tpu.yield
    }) : () -> ()
    %add3A_111 = arith.constant 400 : i32
    %add3A_112 = arith.addi %add3A_44, %add3A_111 : i32
    %dma_start3A_113 = arith.constant 0 : i32
    %dma_start3A_114 = tpu.memref_slice %arg6[%add3A_112, %dma_start3A_113] : memref<20480x128xf32, #tpu.memory_space<hbm>> -> memref<80x128xf32, #tpu.memory_space<hbm>>
    %dma_start3A_115 = arith.constant 0 : i32
    %dma_start3A_116 = tpu.memref_slice %arg6[%add3A_112, %dma_start3A_115] : memref<20480x128xf32, #tpu.memory_space<hbm>> -> memref<80x128xf32, #tpu.memory_space<hbm>>
    tpu.enqueue_dma source(%arg10 : memref<80x128xf32, #tpu.memory_space<vmem>>) target(%dma_start3A_116 : memref<80x128xf32, #tpu.memory_space<hbm>>) target_semaphore(%arg13 : memref<!tpu.dma_semaphore, #tpu.memory_space<semaphore_mem>>)
    %add3A_117 = arith.constant 320 : i32
    %add3A_118 = arith.addi %add3A_44, %add3A_117 : i32
    %dma_wait3A_119 = arith.constant 0 : i32
    %dma_wait3A_120 = tpu.memref_slice %arg6[%add3A_118, %dma_wait3A_119] : memref<20480x128xf32, #tpu.memory_space<hbm>> -> memref<80x128xf32, #tpu.memory_space<hbm>>
    %dma_wait3A_121 = arith.constant 0 : i32
    %dma_wait3A_122 = tpu.memref_slice %arg6[%add3A_118, %dma_wait3A_121] : memref<20480x128xf32, #tpu.memory_space<hbm>> -> memref<80x128xf32, #tpu.memory_space<hbm>>
    tpu.wait_dma2 semaphore(%arg12 : memref<!tpu.dma_semaphore, #tpu.memory_space<semaphore_mem>>) src(%arg9 : memref<80x128xf32, #tpu.memory_space<vmem>>) dst(%dma_wait3A_122 : memref<80x128xf32, #tpu.memory_space<hbm>>)
    %add3A_123 = arith.constant 480 : i32
    %add3A_124 = arith.addi %mul3A_2, %add3A_123 : i32
    "tpu.region"() ({
      %run_scoped3A = tpu.sem_alloc : memref<!tpu.dma_semaphore, #tpu.memory_space<semaphore_mem>>
      %dma_start3A_157 = arith.constant 0 : i32
      %dma_start3A_158 = tpu.memref_slice %arg11[%add3A_124, %dma_start3A_157] : memref<10240x128xf32, #tpu.memory_space<vmem_shared>> -> memref<80x128xf32, #tpu.memory_space<vmem_shared>>
      %dma_start3A_159 = arith.constant 0 : i32
      %dma_start3A_160 = tpu.memref_slice %arg11[%add3A_124, %dma_start3A_159] : memref<10240x128xf32, #tpu.memory_space<vmem_shared>> -> memref<80x128xf32, #tpu.memory_space<vmem_shared>>
      tpu.enqueue_dma source(%dma_start3A_160 : memref<80x128xf32, #tpu.memory_space<vmem_shared>>) target(%arg9 : memref<80x128xf32, #tpu.memory_space<vmem>>) target_semaphore(%run_scoped3A : memref<!tpu.dma_semaphore, #tpu.memory_space<semaphore_mem>>)
      %dma_wait3A_161 = arith.constant 0 : i32
      %dma_wait3A_162 = tpu.memref_slice %arg11[%add3A_124, %dma_wait3A_161] : memref<10240x128xf32, #tpu.memory_space<vmem_shared>> -> memref<80x128xf32, #tpu.memory_space<vmem_shared>>
      %dma_wait3A_163 = arith.constant 0 : i32
      %dma_wait3A_164 = tpu.memref_slice %arg11[%add3A_124, %dma_wait3A_163] : memref<10240x128xf32, #tpu.memory_space<vmem_shared>> -> memref<80x128xf32, #tpu.memory_space<vmem_shared>>
      tpu.wait_dma2 semaphore(%run_scoped3A : memref<!tpu.dma_semaphore, #tpu.memory_space<semaphore_mem>>) src(%dma_wait3A_164 : memref<80x128xf32, #tpu.memory_space<vmem_shared>>) dst(%arg9 : memref<80x128xf32, #tpu.memory_space<vmem>>)
      tpu.yield
    }) : () -> ()
    %add3A_125 = arith.constant 480 : i32
    %add3A_126 = arith.addi %add3A_44, %add3A_125 : i32
    %dma_start3A_127 = arith.constant 0 : i32
    %dma_start3A_128 = tpu.memref_slice %arg6[%add3A_126, %dma_start3A_127] : memref<20480x128xf32, #tpu.memory_space<hbm>> -> memref<80x128xf32, #tpu.memory_space<hbm>>
    %dma_start3A_129 = arith.constant 0 : i32
    %dma_start3A_130 = tpu.memref_slice %arg6[%add3A_126, %dma_start3A_129] : memref<20480x128xf32, #tpu.memory_space<hbm>> -> memref<80x128xf32, #tpu.memory_space<hbm>>
    tpu.enqueue_dma source(%arg9 : memref<80x128xf32, #tpu.memory_space<vmem>>) target(%dma_start3A_130 : memref<80x128xf32, #tpu.memory_space<hbm>>) target_semaphore(%arg12 : memref<!tpu.dma_semaphore, #tpu.memory_space<semaphore_mem>>)
    %add3A_131 = arith.constant 400 : i32
    %add3A_132 = arith.addi %add3A_44, %add3A_131 : i32
    %dma_wait3A_133 = arith.constant 0 : i32
    %dma_wait3A_134 = tpu.memref_slice %arg6[%add3A_132, %dma_wait3A_133] : memref<20480x128xf32, #tpu.memory_space<hbm>> -> memref<80x128xf32, #tpu.memory_space<hbm>>
    %dma_wait3A_135 = arith.constant 0 : i32
    %dma_wait3A_136 = tpu.memref_slice %arg6[%add3A_132, %dma_wait3A_135] : memref<20480x128xf32, #tpu.memory_space<hbm>> -> memref<80x128xf32, #tpu.memory_space<hbm>>
    tpu.wait_dma2 semaphore(%arg13 : memref<!tpu.dma_semaphore, #tpu.memory_space<semaphore_mem>>) src(%arg10 : memref<80x128xf32, #tpu.memory_space<vmem>>) dst(%dma_wait3A_136 : memref<80x128xf32, #tpu.memory_space<hbm>>)
    %add3A_137 = arith.constant 560 : i32
    %add3A_138 = arith.addi %mul3A_2, %add3A_137 : i32
    "tpu.region"() ({
      %run_scoped3A = tpu.sem_alloc : memref<!tpu.dma_semaphore, #tpu.memory_space<semaphore_mem>>
      %dma_start3A_157 = arith.constant 0 : i32
      %dma_start3A_158 = tpu.memref_slice %arg11[%add3A_138, %dma_start3A_157] : memref<10240x128xf32, #tpu.memory_space<vmem_shared>> -> memref<80x128xf32, #tpu.memory_space<vmem_shared>>
      %dma_start3A_159 = arith.constant 0 : i32
      %dma_start3A_160 = tpu.memref_slice %arg11[%add3A_138, %dma_start3A_159] : memref<10240x128xf32, #tpu.memory_space<vmem_shared>> -> memref<80x128xf32, #tpu.memory_space<vmem_shared>>
      tpu.enqueue_dma source(%dma_start3A_160 : memref<80x128xf32, #tpu.memory_space<vmem_shared>>) target(%arg10 : memref<80x128xf32, #tpu.memory_space<vmem>>) target_semaphore(%run_scoped3A : memref<!tpu.dma_semaphore, #tpu.memory_space<semaphore_mem>>)
      %dma_wait3A_161 = arith.constant 0 : i32
      %dma_wait3A_162 = tpu.memref_slice %arg11[%add3A_138, %dma_wait3A_161] : memref<10240x128xf32, #tpu.memory_space<vmem_shared>> -> memref<80x128xf32, #tpu.memory_space<vmem_shared>>
      %dma_wait3A_163 = arith.constant 0 : i32
      %dma_wait3A_164 = tpu.memref_slice %arg11[%add3A_138, %dma_wait3A_163] : memref<10240x128xf32, #tpu.memory_space<vmem_shared>> -> memref<80x128xf32, #tpu.memory_space<vmem_shared>>
      tpu.wait_dma2 semaphore(%run_scoped3A : memref<!tpu.dma_semaphore, #tpu.memory_space<semaphore_mem>>) src(%dma_wait3A_164 : memref<80x128xf32, #tpu.memory_space<vmem_shared>>) dst(%arg10 : memref<80x128xf32, #tpu.memory_space<vmem>>)
      tpu.yield
    }) : () -> ()
    %add3A_139 = arith.constant 560 : i32
    %add3A_140 = arith.addi %add3A_44, %add3A_139 : i32
    %dma_start3A_141 = arith.constant 0 : i32
    %dma_start3A_142 = tpu.memref_slice %arg6[%add3A_140, %dma_start3A_141] : memref<20480x128xf32, #tpu.memory_space<hbm>> -> memref<80x128xf32, #tpu.memory_space<hbm>>
    %dma_start3A_143 = arith.constant 0 : i32
    %dma_start3A_144 = tpu.memref_slice %arg6[%add3A_140, %dma_start3A_143] : memref<20480x128xf32, #tpu.memory_space<hbm>> -> memref<80x128xf32, #tpu.memory_space<hbm>>
    tpu.enqueue_dma source(%arg10 : memref<80x128xf32, #tpu.memory_space<vmem>>) target(%dma_start3A_144 : memref<80x128xf32, #tpu.memory_space<hbm>>) target_semaphore(%arg13 : memref<!tpu.dma_semaphore, #tpu.memory_space<semaphore_mem>>)
    %add3A_145 = arith.constant 480 : i32
    %add3A_146 = arith.addi %add3A_44, %add3A_145 : i32
    %dma_wait3A_147 = arith.constant 0 : i32
    %dma_wait3A_148 = tpu.memref_slice %arg6[%add3A_146, %dma_wait3A_147] : memref<20480x128xf32, #tpu.memory_space<hbm>> -> memref<80x128xf32, #tpu.memory_space<hbm>>
    %dma_wait3A_149 = arith.constant 0 : i32
    %dma_wait3A_150 = tpu.memref_slice %arg6[%add3A_146, %dma_wait3A_149] : memref<20480x128xf32, #tpu.memory_space<hbm>> -> memref<80x128xf32, #tpu.memory_space<hbm>>
    tpu.wait_dma2 semaphore(%arg12 : memref<!tpu.dma_semaphore, #tpu.memory_space<semaphore_mem>>) src(%arg9 : memref<80x128xf32, #tpu.memory_space<vmem>>) dst(%dma_wait3A_150 : memref<80x128xf32, #tpu.memory_space<hbm>>)
    %add3A_151 = arith.constant 560 : i32
    %add3A_152 = arith.addi %add3A_44, %add3A_151 : i32
    %dma_wait3A_153 = arith.constant 0 : i32
    %dma_wait3A_154 = tpu.memref_slice %arg6[%add3A_152, %dma_wait3A_153] : memref<20480x128xf32, #tpu.memory_space<hbm>> -> memref<80x128xf32, #tpu.memory_space<hbm>>
    %dma_wait3A_155 = arith.constant 0 : i32
    %dma_wait3A_156 = tpu.memref_slice %arg6[%add3A_152, %dma_wait3A_155] : memref<20480x128xf32, #tpu.memory_space<hbm>> -> memref<80x128xf32, #tpu.memory_space<hbm>>
    tpu.wait_dma2 semaphore(%arg13 : memref<!tpu.dma_semaphore, #tpu.memory_space<semaphore_mem>>) src(%arg10 : memref<80x128xf32, #tpu.memory_space<vmem>>) dst(%dma_wait3A_156 : memref<80x128xf32, #tpu.memory_space<hbm>>)
    return
  }
}

#map = affine_map<(d0, d1) -> (0)>
#map1 = affine_map<(d0, d1) -> (0, 0)>
module attributes {stable_mosaic.version = 14 : i64} {
  func.func @_cnt128(%arg0: i32, %arg1: i32, %arg2: memref<320000xi32, #tpu.memory_space<hbm>>, %arg3: memref<10240x128xf32, #tpu.memory_space<hbm>>, %arg4: memref<80x128xf32, #tpu.memory_space<hbm>>, %arg5: memref<20480x128xf32, #tpu.memory_space<hbm>>, %arg6: memref<10000xi32, #tpu.memory_space<vmem>>, %arg7: memref<80x128xf32, #tpu.memory_space<vmem>>, %arg8: memref<80x128xf32, #tpu.memory_space<vmem>>, %arg9: memref<10240x128xf32, #tpu.memory_space<vmem_shared>>, %arg10: memref<!tpu.dma_semaphore, #tpu.memory_space<semaphore_mem>>, %arg11: memref<!tpu.dma_semaphore, #tpu.memory_space<semaphore_mem>>) attributes {dimension_semantics = [#tpu.dimension_semantics<core_parallel>, #tpu.dimension_semantics<subcore_parallel>], iteration_bounds = array<i64: 2, 16>, scalar_prefetch = 0 : i64, scratch_operands = 6 : i64, tpu.core_type = #tpu.core_type<sc_vector_subcore>, window_params = [{transform_indices = #map}, {transform_indices = #map1}, {transform_indices = #map1}, {transform_indices = #map1}]} {
    %mul3A = arith.constant 16 : i32
    %mul3A_0 = arith.muli %arg0, %mul3A : i32
    %add3A = arith.addi %mul3A_0, %arg1 : i32
    %mul3A_1 = arith.constant 640 : i32
    %mul3A_2 = arith.muli %arg1, %mul3A_1 : i32
    %mul3A_3 = arith.constant 10000 : i32
    %mul3A_4 = arith.muli %add3A, %mul3A_3 : i32
    "tpu.region"() ({
      %run_scoped3A = tpu.sem_alloc : memref<!tpu.dma_semaphore, #tpu.memory_space<semaphore_mem>>
      %dma_start3A_140 = tpu.memref_slice %arg2[%mul3A_4] : memref<320000xi32, #tpu.memory_space<hbm>> -> memref<10000xi32, #tpu.memory_space<hbm>>
      %dma_start3A_141 = tpu.memref_slice %arg2[%mul3A_4] : memref<320000xi32, #tpu.memory_space<hbm>> -> memref<10000xi32, #tpu.memory_space<hbm>>
      tpu.enqueue_dma source(%dma_start3A_141 : memref<10000xi32, #tpu.memory_space<hbm>>) target(%arg6 : memref<10000xi32, #tpu.memory_space<vmem>>) target_semaphore(%run_scoped3A : memref<!tpu.dma_semaphore, #tpu.memory_space<semaphore_mem>>)
      %dma_wait3A_142 = tpu.memref_slice %arg2[%mul3A_4] : memref<320000xi32, #tpu.memory_space<hbm>> -> memref<10000xi32, #tpu.memory_space<hbm>>
      %dma_wait3A_143 = tpu.memref_slice %arg2[%mul3A_4] : memref<320000xi32, #tpu.memory_space<hbm>> -> memref<10000xi32, #tpu.memory_space<hbm>>
      tpu.wait_dma2 semaphore(%run_scoped3A : memref<!tpu.dma_semaphore, #tpu.memory_space<semaphore_mem>>) src(%dma_wait3A_143 : memref<10000xi32, #tpu.memory_space<hbm>>) dst(%arg6 : memref<10000xi32, #tpu.memory_space<vmem>>)
      tpu.yield
    }) : () -> ()
    "tpu.region"() ({
      %run_scoped3A = tpu.sem_alloc : memref<!tpu.dma_semaphore, #tpu.memory_space<semaphore_mem>>
      %dma_start3A_140 = arith.constant 0 : i32
      %dma_start3A_141 = arith.constant 0 : i32
      %dma_start3A_142 = tpu.memref_slice %arg3[%dma_start3A_140, %dma_start3A_141] : memref<10240x128xf32, #tpu.memory_space<hbm>> -> memref<80x128xf32, #tpu.memory_space<hbm>>
      %dma_start3A_143 = arith.constant 0 : i32
      %dma_start3A_144 = arith.constant 0 : i32
      %dma_start3A_145 = tpu.memref_slice %arg3[%dma_start3A_143, %dma_start3A_144] : memref<10240x128xf32, #tpu.memory_space<hbm>> -> memref<80x128xf32, #tpu.memory_space<hbm>>
      tpu.enqueue_dma source(%dma_start3A_145 : memref<80x128xf32, #tpu.memory_space<hbm>>) target(%arg7 : memref<80x128xf32, #tpu.memory_space<vmem>>) target_semaphore(%run_scoped3A : memref<!tpu.dma_semaphore, #tpu.memory_space<semaphore_mem>>)
      %dma_wait3A_146 = arith.constant 0 : i32
      %dma_wait3A_147 = arith.constant 0 : i32
      %dma_wait3A_148 = tpu.memref_slice %arg3[%dma_wait3A_146, %dma_wait3A_147] : memref<10240x128xf32, #tpu.memory_space<hbm>> -> memref<80x128xf32, #tpu.memory_space<hbm>>
      %dma_wait3A_149 = arith.constant 0 : i32
      %dma_wait3A_150 = arith.constant 0 : i32
      %dma_wait3A_151 = tpu.memref_slice %arg3[%dma_wait3A_149, %dma_wait3A_150] : memref<10240x128xf32, #tpu.memory_space<hbm>> -> memref<80x128xf32, #tpu.memory_space<hbm>>
      tpu.wait_dma2 semaphore(%run_scoped3A : memref<!tpu.dma_semaphore, #tpu.memory_space<semaphore_mem>>) src(%dma_wait3A_151 : memref<80x128xf32, #tpu.memory_space<hbm>>) dst(%arg7 : memref<80x128xf32, #tpu.memory_space<vmem>>)
      tpu.yield
    }) : () -> ()
    %add3A_5 = arith.constant 0 : i32
    %add3A_6 = arith.addi %mul3A_2, %add3A_5 : i32
    "tpu.region"() ({
      %run_scoped3A = tpu.sem_alloc : memref<!tpu.dma_semaphore, #tpu.memory_space<semaphore_mem>>
      %dma_start3A_140 = arith.constant 0 : i32
      %dma_start3A_141 = tpu.memref_slice %arg9[%add3A_6, %dma_start3A_140] : memref<10240x128xf32, #tpu.memory_space<vmem_shared>> -> memref<80x128xf32, #tpu.memory_space<vmem_shared>>
      %dma_start3A_142 = arith.constant 0 : i32
      %dma_start3A_143 = tpu.memref_slice %arg9[%add3A_6, %dma_start3A_142] : memref<10240x128xf32, #tpu.memory_space<vmem_shared>> -> memref<80x128xf32, #tpu.memory_space<vmem_shared>>
      tpu.enqueue_dma source(%arg7 : memref<80x128xf32, #tpu.memory_space<vmem>>) target(%dma_start3A_143 : memref<80x128xf32, #tpu.memory_space<vmem_shared>>) target_semaphore(%run_scoped3A : memref<!tpu.dma_semaphore, #tpu.memory_space<semaphore_mem>>)
      %dma_wait3A_144 = arith.constant 0 : i32
      %dma_wait3A_145 = tpu.memref_slice %arg9[%add3A_6, %dma_wait3A_144] : memref<10240x128xf32, #tpu.memory_space<vmem_shared>> -> memref<80x128xf32, #tpu.memory_space<vmem_shared>>
      %dma_wait3A_146 = arith.constant 0 : i32
      %dma_wait3A_147 = tpu.memref_slice %arg9[%add3A_6, %dma_wait3A_146] : memref<10240x128xf32, #tpu.memory_space<vmem_shared>> -> memref<80x128xf32, #tpu.memory_space<vmem_shared>>
      tpu.wait_dma2 semaphore(%run_scoped3A : memref<!tpu.dma_semaphore, #tpu.memory_space<semaphore_mem>>) src(%arg7 : memref<80x128xf32, #tpu.memory_space<vmem>>) dst(%dma_wait3A_147 : memref<80x128xf32, #tpu.memory_space<vmem_shared>>)
      tpu.yield
    }) : () -> ()
    %add3A_7 = arith.constant 80 : i32
    %add3A_8 = arith.addi %mul3A_2, %add3A_7 : i32
    "tpu.region"() ({
      %run_scoped3A = tpu.sem_alloc : memref<!tpu.dma_semaphore, #tpu.memory_space<semaphore_mem>>
      %dma_start3A_140 = arith.constant 0 : i32
      %dma_start3A_141 = tpu.memref_slice %arg9[%add3A_8, %dma_start3A_140] : memref<10240x128xf32, #tpu.memory_space<vmem_shared>> -> memref<80x128xf32, #tpu.memory_space<vmem_shared>>
      %dma_start3A_142 = arith.constant 0 : i32
      %dma_start3A_143 = tpu.memref_slice %arg9[%add3A_8, %dma_start3A_142] : memref<10240x128xf32, #tpu.memory_space<vmem_shared>> -> memref<80x128xf32, #tpu.memory_space<vmem_shared>>
      tpu.enqueue_dma source(%arg7 : memref<80x128xf32, #tpu.memory_space<vmem>>) target(%dma_start3A_143 : memref<80x128xf32, #tpu.memory_space<vmem_shared>>) target_semaphore(%run_scoped3A : memref<!tpu.dma_semaphore, #tpu.memory_space<semaphore_mem>>)
      %dma_wait3A_144 = arith.constant 0 : i32
      %dma_wait3A_145 = tpu.memref_slice %arg9[%add3A_8, %dma_wait3A_144] : memref<10240x128xf32, #tpu.memory_space<vmem_shared>> -> memref<80x128xf32, #tpu.memory_space<vmem_shared>>
      %dma_wait3A_146 = arith.constant 0 : i32
      %dma_wait3A_147 = tpu.memref_slice %arg9[%add3A_8, %dma_wait3A_146] : memref<10240x128xf32, #tpu.memory_space<vmem_shared>> -> memref<80x128xf32, #tpu.memory_space<vmem_shared>>
      tpu.wait_dma2 semaphore(%run_scoped3A : memref<!tpu.dma_semaphore, #tpu.memory_space<semaphore_mem>>) src(%arg7 : memref<80x128xf32, #tpu.memory_space<vmem>>) dst(%dma_wait3A_147 : memref<80x128xf32, #tpu.memory_space<vmem_shared>>)
      tpu.yield
    }) : () -> ()
    %add3A_9 = arith.constant 160 : i32
    %add3A_10 = arith.addi %mul3A_2, %add3A_9 : i32
    "tpu.region"() ({
      %run_scoped3A = tpu.sem_alloc : memref<!tpu.dma_semaphore, #tpu.memory_space<semaphore_mem>>
      %dma_start3A_140 = arith.constant 0 : i32
      %dma_start3A_141 = tpu.memref_slice %arg9[%add3A_10, %dma_start3A_140] : memref<10240x128xf32, #tpu.memory_space<vmem_shared>> -> memref<80x128xf32, #tpu.memory_space<vmem_shared>>
      %dma_start3A_142 = arith.constant 0 : i32
      %dma_start3A_143 = tpu.memref_slice %arg9[%add3A_10, %dma_start3A_142] : memref<10240x128xf32, #tpu.memory_space<vmem_shared>> -> memref<80x128xf32, #tpu.memory_space<vmem_shared>>
      tpu.enqueue_dma source(%arg7 : memref<80x128xf32, #tpu.memory_space<vmem>>) target(%dma_start3A_143 : memref<80x128xf32, #tpu.memory_space<vmem_shared>>) target_semaphore(%run_scoped3A : memref<!tpu.dma_semaphore, #tpu.memory_space<semaphore_mem>>)
      %dma_wait3A_144 = arith.constant 0 : i32
      %dma_wait3A_145 = tpu.memref_slice %arg9[%add3A_10, %dma_wait3A_144] : memref<10240x128xf32, #tpu.memory_space<vmem_shared>> -> memref<80x128xf32, #tpu.memory_space<vmem_shared>>
      %dma_wait3A_146 = arith.constant 0 : i32
      %dma_wait3A_147 = tpu.memref_slice %arg9[%add3A_10, %dma_wait3A_146] : memref<10240x128xf32, #tpu.memory_space<vmem_shared>> -> memref<80x128xf32, #tpu.memory_space<vmem_shared>>
      tpu.wait_dma2 semaphore(%run_scoped3A : memref<!tpu.dma_semaphore, #tpu.memory_space<semaphore_mem>>) src(%arg7 : memref<80x128xf32, #tpu.memory_space<vmem>>) dst(%dma_wait3A_147 : memref<80x128xf32, #tpu.memory_space<vmem_shared>>)
      tpu.yield
    }) : () -> ()
    %add3A_11 = arith.constant 240 : i32
    %add3A_12 = arith.addi %mul3A_2, %add3A_11 : i32
    "tpu.region"() ({
      %run_scoped3A = tpu.sem_alloc : memref<!tpu.dma_semaphore, #tpu.memory_space<semaphore_mem>>
      %dma_start3A_140 = arith.constant 0 : i32
      %dma_start3A_141 = tpu.memref_slice %arg9[%add3A_12, %dma_start3A_140] : memref<10240x128xf32, #tpu.memory_space<vmem_shared>> -> memref<80x128xf32, #tpu.memory_space<vmem_shared>>
      %dma_start3A_142 = arith.constant 0 : i32
      %dma_start3A_143 = tpu.memref_slice %arg9[%add3A_12, %dma_start3A_142] : memref<10240x128xf32, #tpu.memory_space<vmem_shared>> -> memref<80x128xf32, #tpu.memory_space<vmem_shared>>
      tpu.enqueue_dma source(%arg7 : memref<80x128xf32, #tpu.memory_space<vmem>>) target(%dma_start3A_143 : memref<80x128xf32, #tpu.memory_space<vmem_shared>>) target_semaphore(%run_scoped3A : memref<!tpu.dma_semaphore, #tpu.memory_space<semaphore_mem>>)
      %dma_wait3A_144 = arith.constant 0 : i32
      %dma_wait3A_145 = tpu.memref_slice %arg9[%add3A_12, %dma_wait3A_144] : memref<10240x128xf32, #tpu.memory_space<vmem_shared>> -> memref<80x128xf32, #tpu.memory_space<vmem_shared>>
      %dma_wait3A_146 = arith.constant 0 : i32
      %dma_wait3A_147 = tpu.memref_slice %arg9[%add3A_12, %dma_wait3A_146] : memref<10240x128xf32, #tpu.memory_space<vmem_shared>> -> memref<80x128xf32, #tpu.memory_space<vmem_shared>>
      tpu.wait_dma2 semaphore(%run_scoped3A : memref<!tpu.dma_semaphore, #tpu.memory_space<semaphore_mem>>) src(%arg7 : memref<80x128xf32, #tpu.memory_space<vmem>>) dst(%dma_wait3A_147 : memref<80x128xf32, #tpu.memory_space<vmem_shared>>)
      tpu.yield
    }) : () -> ()
    %add3A_13 = arith.constant 320 : i32
    %add3A_14 = arith.addi %mul3A_2, %add3A_13 : i32
    "tpu.region"() ({
      %run_scoped3A = tpu.sem_alloc : memref<!tpu.dma_semaphore, #tpu.memory_space<semaphore_mem>>
      %dma_start3A_140 = arith.constant 0 : i32
      %dma_start3A_141 = tpu.memref_slice %arg9[%add3A_14, %dma_start3A_140] : memref<10240x128xf32, #tpu.memory_space<vmem_shared>> -> memref<80x128xf32, #tpu.memory_space<vmem_shared>>
      %dma_start3A_142 = arith.constant 0 : i32
      %dma_start3A_143 = tpu.memref_slice %arg9[%add3A_14, %dma_start3A_142] : memref<10240x128xf32, #tpu.memory_space<vmem_shared>> -> memref<80x128xf32, #tpu.memory_space<vmem_shared>>
      tpu.enqueue_dma source(%arg7 : memref<80x128xf32, #tpu.memory_space<vmem>>) target(%dma_start3A_143 : memref<80x128xf32, #tpu.memory_space<vmem_shared>>) target_semaphore(%run_scoped3A : memref<!tpu.dma_semaphore, #tpu.memory_space<semaphore_mem>>)
      %dma_wait3A_144 = arith.constant 0 : i32
      %dma_wait3A_145 = tpu.memref_slice %arg9[%add3A_14, %dma_wait3A_144] : memref<10240x128xf32, #tpu.memory_space<vmem_shared>> -> memref<80x128xf32, #tpu.memory_space<vmem_shared>>
      %dma_wait3A_146 = arith.constant 0 : i32
      %dma_wait3A_147 = tpu.memref_slice %arg9[%add3A_14, %dma_wait3A_146] : memref<10240x128xf32, #tpu.memory_space<vmem_shared>> -> memref<80x128xf32, #tpu.memory_space<vmem_shared>>
      tpu.wait_dma2 semaphore(%run_scoped3A : memref<!tpu.dma_semaphore, #tpu.memory_space<semaphore_mem>>) src(%arg7 : memref<80x128xf32, #tpu.memory_space<vmem>>) dst(%dma_wait3A_147 : memref<80x128xf32, #tpu.memory_space<vmem_shared>>)
      tpu.yield
    }) : () -> ()
    %add3A_15 = arith.constant 400 : i32
    %add3A_16 = arith.addi %mul3A_2, %add3A_15 : i32
    "tpu.region"() ({
      %run_scoped3A = tpu.sem_alloc : memref<!tpu.dma_semaphore, #tpu.memory_space<semaphore_mem>>
      %dma_start3A_140 = arith.constant 0 : i32
      %dma_start3A_141 = tpu.memref_slice %arg9[%add3A_16, %dma_start3A_140] : memref<10240x128xf32, #tpu.memory_space<vmem_shared>> -> memref<80x128xf32, #tpu.memory_space<vmem_shared>>
      %dma_start3A_142 = arith.constant 0 : i32
      %dma_start3A_143 = tpu.memref_slice %arg9[%add3A_16, %dma_start3A_142] : memref<10240x128xf32, #tpu.memory_space<vmem_shared>> -> memref<80x128xf32, #tpu.memory_space<vmem_shared>>
      tpu.enqueue_dma source(%arg7 : memref<80x128xf32, #tpu.memory_space<vmem>>) target(%dma_start3A_143 : memref<80x128xf32, #tpu.memory_space<vmem_shared>>) target_semaphore(%run_scoped3A : memref<!tpu.dma_semaphore, #tpu.memory_space<semaphore_mem>>)
      %dma_wait3A_144 = arith.constant 0 : i32
      %dma_wait3A_145 = tpu.memref_slice %arg9[%add3A_16, %dma_wait3A_144] : memref<10240x128xf32, #tpu.memory_space<vmem_shared>> -> memref<80x128xf32, #tpu.memory_space<vmem_shared>>
      %dma_wait3A_146 = arith.constant 0 : i32
      %dma_wait3A_147 = tpu.memref_slice %arg9[%add3A_16, %dma_wait3A_146] : memref<10240x128xf32, #tpu.memory_space<vmem_shared>> -> memref<80x128xf32, #tpu.memory_space<vmem_shared>>
      tpu.wait_dma2 semaphore(%run_scoped3A : memref<!tpu.dma_semaphore, #tpu.memory_space<semaphore_mem>>) src(%arg7 : memref<80x128xf32, #tpu.memory_space<vmem>>) dst(%dma_wait3A_147 : memref<80x128xf32, #tpu.memory_space<vmem_shared>>)
      tpu.yield
    }) : () -> ()
    %add3A_17 = arith.constant 480 : i32
    %add3A_18 = arith.addi %mul3A_2, %add3A_17 : i32
    "tpu.region"() ({
      %run_scoped3A = tpu.sem_alloc : memref<!tpu.dma_semaphore, #tpu.memory_space<semaphore_mem>>
      %dma_start3A_140 = arith.constant 0 : i32
      %dma_start3A_141 = tpu.memref_slice %arg9[%add3A_18, %dma_start3A_140] : memref<10240x128xf32, #tpu.memory_space<vmem_shared>> -> memref<80x128xf32, #tpu.memory_space<vmem_shared>>
      %dma_start3A_142 = arith.constant 0 : i32
      %dma_start3A_143 = tpu.memref_slice %arg9[%add3A_18, %dma_start3A_142] : memref<10240x128xf32, #tpu.memory_space<vmem_shared>> -> memref<80x128xf32, #tpu.memory_space<vmem_shared>>
      tpu.enqueue_dma source(%arg7 : memref<80x128xf32, #tpu.memory_space<vmem>>) target(%dma_start3A_143 : memref<80x128xf32, #tpu.memory_space<vmem_shared>>) target_semaphore(%run_scoped3A : memref<!tpu.dma_semaphore, #tpu.memory_space<semaphore_mem>>)
      %dma_wait3A_144 = arith.constant 0 : i32
      %dma_wait3A_145 = tpu.memref_slice %arg9[%add3A_18, %dma_wait3A_144] : memref<10240x128xf32, #tpu.memory_space<vmem_shared>> -> memref<80x128xf32, #tpu.memory_space<vmem_shared>>
      %dma_wait3A_146 = arith.constant 0 : i32
      %dma_wait3A_147 = tpu.memref_slice %arg9[%add3A_18, %dma_wait3A_146] : memref<10240x128xf32, #tpu.memory_space<vmem_shared>> -> memref<80x128xf32, #tpu.memory_space<vmem_shared>>
      tpu.wait_dma2 semaphore(%run_scoped3A : memref<!tpu.dma_semaphore, #tpu.memory_space<semaphore_mem>>) src(%arg7 : memref<80x128xf32, #tpu.memory_space<vmem>>) dst(%dma_wait3A_147 : memref<80x128xf32, #tpu.memory_space<vmem_shared>>)
      tpu.yield
    }) : () -> ()
    %add3A_19 = arith.constant 560 : i32
    %add3A_20 = arith.addi %mul3A_2, %add3A_19 : i32
    "tpu.region"() ({
      %run_scoped3A = tpu.sem_alloc : memref<!tpu.dma_semaphore, #tpu.memory_space<semaphore_mem>>
      %dma_start3A_140 = arith.constant 0 : i32
      %dma_start3A_141 = tpu.memref_slice %arg9[%add3A_20, %dma_start3A_140] : memref<10240x128xf32, #tpu.memory_space<vmem_shared>> -> memref<80x128xf32, #tpu.memory_space<vmem_shared>>
      %dma_start3A_142 = arith.constant 0 : i32
      %dma_start3A_143 = tpu.memref_slice %arg9[%add3A_20, %dma_start3A_142] : memref<10240x128xf32, #tpu.memory_space<vmem_shared>> -> memref<80x128xf32, #tpu.memory_space<vmem_shared>>
      tpu.enqueue_dma source(%arg7 : memref<80x128xf32, #tpu.memory_space<vmem>>) target(%dma_start3A_143 : memref<80x128xf32, #tpu.memory_space<vmem_shared>>) target_semaphore(%run_scoped3A : memref<!tpu.dma_semaphore, #tpu.memory_space<semaphore_mem>>)
      %dma_wait3A_144 = arith.constant 0 : i32
      %dma_wait3A_145 = tpu.memref_slice %arg9[%add3A_20, %dma_wait3A_144] : memref<10240x128xf32, #tpu.memory_space<vmem_shared>> -> memref<80x128xf32, #tpu.memory_space<vmem_shared>>
      %dma_wait3A_146 = arith.constant 0 : i32
      %dma_wait3A_147 = tpu.memref_slice %arg9[%add3A_20, %dma_wait3A_146] : memref<10240x128xf32, #tpu.memory_space<vmem_shared>> -> memref<80x128xf32, #tpu.memory_space<vmem_shared>>
      tpu.wait_dma2 semaphore(%run_scoped3A : memref<!tpu.dma_semaphore, #tpu.memory_space<semaphore_mem>>) src(%arg7 : memref<80x128xf32, #tpu.memory_space<vmem>>) dst(%dma_wait3A_147 : memref<80x128xf32, #tpu.memory_space<vmem_shared>>)
      tpu.yield
    }) : () -> ()
    "tpu.region"() ({
      %run_scoped3A = tpu.sem_alloc : memref<!tpu.dma_semaphore, #tpu.memory_space<semaphore_mem>>
      tpu.enqueue_dma source(%arg4 : memref<80x128xf32, #tpu.memory_space<hbm>>) target(%arg7 : memref<80x128xf32, #tpu.memory_space<vmem>>) target_semaphore(%run_scoped3A : memref<!tpu.dma_semaphore, #tpu.memory_space<semaphore_mem>>)
      tpu.wait_dma2 semaphore(%run_scoped3A : memref<!tpu.dma_semaphore, #tpu.memory_space<semaphore_mem>>) src(%arg4 : memref<80x128xf32, #tpu.memory_space<hbm>>) dst(%arg7 : memref<80x128xf32, #tpu.memory_space<vmem>>)
      tpu.yield
    }) : () -> ()
    %barrier3A = arith.constant 0 : index
    tpu.barrier barrier_id(%barrier3A)
    %scan3A = arith.constant 0 : i32
    %scan3A_21 = arith.constant 0 : i32
    %scan3A_22 = arith.constant 25 : i32
    %scan3A_23 = arith.addi %scan3A_21, %scan3A_22 : i32
    %scan3A_24 = arith.constant 1 : i32
    scf.for %scan3A_140 = %scan3A_21 to %scan3A_23 step %scan3A_24  : i32 {
      %mul3A_141 = arith.constant 5 : i32
      %mul3A_142 = arith.muli %mul3A_141, %scan3A_140 : i32
      %add3A_143 = arith.constant 0 : i32
      %add3A_144 = arith.addi %mul3A_142, %add3A_143 : i32
      %mul3A_145 = arith.constant 80 : i32
      %mul3A_146 = arith.muli %add3A_144, %mul3A_145 : i32
      %dma_start3A_147 = tpu.memref_slice %arg6[%mul3A_146] : memref<10000xi32, #tpu.memory_space<vmem>> -> memref<80xi32, #tpu.memory_space<vmem>>
      %dma_start3A_148 = arith.constant 0 : i32
      %dma_start3A_149 = arith.constant 0 : i32
      %dma_start3A_150 = tpu.memref_slice %arg9[%dma_start3A_148, %dma_start3A_149] : memref<10240x128xf32, #tpu.memory_space<vmem_shared>> -> memref<10240x128xf32, #tpu.memory_space<vmem_shared>>
      tpu.enqueue_indirect_dma source(%arg7 : memref<80x128xf32, #tpu.memory_space<vmem>>) target(%dma_start3A_150 : memref<10240x128xf32, #tpu.memory_space<vmem_shared>>) offsets(%dma_start3A_147 : memref<80xi32, #tpu.memory_space<vmem>>) semaphore(%arg10 : memref<!tpu.dma_semaphore, #tpu.memory_space<semaphore_mem>>) {add = true}
      %mul3A_151 = arith.constant 5 : i32
      %mul3A_152 = arith.muli %mul3A_151, %scan3A_140 : i32
      %add3A_153 = arith.constant 1 : i32
      %add3A_154 = arith.addi %mul3A_152, %add3A_153 : i32
      %mul3A_155 = arith.constant 80 : i32
      %mul3A_156 = arith.muli %add3A_154, %mul3A_155 : i32
      %dma_start3A_157 = tpu.memref_slice %arg6[%mul3A_156] : memref<10000xi32, #tpu.memory_space<vmem>> -> memref<80xi32, #tpu.memory_space<vmem>>
      %dma_start3A_158 = arith.constant 0 : i32
      %dma_start3A_159 = arith.constant 0 : i32
      %dma_start3A_160 = tpu.memref_slice %arg9[%dma_start3A_158, %dma_start3A_159] : memref<10240x128xf32, #tpu.memory_space<vmem_shared>> -> memref<10240x128xf32, #tpu.memory_space<vmem_shared>>
      tpu.enqueue_indirect_dma source(%arg7 : memref<80x128xf32, #tpu.memory_space<vmem>>) target(%dma_start3A_160 : memref<10240x128xf32, #tpu.memory_space<vmem_shared>>) offsets(%dma_start3A_157 : memref<80xi32, #tpu.memory_space<vmem>>) semaphore(%arg10 : memref<!tpu.dma_semaphore, #tpu.memory_space<semaphore_mem>>) {add = true}
      %mul3A_161 = arith.constant 5 : i32
      %mul3A_162 = arith.muli %mul3A_161, %scan3A_140 : i32
      %add3A_163 = arith.constant 2 : i32
      %add3A_164 = arith.addi %mul3A_162, %add3A_163 : i32
      %mul3A_165 = arith.constant 80 : i32
      %mul3A_166 = arith.muli %add3A_164, %mul3A_165 : i32
      %dma_start3A_167 = tpu.memref_slice %arg6[%mul3A_166] : memref<10000xi32, #tpu.memory_space<vmem>> -> memref<80xi32, #tpu.memory_space<vmem>>
      %dma_start3A_168 = arith.constant 0 : i32
      %dma_start3A_169 = arith.constant 0 : i32
      %dma_start3A_170 = tpu.memref_slice %arg9[%dma_start3A_168, %dma_start3A_169] : memref<10240x128xf32, #tpu.memory_space<vmem_shared>> -> memref<10240x128xf32, #tpu.memory_space<vmem_shared>>
      tpu.enqueue_indirect_dma source(%arg7 : memref<80x128xf32, #tpu.memory_space<vmem>>) target(%dma_start3A_170 : memref<10240x128xf32, #tpu.memory_space<vmem_shared>>) offsets(%dma_start3A_167 : memref<80xi32, #tpu.memory_space<vmem>>) semaphore(%arg10 : memref<!tpu.dma_semaphore, #tpu.memory_space<semaphore_mem>>) {add = true}
      %mul3A_171 = arith.constant 5 : i32
      %mul3A_172 = arith.muli %mul3A_171, %scan3A_140 : i32
      %add3A_173 = arith.constant 3 : i32
      %add3A_174 = arith.addi %mul3A_172, %add3A_173 : i32
      %mul3A_175 = arith.constant 80 : i32
      %mul3A_176 = arith.muli %add3A_174, %mul3A_175 : i32
      %dma_start3A_177 = tpu.memref_slice %arg6[%mul3A_176] : memref<10000xi32, #tpu.memory_space<vmem>> -> memref<80xi32, #tpu.memory_space<vmem>>
      %dma_start3A_178 = arith.constant 0 : i32
      %dma_start3A_179 = arith.constant 0 : i32
      %dma_start3A_180 = tpu.memref_slice %arg9[%dma_start3A_178, %dma_start3A_179] : memref<10240x128xf32, #tpu.memory_space<vmem_shared>> -> memref<10240x128xf32, #tpu.memory_space<vmem_shared>>
      tpu.enqueue_indirect_dma source(%arg7 : memref<80x128xf32, #tpu.memory_space<vmem>>) target(%dma_start3A_180 : memref<10240x128xf32, #tpu.memory_space<vmem_shared>>) offsets(%dma_start3A_177 : memref<80xi32, #tpu.memory_space<vmem>>) semaphore(%arg10 : memref<!tpu.dma_semaphore, #tpu.memory_space<semaphore_mem>>) {add = true}
      %mul3A_181 = arith.constant 5 : i32
      %mul3A_182 = arith.muli %mul3A_181, %scan3A_140 : i32
      %add3A_183 = arith.constant 4 : i32
      %add3A_184 = arith.addi %mul3A_182, %add3A_183 : i32
      %mul3A_185 = arith.constant 80 : i32
      %mul3A_186 = arith.muli %add3A_184, %mul3A_185 : i32
      %dma_start3A_187 = tpu.memref_slice %arg6[%mul3A_186] : memref<10000xi32, #tpu.memory_space<vmem>> -> memref<80xi32, #tpu.memory_space<vmem>>
      %dma_start3A_188 = arith.constant 0 : i32
      %dma_start3A_189 = arith.constant 0 : i32
      %dma_start3A_190 = tpu.memref_slice %arg9[%dma_start3A_188, %dma_start3A_189] : memref<10240x128xf32, #tpu.memory_space<vmem_shared>> -> memref<10240x128xf32, #tpu.memory_space<vmem_shared>>
      tpu.enqueue_indirect_dma source(%arg7 : memref<80x128xf32, #tpu.memory_space<vmem>>) target(%dma_start3A_190 : memref<10240x128xf32, #tpu.memory_space<vmem_shared>>) offsets(%dma_start3A_187 : memref<80xi32, #tpu.memory_space<vmem>>) semaphore(%arg10 : memref<!tpu.dma_semaphore, #tpu.memory_space<semaphore_mem>>) {add = true}
      %mul3A_191 = arith.constant 5 : i32
      %mul3A_192 = arith.muli %mul3A_191, %scan3A_140 : i32
      %add3A_193 = arith.constant 0 : i32
      %add3A_194 = arith.addi %mul3A_192, %add3A_193 : i32
      %mul3A_195 = arith.constant 80 : i32
      %mul3A_196 = arith.muli %add3A_194, %mul3A_195 : i32
      %dma_wait3A_197 = tpu.memref_slice %arg6[%mul3A_196] : memref<10000xi32, #tpu.memory_space<vmem>> -> memref<80xi32, #tpu.memory_space<vmem>>
      %dma_wait3A_198 = arith.constant 0 : i32
      %dma_wait3A_199 = arith.constant 0 : i32
      %dma_wait3A_200 = tpu.memref_slice %arg9[%dma_wait3A_198, %dma_wait3A_199] : memref<10240x128xf32, #tpu.memory_space<vmem_shared>> -> memref<10240x128xf32, #tpu.memory_space<vmem_shared>>
      tpu.wait_indirect_dma semaphore(%arg10 : memref<!tpu.dma_semaphore, #tpu.memory_space<semaphore_mem>>) src(%arg7 : memref<80x128xf32, #tpu.memory_space<vmem>>) dst(%dma_wait3A_200 : memref<10240x128xf32, #tpu.memory_space<vmem_shared>>)
      %mul3A_201 = arith.constant 5 : i32
      %mul3A_202 = arith.muli %mul3A_201, %scan3A_140 : i32
      %add3A_203 = arith.constant 1 : i32
      %add3A_204 = arith.addi %mul3A_202, %add3A_203 : i32
      %mul3A_205 = arith.constant 80 : i32
      %mul3A_206 = arith.muli %add3A_204, %mul3A_205 : i32
      %dma_wait3A_207 = tpu.memref_slice %arg6[%mul3A_206] : memref<10000xi32, #tpu.memory_space<vmem>> -> memref<80xi32, #tpu.memory_space<vmem>>
      %dma_wait3A_208 = arith.constant 0 : i32
      %dma_wait3A_209 = arith.constant 0 : i32
      %dma_wait3A_210 = tpu.memref_slice %arg9[%dma_wait3A_208, %dma_wait3A_209] : memref<10240x128xf32, #tpu.memory_space<vmem_shared>> -> memref<10240x128xf32, #tpu.memory_space<vmem_shared>>
      tpu.wait_indirect_dma semaphore(%arg10 : memref<!tpu.dma_semaphore, #tpu.memory_space<semaphore_mem>>) src(%arg7 : memref<80x128xf32, #tpu.memory_space<vmem>>) dst(%dma_wait3A_210 : memref<10240x128xf32, #tpu.memory_space<vmem_shared>>)
      %mul3A_211 = arith.constant 5 : i32
      %mul3A_212 = arith.muli %mul3A_211, %scan3A_140 : i32
      %add3A_213 = arith.constant 2 : i32
      %add3A_214 = arith.addi %mul3A_212, %add3A_213 : i32
      %mul3A_215 = arith.constant 80 : i32
      %mul3A_216 = arith.muli %add3A_214, %mul3A_215 : i32
      %dma_wait3A_217 = tpu.memref_slice %arg6[%mul3A_216] : memref<10000xi32, #tpu.memory_space<vmem>> -> memref<80xi32, #tpu.memory_space<vmem>>
      %dma_wait3A_218 = arith.constant 0 : i32
      %dma_wait3A_219 = arith.constant 0 : i32
      %dma_wait3A_220 = tpu.memref_slice %arg9[%dma_wait3A_218, %dma_wait3A_219] : memref<10240x128xf32, #tpu.memory_space<vmem_shared>> -> memref<10240x128xf32, #tpu.memory_space<vmem_shared>>
      tpu.wait_indirect_dma semaphore(%arg10 : memref<!tpu.dma_semaphore, #tpu.memory_space<semaphore_mem>>) src(%arg7 : memref<80x128xf32, #tpu.memory_space<vmem>>) dst(%dma_wait3A_220 : memref<10240x128xf32, #tpu.memory_space<vmem_shared>>)
      %mul3A_221 = arith.constant 5 : i32
      %mul3A_222 = arith.muli %mul3A_221, %scan3A_140 : i32
      %add3A_223 = arith.constant 3 : i32
      %add3A_224 = arith.addi %mul3A_222, %add3A_223 : i32
      %mul3A_225 = arith.constant 80 : i32
      %mul3A_226 = arith.muli %add3A_224, %mul3A_225 : i32
      %dma_wait3A_227 = tpu.memref_slice %arg6[%mul3A_226] : memref<10000xi32, #tpu.memory_space<vmem>> -> memref<80xi32, #tpu.memory_space<vmem>>
      %dma_wait3A_228 = arith.constant 0 : i32
      %dma_wait3A_229 = arith.constant 0 : i32
      %dma_wait3A_230 = tpu.memref_slice %arg9[%dma_wait3A_228, %dma_wait3A_229] : memref<10240x128xf32, #tpu.memory_space<vmem_shared>> -> memref<10240x128xf32, #tpu.memory_space<vmem_shared>>
      tpu.wait_indirect_dma semaphore(%arg10 : memref<!tpu.dma_semaphore, #tpu.memory_space<semaphore_mem>>) src(%arg7 : memref<80x128xf32, #tpu.memory_space<vmem>>) dst(%dma_wait3A_230 : memref<10240x128xf32, #tpu.memory_space<vmem_shared>>)
      %mul3A_231 = arith.constant 5 : i32
      %mul3A_232 = arith.muli %mul3A_231, %scan3A_140 : i32
      %add3A_233 = arith.constant 4 : i32
      %add3A_234 = arith.addi %mul3A_232, %add3A_233 : i32
      %mul3A_235 = arith.constant 80 : i32
      %mul3A_236 = arith.muli %add3A_234, %mul3A_235 : i32
      %dma_wait3A_237 = tpu.memref_slice %arg6[%mul3A_236] : memref<10000xi32, #tpu.memory_space<vmem>> -> memref<80xi32, #tpu.memory_space<vmem>>
      %dma_wait3A_238 = arith.constant 0 : i32
      %dma_wait3A_239 = arith.constant 0 : i32
      %dma_wait3A_240 = tpu.memref_slice %arg9[%dma_wait3A_238, %dma_wait3A_239] : memref<10240x128xf32, #tpu.memory_space<vmem_shared>> -> memref<10240x128xf32, #tpu.memory_space<vmem_shared>>
      tpu.wait_indirect_dma semaphore(%arg10 : memref<!tpu.dma_semaphore, #tpu.memory_space<semaphore_mem>>) src(%arg7 : memref<80x128xf32, #tpu.memory_space<vmem>>) dst(%dma_wait3A_240 : memref<10240x128xf32, #tpu.memory_space<vmem_shared>>)
    }
    %scan3A_25 = arith.constant 25 : i32
    %barrier3A_26 = arith.constant 0 : index
    tpu.barrier barrier_id(%barrier3A_26)
    %mul3A_27 = arith.constant 10240 : i32
    %mul3A_28 = arith.muli %arg0, %mul3A_27 : i32
    %add3A_29 = arith.addi %mul3A_28, %mul3A_2 : i32
    %add3A_30 = arith.constant 0 : i32
    %add3A_31 = arith.addi %mul3A_2, %add3A_30 : i32
    "tpu.region"() ({
      %run_scoped3A = tpu.sem_alloc : memref<!tpu.dma_semaphore, #tpu.memory_space<semaphore_mem>>
      %dma_start3A_140 = arith.constant 0 : i32
      %dma_start3A_141 = tpu.memref_slice %arg9[%add3A_31, %dma_start3A_140] : memref<10240x128xf32, #tpu.memory_space<vmem_shared>> -> memref<80x128xf32, #tpu.memory_space<vmem_shared>>
      %dma_start3A_142 = arith.constant 0 : i32
      %dma_start3A_143 = tpu.memref_slice %arg9[%add3A_31, %dma_start3A_142] : memref<10240x128xf32, #tpu.memory_space<vmem_shared>> -> memref<80x128xf32, #tpu.memory_space<vmem_shared>>
      tpu.enqueue_dma source(%dma_start3A_143 : memref<80x128xf32, #tpu.memory_space<vmem_shared>>) target(%arg7 : memref<80x128xf32, #tpu.memory_space<vmem>>) target_semaphore(%run_scoped3A : memref<!tpu.dma_semaphore, #tpu.memory_space<semaphore_mem>>)
      %dma_wait3A_144 = arith.constant 0 : i32
      %dma_wait3A_145 = tpu.memref_slice %arg9[%add3A_31, %dma_wait3A_144] : memref<10240x128xf32, #tpu.memory_space<vmem_shared>> -> memref<80x128xf32, #tpu.memory_space<vmem_shared>>
      %dma_wait3A_146 = arith.constant 0 : i32
      %dma_wait3A_147 = tpu.memref_slice %arg9[%add3A_31, %dma_wait3A_146] : memref<10240x128xf32, #tpu.memory_space<vmem_shared>> -> memref<80x128xf32, #tpu.memory_space<vmem_shared>>
      tpu.wait_dma2 semaphore(%run_scoped3A : memref<!tpu.dma_semaphore, #tpu.memory_space<semaphore_mem>>) src(%dma_wait3A_147 : memref<80x128xf32, #tpu.memory_space<vmem_shared>>) dst(%arg7 : memref<80x128xf32, #tpu.memory_space<vmem>>)
      tpu.yield
    }) : () -> ()
    %add3A_32 = arith.constant 0 : i32
    %add3A_33 = arith.addi %add3A_29, %add3A_32 : i32
    %dma_start3A = arith.constant 0 : i32
    %dma_start3A_34 = tpu.memref_slice %arg5[%add3A_33, %dma_start3A] : memref<20480x128xf32, #tpu.memory_space<hbm>> -> memref<80x128xf32, #tpu.memory_space<hbm>>
    %dma_start3A_35 = arith.constant 0 : i32
    %dma_start3A_36 = tpu.memref_slice %arg5[%add3A_33, %dma_start3A_35] : memref<20480x128xf32, #tpu.memory_space<hbm>> -> memref<80x128xf32, #tpu.memory_space<hbm>>
    tpu.enqueue_dma source(%arg7 : memref<80x128xf32, #tpu.memory_space<vmem>>) target(%dma_start3A_36 : memref<80x128xf32, #tpu.memory_space<hbm>>) target_semaphore(%arg10 : memref<!tpu.dma_semaphore, #tpu.memory_space<semaphore_mem>>)
    %add3A_37 = arith.constant 80 : i32
    %add3A_38 = arith.addi %mul3A_2, %add3A_37 : i32
    "tpu.region"() ({
      %run_scoped3A = tpu.sem_alloc : memref<!tpu.dma_semaphore, #tpu.memory_space<semaphore_mem>>
      %dma_start3A_140 = arith.constant 0 : i32
      %dma_start3A_141 = tpu.memref_slice %arg9[%add3A_38, %dma_start3A_140] : memref<10240x128xf32, #tpu.memory_space<vmem_shared>> -> memref<80x128xf32, #tpu.memory_space<vmem_shared>>
      %dma_start3A_142 = arith.constant 0 : i32
      %dma_start3A_143 = tpu.memref_slice %arg9[%add3A_38, %dma_start3A_142] : memref<10240x128xf32, #tpu.memory_space<vmem_shared>> -> memref<80x128xf32, #tpu.memory_space<vmem_shared>>
      tpu.enqueue_dma source(%dma_start3A_143 : memref<80x128xf32, #tpu.memory_space<vmem_shared>>) target(%arg8 : memref<80x128xf32, #tpu.memory_space<vmem>>) target_semaphore(%run_scoped3A : memref<!tpu.dma_semaphore, #tpu.memory_space<semaphore_mem>>)
      %dma_wait3A_144 = arith.constant 0 : i32
      %dma_wait3A_145 = tpu.memref_slice %arg9[%add3A_38, %dma_wait3A_144] : memref<10240x128xf32, #tpu.memory_space<vmem_shared>> -> memref<80x128xf32, #tpu.memory_space<vmem_shared>>
      %dma_wait3A_146 = arith.constant 0 : i32
      %dma_wait3A_147 = tpu.memref_slice %arg9[%add3A_38, %dma_wait3A_146] : memref<10240x128xf32, #tpu.memory_space<vmem_shared>> -> memref<80x128xf32, #tpu.memory_space<vmem_shared>>
      tpu.wait_dma2 semaphore(%run_scoped3A : memref<!tpu.dma_semaphore, #tpu.memory_space<semaphore_mem>>) src(%dma_wait3A_147 : memref<80x128xf32, #tpu.memory_space<vmem_shared>>) dst(%arg8 : memref<80x128xf32, #tpu.memory_space<vmem>>)
      tpu.yield
    }) : () -> ()
    %add3A_39 = arith.constant 80 : i32
    %add3A_40 = arith.addi %add3A_29, %add3A_39 : i32
    %dma_start3A_41 = arith.constant 0 : i32
    %dma_start3A_42 = tpu.memref_slice %arg5[%add3A_40, %dma_start3A_41] : memref<20480x128xf32, #tpu.memory_space<hbm>> -> memref<80x128xf32, #tpu.memory_space<hbm>>
    %dma_start3A_43 = arith.constant 0 : i32
    %dma_start3A_44 = tpu.memref_slice %arg5[%add3A_40, %dma_start3A_43] : memref<20480x128xf32, #tpu.memory_space<hbm>> -> memref<80x128xf32, #tpu.memory_space<hbm>>
    tpu.enqueue_dma source(%arg8 : memref<80x128xf32, #tpu.memory_space<vmem>>) target(%dma_start3A_44 : memref<80x128xf32, #tpu.memory_space<hbm>>) target_semaphore(%arg11 : memref<!tpu.dma_semaphore, #tpu.memory_space<semaphore_mem>>)
    %add3A_45 = arith.constant 0 : i32
    %add3A_46 = arith.addi %add3A_29, %add3A_45 : i32
    %dma_wait3A = arith.constant 0 : i32
    %dma_wait3A_47 = tpu.memref_slice %arg5[%add3A_46, %dma_wait3A] : memref<20480x128xf32, #tpu.memory_space<hbm>> -> memref<80x128xf32, #tpu.memory_space<hbm>>
    %dma_wait3A_48 = arith.constant 0 : i32
    %dma_wait3A_49 = tpu.memref_slice %arg5[%add3A_46, %dma_wait3A_48] : memref<20480x128xf32, #tpu.memory_space<hbm>> -> memref<80x128xf32, #tpu.memory_space<hbm>>
    tpu.wait_dma2 semaphore(%arg10 : memref<!tpu.dma_semaphore, #tpu.memory_space<semaphore_mem>>) src(%arg7 : memref<80x128xf32, #tpu.memory_space<vmem>>) dst(%dma_wait3A_49 : memref<80x128xf32, #tpu.memory_space<hbm>>)
    %add3A_50 = arith.constant 160 : i32
    %add3A_51 = arith.addi %mul3A_2, %add3A_50 : i32
    "tpu.region"() ({
      %run_scoped3A = tpu.sem_alloc : memref<!tpu.dma_semaphore, #tpu.memory_space<semaphore_mem>>
      %dma_start3A_140 = arith.constant 0 : i32
      %dma_start3A_141 = tpu.memref_slice %arg9[%add3A_51, %dma_start3A_140] : memref<10240x128xf32, #tpu.memory_space<vmem_shared>> -> memref<80x128xf32, #tpu.memory_space<vmem_shared>>
      %dma_start3A_142 = arith.constant 0 : i32
      %dma_start3A_143 = tpu.memref_slice %arg9[%add3A_51, %dma_start3A_142] : memref<10240x128xf32, #tpu.memory_space<vmem_shared>> -> memref<80x128xf32, #tpu.memory_space<vmem_shared>>
      tpu.enqueue_dma source(%dma_start3A_143 : memref<80x128xf32, #tpu.memory_space<vmem_shared>>) target(%arg7 : memref<80x128xf32, #tpu.memory_space<vmem>>) target_semaphore(%run_scoped3A : memref<!tpu.dma_semaphore, #tpu.memory_space<semaphore_mem>>)
      %dma_wait3A_144 = arith.constant 0 : i32
      %dma_wait3A_145 = tpu.memref_slice %arg9[%add3A_51, %dma_wait3A_144] : memref<10240x128xf32, #tpu.memory_space<vmem_shared>> -> memref<80x128xf32, #tpu.memory_space<vmem_shared>>
      %dma_wait3A_146 = arith.constant 0 : i32
      %dma_wait3A_147 = tpu.memref_slice %arg9[%add3A_51, %dma_wait3A_146] : memref<10240x128xf32, #tpu.memory_space<vmem_shared>> -> memref<80x128xf32, #tpu.memory_space<vmem_shared>>
      tpu.wait_dma2 semaphore(%run_scoped3A : memref<!tpu.dma_semaphore, #tpu.memory_space<semaphore_mem>>) src(%dma_wait3A_147 : memref<80x128xf32, #tpu.memory_space<vmem_shared>>) dst(%arg7 : memref<80x128xf32, #tpu.memory_space<vmem>>)
      tpu.yield
    }) : () -> ()
    %add3A_52 = arith.constant 160 : i32
    %add3A_53 = arith.addi %add3A_29, %add3A_52 : i32
    %dma_start3A_54 = arith.constant 0 : i32
    %dma_start3A_55 = tpu.memref_slice %arg5[%add3A_53, %dma_start3A_54] : memref<20480x128xf32, #tpu.memory_space<hbm>> -> memref<80x128xf32, #tpu.memory_space<hbm>>
    %dma_start3A_56 = arith.constant 0 : i32
    %dma_start3A_57 = tpu.memref_slice %arg5[%add3A_53, %dma_start3A_56] : memref<20480x128xf32, #tpu.memory_space<hbm>> -> memref<80x128xf32, #tpu.memory_space<hbm>>
    tpu.enqueue_dma source(%arg7 : memref<80x128xf32, #tpu.memory_space<vmem>>) target(%dma_start3A_57 : memref<80x128xf32, #tpu.memory_space<hbm>>) target_semaphore(%arg10 : memref<!tpu.dma_semaphore, #tpu.memory_space<semaphore_mem>>)
    %add3A_58 = arith.constant 80 : i32
    %add3A_59 = arith.addi %add3A_29, %add3A_58 : i32
    %dma_wait3A_60 = arith.constant 0 : i32
    %dma_wait3A_61 = tpu.memref_slice %arg5[%add3A_59, %dma_wait3A_60] : memref<20480x128xf32, #tpu.memory_space<hbm>> -> memref<80x128xf32, #tpu.memory_space<hbm>>
    %dma_wait3A_62 = arith.constant 0 : i32
    %dma_wait3A_63 = tpu.memref_slice %arg5[%add3A_59, %dma_wait3A_62] : memref<20480x128xf32, #tpu.memory_space<hbm>> -> memref<80x128xf32, #tpu.memory_space<hbm>>
    tpu.wait_dma2 semaphore(%arg11 : memref<!tpu.dma_semaphore, #tpu.memory_space<semaphore_mem>>) src(%arg8 : memref<80x128xf32, #tpu.memory_space<vmem>>) dst(%dma_wait3A_63 : memref<80x128xf32, #tpu.memory_space<hbm>>)
    %add3A_64 = arith.constant 240 : i32
    %add3A_65 = arith.addi %mul3A_2, %add3A_64 : i32
    "tpu.region"() ({
      %run_scoped3A = tpu.sem_alloc : memref<!tpu.dma_semaphore, #tpu.memory_space<semaphore_mem>>
      %dma_start3A_140 = arith.constant 0 : i32
      %dma_start3A_141 = tpu.memref_slice %arg9[%add3A_65, %dma_start3A_140] : memref<10240x128xf32, #tpu.memory_space<vmem_shared>> -> memref<80x128xf32, #tpu.memory_space<vmem_shared>>
      %dma_start3A_142 = arith.constant 0 : i32
      %dma_start3A_143 = tpu.memref_slice %arg9[%add3A_65, %dma_start3A_142] : memref<10240x128xf32, #tpu.memory_space<vmem_shared>> -> memref<80x128xf32, #tpu.memory_space<vmem_shared>>
      tpu.enqueue_dma source(%dma_start3A_143 : memref<80x128xf32, #tpu.memory_space<vmem_shared>>) target(%arg8 : memref<80x128xf32, #tpu.memory_space<vmem>>) target_semaphore(%run_scoped3A : memref<!tpu.dma_semaphore, #tpu.memory_space<semaphore_mem>>)
      %dma_wait3A_144 = arith.constant 0 : i32
      %dma_wait3A_145 = tpu.memref_slice %arg9[%add3A_65, %dma_wait3A_144] : memref<10240x128xf32, #tpu.memory_space<vmem_shared>> -> memref<80x128xf32, #tpu.memory_space<vmem_shared>>
      %dma_wait3A_146 = arith.constant 0 : i32
      %dma_wait3A_147 = tpu.memref_slice %arg9[%add3A_65, %dma_wait3A_146] : memref<10240x128xf32, #tpu.memory_space<vmem_shared>> -> memref<80x128xf32, #tpu.memory_space<vmem_shared>>
      tpu.wait_dma2 semaphore(%run_scoped3A : memref<!tpu.dma_semaphore, #tpu.memory_space<semaphore_mem>>) src(%dma_wait3A_147 : memref<80x128xf32, #tpu.memory_space<vmem_shared>>) dst(%arg8 : memref<80x128xf32, #tpu.memory_space<vmem>>)
      tpu.yield
    }) : () -> ()
    %add3A_66 = arith.constant 240 : i32
    %add3A_67 = arith.addi %add3A_29, %add3A_66 : i32
    %dma_start3A_68 = arith.constant 0 : i32
    %dma_start3A_69 = tpu.memref_slice %arg5[%add3A_67, %dma_start3A_68] : memref<20480x128xf32, #tpu.memory_space<hbm>> -> memref<80x128xf32, #tpu.memory_space<hbm>>
    %dma_start3A_70 = arith.constant 0 : i32
    %dma_start3A_71 = tpu.memref_slice %arg5[%add3A_67, %dma_start3A_70] : memref<20480x128xf32, #tpu.memory_space<hbm>> -> memref<80x128xf32, #tpu.memory_space<hbm>>
    tpu.enqueue_dma source(%arg8 : memref<80x128xf32, #tpu.memory_space<vmem>>) target(%dma_start3A_71 : memref<80x128xf32, #tpu.memory_space<hbm>>) target_semaphore(%arg11 : memref<!tpu.dma_semaphore, #tpu.memory_space<semaphore_mem>>)
    %add3A_72 = arith.constant 160 : i32
    %add3A_73 = arith.addi %add3A_29, %add3A_72 : i32
    %dma_wait3A_74 = arith.constant 0 : i32
    %dma_wait3A_75 = tpu.memref_slice %arg5[%add3A_73, %dma_wait3A_74] : memref<20480x128xf32, #tpu.memory_space<hbm>> -> memref<80x128xf32, #tpu.memory_space<hbm>>
    %dma_wait3A_76 = arith.constant 0 : i32
    %dma_wait3A_77 = tpu.memref_slice %arg5[%add3A_73, %dma_wait3A_76] : memref<20480x128xf32, #tpu.memory_space<hbm>> -> memref<80x128xf32, #tpu.memory_space<hbm>>
    tpu.wait_dma2 semaphore(%arg10 : memref<!tpu.dma_semaphore, #tpu.memory_space<semaphore_mem>>) src(%arg7 : memref<80x128xf32, #tpu.memory_space<vmem>>) dst(%dma_wait3A_77 : memref<80x128xf32, #tpu.memory_space<hbm>>)
    %add3A_78 = arith.constant 320 : i32
    %add3A_79 = arith.addi %mul3A_2, %add3A_78 : i32
    "tpu.region"() ({
      %run_scoped3A = tpu.sem_alloc : memref<!tpu.dma_semaphore, #tpu.memory_space<semaphore_mem>>
      %dma_start3A_140 = arith.constant 0 : i32
      %dma_start3A_141 = tpu.memref_slice %arg9[%add3A_79, %dma_start3A_140] : memref<10240x128xf32, #tpu.memory_space<vmem_shared>> -> memref<80x128xf32, #tpu.memory_space<vmem_shared>>
      %dma_start3A_142 = arith.constant 0 : i32
      %dma_start3A_143 = tpu.memref_slice %arg9[%add3A_79, %dma_start3A_142] : memref<10240x128xf32, #tpu.memory_space<vmem_shared>> -> memref<80x128xf32, #tpu.memory_space<vmem_shared>>
      tpu.enqueue_dma source(%dma_start3A_143 : memref<80x128xf32, #tpu.memory_space<vmem_shared>>) target(%arg7 : memref<80x128xf32, #tpu.memory_space<vmem>>) target_semaphore(%run_scoped3A : memref<!tpu.dma_semaphore, #tpu.memory_space<semaphore_mem>>)
      %dma_wait3A_144 = arith.constant 0 : i32
      %dma_wait3A_145 = tpu.memref_slice %arg9[%add3A_79, %dma_wait3A_144] : memref<10240x128xf32, #tpu.memory_space<vmem_shared>> -> memref<80x128xf32, #tpu.memory_space<vmem_shared>>
      %dma_wait3A_146 = arith.constant 0 : i32
      %dma_wait3A_147 = tpu.memref_slice %arg9[%add3A_79, %dma_wait3A_146] : memref<10240x128xf32, #tpu.memory_space<vmem_shared>> -> memref<80x128xf32, #tpu.memory_space<vmem_shared>>
      tpu.wait_dma2 semaphore(%run_scoped3A : memref<!tpu.dma_semaphore, #tpu.memory_space<semaphore_mem>>) src(%dma_wait3A_147 : memref<80x128xf32, #tpu.memory_space<vmem_shared>>) dst(%arg7 : memref<80x128xf32, #tpu.memory_space<vmem>>)
      tpu.yield
    }) : () -> ()
    %add3A_80 = arith.constant 320 : i32
    %add3A_81 = arith.addi %add3A_29, %add3A_80 : i32
    %dma_start3A_82 = arith.constant 0 : i32
    %dma_start3A_83 = tpu.memref_slice %arg5[%add3A_81, %dma_start3A_82] : memref<20480x128xf32, #tpu.memory_space<hbm>> -> memref<80x128xf32, #tpu.memory_space<hbm>>
    %dma_start3A_84 = arith.constant 0 : i32
    %dma_start3A_85 = tpu.memref_slice %arg5[%add3A_81, %dma_start3A_84] : memref<20480x128xf32, #tpu.memory_space<hbm>> -> memref<80x128xf32, #tpu.memory_space<hbm>>
    tpu.enqueue_dma source(%arg7 : memref<80x128xf32, #tpu.memory_space<vmem>>) target(%dma_start3A_85 : memref<80x128xf32, #tpu.memory_space<hbm>>) target_semaphore(%arg10 : memref<!tpu.dma_semaphore, #tpu.memory_space<semaphore_mem>>)
    %add3A_86 = arith.constant 240 : i32
    %add3A_87 = arith.addi %add3A_29, %add3A_86 : i32
    %dma_wait3A_88 = arith.constant 0 : i32
    %dma_wait3A_89 = tpu.memref_slice %arg5[%add3A_87, %dma_wait3A_88] : memref<20480x128xf32, #tpu.memory_space<hbm>> -> memref<80x128xf32, #tpu.memory_space<hbm>>
    %dma_wait3A_90 = arith.constant 0 : i32
    %dma_wait3A_91 = tpu.memref_slice %arg5[%add3A_87, %dma_wait3A_90] : memref<20480x128xf32, #tpu.memory_space<hbm>> -> memref<80x128xf32, #tpu.memory_space<hbm>>
    tpu.wait_dma2 semaphore(%arg11 : memref<!tpu.dma_semaphore, #tpu.memory_space<semaphore_mem>>) src(%arg8 : memref<80x128xf32, #tpu.memory_space<vmem>>) dst(%dma_wait3A_91 : memref<80x128xf32, #tpu.memory_space<hbm>>)
    %add3A_92 = arith.constant 400 : i32
    %add3A_93 = arith.addi %mul3A_2, %add3A_92 : i32
    "tpu.region"() ({
      %run_scoped3A = tpu.sem_alloc : memref<!tpu.dma_semaphore, #tpu.memory_space<semaphore_mem>>
      %dma_start3A_140 = arith.constant 0 : i32
      %dma_start3A_141 = tpu.memref_slice %arg9[%add3A_93, %dma_start3A_140] : memref<10240x128xf32, #tpu.memory_space<vmem_shared>> -> memref<80x128xf32, #tpu.memory_space<vmem_shared>>
      %dma_start3A_142 = arith.constant 0 : i32
      %dma_start3A_143 = tpu.memref_slice %arg9[%add3A_93, %dma_start3A_142] : memref<10240x128xf32, #tpu.memory_space<vmem_shared>> -> memref<80x128xf32, #tpu.memory_space<vmem_shared>>
      tpu.enqueue_dma source(%dma_start3A_143 : memref<80x128xf32, #tpu.memory_space<vmem_shared>>) target(%arg8 : memref<80x128xf32, #tpu.memory_space<vmem>>) target_semaphore(%run_scoped3A : memref<!tpu.dma_semaphore, #tpu.memory_space<semaphore_mem>>)
      %dma_wait3A_144 = arith.constant 0 : i32
      %dma_wait3A_145 = tpu.memref_slice %arg9[%add3A_93, %dma_wait3A_144] : memref<10240x128xf32, #tpu.memory_space<vmem_shared>> -> memref<80x128xf32, #tpu.memory_space<vmem_shared>>
      %dma_wait3A_146 = arith.constant 0 : i32
      %dma_wait3A_147 = tpu.memref_slice %arg9[%add3A_93, %dma_wait3A_146] : memref<10240x128xf32, #tpu.memory_space<vmem_shared>> -> memref<80x128xf32, #tpu.memory_space<vmem_shared>>
      tpu.wait_dma2 semaphore(%run_scoped3A : memref<!tpu.dma_semaphore, #tpu.memory_space<semaphore_mem>>) src(%dma_wait3A_147 : memref<80x128xf32, #tpu.memory_space<vmem_shared>>) dst(%arg8 : memref<80x128xf32, #tpu.memory_space<vmem>>)
      tpu.yield
    }) : () -> ()
    %add3A_94 = arith.constant 400 : i32
    %add3A_95 = arith.addi %add3A_29, %add3A_94 : i32
    %dma_start3A_96 = arith.constant 0 : i32
    %dma_start3A_97 = tpu.memref_slice %arg5[%add3A_95, %dma_start3A_96] : memref<20480x128xf32, #tpu.memory_space<hbm>> -> memref<80x128xf32, #tpu.memory_space<hbm>>
    %dma_start3A_98 = arith.constant 0 : i32
    %dma_start3A_99 = tpu.memref_slice %arg5[%add3A_95, %dma_start3A_98] : memref<20480x128xf32, #tpu.memory_space<hbm>> -> memref<80x128xf32, #tpu.memory_space<hbm>>
    tpu.enqueue_dma source(%arg8 : memref<80x128xf32, #tpu.memory_space<vmem>>) target(%dma_start3A_99 : memref<80x128xf32, #tpu.memory_space<hbm>>) target_semaphore(%arg11 : memref<!tpu.dma_semaphore, #tpu.memory_space<semaphore_mem>>)
    %add3A_100 = arith.constant 320 : i32
    %add3A_101 = arith.addi %add3A_29, %add3A_100 : i32
    %dma_wait3A_102 = arith.constant 0 : i32
    %dma_wait3A_103 = tpu.memref_slice %arg5[%add3A_101, %dma_wait3A_102] : memref<20480x128xf32, #tpu.memory_space<hbm>> -> memref<80x128xf32, #tpu.memory_space<hbm>>
    %dma_wait3A_104 = arith.constant 0 : i32
    %dma_wait3A_105 = tpu.memref_slice %arg5[%add3A_101, %dma_wait3A_104] : memref<20480x128xf32, #tpu.memory_space<hbm>> -> memref<80x128xf32, #tpu.memory_space<hbm>>
    tpu.wait_dma2 semaphore(%arg10 : memref<!tpu.dma_semaphore, #tpu.memory_space<semaphore_mem>>) src(%arg7 : memref<80x128xf32, #tpu.memory_space<vmem>>) dst(%dma_wait3A_105 : memref<80x128xf32, #tpu.memory_space<hbm>>)
    %add3A_106 = arith.constant 480 : i32
    %add3A_107 = arith.addi %mul3A_2, %add3A_106 : i32
    "tpu.region"() ({
      %run_scoped3A = tpu.sem_alloc : memref<!tpu.dma_semaphore, #tpu.memory_space<semaphore_mem>>
      %dma_start3A_140 = arith.constant 0 : i32
      %dma_start3A_141 = tpu.memref_slice %arg9[%add3A_107, %dma_start3A_140] : memref<10240x128xf32, #tpu.memory_space<vmem_shared>> -> memref<80x128xf32, #tpu.memory_space<vmem_shared>>
      %dma_start3A_142 = arith.constant 0 : i32
      %dma_start3A_143 = tpu.memref_slice %arg9[%add3A_107, %dma_start3A_142] : memref<10240x128xf32, #tpu.memory_space<vmem_shared>> -> memref<80x128xf32, #tpu.memory_space<vmem_shared>>
      tpu.enqueue_dma source(%dma_start3A_143 : memref<80x128xf32, #tpu.memory_space<vmem_shared>>) target(%arg7 : memref<80x128xf32, #tpu.memory_space<vmem>>) target_semaphore(%run_scoped3A : memref<!tpu.dma_semaphore, #tpu.memory_space<semaphore_mem>>)
      %dma_wait3A_144 = arith.constant 0 : i32
      %dma_wait3A_145 = tpu.memref_slice %arg9[%add3A_107, %dma_wait3A_144] : memref<10240x128xf32, #tpu.memory_space<vmem_shared>> -> memref<80x128xf32, #tpu.memory_space<vmem_shared>>
      %dma_wait3A_146 = arith.constant 0 : i32
      %dma_wait3A_147 = tpu.memref_slice %arg9[%add3A_107, %dma_wait3A_146] : memref<10240x128xf32, #tpu.memory_space<vmem_shared>> -> memref<80x128xf32, #tpu.memory_space<vmem_shared>>
      tpu.wait_dma2 semaphore(%run_scoped3A : memref<!tpu.dma_semaphore, #tpu.memory_space<semaphore_mem>>) src(%dma_wait3A_147 : memref<80x128xf32, #tpu.memory_space<vmem_shared>>) dst(%arg7 : memref<80x128xf32, #tpu.memory_space<vmem>>)
      tpu.yield
    }) : () -> ()
    %add3A_108 = arith.constant 480 : i32
    %add3A_109 = arith.addi %add3A_29, %add3A_108 : i32
    %dma_start3A_110 = arith.constant 0 : i32
    %dma_start3A_111 = tpu.memref_slice %arg5[%add3A_109, %dma_start3A_110] : memref<20480x128xf32, #tpu.memory_space<hbm>> -> memref<80x128xf32, #tpu.memory_space<hbm>>
    %dma_start3A_112 = arith.constant 0 : i32
    %dma_start3A_113 = tpu.memref_slice %arg5[%add3A_109, %dma_start3A_112] : memref<20480x128xf32, #tpu.memory_space<hbm>> -> memref<80x128xf32, #tpu.memory_space<hbm>>
    tpu.enqueue_dma source(%arg7 : memref<80x128xf32, #tpu.memory_space<vmem>>) target(%dma_start3A_113 : memref<80x128xf32, #tpu.memory_space<hbm>>) target_semaphore(%arg10 : memref<!tpu.dma_semaphore, #tpu.memory_space<semaphore_mem>>)
    %add3A_114 = arith.constant 400 : i32
    %add3A_115 = arith.addi %add3A_29, %add3A_114 : i32
    %dma_wait3A_116 = arith.constant 0 : i32
    %dma_wait3A_117 = tpu.memref_slice %arg5[%add3A_115, %dma_wait3A_116] : memref<20480x128xf32, #tpu.memory_space<hbm>> -> memref<80x128xf32, #tpu.memory_space<hbm>>
    %dma_wait3A_118 = arith.constant 0 : i32
    %dma_wait3A_119 = tpu.memref_slice %arg5[%add3A_115, %dma_wait3A_118] : memref<20480x128xf32, #tpu.memory_space<hbm>> -> memref<80x128xf32, #tpu.memory_space<hbm>>
    tpu.wait_dma2 semaphore(%arg11 : memref<!tpu.dma_semaphore, #tpu.memory_space<semaphore_mem>>) src(%arg8 : memref<80x128xf32, #tpu.memory_space<vmem>>) dst(%dma_wait3A_119 : memref<80x128xf32, #tpu.memory_space<hbm>>)
    %add3A_120 = arith.constant 560 : i32
    %add3A_121 = arith.addi %mul3A_2, %add3A_120 : i32
    "tpu.region"() ({
      %run_scoped3A = tpu.sem_alloc : memref<!tpu.dma_semaphore, #tpu.memory_space<semaphore_mem>>
      %dma_start3A_140 = arith.constant 0 : i32
      %dma_start3A_141 = tpu.memref_slice %arg9[%add3A_121, %dma_start3A_140] : memref<10240x128xf32, #tpu.memory_space<vmem_shared>> -> memref<80x128xf32, #tpu.memory_space<vmem_shared>>
      %dma_start3A_142 = arith.constant 0 : i32
      %dma_start3A_143 = tpu.memref_slice %arg9[%add3A_121, %dma_start3A_142] : memref<10240x128xf32, #tpu.memory_space<vmem_shared>> -> memref<80x128xf32, #tpu.memory_space<vmem_shared>>
      tpu.enqueue_dma source(%dma_start3A_143 : memref<80x128xf32, #tpu.memory_space<vmem_shared>>) target(%arg8 : memref<80x128xf32, #tpu.memory_space<vmem>>) target_semaphore(%run_scoped3A : memref<!tpu.dma_semaphore, #tpu.memory_space<semaphore_mem>>)
      %dma_wait3A_144 = arith.constant 0 : i32
      %dma_wait3A_145 = tpu.memref_slice %arg9[%add3A_121, %dma_wait3A_144] : memref<10240x128xf32, #tpu.memory_space<vmem_shared>> -> memref<80x128xf32, #tpu.memory_space<vmem_shared>>
      %dma_wait3A_146 = arith.constant 0 : i32
      %dma_wait3A_147 = tpu.memref_slice %arg9[%add3A_121, %dma_wait3A_146] : memref<10240x128xf32, #tpu.memory_space<vmem_shared>> -> memref<80x128xf32, #tpu.memory_space<vmem_shared>>
      tpu.wait_dma2 semaphore(%run_scoped3A : memref<!tpu.dma_semaphore, #tpu.memory_space<semaphore_mem>>) src(%dma_wait3A_147 : memref<80x128xf32, #tpu.memory_space<vmem_shared>>) dst(%arg8 : memref<80x128xf32, #tpu.memory_space<vmem>>)
      tpu.yield
    }) : () -> ()
    %add3A_122 = arith.constant 560 : i32
    %add3A_123 = arith.addi %add3A_29, %add3A_122 : i32
    %dma_start3A_124 = arith.constant 0 : i32
    %dma_start3A_125 = tpu.memref_slice %arg5[%add3A_123, %dma_start3A_124] : memref<20480x128xf32, #tpu.memory_space<hbm>> -> memref<80x128xf32, #tpu.memory_space<hbm>>
    %dma_start3A_126 = arith.constant 0 : i32
    %dma_start3A_127 = tpu.memref_slice %arg5[%add3A_123, %dma_start3A_126] : memref<20480x128xf32, #tpu.memory_space<hbm>> -> memref<80x128xf32, #tpu.memory_space<hbm>>
    tpu.enqueue_dma source(%arg8 : memref<80x128xf32, #tpu.memory_space<vmem>>) target(%dma_start3A_127 : memref<80x128xf32, #tpu.memory_space<hbm>>) target_semaphore(%arg11 : memref<!tpu.dma_semaphore, #tpu.memory_space<semaphore_mem>>)
    %add3A_128 = arith.constant 480 : i32
    %add3A_129 = arith.addi %add3A_29, %add3A_128 : i32
    %dma_wait3A_130 = arith.constant 0 : i32
    %dma_wait3A_131 = tpu.memref_slice %arg5[%add3A_129, %dma_wait3A_130] : memref<20480x128xf32, #tpu.memory_space<hbm>> -> memref<80x128xf32, #tpu.memory_space<hbm>>
    %dma_wait3A_132 = arith.constant 0 : i32
    %dma_wait3A_133 = tpu.memref_slice %arg5[%add3A_129, %dma_wait3A_132] : memref<20480x128xf32, #tpu.memory_space<hbm>> -> memref<80x128xf32, #tpu.memory_space<hbm>>
    tpu.wait_dma2 semaphore(%arg10 : memref<!tpu.dma_semaphore, #tpu.memory_space<semaphore_mem>>) src(%arg7 : memref<80x128xf32, #tpu.memory_space<vmem>>) dst(%dma_wait3A_133 : memref<80x128xf32, #tpu.memory_space<hbm>>)
    %add3A_134 = arith.constant 560 : i32
    %add3A_135 = arith.addi %add3A_29, %add3A_134 : i32
    %dma_wait3A_136 = arith.constant 0 : i32
    %dma_wait3A_137 = tpu.memref_slice %arg5[%add3A_135, %dma_wait3A_136] : memref<20480x128xf32, #tpu.memory_space<hbm>> -> memref<80x128xf32, #tpu.memory_space<hbm>>
    %dma_wait3A_138 = arith.constant 0 : i32
    %dma_wait3A_139 = tpu.memref_slice %arg5[%add3A_135, %dma_wait3A_138] : memref<20480x128xf32, #tpu.memory_space<hbm>> -> memref<80x128xf32, #tpu.memory_space<hbm>>
    tpu.wait_dma2 semaphore(%arg11 : memref<!tpu.dma_semaphore, #tpu.memory_space<semaphore_mem>>) src(%arg8 : memref<80x128xf32, #tpu.memory_space<vmem>>) dst(%dma_wait3A_139 : memref<80x128xf32, #tpu.memory_space<hbm>>)
    return
  }
}

#map = affine_map<(d0, d1) -> (0, 0)>
#map1 = affine_map<(d0, d1) -> (0)>
module attributes {stable_mosaic.version = 14 : i64} {
  func.func @_segsum(%arg0: i32, %arg1: i32, %arg2: memref<10000x128xf32, #tpu.memory_space<hbm>>, %arg3: memref<320000xi32, #tpu.memory_space<hbm>>, %arg4: memref<320000xi32, #tpu.memory_space<hbm>>, %arg5: memref<10240x128xf32, #tpu.memory_space<hbm>>, %arg6: memref<20480x128xf32, #tpu.memory_space<hbm>>, %arg7: memref<10000xi32, #tpu.memory_space<vmem>>, %arg8: memref<10000xi32, #tpu.memory_space<vmem>>, %arg9: memref<80x128xf32, #tpu.memory_space<vmem>>, %arg10: memref<80x128xf32, #tpu.memory_space<vmem>>, %arg11: memref<10240x128xf32, #tpu.memory_space<vmem_shared>>, %arg12: memref<!tpu.dma_semaphore, #tpu.memory_space<semaphore_mem>>, %arg13: memref<!tpu.dma_semaphore, #tpu.memory_space<semaphore_mem>>) attributes {dimension_semantics = [#tpu.dimension_semantics<core_parallel>, #tpu.dimension_semantics<subcore_parallel>], iteration_bounds = array<i64: 2, 16>, scalar_prefetch = 0 : i64, scratch_operands = 7 : i64, tpu.core_type = #tpu.core_type<sc_vector_subcore>, window_params = [{transform_indices = #map}, {transform_indices = #map1}, {transform_indices = #map1}, {transform_indices = #map}, {transform_indices = #map}]} {
    %mul3A = arith.constant 16 : i32
    %mul3A_0 = arith.muli %arg0, %mul3A : i32
    %add3A = arith.addi %mul3A_0, %arg1 : i32
    %mul3A_1 = arith.constant 640 : i32
    %mul3A_2 = arith.muli %arg1, %mul3A_1 : i32
    %mul3A_3 = arith.constant 10000 : i32
    %mul3A_4 = arith.muli %add3A, %mul3A_3 : i32
    "tpu.region"() ({
      %run_scoped3A = tpu.sem_alloc : memref<!tpu.dma_semaphore, #tpu.memory_space<semaphore_mem>>
      %dma_start3A_157 = tpu.memref_slice %arg3[%mul3A_4] : memref<320000xi32, #tpu.memory_space<hbm>> -> memref<10000xi32, #tpu.memory_space<hbm>>
      %dma_start3A_158 = tpu.memref_slice %arg3[%mul3A_4] : memref<320000xi32, #tpu.memory_space<hbm>> -> memref<10000xi32, #tpu.memory_space<hbm>>
      tpu.enqueue_dma source(%dma_start3A_158 : memref<10000xi32, #tpu.memory_space<hbm>>) target(%arg7 : memref<10000xi32, #tpu.memory_space<vmem>>) target_semaphore(%run_scoped3A : memref<!tpu.dma_semaphore, #tpu.memory_space<semaphore_mem>>)
      %dma_wait3A_159 = tpu.memref_slice %arg3[%mul3A_4] : memref<320000xi32, #tpu.memory_space<hbm>> -> memref<10000xi32, #tpu.memory_space<hbm>>
      %dma_wait3A_160 = tpu.memref_slice %arg3[%mul3A_4] : memref<320000xi32, #tpu.memory_space<hbm>> -> memref<10000xi32, #tpu.memory_space<hbm>>
      tpu.wait_dma2 semaphore(%run_scoped3A : memref<!tpu.dma_semaphore, #tpu.memory_space<semaphore_mem>>) src(%dma_wait3A_160 : memref<10000xi32, #tpu.memory_space<hbm>>) dst(%arg7 : memref<10000xi32, #tpu.memory_space<vmem>>)
      tpu.yield
    }) : () -> ()
    %mul3A_5 = arith.constant 10000 : i32
    %mul3A_6 = arith.muli %add3A, %mul3A_5 : i32
    "tpu.region"() ({
      %run_scoped3A = tpu.sem_alloc : memref<!tpu.dma_semaphore, #tpu.memory_space<semaphore_mem>>
      %dma_start3A_157 = tpu.memref_slice %arg4[%mul3A_6] : memref<320000xi32, #tpu.memory_space<hbm>> -> memref<10000xi32, #tpu.memory_space<hbm>>
      %dma_start3A_158 = tpu.memref_slice %arg4[%mul3A_6] : memref<320000xi32, #tpu.memory_space<hbm>> -> memref<10000xi32, #tpu.memory_space<hbm>>
      tpu.enqueue_dma source(%dma_start3A_158 : memref<10000xi32, #tpu.memory_space<hbm>>) target(%arg8 : memref<10000xi32, #tpu.memory_space<vmem>>) target_semaphore(%run_scoped3A : memref<!tpu.dma_semaphore, #tpu.memory_space<semaphore_mem>>)
      %dma_wait3A_159 = tpu.memref_slice %arg4[%mul3A_6] : memref<320000xi32, #tpu.memory_space<hbm>> -> memref<10000xi32, #tpu.memory_space<hbm>>
      %dma_wait3A_160 = tpu.memref_slice %arg4[%mul3A_6] : memref<320000xi32, #tpu.memory_space<hbm>> -> memref<10000xi32, #tpu.memory_space<hbm>>
      tpu.wait_dma2 semaphore(%run_scoped3A : memref<!tpu.dma_semaphore, #tpu.memory_space<semaphore_mem>>) src(%dma_wait3A_160 : memref<10000xi32, #tpu.memory_space<hbm>>) dst(%arg8 : memref<10000xi32, #tpu.memory_space<vmem>>)
      tpu.yield
    }) : () -> ()
    "tpu.region"() ({
      %run_scoped3A = tpu.sem_alloc : memref<!tpu.dma_semaphore, #tpu.memory_space<semaphore_mem>>
      %dma_start3A_157 = arith.constant 0 : i32
      %dma_start3A_158 = arith.constant 0 : i32
      %dma_start3A_159 = tpu.memref_slice %arg5[%dma_start3A_157, %dma_start3A_158] : memref<10240x128xf32, #tpu.memory_space<hbm>> -> memref<80x128xf32, #tpu.memory_space<hbm>>
      %dma_start3A_160 = arith.constant 0 : i32
      %dma_start3A_161 = arith.constant 0 : i32
      %dma_start3A_162 = tpu.memref_slice %arg5[%dma_start3A_160, %dma_start3A_161] : memref<10240x128xf32, #tpu.memory_space<hbm>> -> memref<80x128xf32, #tpu.memory_space<hbm>>
      tpu.enqueue_dma source(%dma_start3A_162 : memref<80x128xf32, #tpu.memory_space<hbm>>) target(%arg9 : memref<80x128xf32, #tpu.memory_space<vmem>>) target_semaphore(%run_scoped3A : memref<!tpu.dma_semaphore, #tpu.memory_space<semaphore_mem>>)
      %dma_wait3A_163 = arith.constant 0 : i32
      %dma_wait3A_164 = arith.constant 0 : i32
      %dma_wait3A_165 = tpu.memref_slice %arg5[%dma_wait3A_163, %dma_wait3A_164] : memref<10240x128xf32, #tpu.memory_space<hbm>> -> memref<80x128xf32, #tpu.memory_space<hbm>>
      %dma_wait3A_166 = arith.constant 0 : i32
      %dma_wait3A_167 = arith.constant 0 : i32
      %dma_wait3A_168 = tpu.memref_slice %arg5[%dma_wait3A_166, %dma_wait3A_167] : memref<10240x128xf32, #tpu.memory_space<hbm>> -> memref<80x128xf32, #tpu.memory_space<hbm>>
      tpu.wait_dma2 semaphore(%run_scoped3A : memref<!tpu.dma_semaphore, #tpu.memory_space<semaphore_mem>>) src(%dma_wait3A_168 : memref<80x128xf32, #tpu.memory_space<hbm>>) dst(%arg9 : memref<80x128xf32, #tpu.memory_space<vmem>>)
      tpu.yield
    }) : () -> ()
    %add3A_7 = arith.constant 0 : i32
    %add3A_8 = arith.addi %mul3A_2, %add3A_7 : i32
    "tpu.region"() ({
      %run_scoped3A = tpu.sem_alloc : memref<!tpu.dma_semaphore, #tpu.memory_space<semaphore_mem>>
      %dma_start3A_157 = arith.constant 0 : i32
      %dma_start3A_158 = tpu.memref_slice %arg11[%add3A_8, %dma_start3A_157] : memref<10240x128xf32, #tpu.memory_space<vmem_shared>> -> memref<80x128xf32, #tpu.memory_space<vmem_shared>>
      %dma_start3A_159 = arith.constant 0 : i32
      %dma_start3A_160 = tpu.memref_slice %arg11[%add3A_8, %dma_start3A_159] : memref<10240x128xf32, #tpu.memory_space<vmem_shared>> -> memref<80x128xf32, #tpu.memory_space<vmem_shared>>
      tpu.enqueue_dma source(%arg9 : memref<80x128xf32, #tpu.memory_space<vmem>>) target(%dma_start3A_160 : memref<80x128xf32, #tpu.memory_space<vmem_shared>>) target_semaphore(%run_scoped3A : memref<!tpu.dma_semaphore, #tpu.memory_space<semaphore_mem>>)
      %dma_wait3A_161 = arith.constant 0 : i32
      %dma_wait3A_162 = tpu.memref_slice %arg11[%add3A_8, %dma_wait3A_161] : memref<10240x128xf32, #tpu.memory_space<vmem_shared>> -> memref<80x128xf32, #tpu.memory_space<vmem_shared>>
      %dma_wait3A_163 = arith.constant 0 : i32
      %dma_wait3A_164 = tpu.memref_slice %arg11[%add3A_8, %dma_wait3A_163] : memref<10240x128xf32, #tpu.memory_space<vmem_shared>> -> memref<80x128xf32, #tpu.memory_space<vmem_shared>>
      tpu.wait_dma2 semaphore(%run_scoped3A : memref<!tpu.dma_semaphore, #tpu.memory_space<semaphore_mem>>) src(%arg9 : memref<80x128xf32, #tpu.memory_space<vmem>>) dst(%dma_wait3A_164 : memref<80x128xf32, #tpu.memory_space<vmem_shared>>)
      tpu.yield
    }) : () -> ()
    %add3A_9 = arith.constant 80 : i32
    %add3A_10 = arith.addi %mul3A_2, %add3A_9 : i32
    "tpu.region"() ({
      %run_scoped3A = tpu.sem_alloc : memref<!tpu.dma_semaphore, #tpu.memory_space<semaphore_mem>>
      %dma_start3A_157 = arith.constant 0 : i32
      %dma_start3A_158 = tpu.memref_slice %arg11[%add3A_10, %dma_start3A_157] : memref<10240x128xf32, #tpu.memory_space<vmem_shared>> -> memref<80x128xf32, #tpu.memory_space<vmem_shared>>
      %dma_start3A_159 = arith.constant 0 : i32
      %dma_start3A_160 = tpu.memref_slice %arg11[%add3A_10, %dma_start3A_159] : memref<10240x128xf32, #tpu.memory_space<vmem_shared>> -> memref<80x128xf32, #tpu.memory_space<vmem_shared>>
      tpu.enqueue_dma source(%arg9 : memref<80x128xf32, #tpu.memory_space<vmem>>) target(%dma_start3A_160 : memref<80x128xf32, #tpu.memory_space<vmem_shared>>) target_semaphore(%run_scoped3A : memref<!tpu.dma_semaphore, #tpu.memory_space<semaphore_mem>>)
      %dma_wait3A_161 = arith.constant 0 : i32
      %dma_wait3A_162 = tpu.memref_slice %arg11[%add3A_10, %dma_wait3A_161] : memref<10240x128xf32, #tpu.memory_space<vmem_shared>> -> memref<80x128xf32, #tpu.memory_space<vmem_shared>>
      %dma_wait3A_163 = arith.constant 0 : i32
      %dma_wait3A_164 = tpu.memref_slice %arg11[%add3A_10, %dma_wait3A_163] : memref<10240x128xf32, #tpu.memory_space<vmem_shared>> -> memref<80x128xf32, #tpu.memory_space<vmem_shared>>
      tpu.wait_dma2 semaphore(%run_scoped3A : memref<!tpu.dma_semaphore, #tpu.memory_space<semaphore_mem>>) src(%arg9 : memref<80x128xf32, #tpu.memory_space<vmem>>) dst(%dma_wait3A_164 : memref<80x128xf32, #tpu.memory_space<vmem_shared>>)
      tpu.yield
    }) : () -> ()
    %add3A_11 = arith.constant 160 : i32
    %add3A_12 = arith.addi %mul3A_2, %add3A_11 : i32
    "tpu.region"() ({
      %run_scoped3A = tpu.sem_alloc : memref<!tpu.dma_semaphore, #tpu.memory_space<semaphore_mem>>
      %dma_start3A_157 = arith.constant 0 : i32
      %dma_start3A_158 = tpu.memref_slice %arg11[%add3A_12, %dma_start3A_157] : memref<10240x128xf32, #tpu.memory_space<vmem_shared>> -> memref<80x128xf32, #tpu.memory_space<vmem_shared>>
      %dma_start3A_159 = arith.constant 0 : i32
      %dma_start3A_160 = tpu.memref_slice %arg11[%add3A_12, %dma_start3A_159] : memref<10240x128xf32, #tpu.memory_space<vmem_shared>> -> memref<80x128xf32, #tpu.memory_space<vmem_shared>>
      tpu.enqueue_dma source(%arg9 : memref<80x128xf32, #tpu.memory_space<vmem>>) target(%dma_start3A_160 : memref<80x128xf32, #tpu.memory_space<vmem_shared>>) target_semaphore(%run_scoped3A : memref<!tpu.dma_semaphore, #tpu.memory_space<semaphore_mem>>)
      %dma_wait3A_161 = arith.constant 0 : i32
      %dma_wait3A_162 = tpu.memref_slice %arg11[%add3A_12, %dma_wait3A_161] : memref<10240x128xf32, #tpu.memory_space<vmem_shared>> -> memref<80x128xf32, #tpu.memory_space<vmem_shared>>
      %dma_wait3A_163 = arith.constant 0 : i32
      %dma_wait3A_164 = tpu.memref_slice %arg11[%add3A_12, %dma_wait3A_163] : memref<10240x128xf32, #tpu.memory_space<vmem_shared>> -> memref<80x128xf32, #tpu.memory_space<vmem_shared>>
      tpu.wait_dma2 semaphore(%run_scoped3A : memref<!tpu.dma_semaphore, #tpu.memory_space<semaphore_mem>>) src(%arg9 : memref<80x128xf32, #tpu.memory_space<vmem>>) dst(%dma_wait3A_164 : memref<80x128xf32, #tpu.memory_space<vmem_shared>>)
      tpu.yield
    }) : () -> ()
    %add3A_13 = arith.constant 240 : i32
    %add3A_14 = arith.addi %mul3A_2, %add3A_13 : i32
    "tpu.region"() ({
      %run_scoped3A = tpu.sem_alloc : memref<!tpu.dma_semaphore, #tpu.memory_space<semaphore_mem>>
      %dma_start3A_157 = arith.constant 0 : i32
      %dma_start3A_158 = tpu.memref_slice %arg11[%add3A_14, %dma_start3A_157] : memref<10240x128xf32, #tpu.memory_space<vmem_shared>> -> memref<80x128xf32, #tpu.memory_space<vmem_shared>>
      %dma_start3A_159 = arith.constant 0 : i32
      %dma_start3A_160 = tpu.memref_slice %arg11[%add3A_14, %dma_start3A_159] : memref<10240x128xf32, #tpu.memory_space<vmem_shared>> -> memref<80x128xf32, #tpu.memory_space<vmem_shared>>
      tpu.enqueue_dma source(%arg9 : memref<80x128xf32, #tpu.memory_space<vmem>>) target(%dma_start3A_160 : memref<80x128xf32, #tpu.memory_space<vmem_shared>>) target_semaphore(%run_scoped3A : memref<!tpu.dma_semaphore, #tpu.memory_space<semaphore_mem>>)
      %dma_wait3A_161 = arith.constant 0 : i32
      %dma_wait3A_162 = tpu.memref_slice %arg11[%add3A_14, %dma_wait3A_161] : memref<10240x128xf32, #tpu.memory_space<vmem_shared>> -> memref<80x128xf32, #tpu.memory_space<vmem_shared>>
      %dma_wait3A_163 = arith.constant 0 : i32
      %dma_wait3A_164 = tpu.memref_slice %arg11[%add3A_14, %dma_wait3A_163] : memref<10240x128xf32, #tpu.memory_space<vmem_shared>> -> memref<80x128xf32, #tpu.memory_space<vmem_shared>>
      tpu.wait_dma2 semaphore(%run_scoped3A : memref<!tpu.dma_semaphore, #tpu.memory_space<semaphore_mem>>) src(%arg9 : memref<80x128xf32, #tpu.memory_space<vmem>>) dst(%dma_wait3A_164 : memref<80x128xf32, #tpu.memory_space<vmem_shared>>)
      tpu.yield
    }) : () -> ()
    %add3A_15 = arith.constant 320 : i32
    %add3A_16 = arith.addi %mul3A_2, %add3A_15 : i32
    "tpu.region"() ({
      %run_scoped3A = tpu.sem_alloc : memref<!tpu.dma_semaphore, #tpu.memory_space<semaphore_mem>>
      %dma_start3A_157 = arith.constant 0 : i32
      %dma_start3A_158 = tpu.memref_slice %arg11[%add3A_16, %dma_start3A_157] : memref<10240x128xf32, #tpu.memory_space<vmem_shared>> -> memref<80x128xf32, #tpu.memory_space<vmem_shared>>
      %dma_start3A_159 = arith.constant 0 : i32
      %dma_start3A_160 = tpu.memref_slice %arg11[%add3A_16, %dma_start3A_159] : memref<10240x128xf32, #tpu.memory_space<vmem_shared>> -> memref<80x128xf32, #tpu.memory_space<vmem_shared>>
      tpu.enqueue_dma source(%arg9 : memref<80x128xf32, #tpu.memory_space<vmem>>) target(%dma_start3A_160 : memref<80x128xf32, #tpu.memory_space<vmem_shared>>) target_semaphore(%run_scoped3A : memref<!tpu.dma_semaphore, #tpu.memory_space<semaphore_mem>>)
      %dma_wait3A_161 = arith.constant 0 : i32
      %dma_wait3A_162 = tpu.memref_slice %arg11[%add3A_16, %dma_wait3A_161] : memref<10240x128xf32, #tpu.memory_space<vmem_shared>> -> memref<80x128xf32, #tpu.memory_space<vmem_shared>>
      %dma_wait3A_163 = arith.constant 0 : i32
      %dma_wait3A_164 = tpu.memref_slice %arg11[%add3A_16, %dma_wait3A_163] : memref<10240x128xf32, #tpu.memory_space<vmem_shared>> -> memref<80x128xf32, #tpu.memory_space<vmem_shared>>
      tpu.wait_dma2 semaphore(%run_scoped3A : memref<!tpu.dma_semaphore, #tpu.memory_space<semaphore_mem>>) src(%arg9 : memref<80x128xf32, #tpu.memory_space<vmem>>) dst(%dma_wait3A_164 : memref<80x128xf32, #tpu.memory_space<vmem_shared>>)
      tpu.yield
    }) : () -> ()
    %add3A_17 = arith.constant 400 : i32
    %add3A_18 = arith.addi %mul3A_2, %add3A_17 : i32
    "tpu.region"() ({
      %run_scoped3A = tpu.sem_alloc : memref<!tpu.dma_semaphore, #tpu.memory_space<semaphore_mem>>
      %dma_start3A_157 = arith.constant 0 : i32
      %dma_start3A_158 = tpu.memref_slice %arg11[%add3A_18, %dma_start3A_157] : memref<10240x128xf32, #tpu.memory_space<vmem_shared>> -> memref<80x128xf32, #tpu.memory_space<vmem_shared>>
      %dma_start3A_159 = arith.constant 0 : i32
      %dma_start3A_160 = tpu.memref_slice %arg11[%add3A_18, %dma_start3A_159] : memref<10240x128xf32, #tpu.memory_space<vmem_shared>> -> memref<80x128xf32, #tpu.memory_space<vmem_shared>>
      tpu.enqueue_dma source(%arg9 : memref<80x128xf32, #tpu.memory_space<vmem>>) target(%dma_start3A_160 : memref<80x128xf32, #tpu.memory_space<vmem_shared>>) target_semaphore(%run_scoped3A : memref<!tpu.dma_semaphore, #tpu.memory_space<semaphore_mem>>)
      %dma_wait3A_161 = arith.constant 0 : i32
      %dma_wait3A_162 = tpu.memref_slice %arg11[%add3A_18, %dma_wait3A_161] : memref<10240x128xf32, #tpu.memory_space<vmem_shared>> -> memref<80x128xf32, #tpu.memory_space<vmem_shared>>
      %dma_wait3A_163 = arith.constant 0 : i32
      %dma_wait3A_164 = tpu.memref_slice %arg11[%add3A_18, %dma_wait3A_163] : memref<10240x128xf32, #tpu.memory_space<vmem_shared>> -> memref<80x128xf32, #tpu.memory_space<vmem_shared>>
      tpu.wait_dma2 semaphore(%run_scoped3A : memref<!tpu.dma_semaphore, #tpu.memory_space<semaphore_mem>>) src(%arg9 : memref<80x128xf32, #tpu.memory_space<vmem>>) dst(%dma_wait3A_164 : memref<80x128xf32, #tpu.memory_space<vmem_shared>>)
      tpu.yield
    }) : () -> ()
    %add3A_19 = arith.constant 480 : i32
    %add3A_20 = arith.addi %mul3A_2, %add3A_19 : i32
    "tpu.region"() ({
      %run_scoped3A = tpu.sem_alloc : memref<!tpu.dma_semaphore, #tpu.memory_space<semaphore_mem>>
      %dma_start3A_157 = arith.constant 0 : i32
      %dma_start3A_158 = tpu.memref_slice %arg11[%add3A_20, %dma_start3A_157] : memref<10240x128xf32, #tpu.memory_space<vmem_shared>> -> memref<80x128xf32, #tpu.memory_space<vmem_shared>>
      %dma_start3A_159 = arith.constant 0 : i32
      %dma_start3A_160 = tpu.memref_slice %arg11[%add3A_20, %dma_start3A_159] : memref<10240x128xf32, #tpu.memory_space<vmem_shared>> -> memref<80x128xf32, #tpu.memory_space<vmem_shared>>
      tpu.enqueue_dma source(%arg9 : memref<80x128xf32, #tpu.memory_space<vmem>>) target(%dma_start3A_160 : memref<80x128xf32, #tpu.memory_space<vmem_shared>>) target_semaphore(%run_scoped3A : memref<!tpu.dma_semaphore, #tpu.memory_space<semaphore_mem>>)
      %dma_wait3A_161 = arith.constant 0 : i32
      %dma_wait3A_162 = tpu.memref_slice %arg11[%add3A_20, %dma_wait3A_161] : memref<10240x128xf32, #tpu.memory_space<vmem_shared>> -> memref<80x128xf32, #tpu.memory_space<vmem_shared>>
      %dma_wait3A_163 = arith.constant 0 : i32
      %dma_wait3A_164 = tpu.memref_slice %arg11[%add3A_20, %dma_wait3A_163] : memref<10240x128xf32, #tpu.memory_space<vmem_shared>> -> memref<80x128xf32, #tpu.memory_space<vmem_shared>>
      tpu.wait_dma2 semaphore(%run_scoped3A : memref<!tpu.dma_semaphore, #tpu.memory_space<semaphore_mem>>) src(%arg9 : memref<80x128xf32, #tpu.memory_space<vmem>>) dst(%dma_wait3A_164 : memref<80x128xf32, #tpu.memory_space<vmem_shared>>)
      tpu.yield
    }) : () -> ()
    %add3A_21 = arith.constant 560 : i32
    %add3A_22 = arith.addi %mul3A_2, %add3A_21 : i32
    "tpu.region"() ({
      %run_scoped3A = tpu.sem_alloc : memref<!tpu.dma_semaphore, #tpu.memory_space<semaphore_mem>>
      %dma_start3A_157 = arith.constant 0 : i32
      %dma_start3A_158 = tpu.memref_slice %arg11[%add3A_22, %dma_start3A_157] : memref<10240x128xf32, #tpu.memory_space<vmem_shared>> -> memref<80x128xf32, #tpu.memory_space<vmem_shared>>
      %dma_start3A_159 = arith.constant 0 : i32
      %dma_start3A_160 = tpu.memref_slice %arg11[%add3A_22, %dma_start3A_159] : memref<10240x128xf32, #tpu.memory_space<vmem_shared>> -> memref<80x128xf32, #tpu.memory_space<vmem_shared>>
      tpu.enqueue_dma source(%arg9 : memref<80x128xf32, #tpu.memory_space<vmem>>) target(%dma_start3A_160 : memref<80x128xf32, #tpu.memory_space<vmem_shared>>) target_semaphore(%run_scoped3A : memref<!tpu.dma_semaphore, #tpu.memory_space<semaphore_mem>>)
      %dma_wait3A_161 = arith.constant 0 : i32
      %dma_wait3A_162 = tpu.memref_slice %arg11[%add3A_22, %dma_wait3A_161] : memref<10240x128xf32, #tpu.memory_space<vmem_shared>> -> memref<80x128xf32, #tpu.memory_space<vmem_shared>>
      %dma_wait3A_163 = arith.constant 0 : i32
      %dma_wait3A_164 = tpu.memref_slice %arg11[%add3A_22, %dma_wait3A_163] : memref<10240x128xf32, #tpu.memory_space<vmem_shared>> -> memref<80x128xf32, #tpu.memory_space<vmem_shared>>
      tpu.wait_dma2 semaphore(%run_scoped3A : memref<!tpu.dma_semaphore, #tpu.memory_space<semaphore_mem>>) src(%arg9 : memref<80x128xf32, #tpu.memory_space<vmem>>) dst(%dma_wait3A_164 : memref<80x128xf32, #tpu.memory_space<vmem_shared>>)
      tpu.yield
    }) : () -> ()
    %barrier3A = arith.constant 0 : index
    tpu.barrier barrier_id(%barrier3A)
    %dma_start3A = arith.constant 0 : i32
    %dma_start3A_23 = tpu.memref_slice %arg7[%dma_start3A] : memref<10000xi32, #tpu.memory_space<vmem>> -> memref<80xi32, #tpu.memory_space<vmem>>
    %dma_start3A_24 = arith.constant 0 : i32
    %dma_start3A_25 = arith.constant 0 : i32
    %dma_start3A_26 = tpu.memref_slice %arg2[%dma_start3A_24, %dma_start3A_25] : memref<10000x128xf32, #tpu.memory_space<hbm>> -> memref<10000x128xf32, #tpu.memory_space<hbm>>
    tpu.enqueue_indirect_dma source(%dma_start3A_26 : memref<10000x128xf32, #tpu.memory_space<hbm>>) target(%arg9 : memref<80x128xf32, #tpu.memory_space<vmem>>) offsets(%dma_start3A_23 : memref<80xi32, #tpu.memory_space<vmem>>) semaphore(%arg12 : memref<!tpu.dma_semaphore, #tpu.memory_space<semaphore_mem>>)
    %dma_start3A_27 = arith.constant 80 : i32
    %dma_start3A_28 = tpu.memref_slice %arg7[%dma_start3A_27] : memref<10000xi32, #tpu.memory_space<vmem>> -> memref<80xi32, #tpu.memory_space<vmem>>
    %dma_start3A_29 = arith.constant 0 : i32
    %dma_start3A_30 = arith.constant 0 : i32
    %dma_start3A_31 = tpu.memref_slice %arg2[%dma_start3A_29, %dma_start3A_30] : memref<10000x128xf32, #tpu.memory_space<hbm>> -> memref<10000x128xf32, #tpu.memory_space<hbm>>
    tpu.enqueue_indirect_dma source(%dma_start3A_31 : memref<10000x128xf32, #tpu.memory_space<hbm>>) target(%arg10 : memref<80x128xf32, #tpu.memory_space<vmem>>) offsets(%dma_start3A_28 : memref<80xi32, #tpu.memory_space<vmem>>) semaphore(%arg13 : memref<!tpu.dma_semaphore, #tpu.memory_space<semaphore_mem>>)
    %scan3A = arith.constant 0 : i32
    %scan3A_32 = arith.constant 0 : i32
    %scan3A_33 = arith.constant 62 : i32
    %scan3A_34 = arith.addi %scan3A_32, %scan3A_33 : i32
    %scan3A_35 = arith.constant 1 : i32
    scf.for %scan3A_157 = %scan3A_32 to %scan3A_34 step %scan3A_35  : i32 {
      %mul3A_158 = arith.constant 2 : i32
      %mul3A_159 = arith.muli %mul3A_158, %scan3A_157 : i32
      %add3A_160 = arith.constant 0 : i32
      %add3A_161 = arith.addi %mul3A_159, %add3A_160 : i32
      %mul3A_162 = arith.constant 80 : i32
      %mul3A_163 = arith.muli %add3A_161, %mul3A_162 : i32
      %dma_wait3A_164 = tpu.memref_slice %arg7[%mul3A_163] : memref<10000xi32, #tpu.memory_space<vmem>> -> memref<80xi32, #tpu.memory_space<vmem>>
      %dma_wait3A_165 = arith.constant 0 : i32
      %dma_wait3A_166 = arith.constant 0 : i32
      %dma_wait3A_167 = tpu.memref_slice %arg2[%dma_wait3A_165, %dma_wait3A_166] : memref<10000x128xf32, #tpu.memory_space<hbm>> -> memref<10000x128xf32, #tpu.memory_space<hbm>>
      tpu.wait_indirect_dma semaphore(%arg12 : memref<!tpu.dma_semaphore, #tpu.memory_space<semaphore_mem>>) src(%dma_wait3A_167 : memref<10000x128xf32, #tpu.memory_space<hbm>>) dst(%arg9 : memref<80x128xf32, #tpu.memory_space<vmem>>)
      %mul3A_168 = arith.constant 80 : i32
      %mul3A_169 = arith.muli %add3A_161, %mul3A_168 : i32
      "tpu.region"() ({
        %run_scoped3A = tpu.sem_alloc : memref<!tpu.dma_semaphore, #tpu.memory_space<semaphore_mem>>
        %dma_start3A_193 = tpu.memref_slice %arg8[%mul3A_169] : memref<10000xi32, #tpu.memory_space<vmem>> -> memref<80xi32, #tpu.memory_space<vmem>>
        %dma_start3A_194 = arith.constant 0 : i32
        %dma_start3A_195 = arith.constant 0 : i32
        %dma_start3A_196 = tpu.memref_slice %arg11[%dma_start3A_194, %dma_start3A_195] : memref<10240x128xf32, #tpu.memory_space<vmem_shared>> -> memref<10240x128xf32, #tpu.memory_space<vmem_shared>>
        tpu.enqueue_indirect_dma source(%arg9 : memref<80x128xf32, #tpu.memory_space<vmem>>) target(%dma_start3A_196 : memref<10240x128xf32, #tpu.memory_space<vmem_shared>>) offsets(%dma_start3A_193 : memref<80xi32, #tpu.memory_space<vmem>>) semaphore(%run_scoped3A : memref<!tpu.dma_semaphore, #tpu.memory_space<semaphore_mem>>) {add = true}
        %dma_wait3A_197 = tpu.memref_slice %arg8[%mul3A_169] : memref<10000xi32, #tpu.memory_space<vmem>> -> memref<80xi32, #tpu.memory_space<vmem>>
        %dma_wait3A_198 = arith.constant 0 : i32
        %dma_wait3A_199 = arith.constant 0 : i32
        %dma_wait3A_200 = tpu.memref_slice %arg11[%dma_wait3A_198, %dma_wait3A_199] : memref<10240x128xf32, #tpu.memory_space<vmem_shared>> -> memref<10240x128xf32, #tpu.memory_space<vmem_shared>>
        tpu.wait_indirect_dma semaphore(%run_scoped3A : memref<!tpu.dma_semaphore, #tpu.memory_space<semaphore_mem>>) src(%arg9 : memref<80x128xf32, #tpu.memory_space<vmem>>) dst(%dma_wait3A_200 : memref<10240x128xf32, #tpu.memory_space<vmem_shared>>)
        tpu.yield
      }) : () -> ()
      %add3A_170 = arith.constant 2 : i32
      %add3A_171 = arith.addi %add3A_161, %add3A_170 : i32
      %lt3A = arith.constant 125 : i32
      %lt3A_172 = arith.cmpi slt, %add3A_171, %lt3A : i32
      %convert_element_type3A = arith.extui %lt3A_172 : i1 to i32
      %cond3A = arith.constant 0 : i32
      %cond3A_173 = arith.cmpi ne, %convert_element_type3A, %cond3A : i32
      scf.if %cond3A_173 {
        %add3A_193 = arith.constant 2 : i32
        %add3A_194 = arith.addi %add3A_161, %add3A_193 : i32
        %mul3A_195 = arith.constant 80 : i32
        %mul3A_196 = arith.muli %add3A_194, %mul3A_195 : i32
        %dma_start3A_197 = tpu.memref_slice %arg7[%mul3A_196] : memref<10000xi32, #tpu.memory_space<vmem>> -> memref<80xi32, #tpu.memory_space<vmem>>
        %dma_start3A_198 = arith.constant 0 : i32
        %dma_start3A_199 = arith.constant 0 : i32
        %dma_start3A_200 = tpu.memref_slice %arg2[%dma_start3A_198, %dma_start3A_199] : memref<10000x128xf32, #tpu.memory_space<hbm>> -> memref<10000x128xf32, #tpu.memory_space<hbm>>
        tpu.enqueue_indirect_dma source(%dma_start3A_200 : memref<10000x128xf32, #tpu.memory_space<hbm>>) target(%arg9 : memref<80x128xf32, #tpu.memory_space<vmem>>) offsets(%dma_start3A_197 : memref<80xi32, #tpu.memory_space<vmem>>) semaphore(%arg12 : memref<!tpu.dma_semaphore, #tpu.memory_space<semaphore_mem>>)
      } else {
      }
      %mul3A_174 = arith.constant 2 : i32
      %mul3A_175 = arith.muli %mul3A_174, %scan3A_157 : i32
      %add3A_176 = arith.constant 1 : i32
      %add3A_177 = arith.addi %mul3A_175, %add3A_176 : i32
      %mul3A_178 = arith.constant 80 : i32
      %mul3A_179 = arith.muli %add3A_177, %mul3A_178 : i32
      %dma_wait3A_180 = tpu.memref_slice %arg7[%mul3A_179] : memref<10000xi32, #tpu.memory_space<vmem>> -> memref<80xi32, #tpu.memory_space<vmem>>
      %dma_wait3A_181 = arith.constant 0 : i32
      %dma_wait3A_182 = arith.constant 0 : i32
      %dma_wait3A_183 = tpu.memref_slice %arg2[%dma_wait3A_181, %dma_wait3A_182] : memref<10000x128xf32, #tpu.memory_space<hbm>> -> memref<10000x128xf32, #tpu.memory_space<hbm>>
      tpu.wait_indirect_dma semaphore(%arg13 : memref<!tpu.dma_semaphore, #tpu.memory_space<semaphore_mem>>) src(%dma_wait3A_183 : memref<10000x128xf32, #tpu.memory_space<hbm>>) dst(%arg10 : memref<80x128xf32, #tpu.memory_space<vmem>>)
      %mul3A_184 = arith.constant 80 : i32
      %mul3A_185 = arith.muli %add3A_177, %mul3A_184 : i32
      "tpu.region"() ({
        %run_scoped3A = tpu.sem_alloc : memref<!tpu.dma_semaphore, #tpu.memory_space<semaphore_mem>>
        %dma_start3A_193 = tpu.memref_slice %arg8[%mul3A_185] : memref<10000xi32, #tpu.memory_space<vmem>> -> memref<80xi32, #tpu.memory_space<vmem>>
        %dma_start3A_194 = arith.constant 0 : i32
        %dma_start3A_195 = arith.constant 0 : i32
        %dma_start3A_196 = tpu.memref_slice %arg11[%dma_start3A_194, %dma_start3A_195] : memref<10240x128xf32, #tpu.memory_space<vmem_shared>> -> memref<10240x128xf32, #tpu.memory_space<vmem_shared>>
        tpu.enqueue_indirect_dma source(%arg10 : memref<80x128xf32, #tpu.memory_space<vmem>>) target(%dma_start3A_196 : memref<10240x128xf32, #tpu.memory_space<vmem_shared>>) offsets(%dma_start3A_193 : memref<80xi32, #tpu.memory_space<vmem>>) semaphore(%run_scoped3A : memref<!tpu.dma_semaphore, #tpu.memory_space<semaphore_mem>>) {add = true}
        %dma_wait3A_197 = tpu.memref_slice %arg8[%mul3A_185] : memref<10000xi32, #tpu.memory_space<vmem>> -> memref<80xi32, #tpu.memory_space<vmem>>
        %dma_wait3A_198 = arith.constant 0 : i32
        %dma_wait3A_199 = arith.constant 0 : i32
        %dma_wait3A_200 = tpu.memref_slice %arg11[%dma_wait3A_198, %dma_wait3A_199] : memref<10240x128xf32, #tpu.memory_space<vmem_shared>> -> memref<10240x128xf32, #tpu.memory_space<vmem_shared>>
        tpu.wait_indirect_dma semaphore(%run_scoped3A : memref<!tpu.dma_semaphore, #tpu.memory_space<semaphore_mem>>) src(%arg10 : memref<80x128xf32, #tpu.memory_space<vmem>>) dst(%dma_wait3A_200 : memref<10240x128xf32, #tpu.memory_space<vmem_shared>>)
        tpu.yield
      }) : () -> ()
      %add3A_186 = arith.constant 2 : i32
      %add3A_187 = arith.addi %add3A_177, %add3A_186 : i32
      %lt3A_188 = arith.constant 125 : i32
      %lt3A_189 = arith.cmpi slt, %add3A_187, %lt3A_188 : i32
      %convert_element_type3A_190 = arith.extui %lt3A_189 : i1 to i32
      %cond3A_191 = arith.constant 0 : i32
      %cond3A_192 = arith.cmpi ne, %convert_element_type3A_190, %cond3A_191 : i32
      scf.if %cond3A_192 {
        %add3A_193 = arith.constant 2 : i32
        %add3A_194 = arith.addi %add3A_177, %add3A_193 : i32
        %mul3A_195 = arith.constant 80 : i32
        %mul3A_196 = arith.muli %add3A_194, %mul3A_195 : i32
        %dma_start3A_197 = tpu.memref_slice %arg7[%mul3A_196] : memref<10000xi32, #tpu.memory_space<vmem>> -> memref<80xi32, #tpu.memory_space<vmem>>
        %dma_start3A_198 = arith.constant 0 : i32
        %dma_start3A_199 = arith.constant 0 : i32
        %dma_start3A_200 = tpu.memref_slice %arg2[%dma_start3A_198, %dma_start3A_199] : memref<10000x128xf32, #tpu.memory_space<hbm>> -> memref<10000x128xf32, #tpu.memory_space<hbm>>
        tpu.enqueue_indirect_dma source(%dma_start3A_200 : memref<10000x128xf32, #tpu.memory_space<hbm>>) target(%arg10 : memref<80x128xf32, #tpu.memory_space<vmem>>) offsets(%dma_start3A_197 : memref<80xi32, #tpu.memory_space<vmem>>) semaphore(%arg13 : memref<!tpu.dma_semaphore, #tpu.memory_space<semaphore_mem>>)
      } else {
      }
    }
    %scan3A_36 = arith.constant 62 : i32
    %dma_wait3A = arith.constant 9920 : i32
    %dma_wait3A_37 = tpu.memref_slice %arg7[%dma_wait3A] : memref<10000xi32, #tpu.memory_space<vmem>> -> memref<80xi32, #tpu.memory_space<vmem>>
    %dma_wait3A_38 = arith.constant 0 : i32
    %dma_wait3A_39 = arith.constant 0 : i32
    %dma_wait3A_40 = tpu.memref_slice %arg2[%dma_wait3A_38, %dma_wait3A_39] : memref<10000x128xf32, #tpu.memory_space<hbm>> -> memref<10000x128xf32, #tpu.memory_space<hbm>>
    tpu.wait_indirect_dma semaphore(%arg12 : memref<!tpu.dma_semaphore, #tpu.memory_space<semaphore_mem>>) src(%dma_wait3A_40 : memref<10000x128xf32, #tpu.memory_space<hbm>>) dst(%arg9 : memref<80x128xf32, #tpu.memory_space<vmem>>)
    "tpu.region"() ({
      %run_scoped3A = tpu.sem_alloc : memref<!tpu.dma_semaphore, #tpu.memory_space<semaphore_mem>>
      %dma_start3A_157 = arith.constant 9920 : i32
      %dma_start3A_158 = tpu.memref_slice %arg8[%dma_start3A_157] : memref<10000xi32, #tpu.memory_space<vmem>> -> memref<80xi32, #tpu.memory_space<vmem>>
      %dma_start3A_159 = arith.constant 0 : i32
      %dma_start3A_160 = arith.constant 0 : i32
      %dma_start3A_161 = tpu.memref_slice %arg11[%dma_start3A_159, %dma_start3A_160] : memref<10240x128xf32, #tpu.memory_space<vmem_shared>> -> memref<10240x128xf32, #tpu.memory_space<vmem_shared>>
      tpu.enqueue_indirect_dma source(%arg9 : memref<80x128xf32, #tpu.memory_space<vmem>>) target(%dma_start3A_161 : memref<10240x128xf32, #tpu.memory_space<vmem_shared>>) offsets(%dma_start3A_158 : memref<80xi32, #tpu.memory_space<vmem>>) semaphore(%run_scoped3A : memref<!tpu.dma_semaphore, #tpu.memory_space<semaphore_mem>>) {add = true}
      %dma_wait3A_162 = arith.constant 9920 : i32
      %dma_wait3A_163 = tpu.memref_slice %arg8[%dma_wait3A_162] : memref<10000xi32, #tpu.memory_space<vmem>> -> memref<80xi32, #tpu.memory_space<vmem>>
      %dma_wait3A_164 = arith.constant 0 : i32
      %dma_wait3A_165 = arith.constant 0 : i32
      %dma_wait3A_166 = tpu.memref_slice %arg11[%dma_wait3A_164, %dma_wait3A_165] : memref<10240x128xf32, #tpu.memory_space<vmem_shared>> -> memref<10240x128xf32, #tpu.memory_space<vmem_shared>>
      tpu.wait_indirect_dma semaphore(%run_scoped3A : memref<!tpu.dma_semaphore, #tpu.memory_space<semaphore_mem>>) src(%arg9 : memref<80x128xf32, #tpu.memory_space<vmem>>) dst(%dma_wait3A_166 : memref<10240x128xf32, #tpu.memory_space<vmem_shared>>)
      tpu.yield
    }) : () -> ()
    %barrier3A_41 = arith.constant 0 : index
    tpu.barrier barrier_id(%barrier3A_41)
    %mul3A_42 = arith.constant 10240 : i32
    %mul3A_43 = arith.muli %arg0, %mul3A_42 : i32
    %add3A_44 = arith.addi %mul3A_43, %mul3A_2 : i32
    %add3A_45 = arith.constant 0 : i32
    %add3A_46 = arith.addi %mul3A_2, %add3A_45 : i32
    "tpu.region"() ({
      %run_scoped3A = tpu.sem_alloc : memref<!tpu.dma_semaphore, #tpu.memory_space<semaphore_mem>>
      %dma_start3A_157 = arith.constant 0 : i32
      %dma_start3A_158 = tpu.memref_slice %arg11[%add3A_46, %dma_start3A_157] : memref<10240x128xf32, #tpu.memory_space<vmem_shared>> -> memref<80x128xf32, #tpu.memory_space<vmem_shared>>
      %dma_start3A_159 = arith.constant 0 : i32
      %dma_start3A_160 = tpu.memref_slice %arg11[%add3A_46, %dma_start3A_159] : memref<10240x128xf32, #tpu.memory_space<vmem_shared>> -> memref<80x128xf32, #tpu.memory_space<vmem_shared>>
      tpu.enqueue_dma source(%dma_start3A_160 : memref<80x128xf32, #tpu.memory_space<vmem_shared>>) target(%arg9 : memref<80x128xf32, #tpu.memory_space<vmem>>) target_semaphore(%run_scoped3A : memref<!tpu.dma_semaphore, #tpu.memory_space<semaphore_mem>>)
      %dma_wait3A_161 = arith.constant 0 : i32
      %dma_wait3A_162 = tpu.memref_slice %arg11[%add3A_46, %dma_wait3A_161] : memref<10240x128xf32, #tpu.memory_space<vmem_shared>> -> memref<80x128xf32, #tpu.memory_space<vmem_shared>>
      %dma_wait3A_163 = arith.constant 0 : i32
      %dma_wait3A_164 = tpu.memref_slice %arg11[%add3A_46, %dma_wait3A_163] : memref<10240x128xf32, #tpu.memory_space<vmem_shared>> -> memref<80x128xf32, #tpu.memory_space<vmem_shared>>
      tpu.wait_dma2 semaphore(%run_scoped3A : memref<!tpu.dma_semaphore, #tpu.memory_space<semaphore_mem>>) src(%dma_wait3A_164 : memref<80x128xf32, #tpu.memory_space<vmem_shared>>) dst(%arg9 : memref<80x128xf32, #tpu.memory_space<vmem>>)
      tpu.yield
    }) : () -> ()
    %add3A_47 = arith.constant 0 : i32
    %add3A_48 = arith.addi %add3A_44, %add3A_47 : i32
    %dma_start3A_49 = arith.constant 0 : i32
    %dma_start3A_50 = tpu.memref_slice %arg6[%add3A_48, %dma_start3A_49] : memref<20480x128xf32, #tpu.memory_space<hbm>> -> memref<80x128xf32, #tpu.memory_space<hbm>>
    %dma_start3A_51 = arith.constant 0 : i32
    %dma_start3A_52 = tpu.memref_slice %arg6[%add3A_48, %dma_start3A_51] : memref<20480x128xf32, #tpu.memory_space<hbm>> -> memref<80x128xf32, #tpu.memory_space<hbm>>
    tpu.enqueue_dma source(%arg9 : memref<80x128xf32, #tpu.memory_space<vmem>>) target(%dma_start3A_52 : memref<80x128xf32, #tpu.memory_space<hbm>>) target_semaphore(%arg12 : memref<!tpu.dma_semaphore, #tpu.memory_space<semaphore_mem>>)
    %add3A_53 = arith.constant 80 : i32
    %add3A_54 = arith.addi %mul3A_2, %add3A_53 : i32
    "tpu.region"() ({
      %run_scoped3A = tpu.sem_alloc : memref<!tpu.dma_semaphore, #tpu.memory_space<semaphore_mem>>
      %dma_start3A_157 = arith.constant 0 : i32
      %dma_start3A_158 = tpu.memref_slice %arg11[%add3A_54, %dma_start3A_157] : memref<10240x128xf32, #tpu.memory_space<vmem_shared>> -> memref<80x128xf32, #tpu.memory_space<vmem_shared>>
      %dma_start3A_159 = arith.constant 0 : i32
      %dma_start3A_160 = tpu.memref_slice %arg11[%add3A_54, %dma_start3A_159] : memref<10240x128xf32, #tpu.memory_space<vmem_shared>> -> memref<80x128xf32, #tpu.memory_space<vmem_shared>>
      tpu.enqueue_dma source(%dma_start3A_160 : memref<80x128xf32, #tpu.memory_space<vmem_shared>>) target(%arg10 : memref<80x128xf32, #tpu.memory_space<vmem>>) target_semaphore(%run_scoped3A : memref<!tpu.dma_semaphore, #tpu.memory_space<semaphore_mem>>)
      %dma_wait3A_161 = arith.constant 0 : i32
      %dma_wait3A_162 = tpu.memref_slice %arg11[%add3A_54, %dma_wait3A_161] : memref<10240x128xf32, #tpu.memory_space<vmem_shared>> -> memref<80x128xf32, #tpu.memory_space<vmem_shared>>
      %dma_wait3A_163 = arith.constant 0 : i32
      %dma_wait3A_164 = tpu.memref_slice %arg11[%add3A_54, %dma_wait3A_163] : memref<10240x128xf32, #tpu.memory_space<vmem_shared>> -> memref<80x128xf32, #tpu.memory_space<vmem_shared>>
      tpu.wait_dma2 semaphore(%run_scoped3A : memref<!tpu.dma_semaphore, #tpu.memory_space<semaphore_mem>>) src(%dma_wait3A_164 : memref<80x128xf32, #tpu.memory_space<vmem_shared>>) dst(%arg10 : memref<80x128xf32, #tpu.memory_space<vmem>>)
      tpu.yield
    }) : () -> ()
    %add3A_55 = arith.constant 80 : i32
    %add3A_56 = arith.addi %add3A_44, %add3A_55 : i32
    %dma_start3A_57 = arith.constant 0 : i32
    %dma_start3A_58 = tpu.memref_slice %arg6[%add3A_56, %dma_start3A_57] : memref<20480x128xf32, #tpu.memory_space<hbm>> -> memref<80x128xf32, #tpu.memory_space<hbm>>
    %dma_start3A_59 = arith.constant 0 : i32
    %dma_start3A_60 = tpu.memref_slice %arg6[%add3A_56, %dma_start3A_59] : memref<20480x128xf32, #tpu.memory_space<hbm>> -> memref<80x128xf32, #tpu.memory_space<hbm>>
    tpu.enqueue_dma source(%arg10 : memref<80x128xf32, #tpu.memory_space<vmem>>) target(%dma_start3A_60 : memref<80x128xf32, #tpu.memory_space<hbm>>) target_semaphore(%arg13 : memref<!tpu.dma_semaphore, #tpu.memory_space<semaphore_mem>>)
    %add3A_61 = arith.constant 0 : i32
    %add3A_62 = arith.addi %add3A_44, %add3A_61 : i32
    %dma_wait3A_63 = arith.constant 0 : i32
    %dma_wait3A_64 = tpu.memref_slice %arg6[%add3A_62, %dma_wait3A_63] : memref<20480x128xf32, #tpu.memory_space<hbm>> -> memref<80x128xf32, #tpu.memory_space<hbm>>
    %dma_wait3A_65 = arith.constant 0 : i32
    %dma_wait3A_66 = tpu.memref_slice %arg6[%add3A_62, %dma_wait3A_65] : memref<20480x128xf32, #tpu.memory_space<hbm>> -> memref<80x128xf32, #tpu.memory_space<hbm>>
    tpu.wait_dma2 semaphore(%arg12 : memref<!tpu.dma_semaphore, #tpu.memory_space<semaphore_mem>>) src(%arg9 : memref<80x128xf32, #tpu.memory_space<vmem>>) dst(%dma_wait3A_66 : memref<80x128xf32, #tpu.memory_space<hbm>>)
    %add3A_67 = arith.constant 160 : i32
    %add3A_68 = arith.addi %mul3A_2, %add3A_67 : i32
    "tpu.region"() ({
      %run_scoped3A = tpu.sem_alloc : memref<!tpu.dma_semaphore, #tpu.memory_space<semaphore_mem>>
      %dma_start3A_157 = arith.constant 0 : i32
      %dma_start3A_158 = tpu.memref_slice %arg11[%add3A_68, %dma_start3A_157] : memref<10240x128xf32, #tpu.memory_space<vmem_shared>> -> memref<80x128xf32, #tpu.memory_space<vmem_shared>>
      %dma_start3A_159 = arith.constant 0 : i32
      %dma_start3A_160 = tpu.memref_slice %arg11[%add3A_68, %dma_start3A_159] : memref<10240x128xf32, #tpu.memory_space<vmem_shared>> -> memref<80x128xf32, #tpu.memory_space<vmem_shared>>
      tpu.enqueue_dma source(%dma_start3A_160 : memref<80x128xf32, #tpu.memory_space<vmem_shared>>) target(%arg9 : memref<80x128xf32, #tpu.memory_space<vmem>>) target_semaphore(%run_scoped3A : memref<!tpu.dma_semaphore, #tpu.memory_space<semaphore_mem>>)
      %dma_wait3A_161 = arith.constant 0 : i32
      %dma_wait3A_162 = tpu.memref_slice %arg11[%add3A_68, %dma_wait3A_161] : memref<10240x128xf32, #tpu.memory_space<vmem_shared>> -> memref<80x128xf32, #tpu.memory_space<vmem_shared>>
      %dma_wait3A_163 = arith.constant 0 : i32
      %dma_wait3A_164 = tpu.memref_slice %arg11[%add3A_68, %dma_wait3A_163] : memref<10240x128xf32, #tpu.memory_space<vmem_shared>> -> memref<80x128xf32, #tpu.memory_space<vmem_shared>>
      tpu.wait_dma2 semaphore(%run_scoped3A : memref<!tpu.dma_semaphore, #tpu.memory_space<semaphore_mem>>) src(%dma_wait3A_164 : memref<80x128xf32, #tpu.memory_space<vmem_shared>>) dst(%arg9 : memref<80x128xf32, #tpu.memory_space<vmem>>)
      tpu.yield
    }) : () -> ()
    %add3A_69 = arith.constant 160 : i32
    %add3A_70 = arith.addi %add3A_44, %add3A_69 : i32
    %dma_start3A_71 = arith.constant 0 : i32
    %dma_start3A_72 = tpu.memref_slice %arg6[%add3A_70, %dma_start3A_71] : memref<20480x128xf32, #tpu.memory_space<hbm>> -> memref<80x128xf32, #tpu.memory_space<hbm>>
    %dma_start3A_73 = arith.constant 0 : i32
    %dma_start3A_74 = tpu.memref_slice %arg6[%add3A_70, %dma_start3A_73] : memref<20480x128xf32, #tpu.memory_space<hbm>> -> memref<80x128xf32, #tpu.memory_space<hbm>>
    tpu.enqueue_dma source(%arg9 : memref<80x128xf32, #tpu.memory_space<vmem>>) target(%dma_start3A_74 : memref<80x128xf32, #tpu.memory_space<hbm>>) target_semaphore(%arg12 : memref<!tpu.dma_semaphore, #tpu.memory_space<semaphore_mem>>)
    %add3A_75 = arith.constant 80 : i32
    %add3A_76 = arith.addi %add3A_44, %add3A_75 : i32
    %dma_wait3A_77 = arith.constant 0 : i32
    %dma_wait3A_78 = tpu.memref_slice %arg6[%add3A_76, %dma_wait3A_77] : memref<20480x128xf32, #tpu.memory_space<hbm>> -> memref<80x128xf32, #tpu.memory_space<hbm>>
    %dma_wait3A_79 = arith.constant 0 : i32
    %dma_wait3A_80 = tpu.memref_slice %arg6[%add3A_76, %dma_wait3A_79] : memref<20480x128xf32, #tpu.memory_space<hbm>> -> memref<80x128xf32, #tpu.memory_space<hbm>>
    tpu.wait_dma2 semaphore(%arg13 : memref<!tpu.dma_semaphore, #tpu.memory_space<semaphore_mem>>) src(%arg10 : memref<80x128xf32, #tpu.memory_space<vmem>>) dst(%dma_wait3A_80 : memref<80x128xf32, #tpu.memory_space<hbm>>)
    %add3A_81 = arith.constant 240 : i32
    %add3A_82 = arith.addi %mul3A_2, %add3A_81 : i32
    "tpu.region"() ({
      %run_scoped3A = tpu.sem_alloc : memref<!tpu.dma_semaphore, #tpu.memory_space<semaphore_mem>>
      %dma_start3A_157 = arith.constant 0 : i32
      %dma_start3A_158 = tpu.memref_slice %arg11[%add3A_82, %dma_start3A_157] : memref<10240x128xf32, #tpu.memory_space<vmem_shared>> -> memref<80x128xf32, #tpu.memory_space<vmem_shared>>
      %dma_start3A_159 = arith.constant 0 : i32
      %dma_start3A_160 = tpu.memref_slice %arg11[%add3A_82, %dma_start3A_159] : memref<10240x128xf32, #tpu.memory_space<vmem_shared>> -> memref<80x128xf32, #tpu.memory_space<vmem_shared>>
      tpu.enqueue_dma source(%dma_start3A_160 : memref<80x128xf32, #tpu.memory_space<vmem_shared>>) target(%arg10 : memref<80x128xf32, #tpu.memory_space<vmem>>) target_semaphore(%run_scoped3A : memref<!tpu.dma_semaphore, #tpu.memory_space<semaphore_mem>>)
      %dma_wait3A_161 = arith.constant 0 : i32
      %dma_wait3A_162 = tpu.memref_slice %arg11[%add3A_82, %dma_wait3A_161] : memref<10240x128xf32, #tpu.memory_space<vmem_shared>> -> memref<80x128xf32, #tpu.memory_space<vmem_shared>>
      %dma_wait3A_163 = arith.constant 0 : i32
      %dma_wait3A_164 = tpu.memref_slice %arg11[%add3A_82, %dma_wait3A_163] : memref<10240x128xf32, #tpu.memory_space<vmem_shared>> -> memref<80x128xf32, #tpu.memory_space<vmem_shared>>
      tpu.wait_dma2 semaphore(%run_scoped3A : memref<!tpu.dma_semaphore, #tpu.memory_space<semaphore_mem>>) src(%dma_wait3A_164 : memref<80x128xf32, #tpu.memory_space<vmem_shared>>) dst(%arg10 : memref<80x128xf32, #tpu.memory_space<vmem>>)
      tpu.yield
    }) : () -> ()
    %add3A_83 = arith.constant 240 : i32
    %add3A_84 = arith.addi %add3A_44, %add3A_83 : i32
    %dma_start3A_85 = arith.constant 0 : i32
    %dma_start3A_86 = tpu.memref_slice %arg6[%add3A_84, %dma_start3A_85] : memref<20480x128xf32, #tpu.memory_space<hbm>> -> memref<80x128xf32, #tpu.memory_space<hbm>>
    %dma_start3A_87 = arith.constant 0 : i32
    %dma_start3A_88 = tpu.memref_slice %arg6[%add3A_84, %dma_start3A_87] : memref<20480x128xf32, #tpu.memory_space<hbm>> -> memref<80x128xf32, #tpu.memory_space<hbm>>
    tpu.enqueue_dma source(%arg10 : memref<80x128xf32, #tpu.memory_space<vmem>>) target(%dma_start3A_88 : memref<80x128xf32, #tpu.memory_space<hbm>>) target_semaphore(%arg13 : memref<!tpu.dma_semaphore, #tpu.memory_space<semaphore_mem>>)
    %add3A_89 = arith.constant 160 : i32
    %add3A_90 = arith.addi %add3A_44, %add3A_89 : i32
    %dma_wait3A_91 = arith.constant 0 : i32
    %dma_wait3A_92 = tpu.memref_slice %arg6[%add3A_90, %dma_wait3A_91] : memref<20480x128xf32, #tpu.memory_space<hbm>> -> memref<80x128xf32, #tpu.memory_space<hbm>>
    %dma_wait3A_93 = arith.constant 0 : i32
    %dma_wait3A_94 = tpu.memref_slice %arg6[%add3A_90, %dma_wait3A_93] : memref<20480x128xf32, #tpu.memory_space<hbm>> -> memref<80x128xf32, #tpu.memory_space<hbm>>
    tpu.wait_dma2 semaphore(%arg12 : memref<!tpu.dma_semaphore, #tpu.memory_space<semaphore_mem>>) src(%arg9 : memref<80x128xf32, #tpu.memory_space<vmem>>) dst(%dma_wait3A_94 : memref<80x128xf32, #tpu.memory_space<hbm>>)
    %add3A_95 = arith.constant 320 : i32
    %add3A_96 = arith.addi %mul3A_2, %add3A_95 : i32
    "tpu.region"() ({
      %run_scoped3A = tpu.sem_alloc : memref<!tpu.dma_semaphore, #tpu.memory_space<semaphore_mem>>
      %dma_start3A_157 = arith.constant 0 : i32
      %dma_start3A_158 = tpu.memref_slice %arg11[%add3A_96, %dma_start3A_157] : memref<10240x128xf32, #tpu.memory_space<vmem_shared>> -> memref<80x128xf32, #tpu.memory_space<vmem_shared>>
      %dma_start3A_159 = arith.constant 0 : i32
      %dma_start3A_160 = tpu.memref_slice %arg11[%add3A_96, %dma_start3A_159] : memref<10240x128xf32, #tpu.memory_space<vmem_shared>> -> memref<80x128xf32, #tpu.memory_space<vmem_shared>>
      tpu.enqueue_dma source(%dma_start3A_160 : memref<80x128xf32, #tpu.memory_space<vmem_shared>>) target(%arg9 : memref<80x128xf32, #tpu.memory_space<vmem>>) target_semaphore(%run_scoped3A : memref<!tpu.dma_semaphore, #tpu.memory_space<semaphore_mem>>)
      %dma_wait3A_161 = arith.constant 0 : i32
      %dma_wait3A_162 = tpu.memref_slice %arg11[%add3A_96, %dma_wait3A_161] : memref<10240x128xf32, #tpu.memory_space<vmem_shared>> -> memref<80x128xf32, #tpu.memory_space<vmem_shared>>
      %dma_wait3A_163 = arith.constant 0 : i32
      %dma_wait3A_164 = tpu.memref_slice %arg11[%add3A_96, %dma_wait3A_163] : memref<10240x128xf32, #tpu.memory_space<vmem_shared>> -> memref<80x128xf32, #tpu.memory_space<vmem_shared>>
      tpu.wait_dma2 semaphore(%run_scoped3A : memref<!tpu.dma_semaphore, #tpu.memory_space<semaphore_mem>>) src(%dma_wait3A_164 : memref<80x128xf32, #tpu.memory_space<vmem_shared>>) dst(%arg9 : memref<80x128xf32, #tpu.memory_space<vmem>>)
      tpu.yield
    }) : () -> ()
    %add3A_97 = arith.constant 320 : i32
    %add3A_98 = arith.addi %add3A_44, %add3A_97 : i32
    %dma_start3A_99 = arith.constant 0 : i32
    %dma_start3A_100 = tpu.memref_slice %arg6[%add3A_98, %dma_start3A_99] : memref<20480x128xf32, #tpu.memory_space<hbm>> -> memref<80x128xf32, #tpu.memory_space<hbm>>
    %dma_start3A_101 = arith.constant 0 : i32
    %dma_start3A_102 = tpu.memref_slice %arg6[%add3A_98, %dma_start3A_101] : memref<20480x128xf32, #tpu.memory_space<hbm>> -> memref<80x128xf32, #tpu.memory_space<hbm>>
    tpu.enqueue_dma source(%arg9 : memref<80x128xf32, #tpu.memory_space<vmem>>) target(%dma_start3A_102 : memref<80x128xf32, #tpu.memory_space<hbm>>) target_semaphore(%arg12 : memref<!tpu.dma_semaphore, #tpu.memory_space<semaphore_mem>>)
    %add3A_103 = arith.constant 240 : i32
    %add3A_104 = arith.addi %add3A_44, %add3A_103 : i32
    %dma_wait3A_105 = arith.constant 0 : i32
    %dma_wait3A_106 = tpu.memref_slice %arg6[%add3A_104, %dma_wait3A_105] : memref<20480x128xf32, #tpu.memory_space<hbm>> -> memref<80x128xf32, #tpu.memory_space<hbm>>
    %dma_wait3A_107 = arith.constant 0 : i32
    %dma_wait3A_108 = tpu.memref_slice %arg6[%add3A_104, %dma_wait3A_107] : memref<20480x128xf32, #tpu.memory_space<hbm>> -> memref<80x128xf32, #tpu.memory_space<hbm>>
    tpu.wait_dma2 semaphore(%arg13 : memref<!tpu.dma_semaphore, #tpu.memory_space<semaphore_mem>>) src(%arg10 : memref<80x128xf32, #tpu.memory_space<vmem>>) dst(%dma_wait3A_108 : memref<80x128xf32, #tpu.memory_space<hbm>>)
    %add3A_109 = arith.constant 400 : i32
    %add3A_110 = arith.addi %mul3A_2, %add3A_109 : i32
    "tpu.region"() ({
      %run_scoped3A = tpu.sem_alloc : memref<!tpu.dma_semaphore, #tpu.memory_space<semaphore_mem>>
      %dma_start3A_157 = arith.constant 0 : i32
      %dma_start3A_158 = tpu.memref_slice %arg11[%add3A_110, %dma_start3A_157] : memref<10240x128xf32, #tpu.memory_space<vmem_shared>> -> memref<80x128xf32, #tpu.memory_space<vmem_shared>>
      %dma_start3A_159 = arith.constant 0 : i32
      %dma_start3A_160 = tpu.memref_slice %arg11[%add3A_110, %dma_start3A_159] : memref<10240x128xf32, #tpu.memory_space<vmem_shared>> -> memref<80x128xf32, #tpu.memory_space<vmem_shared>>
      tpu.enqueue_dma source(%dma_start3A_160 : memref<80x128xf32, #tpu.memory_space<vmem_shared>>) target(%arg10 : memref<80x128xf32, #tpu.memory_space<vmem>>) target_semaphore(%run_scoped3A : memref<!tpu.dma_semaphore, #tpu.memory_space<semaphore_mem>>)
      %dma_wait3A_161 = arith.constant 0 : i32
      %dma_wait3A_162 = tpu.memref_slice %arg11[%add3A_110, %dma_wait3A_161] : memref<10240x128xf32, #tpu.memory_space<vmem_shared>> -> memref<80x128xf32, #tpu.memory_space<vmem_shared>>
      %dma_wait3A_163 = arith.constant 0 : i32
      %dma_wait3A_164 = tpu.memref_slice %arg11[%add3A_110, %dma_wait3A_163] : memref<10240x128xf32, #tpu.memory_space<vmem_shared>> -> memref<80x128xf32, #tpu.memory_space<vmem_shared>>
      tpu.wait_dma2 semaphore(%run_scoped3A : memref<!tpu.dma_semaphore, #tpu.memory_space<semaphore_mem>>) src(%dma_wait3A_164 : memref<80x128xf32, #tpu.memory_space<vmem_shared>>) dst(%arg10 : memref<80x128xf32, #tpu.memory_space<vmem>>)
      tpu.yield
    }) : () -> ()
    %add3A_111 = arith.constant 400 : i32
    %add3A_112 = arith.addi %add3A_44, %add3A_111 : i32
    %dma_start3A_113 = arith.constant 0 : i32
    %dma_start3A_114 = tpu.memref_slice %arg6[%add3A_112, %dma_start3A_113] : memref<20480x128xf32, #tpu.memory_space<hbm>> -> memref<80x128xf32, #tpu.memory_space<hbm>>
    %dma_start3A_115 = arith.constant 0 : i32
    %dma_start3A_116 = tpu.memref_slice %arg6[%add3A_112, %dma_start3A_115] : memref<20480x128xf32, #tpu.memory_space<hbm>> -> memref<80x128xf32, #tpu.memory_space<hbm>>
    tpu.enqueue_dma source(%arg10 : memref<80x128xf32, #tpu.memory_space<vmem>>) target(%dma_start3A_116 : memref<80x128xf32, #tpu.memory_space<hbm>>) target_semaphore(%arg13 : memref<!tpu.dma_semaphore, #tpu.memory_space<semaphore_mem>>)
    %add3A_117 = arith.constant 320 : i32
    %add3A_118 = arith.addi %add3A_44, %add3A_117 : i32
    %dma_wait3A_119 = arith.constant 0 : i32
    %dma_wait3A_120 = tpu.memref_slice %arg6[%add3A_118, %dma_wait3A_119] : memref<20480x128xf32, #tpu.memory_space<hbm>> -> memref<80x128xf32, #tpu.memory_space<hbm>>
    %dma_wait3A_121 = arith.constant 0 : i32
    %dma_wait3A_122 = tpu.memref_slice %arg6[%add3A_118, %dma_wait3A_121] : memref<20480x128xf32, #tpu.memory_space<hbm>> -> memref<80x128xf32, #tpu.memory_space<hbm>>
    tpu.wait_dma2 semaphore(%arg12 : memref<!tpu.dma_semaphore, #tpu.memory_space<semaphore_mem>>) src(%arg9 : memref<80x128xf32, #tpu.memory_space<vmem>>) dst(%dma_wait3A_122 : memref<80x128xf32, #tpu.memory_space<hbm>>)
    %add3A_123 = arith.constant 480 : i32
    %add3A_124 = arith.addi %mul3A_2, %add3A_123 : i32
    "tpu.region"() ({
      %run_scoped3A = tpu.sem_alloc : memref<!tpu.dma_semaphore, #tpu.memory_space<semaphore_mem>>
      %dma_start3A_157 = arith.constant 0 : i32
      %dma_start3A_158 = tpu.memref_slice %arg11[%add3A_124, %dma_start3A_157] : memref<10240x128xf32, #tpu.memory_space<vmem_shared>> -> memref<80x128xf32, #tpu.memory_space<vmem_shared>>
      %dma_start3A_159 = arith.constant 0 : i32
      %dma_start3A_160 = tpu.memref_slice %arg11[%add3A_124, %dma_start3A_159] : memref<10240x128xf32, #tpu.memory_space<vmem_shared>> -> memref<80x128xf32, #tpu.memory_space<vmem_shared>>
      tpu.enqueue_dma source(%dma_start3A_160 : memref<80x128xf32, #tpu.memory_space<vmem_shared>>) target(%arg9 : memref<80x128xf32, #tpu.memory_space<vmem>>) target_semaphore(%run_scoped3A : memref<!tpu.dma_semaphore, #tpu.memory_space<semaphore_mem>>)
      %dma_wait3A_161 = arith.constant 0 : i32
      %dma_wait3A_162 = tpu.memref_slice %arg11[%add3A_124, %dma_wait3A_161] : memref<10240x128xf32, #tpu.memory_space<vmem_shared>> -> memref<80x128xf32, #tpu.memory_space<vmem_shared>>
      %dma_wait3A_163 = arith.constant 0 : i32
      %dma_wait3A_164 = tpu.memref_slice %arg11[%add3A_124, %dma_wait3A_163] : memref<10240x128xf32, #tpu.memory_space<vmem_shared>> -> memref<80x128xf32, #tpu.memory_space<vmem_shared>>
      tpu.wait_dma2 semaphore(%run_scoped3A : memref<!tpu.dma_semaphore, #tpu.memory_space<semaphore_mem>>) src(%dma_wait3A_164 : memref<80x128xf32, #tpu.memory_space<vmem_shared>>) dst(%arg9 : memref<80x128xf32, #tpu.memory_space<vmem>>)
      tpu.yield
    }) : () -> ()
    %add3A_125 = arith.constant 480 : i32
    %add3A_126 = arith.addi %add3A_44, %add3A_125 : i32
    %dma_start3A_127 = arith.constant 0 : i32
    %dma_start3A_128 = tpu.memref_slice %arg6[%add3A_126, %dma_start3A_127] : memref<20480x128xf32, #tpu.memory_space<hbm>> -> memref<80x128xf32, #tpu.memory_space<hbm>>
    %dma_start3A_129 = arith.constant 0 : i32
    %dma_start3A_130 = tpu.memref_slice %arg6[%add3A_126, %dma_start3A_129] : memref<20480x128xf32, #tpu.memory_space<hbm>> -> memref<80x128xf32, #tpu.memory_space<hbm>>
    tpu.enqueue_dma source(%arg9 : memref<80x128xf32, #tpu.memory_space<vmem>>) target(%dma_start3A_130 : memref<80x128xf32, #tpu.memory_space<hbm>>) target_semaphore(%arg12 : memref<!tpu.dma_semaphore, #tpu.memory_space<semaphore_mem>>)
    %add3A_131 = arith.constant 400 : i32
    %add3A_132 = arith.addi %add3A_44, %add3A_131 : i32
    %dma_wait3A_133 = arith.constant 0 : i32
    %dma_wait3A_134 = tpu.memref_slice %arg6[%add3A_132, %dma_wait3A_133] : memref<20480x128xf32, #tpu.memory_space<hbm>> -> memref<80x128xf32, #tpu.memory_space<hbm>>
    %dma_wait3A_135 = arith.constant 0 : i32
    %dma_wait3A_136 = tpu.memref_slice %arg6[%add3A_132, %dma_wait3A_135] : memref<20480x128xf32, #tpu.memory_space<hbm>> -> memref<80x128xf32, #tpu.memory_space<hbm>>
    tpu.wait_dma2 semaphore(%arg13 : memref<!tpu.dma_semaphore, #tpu.memory_space<semaphore_mem>>) src(%arg10 : memref<80x128xf32, #tpu.memory_space<vmem>>) dst(%dma_wait3A_136 : memref<80x128xf32, #tpu.memory_space<hbm>>)
    %add3A_137 = arith.constant 560 : i32
    %add3A_138 = arith.addi %mul3A_2, %add3A_137 : i32
    "tpu.region"() ({
      %run_scoped3A = tpu.sem_alloc : memref<!tpu.dma_semaphore, #tpu.memory_space<semaphore_mem>>
      %dma_start3A_157 = arith.constant 0 : i32
      %dma_start3A_158 = tpu.memref_slice %arg11[%add3A_138, %dma_start3A_157] : memref<10240x128xf32, #tpu.memory_space<vmem_shared>> -> memref<80x128xf32, #tpu.memory_space<vmem_shared>>
      %dma_start3A_159 = arith.constant 0 : i32
      %dma_start3A_160 = tpu.memref_slice %arg11[%add3A_138, %dma_start3A_159] : memref<10240x128xf32, #tpu.memory_space<vmem_shared>> -> memref<80x128xf32, #tpu.memory_space<vmem_shared>>
      tpu.enqueue_dma source(%dma_start3A_160 : memref<80x128xf32, #tpu.memory_space<vmem_shared>>) target(%arg10 : memref<80x128xf32, #tpu.memory_space<vmem>>) target_semaphore(%run_scoped3A : memref<!tpu.dma_semaphore, #tpu.memory_space<semaphore_mem>>)
      %dma_wait3A_161 = arith.constant 0 : i32
      %dma_wait3A_162 = tpu.memref_slice %arg11[%add3A_138, %dma_wait3A_161] : memref<10240x128xf32, #tpu.memory_space<vmem_shared>> -> memref<80x128xf32, #tpu.memory_space<vmem_shared>>
      %dma_wait3A_163 = arith.constant 0 : i32
      %dma_wait3A_164 = tpu.memref_slice %arg11[%add3A_138, %dma_wait3A_163] : memref<10240x128xf32, #tpu.memory_space<vmem_shared>> -> memref<80x128xf32, #tpu.memory_space<vmem_shared>>
      tpu.wait_dma2 semaphore(%run_scoped3A : memref<!tpu.dma_semaphore, #tpu.memory_space<semaphore_mem>>) src(%dma_wait3A_164 : memref<80x128xf32, #tpu.memory_space<vmem_shared>>) dst(%arg10 : memref<80x128xf32, #tpu.memory_space<vmem>>)
      tpu.yield
    }) : () -> ()
    %add3A_139 = arith.constant 560 : i32
    %add3A_140 = arith.addi %add3A_44, %add3A_139 : i32
    %dma_start3A_141 = arith.constant 0 : i32
    %dma_start3A_142 = tpu.memref_slice %arg6[%add3A_140, %dma_start3A_141] : memref<20480x128xf32, #tpu.memory_space<hbm>> -> memref<80x128xf32, #tpu.memory_space<hbm>>
    %dma_start3A_143 = arith.constant 0 : i32
    %dma_start3A_144 = tpu.memref_slice %arg6[%add3A_140, %dma_start3A_143] : memref<20480x128xf32, #tpu.memory_space<hbm>> -> memref<80x128xf32, #tpu.memory_space<hbm>>
    tpu.enqueue_dma source(%arg10 : memref<80x128xf32, #tpu.memory_space<vmem>>) target(%dma_start3A_144 : memref<80x128xf32, #tpu.memory_space<hbm>>) target_semaphore(%arg13 : memref<!tpu.dma_semaphore, #tpu.memory_space<semaphore_mem>>)
    %add3A_145 = arith.constant 480 : i32
    %add3A_146 = arith.addi %add3A_44, %add3A_145 : i32
    %dma_wait3A_147 = arith.constant 0 : i32
    %dma_wait3A_148 = tpu.memref_slice %arg6[%add3A_146, %dma_wait3A_147] : memref<20480x128xf32, #tpu.memory_space<hbm>> -> memref<80x128xf32, #tpu.memory_space<hbm>>
    %dma_wait3A_149 = arith.constant 0 : i32
    %dma_wait3A_150 = tpu.memref_slice %arg6[%add3A_146, %dma_wait3A_149] : memref<20480x128xf32, #tpu.memory_space<hbm>> -> memref<80x128xf32, #tpu.memory_space<hbm>>
    tpu.wait_dma2 semaphore(%arg12 : memref<!tpu.dma_semaphore, #tpu.memory_space<semaphore_mem>>) src(%arg9 : memref<80x128xf32, #tpu.memory_space<vmem>>) dst(%dma_wait3A_150 : memref<80x128xf32, #tpu.memory_space<hbm>>)
    %add3A_151 = arith.constant 560 : i32
    %add3A_152 = arith.addi %add3A_44, %add3A_151 : i32
    %dma_wait3A_153 = arith.constant 0 : i32
    %dma_wait3A_154 = tpu.memref_slice %arg6[%add3A_152, %dma_wait3A_153] : memref<20480x128xf32, #tpu.memory_space<hbm>> -> memref<80x128xf32, #tpu.memory_space<hbm>>
    %dma_wait3A_155 = arith.constant 0 : i32
    %dma_wait3A_156 = tpu.memref_slice %arg6[%add3A_152, %dma_wait3A_155] : memref<20480x128xf32, #tpu.memory_space<hbm>> -> memref<80x128xf32, #tpu.memory_space<hbm>>
    tpu.wait_dma2 semaphore(%arg13 : memref<!tpu.dma_semaphore, #tpu.memory_space<semaphore_mem>>) src(%arg10 : memref<80x128xf32, #tpu.memory_space<vmem>>) dst(%dma_wait3A_156 : memref<80x128xf32, #tpu.memory_space<hbm>>)
    return
  }
}

module attributes {stable_mosaic.version = 14 : i64} {
  func.func @_linear_body(%arg0: i32, %arg1: memref<2x1000x128xf32, #tpu.memory_space<vmem>>, %arg2: memref<1000x1xf32, #tpu.memory_space<vmem>>, %arg3: memref<1000x128xf32, #tpu.memory_space<vmem>>, %arg4: memref<128x128xf32, #tpu.memory_space<vmem>>, %arg5: memref<128x128xf32, #tpu.memory_space<vmem>>, %arg6: memref<1x128xf32, #tpu.memory_space<vmem>>, %arg7: memref<1000x128xf32, #tpu.memory_space<vmem>>) attributes {dimension_semantics = [#tpu.dimension_semantics<arbitrary>], iteration_bounds = array<i64: 10>, scalar_prefetch = 0 : i64, scratch_operands = 0 : i64, tpu.core_type = #tpu.core_type<tc>, window_params = [{transform_indices = @transform_0, window_bounds = array<i64: 2, 1000, 128>}, {transform_indices = @transform_1, window_bounds = array<i64: 1000, 1>}, {transform_indices = @transform_2, window_bounds = array<i64: 1000, 128>}, {pipeline_mode = #tpu.pipeline_mode<synchronous>, transform_indices = @transform_3, window_bounds = array<i64: 128, 128>}, {pipeline_mode = #tpu.pipeline_mode<synchronous>, transform_indices = @transform_4, window_bounds = array<i64: 128, 128>}, {pipeline_mode = #tpu.pipeline_mode<synchronous>, transform_indices = @transform_5, window_bounds = array<i64: 1, 128>}, {transform_indices = @transform_6, window_bounds = array<i64: 1000, 128>}]} {
    %get3A = arith.constant 0 : index
    %get3A_0 = arith.constant 0 : index
    %get3A_1 = arith.constant 0 : index
    %get3A_2 = vector.load %arg1[%get3A, %get3A_0, %get3A_1] : memref<2x1000x128xf32, #tpu.memory_space<vmem>>, vector<1x1000x128xf32>
    %get3A_3 = vector.shape_cast %get3A_2 : vector<1x1000x128xf32> to vector<1000x128xf32>
    %get3A_4 = arith.constant 1 : index
    %get3A_5 = arith.constant 0 : index
    %get3A_6 = arith.constant 0 : index
    %get3A_7 = vector.load %arg1[%get3A_4, %get3A_5, %get3A_6] : memref<2x1000x128xf32, #tpu.memory_space<vmem>>, vector<1x1000x128xf32>
    %get3A_8 = vector.shape_cast %get3A_7 : vector<1x1000x128xf32> to vector<1000x128xf32>
    %add3A = arith.addf %get3A_3, %get3A_8 : vector<1000x128xf32>
    %get3A_9 = arith.constant 0 : index
    %get3A_10 = arith.constant 0 : index
    %get3A_11 = vector.load %arg2[%get3A_9, %get3A_10] : memref<1000x1xf32, #tpu.memory_space<vmem>>, vector<1000x1xf32>
    %mul3A = vector.broadcast %get3A_11 : vector<1000x1xf32> to vector<1000x128xf32>
    %mul3A_12 = arith.mulf %add3A, %mul3A : vector<1000x128xf32>
    %get3A_13 = arith.constant 0 : index
    %get3A_14 = arith.constant 0 : index
    %get3A_15 = vector.load %arg4[%get3A_13, %get3A_14] : memref<128x128xf32, #tpu.memory_space<vmem>>, vector<128x128xf32>
    %dot_general3A = arith.constant dense<0.000000e+00> : vector<1000x128xf32>
    %dot_general3A_16 = tpu.matmul %mul3A_12, %get3A_15, %dot_general3A {dimension_numbers = #tpu.dot_dimension_numbers<[1], [0], [0], [1], [0, 0, 1, 1], [], []>, transpose_lhs_hint = false} : vector<1000x128xf32>, vector<128x128xf32>, vector<1000x128xf32> -> vector<1000x128xf32>
    %get3A_17 = arith.constant 0 : index
    %get3A_18 = arith.constant 0 : index
    %get3A_19 = vector.load %arg3[%get3A_17, %get3A_18] : memref<1000x128xf32, #tpu.memory_space<vmem>>, vector<1000x128xf32>
    %get3A_20 = arith.constant 0 : index
    %get3A_21 = arith.constant 0 : index
    %get3A_22 = vector.load %arg5[%get3A_20, %get3A_21] : memref<128x128xf32, #tpu.memory_space<vmem>>, vector<128x128xf32>
    %dot_general3A_23 = arith.constant dense<0.000000e+00> : vector<1000x128xf32>
    %dot_general3A_24 = tpu.matmul %get3A_19, %get3A_22, %dot_general3A_23 {dimension_numbers = #tpu.dot_dimension_numbers<[1], [0], [0], [1], [0, 0, 1, 1], [], []>, transpose_lhs_hint = false} : vector<1000x128xf32>, vector<128x128xf32>, vector<1000x128xf32> -> vector<1000x128xf32>
    %add3A_25 = arith.addf %dot_general3A_16, %dot_general3A_24 : vector<1000x128xf32>
    %get3A_26 = arith.constant 0 : index
    %get3A_27 = arith.constant 0 : index
    %get3A_28 = vector.load %arg6[%get3A_26, %get3A_27] : memref<1x128xf32, #tpu.memory_space<vmem>>, vector<1x128xf32>
    %add3A_29 = vector.broadcast %get3A_28 : vector<1x128xf32> to vector<1000x128xf32>
    %add3A_30 = arith.addf %add3A_25, %add3A_29 : vector<1000x128xf32>
    %max3A = arith.constant 0.000000e+00 : f32
    %max3A_31 = vector.broadcast %max3A : f32 to vector<1000x128xf32>
    %max3A_32 = arith.maximumf %add3A_30, %max3A_31 : vector<1000x128xf32>
    %swap3A = arith.constant 0 : index
    %swap3A_33 = arith.constant 0 : index
    %swap3A_34 = vector.load %arg7[%swap3A, %swap3A_33] : memref<1000x128xf32, #tpu.memory_space<vmem>>, vector<1000x128xf32>
    tpu.vector_store %arg7[%swap3A, %swap3A_33], %max3A_32 {strides = array<i32>} : memref<1000x128xf32, #tpu.memory_space<vmem>>, vector<1000x128xf32>,
    return
  }
  func.func @transform_0(%arg0: i32) -> (i32, i32, i32) {
    %c0_i32 = arith.constant 0 : i32
    %c0_i32_0 = arith.constant 0 : i32
    %c0_i32_1 = arith.constant 0 : i32
    return %c0_i32, %arg0, %c0_i32_0 : i32, i32, i32
  }
  func.func @transform_1(%arg0: i32) -> (i32, i32) {
    %c0_i32 = arith.constant 0 : i32
    %c0_i32_0 = arith.constant 0 : i32
    return %arg0, %c0_i32 : i32, i32
  }
  func.func @transform_2(%arg0: i32) -> (i32, i32) {
    %c0_i32 = arith.constant 0 : i32
    %c0_i32_0 = arith.constant 0 : i32
    return %arg0, %c0_i32 : i32, i32
  }
  func.func @transform_3(%arg0: i32) -> (i32, i32) {
    %c0_i32 = arith.constant 0 : i32
    %c0_i32_0 = arith.constant 0 : i32
    %c0_i32_1 = arith.constant 0 : i32
    return %c0_i32, %c0_i32_0 : i32, i32
  }
  func.func @transform_4(%arg0: i32) -> (i32, i32) {
    %c0_i32 = arith.constant 0 : i32
    %c0_i32_0 = arith.constant 0 : i32
    %c0_i32_1 = arith.constant 0 : i32
    return %c0_i32, %c0_i32_0 : i32, i32
  }
  func.func @transform_5(%arg0: i32) -> (i32, i32) {
    %c0_i32 = arith.constant 0 : i32
    %c0_i32_0 = arith.constant 0 : i32
    %c0_i32_1 = arith.constant 0 : i32
    return %c0_i32, %c0_i32_0 : i32, i32
  }
  func.func @transform_6(%arg0: i32) -> (i32, i32) {
    %c0_i32 = arith.constant 0 : i32
    %c0_i32_0 = arith.constant 0 : i32
    return %arg0, %c0_i32 : i32, i32
  }
}

module attributes {stable_mosaic.version = 14 : i64} {
  func.func @_invcnt_body(%arg0: i32, %arg1: memref<2x1000x128xf32, #tpu.memory_space<vmem>>, %arg2: memref<1000x1xf32, #tpu.memory_space<vmem>>) attributes {dimension_semantics = [#tpu.dimension_semantics<arbitrary>], iteration_bounds = array<i64: 10>, scalar_prefetch = 0 : i64, scratch_operands = 0 : i64, tpu.core_type = #tpu.core_type<tc>, window_params = [{transform_indices = @transform_0, window_bounds = array<i64: 2, 1000, 128>}, {transform_indices = @transform_1, window_bounds = array<i64: 1000, 1>}]} {
    %get3A = arith.constant 0 : index
    %get3A_0 = arith.constant 0 : index
    %get3A_1 = arith.constant 0 : index
    %get3A_2 = vector.load %arg1[%get3A, %get3A_0, %get3A_1] : memref<2x1000x128xf32, #tpu.memory_space<vmem>>, vector<1x1000x128xf32>
    %get3A_3 = vector.shape_cast %get3A_2 : vector<1x1000x128xf32> to vector<1000x128xf32>
    %slice3A = vector.extract_strided_slice %get3A_3 {offsets = [0, 0], sizes = [1000, 1], strides = [1, 1]} : vector<1000x128xf32> to vector<1000x1xf32>
    %get3A_4 = arith.constant 1 : index
    %get3A_5 = arith.constant 0 : index
    %get3A_6 = arith.constant 0 : index
    %get3A_7 = vector.load %arg1[%get3A_4, %get3A_5, %get3A_6] : memref<2x1000x128xf32, #tpu.memory_space<vmem>>, vector<1x1000x128xf32>
    %get3A_8 = vector.shape_cast %get3A_7 : vector<1x1000x128xf32> to vector<1000x128xf32>
    %slice3A_9 = vector.extract_strided_slice %get3A_8 {offsets = [0, 0], sizes = [1000, 1], strides = [1, 1]} : vector<1000x128xf32> to vector<1000x1xf32>
    %add3A = arith.addf %slice3A, %slice3A_9 : vector<1000x1xf32>
    %max3A = arith.constant 1.000000e+00 : f32
    %max3A_10 = vector.broadcast %max3A : f32 to vector<1000x1xf32>
    %max3A_11 = arith.maximumf %add3A, %max3A_10 : vector<1000x1xf32>
    %div3A = arith.constant 1.000000e+00 : f32
    %div3A_12 = vector.broadcast %div3A : f32 to vector<1000x1xf32>
    %div3A_13 = arith.divf %div3A_12, %max3A_11 : vector<1000x1xf32>
    %swap3A = arith.constant 0 : index
    %swap3A_14 = arith.constant 0 : index
    %swap3A_15 = vector.load %arg2[%swap3A, %swap3A_14] : memref<1000x1xf32, #tpu.memory_space<vmem>>, vector<1000x1xf32>
    tpu.vector_store %arg2[%swap3A, %swap3A_14], %div3A_13 {strides = array<i32>} : memref<1000x1xf32, #tpu.memory_space<vmem>>, vector<1000x1xf32>,
    return
  }
  func.func @transform_0(%arg0: i32) -> (i32, i32, i32) {
    %c0_i32 = arith.constant 0 : i32
    %c0_i32_0 = arith.constant 0 : i32
    %c0_i32_1 = arith.constant 0 : i32
    return %c0_i32, %arg0, %c0_i32_0 : i32, i32, i32
  }
  func.func @transform_1(%arg0: i32) -> (i32, i32) {
    %c0_i32 = arith.constant 0 : i32
    %c0_i32_0 = arith.constant 0 : i32
    return %arg0, %c0_i32 : i32, i32
  }
}

module attributes {stable_mosaic.version = 14 : i64} {
  func.func @_linear_body(%arg0: i32, %arg1: memref<2x1000x128xf32, #tpu.memory_space<vmem>>, %arg2: memref<1000x1xf32, #tpu.memory_space<vmem>>, %arg3: memref<1000x128xf32, #tpu.memory_space<vmem>>, %arg4: memref<128x128xf32, #tpu.memory_space<vmem>>, %arg5: memref<128x128xf32, #tpu.memory_space<vmem>>, %arg6: memref<1x128xf32, #tpu.memory_space<vmem>>, %arg7: memref<1000x128xf32, #tpu.memory_space<vmem>>) attributes {dimension_semantics = [#tpu.dimension_semantics<arbitrary>], iteration_bounds = array<i64: 10>, scalar_prefetch = 0 : i64, scratch_operands = 0 : i64, tpu.core_type = #tpu.core_type<tc>, window_params = [{transform_indices = @transform_0, window_bounds = array<i64: 2, 1000, 128>}, {transform_indices = @transform_1, window_bounds = array<i64: 1000, 1>}, {transform_indices = @transform_2, window_bounds = array<i64: 1000, 128>}, {pipeline_mode = #tpu.pipeline_mode<synchronous>, transform_indices = @transform_3, window_bounds = array<i64: 128, 128>}, {pipeline_mode = #tpu.pipeline_mode<synchronous>, transform_indices = @transform_4, window_bounds = array<i64: 128, 128>}, {pipeline_mode = #tpu.pipeline_mode<synchronous>, transform_indices = @transform_5, window_bounds = array<i64: 1, 128>}, {transform_indices = @transform_6, window_bounds = array<i64: 1000, 128>}]} {
    %get3A = arith.constant 0 : index
    %get3A_0 = arith.constant 0 : index
    %get3A_1 = arith.constant 0 : index
    %get3A_2 = vector.load %arg1[%get3A, %get3A_0, %get3A_1] : memref<2x1000x128xf32, #tpu.memory_space<vmem>>, vector<1x1000x128xf32>
    %get3A_3 = vector.shape_cast %get3A_2 : vector<1x1000x128xf32> to vector<1000x128xf32>
    %get3A_4 = arith.constant 1 : index
    %get3A_5 = arith.constant 0 : index
    %get3A_6 = arith.constant 0 : index
    %get3A_7 = vector.load %arg1[%get3A_4, %get3A_5, %get3A_6] : memref<2x1000x128xf32, #tpu.memory_space<vmem>>, vector<1x1000x128xf32>
    %get3A_8 = vector.shape_cast %get3A_7 : vector<1x1000x128xf32> to vector<1000x128xf32>
    %add3A = arith.addf %get3A_3, %get3A_8 : vector<1000x128xf32>
    %get3A_9 = arith.constant 0 : index
    %get3A_10 = arith.constant 0 : index
    %get3A_11 = vector.load %arg2[%get3A_9, %get3A_10] : memref<1000x1xf32, #tpu.memory_space<vmem>>, vector<1000x1xf32>
    %mul3A = vector.broadcast %get3A_11 : vector<1000x1xf32> to vector<1000x128xf32>
    %mul3A_12 = arith.mulf %add3A, %mul3A : vector<1000x128xf32>
    %get3A_13 = arith.constant 0 : index
    %get3A_14 = arith.constant 0 : index
    %get3A_15 = vector.load %arg4[%get3A_13, %get3A_14] : memref<128x128xf32, #tpu.memory_space<vmem>>, vector<128x128xf32>
    %dot_general3A = arith.constant dense<0.000000e+00> : vector<1000x128xf32>
    %dot_general3A_16 = tpu.matmul %mul3A_12, %get3A_15, %dot_general3A {dimension_numbers = #tpu.dot_dimension_numbers<[1], [0], [0], [1], [0, 0, 1, 1], [], []>, transpose_lhs_hint = false} : vector<1000x128xf32>, vector<128x128xf32>, vector<1000x128xf32> -> vector<1000x128xf32>
    %get3A_17 = arith.constant 0 : index
    %get3A_18 = arith.constant 0 : index
    %get3A_19 = vector.load %arg3[%get3A_17, %get3A_18] : memref<1000x128xf32, #tpu.memory_space<vmem>>, vector<1000x128xf32>
    %get3A_20 = arith.constant 0 : index
    %get3A_21 = arith.constant 0 : index
    %get3A_22 = vector.load %arg5[%get3A_20, %get3A_21] : memref<128x128xf32, #tpu.memory_space<vmem>>, vector<128x128xf32>
    %dot_general3A_23 = arith.constant dense<0.000000e+00> : vector<1000x128xf32>
    %dot_general3A_24 = tpu.matmul %get3A_19, %get3A_22, %dot_general3A_23 {dimension_numbers = #tpu.dot_dimension_numbers<[1], [0], [0], [1], [0, 0, 1, 1], [], []>, transpose_lhs_hint = false} : vector<1000x128xf32>, vector<128x128xf32>, vector<1000x128xf32> -> vector<1000x128xf32>
    %add3A_25 = arith.addf %dot_general3A_16, %dot_general3A_24 : vector<1000x128xf32>
    %get3A_26 = arith.constant 0 : index
    %get3A_27 = arith.constant 0 : index
    %get3A_28 = vector.load %arg6[%get3A_26, %get3A_27] : memref<1x128xf32, #tpu.memory_space<vmem>>, vector<1x128xf32>
    %add3A_29 = vector.broadcast %get3A_28 : vector<1x128xf32> to vector<1000x128xf32>
    %add3A_30 = arith.addf %add3A_25, %add3A_29 : vector<1000x128xf32>
    %swap3A = arith.constant 0 : index
    %swap3A_31 = arith.constant 0 : index
    %swap3A_32 = vector.load %arg7[%swap3A, %swap3A_31] : memref<1000x128xf32, #tpu.memory_space<vmem>>, vector<1000x128xf32>
    tpu.vector_store %arg7[%swap3A, %swap3A_31], %add3A_30 {strides = array<i32>} : memref<1000x128xf32, #tpu.memory_space<vmem>>, vector<1000x128xf32>,
    return
  }
  func.func @transform_0(%arg0: i32) -> (i32, i32, i32) {
    %c0_i32 = arith.constant 0 : i32
    %c0_i32_0 = arith.constant 0 : i32
    %c0_i32_1 = arith.constant 0 : i32
    return %c0_i32, %arg0, %c0_i32_0 : i32, i32, i32
  }
  func.func @transform_1(%arg0: i32) -> (i32, i32) {
    %c0_i32 = arith.constant 0 : i32
    %c0_i32_0 = arith.constant 0 : i32
    return %arg0, %c0_i32 : i32, i32
  }
  func.func @transform_2(%arg0: i32) -> (i32, i32) {
    %c0_i32 = arith.constant 0 : i32
    %c0_i32_0 = arith.constant 0 : i32
    return %arg0, %c0_i32 : i32, i32
  }
  func.func @transform_3(%arg0: i32) -> (i32, i32) {
    %c0_i32 = arith.constant 0 : i32
    %c0_i32_0 = arith.constant 0 : i32
    %c0_i32_1 = arith.constant 0 : i32
    return %c0_i32, %c0_i32_0 : i32, i32
  }
  func.func @transform_4(%arg0: i32) -> (i32, i32) {
    %c0_i32 = arith.constant 0 : i32
    %c0_i32_0 = arith.constant 0 : i32
    %c0_i32_1 = arith.constant 0 : i32
    return %c0_i32, %c0_i32_0 : i32, i32
  }
  func.func @transform_5(%arg0: i32) -> (i32, i32) {
    %c0_i32 = arith.constant 0 : i32
    %c0_i32_0 = arith.constant 0 : i32
    %c0_i32_1 = arith.constant 0 : i32
    return %c0_i32, %c0_i32_0 : i32, i32
  }
  func.func @transform_6(%arg0: i32) -> (i32, i32) {
    %c0_i32 = arith.constant 0 : i32
    %c0_i32_0 = arith.constant 0 : i32
    return %arg0, %c0_i32 : i32, i32
  }
}

</mosaic_0001>

<sc_bundles>
// kernel: kernel.10.cloned.1.call-start
scs
__scs_entry_jumppad:
0x0: {  	(pc) =	sbr.rel $0x88, $3  }
0x1: {  	(tag) =	ssettag $0x0;
	lr =	simm.s32 $0x1  }
0x2: {  	[smem:$0x3F96] =	sst lr;
	_ =	strace $0xD0000000  }
0x3: {  	_ = 	snop  }
0x4: {  	_ = 	snop  }
0x5: {  	_ = 	snop  }
0x6: {  	_ = 	snop  }
0x7: {  	_ = 	snop  }
__scs_overlays_trampoline_lowered:
0x8: {  	[smem:$0x3FA5] =	sst s0  }
0x9: {  	[smem:$0x3FA6] =	sst s1  }
0xa: {  	[smem:$0x3FA7] =	sst s2  }
0xb: {  	[smem:$0x3FA8] =	sst s3  }
0xc: {  	[smem:$0x3FA9] =	sst s4  }
0xd: {  	[smem:$0x3FAA] =	sst s5  }
0xe: {  	[smem:$0x3FAB] =	sst s6  }
0xf: {  	[smem:$0x3FAC] =	sst s7  }
0x10: {  	[smem:$0x3FAD] =	sst s8  }
0x11: {  	[smem:$0x3FAE] =	sst s9;
	s0 =	simm.s32 @!p0 $0x0  }
0x12: {  	s1 =	sld [smem:$0x3F94];
	s0 =	simm.s32 @p0 $0x1  }
0x13: {  	[smem:$0x3FAF] =	sst s0;
	s0 =	simm.s32 @!p1 $0x0  }
0x14: {  	s2 =	sld [smem:$0x3F93];
	s0 =	simm.s32 @p1 $0x1  }
0x15: {  	[smem:$0x3FB0] =	sst s0;
	s0 =	simm.s32 @!p2 $0x0  }
0x16: {  	s3 =	sld [smem:$0x3FDB];
	s0 =	simm.s32 @p2 $0x1  }
0x17: {  	s4 =	simm.s32 $0x1BF5;
	[smem:$0x3FB2] =	sst s0  }
0x18: {  	s0 =	sld [smem:$0x3F95];
	_ =	swait.ge [sflag:s4], $0x0  }
0x19: {  	s7 =	sld [smem:$0x3F96]  }
0x1a: {  	s8 =	sadd.s32 $0xFFFFE003, lr  }
0x1b: {  	s9 =	sadd.s32 $0xFFFFFEF7, lr;
	s5 =	simm.s32 $0xFFFFFFFF;
	p2 =	slt.u32 s8, $0xFFFFF086  }
0x1c: {  	p1 =	slt.u32 s9, $0xF7A;
	s5 =	simm.s32 @!p2 $0x0  }
0x1d: {  	s5 =	simm.s32 @p1 $0x1;
	p0 =	seq.s32 s7, s2  }
0x1e: {  	s7 =	smul.u32 @!p0 $0xF7A, s2;
	p2 =	seq.s32 @!p0 s5, $0x0  }
0x1f: {  	s9 =	smul.u32 $0xF7A, s1;
	s8 =	simm.s32 @!p0 $0x1BF5;
	p2 =	por !p2, p0  }
0x20: {  	[sflag:s8] =	ssyncset.s32 @!p0 $0xFFFFF086;
	s6 =	sadd.s32 @!p0 s3, s7;
	s7 =	simm.s32 @!p0 $0x108  }
0x21: {  	s3 =	sadd.s32 s3, s9;
	s6 =	sadd.s32 @!p0 $0x88, s6;
	s7 =	simm.s32 @p2 $0x1082  }
0x22: {  	[simem:s7], [sflag:s8] =	dma.local @!p0 [hbm:s6], $0xF7A  }
0x23: {  	s9 =	sor.u32 $0xD0000000, s2;
	s6 =	simm.s32 $0x108;
	_ =	swait.ge @!p0 [sflag:s8], $0x0  }
0x24: {  	s3 =	sadd.s32 $0x88, s3;
	s6 =	simm.s32 @!p1 $0x1082;
	[sflag:s4] =	ssyncset.s32 $0xFFFFF086  }
0x25: {  	[simem:s6], [sflag:s4] =	dma.local [hbm:s3], $0xF7A  }
0x26: {  	[smem:$0x3F96] =	sst s1;
	(tag) =	ssettag s2;
	_ =	strace s9  }
0x27: {  	s1 =	sld [smem:$0x3FA6]  }
0x28: {  	s2 =	sld [smem:$0x3FA7]  }
0x29: {  	s4 =	sld [smem:$0x3FA9]  }
0x2a: {  	p0 =	seq.s32 s5, $0x0;
	s5 =	sld [smem:$0x3FAA]  }
0x2b: {  	s6 =	sld [smem:$0x3FAB]  }
0x2c: {  	s7 =	sld [smem:$0x3FAC]  }
0x2d: {  	s3 =	simm.s32 $0x108;
	s8 =	sld [smem:$0x3FAD]  }
0x2e: {  	s3 =	simm.s32 @!p0 $0x1082;
	s9 =	sld [smem:$0x3FAE]  }
0x2f: {  	lr =	sadd.s32 s0, s3;
	s0 =	sld [smem:$0x3FA5]  }
0x30: {  	s3 =	sld [smem:$0x3FA8]  }
0x31: {  	[smem:$0x3FB1] =	sst s10  }
0x32: {  	s10 =	sld [smem:$0x3FAF];
	_ =	sdelay $0x3  }
0x33: {  	p0 =	seq.s32 s10, $0x1;
	s10 =	sld [smem:$0x3FB1];
	_ =	sdelay $0x3  }
0x34: {  	[smem:$0x3FB1] =	sst s10  }
0x35: {  	s10 =	sld [smem:$0x3FB0];
	_ =	sdelay $0x3  }
0x36: {  	p1 =	seq.s32 s10, $0x1;
	s10 =	sld [smem:$0x3FB1];
	_ =	sdelay $0x3  }
0x37: {  	[smem:$0x3FB1] =	sst s10  }
0x38: {  	s10 =	sld [smem:$0x3FB2]  }
0x39: {  	_ = 	snop;
	(pc) =	sbr.ind lr, $3  }
0x3a: {  	_ = 	snop  }
0x3b: {  	_ = 	snop  }
0x3c: {  	p2 =	seq.s32 s10, $0x1;
	s10 =	sld [smem:$0x3FB1]  }
0x3d: {  	_ =	shalt  }
0x3e: {  	_ =	shalt  }
0x3f: {  	_ =	shalt  }
0x40: {  	_ =	shalt  }
0x41: {  	_ =	shalt  }
0x42: {  	_ =	shalt  }
0x43: {  	_ =	shalt  }
0x44: {  	_ =	shalt  }
0x45: {  	_ =	shalt  }
0x46: {  	_ =	shalt  }
0x47: {  	_ =	shalt  }
0x48: {  	_ =	shalt  }
0x49: {  	_ =	shalt  }
0x4a: {  	_ =	shalt  }
0x4b: {  	_ =	shalt  }
0x4c: {  	_ =	shalt  }
0x4d: {  	_ =	shalt  }
0x4e: {  	_ =	shalt  }
0x4f: {  	_ =	shalt  }
0x50: {  	_ =	shalt  }
0x51: {  	_ =	shalt  }
0x52: {  	_ =	shalt  }
0x53: {  	_ =	shalt  }
0x54: {  	_ =	shalt  }
0x55: {  	_ =	shalt  }
0x56: {  	_ =	shalt  }
0x57: {  	_ =	shalt  }
0x58: {  	_ =	shalt  }
0x59: {  	_ =	shalt  }
0x5a: {  	_ =	shalt  }
0x5b: {  	_ =	shalt  }
0x5c: {  	_ =	shalt  }
0x5d: {  	_ =	shalt  }
0x5e: {  	_ =	shalt  }
0x5f: {  	_ =	shalt  }
0x60: {  	_ =	shalt  }
0x61: {  	_ =	shalt  }
0x62: {  	_ =	shalt  }
0x63: {  	_ =	shalt  }
0x64: {  	_ =	shalt  }
0x65: {  	_ =	shalt  }
0x66: {  	_ =	shalt  }
0x67: {  	_ =	shalt  }
0x68: {  	_ =	shalt  }
0x69: {  	_ =	shalt  }
0x6a: {  	_ =	shalt  }
0x6b: {  	_ =	shalt  }
0x6c: {  	_ =	shalt  }
0x6d: {  	_ =	shalt  }
0x6e: {  	_ =	shalt  }
0x6f: {  	_ =	shalt  }
0x70: {  	_ =	shalt  }
0x71: {  	_ =	shalt  }
0x72: {  	_ =	shalt  }
0x73: {  	_ =	shalt  }
0x74: {  	_ =	shalt  }
0x75: {  	_ =	shalt  }
0x76: {  	_ =	shalt  }
0x77: {  	_ =	shalt  }
0x78: {  	_ =	shalt  }
0x79: {  	_ =	shalt  }
0x7a: {  	_ =	shalt  }
0x7b: {  	_ =	shalt  }
0x7c: {  	_ =	shalt  }
0x7d: {  	_ =	shalt  }
0x7e: {  	_ =	shalt  }
0x7f: {  	_ =	shalt  }
0x80: {  	_ =	shalt  }
0x81: {  	_ =	shalt  }
0x82: {  	_ =	shalt  }
0x83: {  	_ =	shalt  }
0x84: {  	_ =	shalt  }
0x85: {  	_ =	shalt  }
0x86: {  	_ =	shalt  }
0x87: {  	_ =	shalt  }
.Lfunc_end0:
.L_simem_size_0:
called_computation_lowered:
.L_overlay_start_0:
0x88: {  	s2 =	sld [smem:$0x3FD9]  }
0x89: {  	s3 =	sld [smem:$0x3FFE];
	_ =	sdelay $0x1  }
0x8a: {  	s1 =	srdreg.scid  }
0x8b: {  	s0 =	sand.u32 $0x1, s1  }
0x8c: {  	s17 =	sshll.u32 s0, $0xA;
	s2 =	sadd.s32 s3, s2  }
0x8d: {  	s2 =	sadd.s32 s2, s17  }
0x8e: {  	[smem:$0x3FBD] =	sst s2  }
0x8f: {  	_ = 	snop  }
0x90: {  	s2 =	sld [smem:$0x3FD0];
	(tm) =	ssettm $0x1  }
0x91: {  	s18 =	sld [smem:$0x3FFB];
	_ =	sdelay $0x3  }
0x92: {  	_ =	strace s18  }
0x93: {  	s3 =	sld [smem:$0x3FFC];
	_ =	sdelay $0x3  }
0x94: {  	_ =	strace s3  }
0x95: {  	s3 =	sld [smem:$0x3FFD];
	_ =	sdelay $0x3  }
0x96: {  	_ =	strace s3  }
0x97: {  	_ =	strace $0x8FFFFFFF  }
0x98: {  	s19 =	sld [smem:$0x3FDB];
	_ =	sdelay $0x1  }
0x99: {  	s4 =	simm.s32 $_scs_section_size  }
0x9a: {  	s5 =	simm.s32 $_size__tile_overlayer_lowered;
	s6 =	simm.s32 $_tile_overlayer_lowered  }
0x9b: {  	s22 =	simm.s32 $0x1BFF;
	s21 =	sshll.u32 s6, $0x1;
	s3 =	sadd.s32 s4, s19  }
0x9c: {  	s7 =	simm.s32 $0x0;
	s20 =	sshll.u32 s5, $0x1;
	s5 =	sadd.s32 s21, s3  }
0x9d: {  	[timem:s7], [sflag:s22] =	dma.local [hbm:s5], s20  }
0x9e: {  	_ =	swait.ge [sflag:s22], s20  }
0x9f: {  	s4 =	ssub.s32 $0x0, s20;
	[sflag:s22] =	ssyncset.done $0x0  }
0xa0: {  	[sflag:s22] =	ssyncadd.s32 s4;
	_ =	sdelay $0x1  }
0xa1: {  	s23 =	simm.s32 $0x1B8B  }
0xa2: {  	_ =	swait.ge [sflag:s23], $0x1  }
0xa3: {  	[sflag:s23] =	ssyncset.done $0x0  }
0xa4: {  	s25 =	simm.s32 $0x1B8E;
	s24 =	sld [smem:$0x3FFE];
	[sflag:s23] =	ssyncadd.s32 $0xFFFFFFFF  }
0xa5: {  	s26 =	simm.s32 $execute0_lowered;
	[smem:$0x3FD2] =	sst s25  }
0xa6: {  	s5 =	sshll.u32 s26, $0x1;
	_ =	strace $0x80000046;
	[dreg:$0x1] =	wrdreg $0xFFFFFFFF  }
0xa7: {  	s28 =	simm.s32 $_size_execute0_lowered;
	s3 =	sadd.s32 s3, s5;
	[dreg:$0x0] =	wrdreg $0x0  }
0xa8: {  	s5 =	sshll.u32 s28, $0x1;
	[dreg:$0x2] =	wrdreg s3  }
0xa9: {  	[dreg:$0x3] =	wrdreg s5  }
0xaa: {  	[dreg:$0x4] =	wrdreg $0xC0  }
0xab: {  	_ =	task [dreg:s7], $0x5FFFF  }
0xac: {  	[dreg:$0x1] =	wrdreg $0xFFFFFFFF  }
0xad: {  	[dreg:$0x0] =	wrdreg $0x60  }
0xae: {  	[dreg:$0x2] =	wrdreg s24  }
0xaf: {  	[dreg:$0x3] =	wrdreg s2  }
0xb0: {  	[dreg:$0x4] =	wrdreg $0x77800  }
0xb1: {  	[dreg:$0x5] =	wrdreg $0x9  }
0xb2: {  	_ =	task.clear_ibuf [dreg:s7], $0x6FFFF;
	_ =	strace $0x90000046  }
0xb3: {  	s29 =	simm.s32 $0x9;
	_ =	strace $0x80000048  }
0xb4: {  	_ =	swait.ge [sflag:s29], $0x1  }
0xb5: {  	[sflag:s29] =	ssyncadd.s32 $0xFFFFFFFF  }
0xb6: {  	_ =	strace $0x90000048  }
0xb7: {  	_ =	sfence  }
0xb8: {  	s30 =	sld [smem:$0x0];
	_ =	sdelay $0x2  }
0xb9: {  	s31 =	sshll.u32 s1, $0xD;
	s1 =	sshrl.u32 s1, $0x2  }
0xba: {  	s3 =	sand.u32 $0x4000, s31;
	s1 =	sadd.s32 s1, s30  }
0xbb: {  	s0 =	sor.u32 s3, s0;
	s1 =	sshll.u32 s1, $0x11  }
0xbc: {  	s0 =	sor.u32 s1, s0  }
0xbd: {  	s0 =	sadd.s32 $0x8F2B, s0  }
0xbe: {  	[sflag:s0] =	ssyncadd.remote.s32 $0x1  }
0xbf: {  	_ =	sfence.sel $0xFFFF  }
0xc0: {  	[dreg:$0x0] =	wrdreg $0xFFFFFFFF;
	(pc) =	sbr.abs _section_cstart, $3  }
0xc1: {  	[dreg:$0x1] =	wrdreg $0xFFFFFFFF  }
0xc2: {  	_ =	task.clear_ibuf [dreg:s7], $0x2FFFF;
	_ =	strace $0x9FFFFFFF  }
0xc3: {  	(tm) =	ssettm $0x7FFFFFFF  }
tec
execute0_lowered:
.L_overlay_start_1:
0x0: {  	(tag) =	ssettag $0x1  }
0x1: {  	s0 =	srdreg.scid  }
0x2: {  	s1 =	rddreg [dreg:$0x0];
	s2 =	stileid.u32;
	s24 =	simm.s32 $0x3  }
0x3: {  	s28 =	simm.s32 $0x1;
	s29 =	simm.s32 $0x4F80;
	s30 =	simm.s32 $0x2  }
0x4: {  	s31 =	simm.s32 $0x0;
	s0 =	sand.u32 $0x1, s0;
	s6 =	smul.u32 $0x280, s2  }
0x5: {  	s9 =	smul.u32 $0x50000, s2;
	s25 =	sadd.s32 $0x16800, s1;
	s3 =	sshll.u32 s0, $0x4  }
0x6: {  	s7 =	smul.u32 $0x2800, s0;
	s0 =	ssub.s32 $0x2, s0;
	s4 =	sor.u32 s2, s3  }
0x7: {  	s3 =	rddreg [dreg:$0x2];
	s26 =	sshrl.u32 s0, $0x1;
	s9 =	sshrl.u32 s9, $0x2  }
0x8: {  	s5 =	smul.u32 $0x4E2, s4;
	s4 =	simm.s32 $0x0;
	s6 =	sadd.s32 s6, s7  }
0x9: {  	s0 =	ssub.s32 s0, s26;
	s26 =	simm.s32 $0x50;
	[smem:$0x7FF] =	sst s4  }
0xa: {  	s6 =	sshll.u32 s6, $0x4;
	s23 =	smax.u32 s0, $0x1;
	_ =	strace $0x80000047  }
0xb: {  	s8 =	sadd.s32 s5, s1;
	[dreg:$0x4] =	wrdreg s25;
	s1 =	sadd.s32 s6, s1  }
0xc: {  	s6 =	sadd.s32 s9, s3;
	s25 =	simm.s32 $0x2780;
	s7 =	sadd.s32 $0x2C00, s8  }
0xd: {  	s8 =	sadd.s32 $0x2800, s6;
	s9 =	sadd.s32 $0x5000, s6;
	s10 =	sadd.s32 $0x7800, s6  }
0xe: {  	s11 =	sadd.s32 $0xA000, s6;
	s12 =	sadd.s32 $0xC800, s6;
	s13 =	sadd.s32 $0xF000, s6  }
0xf: {  	s14 =	sadd.s32 $0x11800, s6;
	s15 =	sadd.s32 $0x3E800, s1;
	s16 =	sadd.s32 $0x3ED00, s1  }
0x10: {  	s17 =	sadd.s32 $0x3F200, s1;
	s18 =	sadd.s32 $0x3F700, s1;
	s19 =	sadd.s32 $0x3FC00, s1  }
0x11: {  	s20 =	sadd.s32 $0x40100, s1;
	s21 =	sadd.s32 $0x40600, s1;
	s22 =	sadd.s32 $0x40B00, s1  }
.LBB2_1:
0x12: {  	[tilespmem:s4], [sflag:$0x3] =	stream.linear.gather [hbm4b:s7+s4], $0x2710, $0x38;
	[tilespmem:$0x1B780] =	vst v63  }
0x13: {  	_ =	swait.ge [sflag:s24], $0x2710  }
0x14: {  	[sflag:s24] =	ssyncset.done $0x0  }
0x15: {  	s0 =	rddreg [dreg:$0x4];
	[sflag:s24] =	ssyncadd.s32 $0xFFFFD8F0  }
0x16: {  	[tilespmem:s25], [sflag:$0x3] =	stream.linear.gather [hbm4b:s0+s4], $0x2800, $0x38;
	[tilespmem:$0x1B780] =	vst v63  }
0x17: {  	_ =	swait.ge [sflag:s24], $0x2800  }
0x18: {  	[sflag:s24] =	ssyncset.done $0x0  }
0x19: {  	[sflag:s24] =	ssyncadd.s32 $0xFFFFD800  }
0x1a: {  	[spmem:s6] =	stream.linear.scatter [tilespmem:s25], [sflag:$0x3], $0x2800, $0x38;
	[tilespmem:$0x1B780] =	vst v63  }
0x1b: {  	_ =	swait.ge [sflag:s24], $0x2800  }
0x1c: {  	[sflag:s24] =	ssyncset.done $0x0  }
0x1d: {  	[sflag:s24] =	ssyncadd.s32 $0xFFFFD800  }
0x1e: {  	[spmem:s8] =	stream.linear.scatter [tilespmem:s25], [sflag:$0x3], $0x2800, $0x38;
	[tilespmem:$0x1B780] =	vst v63  }
0x1f: {  	_ =	swait.ge [sflag:s24], $0x2800  }
0x20: {  	[sflag:s24] =	ssyncset.done $0x0  }
0x21: {  	[sflag:s24] =	ssyncadd.s32 $0xFFFFD800  }
0x22: {  	[spmem:s9] =	stream.linear.scatter [tilespmem:s25], [sflag:$0x3], $0x2800, $0x38;
	[tilespmem:$0x1B780] =	vst v63  }
0x23: {  	_ =	swait.ge [sflag:s24], $0x2800  }
0x24: {  	[sflag:s24] =	ssyncset.done $0x0  }
0x25: {  	[sflag:s24] =	ssyncadd.s32 $0xFFFFD800  }
0x26: {  	[spmem:s10] =	stream.linear.scatter [tilespmem:s25], [sflag:$0x3], $0x2800, $0x38;
	[tilespmem:$0x1B780] =	vst v63  }
0x27: {  	_ =	swait.ge [sflag:s24], $0x2800  }
0x28: {  	[sflag:s24] =	ssyncset.done $0x0  }
0x29: {  	[sflag:s24] =	ssyncadd.s32 $0xFFFFD800  }
0x2a: {  	[spmem:s11] =	stream.linear.scatter [tilespmem:s25], [sflag:$0x3], $0x2800, $0x38;
	[tilespmem:$0x1B780] =	vst v63  }
0x2b: {  	_ =	swait.ge [sflag:s24], $0x2800  }
0x2c: {  	[sflag:s24] =	ssyncset.done $0x0  }
0x2d: {  	[sflag:s24] =	ssyncadd.s32 $0xFFFFD800  }
0x2e: {  	[spmem:s12] =	stream.linear.scatter [tilespmem:s25], [sflag:$0x3], $0x2800, $0x38;
	[tilespmem:$0x1B780] =	vst v63  }
0x2f: {  	_ =	swait.ge [sflag:s24], $0x2800  }
0x30: {  	[sflag:s24] =	ssyncset.done $0x0  }
0x31: {  	[sflag:s24] =	ssyncadd.s32 $0xFFFFD800  }
0x32: {  	[spmem:s13] =	stream.linear.scatter [tilespmem:s25], [sflag:$0x3], $0x2800, $0x38;
	[tilespmem:$0x1B780] =	vst v63  }
0x33: {  	_ =	swait.ge [sflag:s24], $0x2800  }
0x34: {  	[sflag:s24] =	ssyncset.done $0x0  }
0x35: {  	[sflag:s24] =	ssyncadd.s32 $0xFFFFD800  }
0x36: {  	[spmem:s14] =	stream.linear.scatter [tilespmem:s25], [sflag:$0x3], $0x2800, $0x38;
	[tilespmem:$0x1B780] =	vst v63  }
0x37: {  	_ =	swait.ge [sflag:s24], $0x2800  }
0x38: {  	[sflag:s24] =	ssyncset.done $0x0  }
0x39: {  	[sflag:s24] =	ssyncadd.s32 $0xFFFFD800  }
0x3a: {  	s1 =	rddreg [dreg:$0x1]  }
0x3b: {  	[tilespmem:s25], [sflag:$0x3] =	stream.linear.gather [hbm4b:s1+s4], $0x2800, $0x38;
	[tilespmem:$0x1B780] =	vst v63  }
0x3c: {  	_ =	swait.ge [sflag:s24], $0x2800  }
0x3d: {  	[sflag:s24] =	ssyncset.done $0x0  }
0x3e: {  	[sflag:s24] =	ssyncadd.s32 $0xFFFFD800  }
0x3f: {  	s2 =	simm.s32 $0x0;
	[bflag:$0x0] =	sbarrier.arrive $0xFFFF  }
0x40: {  	[spmem:s3] =	stream.indirect.scatter.add.f32 [tilespmem:s25], [sflag:$0x1], $0x80, s2, s26, $0xb8;
	[tilespmem:$0x1B780] =	vst v63  }
0x41: {  	s5 =	simm.s32 $0x50  }
0x42: {  	[spmem:s3] =	stream.indirect.scatter.add.f32 [tilespmem:s25], [sflag:$0x1], $0x80, s5, s26, $0xb8;
	[tilespmem:$0x1B780] =	vst v63  }
0x43: {  	s1 =	simm.s32 $0xA0  }
0x44: {  	[spmem:s3] =	stream.indirect.scatter.add.f32 [tilespmem:s25], [sflag:$0x1], $0x80, s1, s26, $0xb8;
	[tilespmem:$0x1B780] =	vst v63  }
0x45: {  	s2 =	simm.s32 $0xF0  }
0x46: {  	[spmem:s3] =	stream.indirect.scatter.add.f32 [tilespmem:s25], [sflag:$0x1], $0x80, s2, s26, $0xb8;
	[tilespmem:$0x1B780] =	vst v63  }
0x47: {  	s5 =	simm.s32 $0x140  }
0x48: {  	[spmem:s3] =	stream.indirect.scatter.add.f32 [tilespmem:s25], [sflag:$0x1], $0x80, s5, s26, $0xb8;
	[tilespmem:$0x1B780] =	vst v63  }
0x49: {  	_ =	swait.ge [sflag:s28], $0x2800  }
0x4a: {  	[sflag:s28] =	ssyncset.done $0x0  }
0x4b: {  	[sflag:s28] =	ssyncadd.s32 $0xFFFFD800  }
0x4c: {  	_ =	swait.ge [sflag:s28], $0x2800  }
0x4d: {  	[sflag:s28] =	ssyncset.done $0x0  }
0x4e: {  	[sflag:s28] =	ssyncadd.s32 $0xFFFFD800  }
0x4f: {  	_ =	swait.ge [sflag:s28], $0x2800  }
0x50: {  	[sflag:s28] =	ssyncset.done $0x0  }
0x51: {  	[sflag:s28] =	ssyncadd.s32 $0xFFFFD800  }
0x52: {  	_ =	swait.ge [sflag:s28], $0x2800  }
0x53: {  	[sflag:s28] =	ssyncset.done $0x0  }
0x54: {  	[sflag:s28] =	ssyncadd.s32 $0xFFFFD800  }
0x55: {  	_ =	swait.ge [sflag:s28], $0x2800  }
0x56: {  	s0 =	simm.s32 $0xC80;
	s1 =	simm.s32 $0x640;
	[sflag:s28] =	ssyncset.done $0x0  }
.LBB2_2:
0x57: {  	s2 =	sshra.s32 s1, $0x2  }
0x58: {  	[sflag:s28] =	ssyncadd.s32 $0xFFFFD800;
	s1 =	smov.u32 s0;
	s5 =	sadd.s32 $0x640, s0  }
0x59: {  	[spmem:s3] =	stream.indirect.scatter.add.f32 [tilespmem:s25], [sflag:$0x1], $0x80, s2, s26, $0xb8;
	[tilespmem:$0x1B780] =	vst v63  }
0x5a: {  	p0 =	sne.s32 s0, $0x9600;
	s0 =	sadd.s32 $0x50, s2  }
0x5b: {  	[spmem:s3] =	stream.indirect.scatter.add.f32 [tilespmem:s25], [sflag:$0x1], $0x80, s0, s26, $0xb8;
	[tilespmem:$0x1B780] =	vst v63  }
0x5c: {  	s0 =	sadd.s32 $0xA0, s2  }
0x5d: {  	[spmem:s3] =	stream.indirect.scatter.add.f32 [tilespmem:s25], [sflag:$0x1], $0x80, s0, s26, $0xb8;
	[tilespmem:$0x1B780] =	vst v63  }
0x5e: {  	s0 =	sadd.s32 $0xF0, s2  }
0x5f: {  	[spmem:s3] =	stream.indirect.scatter.add.f32 [tilespmem:s25], [sflag:$0x1], $0x80, s0, s26, $0xb8;
	[tilespmem:$0x1B780] =	vst v63  }
0x60: {  	s0 =	sadd.s32 $0x140, s2  }
0x61: {  	[spmem:s3] =	stream.indirect.scatter.add.f32 [tilespmem:s25], [sflag:$0x1], $0x80, s0, s26, $0xb8;
	[tilespmem:$0x1B780] =	vst v63  }
0x62: {  	_ =	swait.ge [sflag:s28], $0x2800  }
0x63: {  	[sflag:s28] =	ssyncset.done $0x0  }
0x64: {  	[sflag:s28] =	ssyncadd.s32 $0xFFFFD800  }
0x65: {  	_ =	swait.ge [sflag:s28], $0x2800  }
0x66: {  	[sflag:s28] =	ssyncset.done $0x0  }
0x67: {  	[sflag:s28] =	ssyncadd.s32 $0xFFFFD800  }
0x68: {  	_ =	swait.ge [sflag:s28], $0x2800  }
0x69: {  	[sflag:s28] =	ssyncset.done $0x0  }
0x6a: {  	[sflag:s28] =	ssyncadd.s32 $0xFFFFD800  }
.Ltmp0:
0x6b: {  	_ =	swait.ge [sflag:s28], $0x2800;
	(pc) =	sbr.rel @p0 .LBB2_2-.Ltmp0, $4  }
0x6c: {  	[sflag:s28] =	ssyncset.done $0x0  }
0x6d: {  	[sflag:s28] =	ssyncadd.s32 $0xFFFFD800  }
0x6e: {  	_ =	swait.ge [sflag:s28], $0x2800  }
0x6f: {  	s0 =	smov.u32 s5;
	[sflag:s28] =	ssyncset.done $0x0  }
0x70: {  	s0 =	sshra.s32 s1, $0x2;
	[sflag:s28] =	ssyncadd.s32 $0xFFFFD800  }
0x71: {  	[spmem:s3] =	stream.indirect.scatter.add.f32 [tilespmem:s25], [sflag:$0x1], $0x80, s0, s26, $0xb8;
	[tilespmem:$0x1B780] =	vst v63  }
0x72: {  	s1 =	sadd.s32 $0x50, s0  }
0x73: {  	[spmem:s3] =	stream.indirect.scatter.add.f32 [tilespmem:s25], [sflag:$0x1], $0x80, s1, s26, $0xb8;
	[tilespmem:$0x1B780] =	vst v63  }
0x74: {  	s2 =	sadd.s32 $0xA0, s0  }
0x75: {  	[spmem:s3] =	stream.indirect.scatter.add.f32 [tilespmem:s25], [sflag:$0x1], $0x80, s2, s26, $0xb8;
	[tilespmem:$0x1B780] =	vst v63  }
0x76: {  	s5 =	sadd.s32 $0xF0, s0  }
0x77: {  	[spmem:s3] =	stream.indirect.scatter.add.f32 [tilespmem:s25], [sflag:$0x1], $0x80, s5, s26, $0xb8;
	[tilespmem:$0x1B780] =	vst v63  }
0x78: {  	s0 =	sadd.s32 $0x140, s0  }
0x79: {  	[spmem:s3] =	stream.indirect.scatter.add.f32 [tilespmem:s25], [sflag:$0x1], $0x80, s0, s26, $0xb8;
	[tilespmem:$0x1B780] =	vst v63  }
0x7a: {  	_ =	swait.ge [sflag:s28], $0x2800  }
0x7b: {  	[sflag:s28] =	ssyncset.done $0x0  }
0x7c: {  	[sflag:s28] =	ssyncadd.s32 $0xFFFFD800  }
0x7d: {  	_ =	swait.ge [sflag:s28], $0x2800  }
0x7e: {  	[sflag:s28] =	ssyncset.done $0x0  }
0x7f: {  	[sflag:s28] =	ssyncadd.s32 $0xFFFFD800  }
0x80: {  	_ =	swait.ge [sflag:s28], $0x2800  }
0x81: {  	[sflag:s28] =	ssyncset.done $0x0  }
0x82: {  	[sflag:s28] =	ssyncadd.s32 $0xFFFFD800  }
0x83: {  	_ =	swait.ge [sflag:s28], $0x2800  }
0x84: {  	[sflag:s28] =	ssyncset.done $0x0  }
0x85: {  	[sflag:s28] =	ssyncadd.s32 $0xFFFFD800  }
0x86: {  	_ =	swait.ge [sflag:s28], $0x2800  }
0x87: {  	[sflag:s28] =	ssyncset.done $0x0  }
0x88: {  	[sflag:s28] =	ssyncadd.s32 $0xFFFFD800  }
0x89: {  	[bflag:$0x0] =	sbarrier.arrive $0xFFFF  }
0x8a: {  	[tilespmem:s25], [sflag:$0x3] =	stream.linear.gather [spmem:s6], $0x2800, $0x38;
	[tilespmem:$0x1B780] =	vst v63  }
0x8b: {  	_ =	swait.ge [sflag:s24], $0x2800  }
0x8c: {  	[sflag:s24] =	ssyncset.done $0x0  }
0x8d: {  	[sflag:s24] =	ssyncadd.s32 $0xFFFFD800  }
0x8e: {  	[hbm4b:s15+s4] =	stream.linear.scatter [tilespmem:s25], [sflag:$0x1], $0x2800, $0x38;
	[tilespmem:$0x1B780] =	vst v63  }
0x8f: {  	_ = 	snop  }
0x90: {  	[tilespmem:s29], [sflag:$0x3] =	stream.linear.gather [spmem:s8], $0x2800, $0x38;
	[tilespmem:$0x1B780] =	vst v63  }
0x91: {  	_ =	swait.ge [sflag:s24], $0x2800  }
0x92: {  	[sflag:s24] =	ssyncset.done $0x0  }
0x93: {  	[sflag:s24] =	ssyncadd.s32 $0xFFFFD800  }
0x94: {  	[hbm4b:s16+s4] =	stream.linear.scatter [tilespmem:s29], [sflag:$0x2], $0x2800, $0x38;
	[tilespmem:$0x1B780] =	vst v63  }
0x95: {  	_ =	swait.ge [sflag:s28], $0x2800  }
0x96: {  	[sflag:s28] =	ssyncset.done $0x0  }
0x97: {  	[sflag:s28] =	ssyncadd.s32 $0xFFFFD800  }
0x98: {  	[tilespmem:s25], [sflag:$0x3] =	stream.linear.gather [spmem:s9], $0x2800, $0x38;
	[tilespmem:$0x1B780] =	vst v63  }
0x99: {  	_ =	swait.ge [sflag:s24], $0x2800  }
0x9a: {  	[sflag:s24] =	ssyncset.done $0x0  }
0x9b: {  	[sflag:s24] =	ssyncadd.s32 $0xFFFFD800  }
0x9c: {  	[hbm4b:s17+s4] =	stream.linear.scatter [tilespmem:s25], [sflag:$0x1], $0x2800, $0x38;
	[tilespmem:$0x1B780] =	vst v63  }
0x9d: {  	_ =	swait.ge [sflag:s30], $0x2800  }
0x9e: {  	[sflag:s30] =	ssyncset.done $0x0  }
0x9f: {  	[sflag:s30] =	ssyncadd.s32 $0xFFFFD800  }
0xa0: {  	[tilespmem:s29], [sflag:$0x3] =	stream.linear.gather [spmem:s10], $0x2800, $0x38;
	[tilespmem:$0x1B780] =	vst v63  }
0xa1: {  	_ =	swait.ge [sflag:s24], $0x2800  }
0xa2: {  	[sflag:s24] =	ssyncset.done $0x0  }
0xa3: {  	[sflag:s24] =	ssyncadd.s32 $0xFFFFD800  }
0xa4: {  	[hbm4b:s18+s4] =	stream.linear.scatter [tilespmem:s29], [sflag:$0x2], $0x2800, $0x38;
	[tilespmem:$0x1B780] =	vst v63  }
0xa5: {  	_ =	swait.ge [sflag:s28], $0x2800  }
0xa6: {  	[sflag:s28] =	ssyncset.done $0x0  }
0xa7: {  	[sflag:s28] =	ssyncadd.s32 $0xFFFFD800  }
0xa8: {  	[tilespmem:s25], [sflag:$0x3] =	stream.linear.gather [spmem:s11], $0x2800, $0x38;
	[tilespmem:$0x1B780] =	vst v63  }
0xa9: {  	_ =	swait.ge [sflag:s24], $0x2800  }
0xaa: {  	[sflag:s24] =	ssyncset.done $0x0  }
0xab: {  	[sflag:s24] =	ssyncadd.s32 $0xFFFFD800  }
0xac: {  	[hbm4b:s19+s4] =	stream.linear.scatter [tilespmem:s25], [sflag:$0x1], $0x2800, $0x38;
	[tilespmem:$0x1B780] =	vst v63  }
0xad: {  	_ =	swait.ge [sflag:s30], $0x2800  }
0xae: {  	[sflag:s30] =	ssyncset.done $0x0  }
0xaf: {  	[sflag:s30] =	ssyncadd.s32 $0xFFFFD800  }
0xb0: {  	[tilespmem:s29], [sflag:$0x3] =	stream.linear.gather [spmem:s12], $0x2800, $0x38;
	[tilespmem:$0x1B780] =	vst v63  }
0xb1: {  	_ =	swait.ge [sflag:s24], $0x2800  }
0xb2: {  	[sflag:s24] =	ssyncset.done $0x0  }
0xb3: {  	[sflag:s24] =	ssyncadd.s32 $0xFFFFD800  }
0xb4: {  	[hbm4b:s20+s4] =	stream.linear.scatter [tilespmem:s29], [sflag:$0x2], $0x2800, $0x38;
	[tilespmem:$0x1B780] =	vst v63  }
0xb5: {  	_ =	swait.ge [sflag:s28], $0x2800  }
0xb6: {  	[sflag:s28] =	ssyncset.done $0x0  }
0xb7: {  	[sflag:s28] =	ssyncadd.s32 $0xFFFFD800  }
0xb8: {  	[tilespmem:s25], [sflag:$0x3] =	stream.linear.gather [spmem:s13], $0x2800, $0x38;
	[tilespmem:$0x1B780] =	vst v63  }
0xb9: {  	_ =	swait.ge [sflag:s24], $0x2800  }
0xba: {  	[sflag:s24] =	ssyncset.done $0x0  }
0xbb: {  	[sflag:s24] =	ssyncadd.s32 $0xFFFFD800  }
0xbc: {  	[hbm4b:s21+s4] =	stream.linear.scatter [tilespmem:s25], [sflag:$0x1], $0x2800, $0x38;
	[tilespmem:$0x1B780] =	vst v63  }
0xbd: {  	_ =	swait.ge [sflag:s30], $0x2800  }
0xbe: {  	[sflag:s30] =	ssyncset.done $0x0  }
0xbf: {  	[sflag:s30] =	ssyncadd.s32 $0xFFFFD800  }
0xc0: {  	[tilespmem:s29], [sflag:$0x3] =	stream.linear.gather [spmem:s14], $0x2800, $0x38;
	[tilespmem:$0x1B780] =	vst v63  }
0xc1: {  	_ =	swait.ge [sflag:s24], $0x2800  }
0xc2: {  	[sflag:s24] =	ssyncset.done $0x0  }
0xc3: {  	s31 =	sadd.s32 $0x1, s31;
	[sflag:s24] =	ssyncadd.s32 $0xFFFFD800  }
0xc4: {  	[hbm4b:s22+s4] =	stream.linear.scatter [tilespmem:s29], [sflag:$0x2], $0x2800, $0x38;
	[tilespmem:$0x1B780] =	vst v63  }
0xc5: {  	p0 =	sne.s32 s31, s23;
	_ =	swait.ge [sflag:s28], $0x2800  }
.Ltmp1:
0xc6: {  	[sflag:s28] =	ssyncset.done $0x0;
	(pc) =	sbr.rel @p0 .LBB2_1-.Ltmp1, $4  }
0xc7: {  	[sflag:s28] =	ssyncadd.s32 $0xFFFFD800  }
0xc8: {  	_ =	swait.ge [sflag:s30], $0x2800  }
0xc9: {  	[sflag:s30] =	ssyncset.done $0x0  }
0xca: {  	[sflag:s30] =	ssyncadd.s32 $0xFFFFD800  }
0xcb: {  	_ =	sfence.sel $0x180000  }
0xcc: {  	[bflag:$0x0] =	sbarrier.arrive $0xFFFF  }
0xcd: {  	_ =	strace $0x90000047  }
0xce: {  	s0 =	stileid.u32;
	[bflag:$0x2] =	sbarrier.arrive $0xFFFF  }
0xcf: {  	p0 =	sne.s32 s0, $0x0;
	s0 =	rddreg [dreg:$0x3]  }
0xd0: {  	s0 =	sadd.s32 @!p0 $0x100000, s0  }
0xd1: {  	[sflag:s0] =	ssyncadd.tile.s32 @!p0 $0x1;
	_ =	shalt  }
.Lfunc_end2:
_tile_overlayer_lowered:
.L_overlay_start_2:
0xd2: {  	(tag) =	ssettag $0x2  }
0xd3: {  	s0 =	rddreg [dreg:$0x0];
	s2 =	stileid.u32  }
0xd4: {  	s1 =	rddreg [dreg:$0x1];
	p0 =	sne.s32 s2, $0x0  }
0xd5: {  	s3 =	rddreg [dreg:$0x2];
	[bflag:$0x3] =	sbarrier.arrive $0xFFFF;
	s2 =	simm.s32 @!p0 $0x1C03  }
0xd6: {  	[timem:s3], [sflag:s2] =	dma.local @!p0 [hbm:s0], s1  }
0xd7: {  	s0 =	simm.s32 @!p0 $0x3  }
0xd8: {  	_ =	swait.ge @!p0 [sflag:s0], s1  }
0xd9: {  	s1 =	ssub.s32 @!p0 $0x0, s1;
	[sflag:s0] =	ssyncset.done @!p0 $0x0  }
0xda: {  	[sflag:s0] =	ssyncadd.s32 @!p0 s1  }
0xdb: {  	[bflag:$0x3] =	sbarrier.arrive $0xFFFF  }
0xdc: {  	_ =	shalt  }

// kernel: kernel.13.cloned.1.call-start
scs
__scs_entry_jumppad:
0x0: {  	(pc) =	sbr.rel $0x88, $3  }
0x1: {  	(tag) =	ssettag $0x0;
	lr =	simm.s32 $0x1  }
0x2: {  	[smem:$0x3F96] =	sst lr;
	_ =	strace $0xD0000000  }
0x3: {  	_ = 	snop  }
0x4: {  	_ = 	snop  }
0x5: {  	_ = 	snop  }
0x6: {  	_ = 	snop  }
0x7: {  	_ = 	snop  }
__scs_overlays_trampoline_lowered:
0x8: {  	[smem:$0x3FA5] =	sst s0  }
0x9: {  	[smem:$0x3FA6] =	sst s1  }
0xa: {  	[smem:$0x3FA7] =	sst s2  }
0xb: {  	[smem:$0x3FA8] =	sst s3  }
0xc: {  	[smem:$0x3FA9] =	sst s4  }
0xd: {  	[smem:$0x3FAA] =	sst s5  }
0xe: {  	[smem:$0x3FAB] =	sst s6  }
0xf: {  	[smem:$0x3FAC] =	sst s7  }
0x10: {  	[smem:$0x3FAD] =	sst s8  }
0x11: {  	[smem:$0x3FAE] =	sst s9;
	s0 =	simm.s32 @!p0 $0x0  }
0x12: {  	s1 =	sld [smem:$0x3F94];
	s0 =	simm.s32 @p0 $0x1  }
0x13: {  	[smem:$0x3FAF] =	sst s0;
	s0 =	simm.s32 @!p1 $0x0  }
0x14: {  	s2 =	sld [smem:$0x3F93];
	s0 =	simm.s32 @p1 $0x1  }
0x15: {  	[smem:$0x3FB0] =	sst s0;
	s0 =	simm.s32 @!p2 $0x0  }
0x16: {  	s3 =	sld [smem:$0x3FDB];
	s0 =	simm.s32 @p2 $0x1  }
0x17: {  	s4 =	simm.s32 $0x1BF5;
	[smem:$0x3FB2] =	sst s0  }
0x18: {  	s0 =	sld [smem:$0x3F95];
	_ =	swait.ge [sflag:s4], $0x0  }
0x19: {  	s7 =	sld [smem:$0x3F96]  }
0x1a: {  	s8 =	sadd.s32 $0xFFFFE003, lr  }
0x1b: {  	s9 =	sadd.s32 $0xFFFFFEF7, lr;
	s5 =	simm.s32 $0xFFFFFFFF;
	p2 =	slt.u32 s8, $0xFFFFF086  }
0x1c: {  	p1 =	slt.u32 s9, $0xF7A;
	s5 =	simm.s32 @!p2 $0x0  }
0x1d: {  	s5 =	simm.s32 @p1 $0x1;
	p0 =	seq.s32 s7, s2  }
0x1e: {  	s7 =	smul.u32 @!p0 $0xF7A, s2;
	p2 =	seq.s32 @!p0 s5, $0x0  }
0x1f: {  	s9 =	smul.u32 $0xF7A, s1;
	s8 =	simm.s32 @!p0 $0x1BF5;
	p2 =	por !p2, p0  }
0x20: {  	[sflag:s8] =	ssyncset.s32 @!p0 $0xFFFFF086;
	s6 =	sadd.s32 @!p0 s3, s7;
	s7 =	simm.s32 @!p0 $0x108  }
0x21: {  	s3 =	sadd.s32 s3, s9;
	s6 =	sadd.s32 @!p0 $0x88, s6;
	s7 =	simm.s32 @p2 $0x1082  }
0x22: {  	[simem:s7], [sflag:s8] =	dma.local @!p0 [hbm:s6], $0xF7A  }
0x23: {  	s9 =	sor.u32 $0xD0000000, s2;
	s6 =	simm.s32 $0x108;
	_ =	swait.ge @!p0 [sflag:s8], $0x0  }
0x24: {  	s3 =	sadd.s32 $0x88, s3;
	s6 =	simm.s32 @!p1 $0x1082;
	[sflag:s4] =	ssyncset.s32 $0xFFFFF086  }
0x25: {  	[simem:s6], [sflag:s4] =	dma.local [hbm:s3], $0xF7A  }
0x26: {  	[smem:$0x3F96] =	sst s1;
	(tag) =	ssettag s2;
	_ =	strace s9  }
0x27: {  	s1 =	sld [smem:$0x3FA6]  }
0x28: {  	s2 =	sld [smem:$0x3FA7]  }
0x29: {  	s4 =	sld [smem:$0x3FA9]  }
0x2a: {  	p0 =	seq.s32 s5, $0x0;
	s5 =	sld [smem:$0x3FAA]  }
0x2b: {  	s6 =	sld [smem:$0x3FAB]  }
0x2c: {  	s7 =	sld [smem:$0x3FAC]  }
0x2d: {  	s3 =	simm.s32 $0x108;
	s8 =	sld [smem:$0x3FAD]  }
0x2e: {  	s3 =	simm.s32 @!p0 $0x1082;
	s9 =	sld [smem:$0x3FAE]  }
0x2f: {  	lr =	sadd.s32 s0, s3;
	s0 =	sld [smem:$0x3FA5]  }
0x30: {  	s3 =	sld [smem:$0x3FA8]  }
0x31: {  	[smem:$0x3FB1] =	sst s10  }
0x32: {  	s10 =	sld [smem:$0x3FAF];
	_ =	sdelay $0x3  }
0x33: {  	p0 =	seq.s32 s10, $0x1;
	s10 =	sld [smem:$0x3FB1];
	_ =	sdelay $0x3  }
0x34: {  	[smem:$0x3FB1] =	sst s10  }
0x35: {  	s10 =	sld [smem:$0x3FB0];
	_ =	sdelay $0x3  }
0x36: {  	p1 =	seq.s32 s10, $0x1;
	s10 =	sld [smem:$0x3FB1];
	_ =	sdelay $0x3  }
0x37: {  	[smem:$0x3FB1] =	sst s10  }
0x38: {  	s10 =	sld [smem:$0x3FB2]  }
0x39: {  	_ = 	snop;
	(pc) =	sbr.ind lr, $3  }
0x3a: {  	_ = 	snop  }
0x3b: {  	_ = 	snop  }
0x3c: {  	p2 =	seq.s32 s10, $0x1;
	s10 =	sld [smem:$0x3FB1]  }
0x3d: {  	_ =	shalt  }
0x3e: {  	_ =	shalt  }
0x3f: {  	_ =	shalt  }
0x40: {  	_ =	shalt  }
0x41: {  	_ =	shalt  }
0x42: {  	_ =	shalt  }
0x43: {  	_ =	shalt  }
0x44: {  	_ =	shalt  }
0x45: {  	_ =	shalt  }
0x46: {  	_ =	shalt  }
0x47: {  	_ =	shalt  }
0x48: {  	_ =	shalt  }
0x49: {  	_ =	shalt  }
0x4a: {  	_ =	shalt  }
0x4b: {  	_ =	shalt  }
0x4c: {  	_ =	shalt  }
0x4d: {  	_ =	shalt  }
0x4e: {  	_ =	shalt  }
0x4f: {  	_ =	shalt  }
0x50: {  	_ =	shalt  }
0x51: {  	_ =	shalt  }
0x52: {  	_ =	shalt  }
0x53: {  	_ =	shalt  }
0x54: {  	_ =	shalt  }
0x55: {  	_ =	shalt  }
0x56: {  	_ =	shalt  }
0x57: {  	_ =	shalt  }
0x58: {  	_ =	shalt  }
0x59: {  	_ =	shalt  }
0x5a: {  	_ =	shalt  }
0x5b: {  	_ =	shalt  }
0x5c: {  	_ =	shalt  }
0x5d: {  	_ =	shalt  }
0x5e: {  	_ =	shalt  }
0x5f: {  	_ =	shalt  }
0x60: {  	_ =	shalt  }
0x61: {  	_ =	shalt  }
0x62: {  	_ =	shalt  }
0x63: {  	_ =	shalt  }
0x64: {  	_ =	shalt  }
0x65: {  	_ =	shalt  }
0x66: {  	_ =	shalt  }
0x67: {  	_ =	shalt  }
0x68: {  	_ =	shalt  }
0x69: {  	_ =	shalt  }
0x6a: {  	_ =	shalt  }
0x6b: {  	_ =	shalt  }
0x6c: {  	_ =	shalt  }
0x6d: {  	_ =	shalt  }
0x6e: {  	_ =	shalt  }
0x6f: {  	_ =	shalt  }
0x70: {  	_ =	shalt  }
0x71: {  	_ =	shalt  }
0x72: {  	_ =	shalt  }
0x73: {  	_ =	shalt  }
0x74: {  	_ =	shalt  }
0x75: {  	_ =	shalt  }
0x76: {  	_ =	shalt  }
0x77: {  	_ =	shalt  }
0x78: {  	_ =	shalt  }
0x79: {  	_ =	shalt  }
0x7a: {  	_ =	shalt  }
0x7b: {  	_ =	shalt  }
0x7c: {  	_ =	shalt  }
0x7d: {  	_ =	shalt  }
0x7e: {  	_ =	shalt  }
0x7f: {  	_ =	shalt  }
0x80: {  	_ =	shalt  }
0x81: {  	_ =	shalt  }
0x82: {  	_ =	shalt  }
0x83: {  	_ =	shalt  }
0x84: {  	_ =	shalt  }
0x85: {  	_ =	shalt  }
0x86: {  	_ =	shalt  }
0x87: {  	_ =	shalt  }
.Lfunc_end0:
.L_simem_size_0:
called_computation.1_lowered:
.L_overlay_start_0:
0x88: {  	s2 =	sld [smem:$0x3FD9]  }
0x89: {  	s3 =	sld [smem:$0x3FFE];
	_ =	sdelay $0x1  }
0x8a: {  	s1 =	srdreg.scid  }
0x8b: {  	s0 =	sand.u32 $0x1, s1  }
0x8c: {  	s17 =	sshll.u32 s0, $0xA;
	s2 =	sadd.s32 s3, s2  }
0x8d: {  	s2 =	sadd.s32 s2, s17  }
0x8e: {  	[smem:$0x3FBD] =	sst s2  }
0x8f: {  	_ = 	snop  }
0x90: {  	s18 =	sld [smem:$0x3FC9];
	(tm) =	ssettm $0x1  }
0x91: {  	s19 =	sld [smem:$0x3FFB];
	_ =	sdelay $0x3  }
0x92: {  	_ =	strace s19  }
0x93: {  	s2 =	sld [smem:$0x3FFC];
	_ =	sdelay $0x3  }
0x94: {  	_ =	strace s2  }
0x95: {  	s2 =	sld [smem:$0x3FFD];
	_ =	sdelay $0x3  }
0x96: {  	_ =	strace s2  }
0x97: {  	_ =	strace $0x8FFFFFFF  }
0x98: {  	s20 =	sld [smem:$0x3FDB];
	_ =	sdelay $0x1  }
0x99: {  	s4 =	simm.s32 $_scs_section_size  }
0x9a: {  	s5 =	simm.s32 $_size__tile_overlayer_lowered;
	s6 =	simm.s32 $_tile_overlayer_lowered  }
0x9b: {  	s7 =	simm.s32 $0x1BFF;
	s21 =	sshll.u32 s6, $0x1;
	s4 =	sadd.s32 s4, s20  }
0x9c: {  	s22 =	simm.s32 $0x0;
	s5 =	sshll.u32 s5, $0x1;
	s6 =	sadd.s32 s21, s4  }
0x9d: {  	[timem:s22], [sflag:s7] =	dma.local [hbm:s6], s5  }
0x9e: {  	_ =	swait.ge [sflag:s7], s5  }
0x9f: {  	s5 =	ssub.s32 $0x0, s5;
	[sflag:s7] =	ssyncset.done $0x0  }
0xa0: {  	[sflag:s7] =	ssyncadd.s32 s5;
	_ =	sdelay $0x1  }
0xa1: {  	s23 =	simm.s32 $0x1B8B  }
0xa2: {  	_ =	swait.ge [sflag:s23], $0x1  }
0xa3: {  	[sflag:s23] =	ssyncset.done $0x0  }
0xa4: {  	[sflag:s23] =	ssyncadd.s32 $0xFFFFFFFF  }
0xa5: {  	s5 =	sld [smem:$0x0]  }
0xa6: {  	s6 =	sand.u32 $0xFFFFFFFE, s1  }
0xa7: {  	p0 =	sne.s32 s1, s6  }
0xa8: {  	s6 =	sshll.u32 @p0 s6, $0xE  }
0xa9: {  	s6 =	sadd.s32 @p0 $0x11B8D, s6;
	s7 =	sshll.u32 @p0 s5, $0x11  }
0xaa: {  	s6 =	sor.u32 @p0 s7, s6  }
0xab: {  	[sflag:s6] =	ssyncadd.remote.s32 @p0 $0x1;
	_ =	sdelay $0x1  }
0xac: {  	s6 =	simm.s32 @p0 $0x1B8D  }
0xad: {  	_ =	swait.eq @p0 [sflag:s6], $0x1  }
0xae: {  	[sflag:s6] =	ssyncadd.s32 @p0 $0xFFFFFFFF  }
0xaf: {  	s7 =	sshll.u32 @!p0 s1, $0xE  }
0xb0: {  	s7 =	sor.u32 @!p0 $0x4000, s7;
	s6 =	simm.s32 @!p0 $0x1B8D  }
0xb1: {  	s5 =	sshll.u32 @!p0 s5, $0x11;
	s7 =	sadd.s32 @!p0 $0x11B8D, s7;
	_ =	swait.eq @!p0 [sflag:s6], $0x1  }
0xb2: {  	s5 =	sor.u32 @!p0 s5, s7;
	[sflag:s6] =	ssyncadd.s32 @!p0 $0xFFFFFFFF  }
0xb3: {  	s25 =	simm.s32 $0x1B8E;
	s24 =	sld [smem:$0x3FFE];
	[sflag:s5] =	ssyncadd.remote.s32 @!p0 $0x1  }
0xb4: {  	s26 =	simm.s32 $execute0_lowered;
	[smem:$0x3FD2] =	sst s25  }
0xb5: {  	s6 =	sshll.u32 s26, $0x1;
	_ =	strace $0x80000049;
	[dreg:$0x1] =	wrdreg $0xFFFFFFFF  }
0xb6: {  	s28 =	simm.s32 $_size_execute0_lowered;
	s4 =	sadd.s32 s4, s6;
	[dreg:$0x0] =	wrdreg $0x0  }
0xb7: {  	s6 =	sshll.u32 s28, $0x1;
	[dreg:$0x2] =	wrdreg s4  }
0xb8: {  	[dreg:$0x3] =	wrdreg s6  }
0xb9: {  	[dreg:$0x4] =	wrdreg $0xC0  }
0xba: {  	_ =	task [dreg:s22], $0x5FFFF  }
0xbb: {  	[dreg:$0x1] =	wrdreg $0xFFFFFFFF  }
0xbc: {  	[dreg:$0x0] =	wrdreg $0x60  }
0xbd: {  	[dreg:$0x2] =	wrdreg s18  }
0xbe: {  	[dreg:$0x3] =	wrdreg s24  }
0xbf: {  	[dreg:$0x4] =	wrdreg $0x9F000  }
0xc0: {  	[dreg:$0x5] =	wrdreg $0xA  }
0xc1: {  	_ =	task.clear_ibuf [dreg:s22], $0x6FFFF;
	_ =	strace $0x90000049  }
0xc2: {  	s29 =	simm.s32 $0xA;
	_ =	strace $0x8000004B  }
0xc3: {  	_ =	swait.ge [sflag:s29], $0x1  }
0xc4: {  	[sflag:s29] =	ssyncadd.s32 $0xFFFFFFFF  }
0xc5: {  	_ =	strace $0x9000004B  }
0xc6: {  	_ =	sfence  }
0xc7: {  	s30 =	sld [smem:$0x0];
	_ =	sdelay $0x2  }
0xc8: {  	s31 =	sshll.u32 s1, $0xD;
	s1 =	sshrl.u32 s1, $0x2  }
0xc9: {  	s4 =	sand.u32 $0x4000, s31;
	s1 =	sadd.s32 s1, s30  }
0xca: {  	s0 =	sor.u32 s4, s0;
	s1 =	sshll.u32 s1, $0x11  }
0xcb: {  	s0 =	sor.u32 s1, s0  }
0xcc: {  	s0 =	sadd.s32 $0x8F2B, s0  }
0xcd: {  	[sflag:s0] =	ssyncadd.remote.s32 $0x1  }
0xce: {  	_ =	sfence.sel $0xFFFF  }
0xcf: {  	[dreg:$0x0] =	wrdreg $0xFFFFFFFF;
	(pc) =	sbr.abs _section_cstart, $3  }
0xd0: {  	[dreg:$0x1] =	wrdreg $0xFFFFFFFF  }
0xd1: {  	_ =	task.clear_ibuf [dreg:s22], $0x2FFFF;
	_ =	strace $0x9FFFFFFF  }
0xd2: {  	(tm) =	ssettm $0x7FFFFFFF  }
0xd3: {  	_ =	shalt  }
tec
execute0_lowered:
.L_overlay_start_1:
0x0: {  	(tag) =	ssettag $0x1  }
0x1: {  	s0 =	srdreg.scid;
	s1 =	rddreg [dreg:$0x0]  }
0x2: {  	s8 =	stileid.u32;
	s5 =	rddreg [dreg:$0x1]  }
0x3: {  	s3 =	rddreg [dreg:$0x2];
	s4 =	simm.s32 $0x0;
	s28 =	simm.s32 $0x4F00  }
0x4: {  	s29 =	simm.s32 $0x50;
	s30 =	simm.s32 $0x7700;
	s31 =	simm.s32 $0x1  }
0x5: {  	s0 =	sand.u32 $0x1, s0;
	s6 =	smul.u32 $0x280, s8;
	[smem:$0x7FF] =	sst s4  }
0x6: {  	s9 =	sadd.s32 $0x16800, s5;
	s2 =	sshll.u32 s0, $0x4;
	s7 =	smul.u32 $0x2800, s0  }
0x7: {  	_ =	strace $0x8000004A;
	[dreg:$0x4] =	wrdreg s9;
	s0 =	ssub.s32 $0x2, s0  }
0x8: {  	s2 =	sor.u32 s8, s2;
	s8 =	smul.u32 $0x50000, s8;
	s25 =	sshrl.u32 s0, $0x1  }
0x9: {  	s2 =	smul.u32 $0x4E2, s2;
	s6 =	sadd.s32 s6, s7;
	s0 =	ssub.s32 s0, s25  }
0xa: {  	s25 =	simm.s32 $0x3;
	s6 =	sshll.u32 s6, $0x4;
	s8 =	sshrl.u32 s8, $0x2  }
0xb: {  	s24 =	smax.u32 s0, $0x1;
	s0 =	simm.s32 $0x0;
	s2 =	sadd.s32 s2, s5  }
0xc: {  	s5 =	sadd.s32 s6, s5;
	s6 =	sadd.s32 s8, s3;
	s26 =	sadd.s32 $0xCA00, s2  }
0xd: {  	s8 =	sadd.s32 $0x2C00, s2;
	s9 =	sadd.s32 $0x2800, s6;
	s10 =	sadd.s32 $0x5000, s6  }
0xe: {  	s11 =	sadd.s32 $0x7800, s6;
	s12 =	sadd.s32 $0xA000, s6;
	s13 =	sadd.s32 $0xC800, s6  }
0xf: {  	s14 =	sadd.s32 $0xF000, s6;
	s15 =	sadd.s32 $0x11800, s6;
	s16 =	sadd.s32 $0x8E800, s5  }
0x10: {  	s17 =	sadd.s32 $0x8ED00, s5;
	s18 =	sadd.s32 $0x8F200, s5;
	s19 =	sadd.s32 $0x8F700, s5  }
0x11: {  	s20 =	sadd.s32 $0x8FC00, s5;
	s21 =	sadd.s32 $0x90100, s5;
	s22 =	sadd.s32 $0x90600, s5  }
0x12: {  	s23 =	sadd.s32 $0x90B00, s5;
	s2 =	simm.s32 $0x2;
	[dreg:$0x5] =	wrdreg s26  }
.LBB2_1:
0x13: {  	s5 =	rddreg [dreg:$0x5]  }
0x14: {  	[tilespmem:s4], [sflag:$0x3] =	stream.linear.gather [hbm4b:s5+s4], $0x2710, $0x38;
	[tilespmem:$0x1DF00] =	vst v63  }
0x15: {  	_ =	swait.ge [sflag:s25], $0x2710  }
0x16: {  	[sflag:s25] =	ssyncset.done $0x0  }
0x17: {  	s26 =	simm.s32 $0x2780;
	[sflag:s25] =	ssyncadd.s32 $0xFFFFD8F0  }
0x18: {  	[tilespmem:s26], [sflag:$0x3] =	stream.linear.gather [hbm4b:s8+s4], $0x2710, $0x38;
	[tilespmem:$0x1DF00] =	vst v63  }
0x19: {  	_ =	swait.ge [sflag:s25], $0x2710  }
0x1a: {  	[sflag:s25] =	ssyncset.done $0x0  }
0x1b: {  	s7 =	rddreg [dreg:$0x4];
	[sflag:s25] =	ssyncadd.s32 $0xFFFFD8F0  }
0x1c: {  	[tilespmem:s28], [sflag:$0x3] =	stream.linear.gather [hbm4b:s7+s4], $0x2800, $0x38;
	[tilespmem:$0x1DF00] =	vst v63  }
0x1d: {  	_ =	swait.ge [sflag:s25], $0x2800  }
0x1e: {  	[sflag:s25] =	ssyncset.done $0x0  }
0x1f: {  	[sflag:s25] =	ssyncadd.s32 $0xFFFFD800  }
0x20: {  	[spmem:s6] =	stream.linear.scatter [tilespmem:s28], [sflag:$0x3], $0x2800, $0x38;
	[tilespmem:$0x1DF00] =	vst v63  }
0x21: {  	_ =	swait.ge [sflag:s25], $0x2800  }
0x22: {  	[sflag:s25] =	ssyncset.done $0x0  }
0x23: {  	[sflag:s25] =	ssyncadd.s32 $0xFFFFD800  }
0x24: {  	[spmem:s9] =	stream.linear.scatter [tilespmem:s28], [sflag:$0x3], $0x2800, $0x38;
	[tilespmem:$0x1DF00] =	vst v63  }
0x25: {  	_ =	swait.ge [sflag:s25], $0x2800  }
0x26: {  	[sflag:s25] =	ssyncset.done $0x0  }
0x27: {  	[sflag:s25] =	ssyncadd.s32 $0xFFFFD800  }
0x28: {  	[spmem:s10] =	stream.linear.scatter [tilespmem:s28], [sflag:$0x3], $0x2800, $0x38;
	[tilespmem:$0x1DF00] =	vst v63  }
0x29: {  	_ =	swait.ge [sflag:s25], $0x2800  }
0x2a: {  	[sflag:s25] =	ssyncset.done $0x0  }
0x2b: {  	[sflag:s25] =	ssyncadd.s32 $0xFFFFD800  }
0x2c: {  	[spmem:s11] =	stream.linear.scatter [tilespmem:s28], [sflag:$0x3], $0x2800, $0x38;
	[tilespmem:$0x1DF00] =	vst v63  }
0x2d: {  	_ =	swait.ge [sflag:s25], $0x2800  }
0x2e: {  	[sflag:s25] =	ssyncset.done $0x0  }
0x2f: {  	[sflag:s25] =	ssyncadd.s32 $0xFFFFD800  }
0x30: {  	[spmem:s12] =	stream.linear.scatter [tilespmem:s28], [sflag:$0x3], $0x2800, $0x38;
	[tilespmem:$0x1DF00] =	vst v63  }
0x31: {  	_ =	swait.ge [sflag:s25], $0x2800  }
0x32: {  	[sflag:s25] =	ssyncset.done $0x0  }
0x33: {  	[sflag:s25] =	ssyncadd.s32 $0xFFFFD800  }
0x34: {  	[spmem:s13] =	stream.linear.scatter [tilespmem:s28], [sflag:$0x3], $0x2800, $0x38;
	[tilespmem:$0x1DF00] =	vst v63  }
0x35: {  	_ =	swait.ge [sflag:s25], $0x2800  }
0x36: {  	[sflag:s25] =	ssyncset.done $0x0  }
0x37: {  	[sflag:s25] =	ssyncadd.s32 $0xFFFFD800  }
0x38: {  	[spmem:s14] =	stream.linear.scatter [tilespmem:s28], [sflag:$0x3], $0x2800, $0x38;
	[tilespmem:$0x1DF00] =	vst v63  }
0x39: {  	_ =	swait.ge [sflag:s25], $0x2800  }
0x3a: {  	[sflag:s25] =	ssyncset.done $0x0  }
0x3b: {  	[sflag:s25] =	ssyncadd.s32 $0xFFFFD800  }
0x3c: {  	[spmem:s15] =	stream.linear.scatter [tilespmem:s28], [sflag:$0x3], $0x2800, $0x38;
	[tilespmem:$0x1DF00] =	vst v63  }
0x3d: {  	_ =	swait.ge [sflag:s25], $0x2800  }
0x3e: {  	[sflag:s25] =	ssyncset.done $0x0  }
0x3f: {  	[sflag:s25] =	ssyncadd.s32 $0xFFFFD800  }
0x40: {  	[bflag:$0x0] =	sbarrier.arrive $0xFFFF  }
0x41: {  	[tilespmem:s28], [sflag:$0x1] =	stream.indirect.gather [hbm4b:s1+s29], $0x80, s4, s29, $0xb8;
	[tilespmem:$0x1DF00] =	vst v63  }
0x42: {  	_ = 	snop  }
0x43: {  	[tilespmem:s30], [sflag:$0x2] =	stream.indirect.gather [hbm4b:s1+s29], $0x80, s29, s29, $0xb8;
	[tilespmem:$0x1DF00] =	vst v63  }
0x44: {  	_ =	swait.ge [sflag:s31], $0x2800  }
0x45: {  	[sflag:s31] =	ssyncset.done $0x0  }
0x46: {  	s26 =	simm.s32 $0x2780;
	[sflag:s31] =	ssyncadd.s32 $0xFFFFD800  }
0x47: {  	[spmem:s3] =	stream.indirect.scatter.add.f32 [tilespmem:s28], [sflag:$0x3], $0x80, s26, s29, $0xb8;
	[tilespmem:$0x1DF00] =	vst v63  }
0x48: {  	_ =	swait.ge [sflag:s25], $0x2800  }
0x49: {  	[sflag:s25] =	ssyncset.done $0x0  }
0x4a: {  	s7 =	simm.s32 $0xA0;
	[sflag:s25] =	ssyncadd.s32 $0xFFFFD800  }
0x4b: {  	[tilespmem:s28], [sflag:$0x1] =	stream.indirect.gather [hbm4b:s1+s29], $0x80, s7, s29, $0xb8;
	[tilespmem:$0x1DF00] =	vst v63  }
0x4c: {  	_ =	swait.ge [sflag:s2], $0x2800  }
0x4d: {  	[sflag:s2] =	ssyncset.done $0x0  }
0x4e: {  	s26 =	simm.s32 $0x27D0;
	[sflag:s2] =	ssyncadd.s32 $0xFFFFD800  }
0x4f: {  	[spmem:s3] =	stream.indirect.scatter.add.f32 [tilespmem:s30], [sflag:$0x3], $0x80, s26, s29, $0xb8;
	[tilespmem:$0x1DF00] =	vst v63  }
0x50: {  	_ =	swait.ge [sflag:s25], $0x2800  }
0x51: {  	[sflag:s25] =	ssyncset.done $0x0  }
0x52: {  	s5 =	simm.s32 $0xF0;
	s26 =	simm.s32 $0x280;
	[sflag:s25] =	ssyncadd.s32 $0xFFFFD800  }
.LBB2_2:
0x53: {  	[tilespmem:s30], [sflag:$0x2] =	stream.indirect.gather [hbm4b:s1+s29], $0x80, s5, s29, $0xb8;
	[tilespmem:$0x1DF00] =	vst v63  }
0x54: {  	s5 =	smov.u32 s26  }
0x55: {  	p0 =	sne.s32 s26, $0x9600;
	s26 =	sadd.s32 $0x280, s26;
	_ =	swait.ge [sflag:s31], $0x2800  }
0x56: {  	s5 =	sshra.s32 s5, $0x2;
	[sflag:s31] =	ssyncset.done $0x0  }
0x57: {  	s7 =	sadd.s32 $0x2780, s5;
	[sflag:s31] =	ssyncadd.s32 $0xFFFFD800  }
0x58: {  	[spmem:s3] =	stream.indirect.scatter.add.f32 [tilespmem:s28], [sflag:$0x3], $0x80, s7, s29, $0xb8;
	[tilespmem:$0x1DF00] =	vst v63  }
0x59: {  	_ =	swait.ge [sflag:s25], $0x2800  }
0x5a: {  	[sflag:s25] =	ssyncset.done $0x0  }
0x5b: {  	s7 =	sadd.s32 $0xA0, s5;
	[sflag:s25] =	ssyncadd.s32 $0xFFFFD800  }
0x5c: {  	[tilespmem:s28], [sflag:$0x1] =	stream.indirect.gather [hbm4b:s1+s29], $0x80, s7, s29, $0xb8;
	[tilespmem:$0x1DF00] =	vst v63  }
0x5d: {  	_ =	swait.ge [sflag:s2], $0x2800  }
0x5e: {  	[sflag:s2] =	ssyncset.done $0x0  }
.Ltmp0:
0x5f: {  	s7 =	sadd.s32 $0x27D0, s5;
	[sflag:s2] =	ssyncadd.s32 $0xFFFFD800;
	(pc) =	sbr.rel @p0 .LBB2_2-.Ltmp0, $4  }
0x60: {  	[spmem:s3] =	stream.indirect.scatter.add.f32 [tilespmem:s30], [sflag:$0x3], $0x80, s7, s29, $0xb8;
	[tilespmem:$0x1DF00] =	vst v63  }
0x61: {  	_ =	swait.ge [sflag:s25], $0x2800  }
0x62: {  	[sflag:s25] =	ssyncset.done $0x0  }
0x63: {  	s5 =	sadd.s32 $0xF0, s5;
	[sflag:s25] =	ssyncadd.s32 $0xFFFFD800  }
0x64: {  	[tilespmem:s30], [sflag:$0x2] =	stream.indirect.gather [hbm4b:s1+s29], $0x80, s5, s29, $0xb8;
	[tilespmem:$0x1DF00] =	vst v63  }
0x65: {  	_ =	swait.ge [sflag:s31], $0x2800  }
0x66: {  	[sflag:s31] =	ssyncset.done $0x0  }
0x67: {  	s7 =	simm.s32 $0x4DA0;
	[sflag:s31] =	ssyncadd.s32 $0xFFFFD800  }
0x68: {  	[spmem:s3] =	stream.indirect.scatter.add.f32 [tilespmem:s28], [sflag:$0x3], $0x80, s7, s29, $0xb8;
	[tilespmem:$0x1DF00] =	vst v63  }
0x69: {  	_ =	swait.ge [sflag:s25], $0x2800  }
0x6a: {  	[sflag:s25] =	ssyncset.done $0x0  }
0x6b: {  	s26 =	simm.s32 $0x26C0;
	[sflag:s25] =	ssyncadd.s32 $0xFFFFD800  }
0x6c: {  	[tilespmem:s28], [sflag:$0x1] =	stream.indirect.gather [hbm4b:s1+s29], $0x80, s26, s29, $0xb8;
	[tilespmem:$0x1DF00] =	vst v63  }
0x6d: {  	_ =	swait.ge [sflag:s2], $0x2800  }
0x6e: {  	[sflag:s2] =	ssyncset.done $0x0  }
0x6f: {  	s7 =	simm.s32 $0x4DF0;
	[sflag:s2] =	ssyncadd.s32 $0xFFFFD800  }
0x70: {  	[spmem:s3] =	stream.indirect.scatter.add.f32 [tilespmem:s30], [sflag:$0x3], $0x80, s7, s29, $0xb8;
	[tilespmem:$0x1DF00] =	vst v63  }
0x71: {  	_ =	swait.ge [sflag:s25], $0x2800  }
0x72: {  	[sflag:s25] =	ssyncset.done $0x0  }
0x73: {  	[sflag:s25] =	ssyncadd.s32 $0xFFFFD800  }
0x74: {  	_ =	swait.ge [sflag:s31], $0x2800  }
0x75: {  	[sflag:s31] =	ssyncset.done $0x0  }
0x76: {  	s26 =	simm.s32 $0x4E40;
	[sflag:s31] =	ssyncadd.s32 $0xFFFFD800  }
0x77: {  	[spmem:s3] =	stream.indirect.scatter.add.f32 [tilespmem:s28], [sflag:$0x3], $0x80, s26, s29, $0xb8;
	[tilespmem:$0x1DF00] =	vst v63  }
0x78: {  	_ =	swait.ge [sflag:s25], $0x2800  }
0x79: {  	[sflag:s25] =	ssyncset.done $0x0  }
0x7a: {  	[sflag:s25] =	ssyncadd.s32 $0xFFFFD800  }
0x7b: {  	[bflag:$0x0] =	sbarrier.arrive $0xFFFF  }
0x7c: {  	[tilespmem:s28], [sflag:$0x3] =	stream.linear.gather [spmem:s6], $0x2800, $0x38;
	[tilespmem:$0x1DF00] =	vst v63  }
0x7d: {  	_ =	swait.ge [sflag:s25], $0x2800  }
0x7e: {  	[sflag:s25] =	ssyncset.done $0x0  }
0x7f: {  	[sflag:s25] =	ssyncadd.s32 $0xFFFFD800  }
0x80: {  	[hbm4b:s16+s4] =	stream.linear.scatter [tilespmem:s28], [sflag:$0x1], $0x2800, $0x38;
	[tilespmem:$0x1DF00] =	vst v63  }
0x81: {  	_ = 	snop  }
0x82: {  	[tilespmem:s30], [sflag:$0x3] =	stream.linear.gather [spmem:s9], $0x2800, $0x38;
	[tilespmem:$0x1DF00] =	vst v63  }
0x83: {  	_ =	swait.ge [sflag:s25], $0x2800  }
0x84: {  	[sflag:s25] =	ssyncset.done $0x0  }
0x85: {  	[sflag:s25] =	ssyncadd.s32 $0xFFFFD800  }
0x86: {  	[hbm4b:s17+s4] =	stream.linear.scatter [tilespmem:s30], [sflag:$0x2], $0x2800, $0x38;
	[tilespmem:$0x1DF00] =	vst v63  }
0x87: {  	_ =	swait.ge [sflag:s31], $0x2800  }
0x88: {  	[sflag:s31] =	ssyncset.done $0x0  }
0x89: {  	[sflag:s31] =	ssyncadd.s32 $0xFFFFD800  }
0x8a: {  	[tilespmem:s28], [sflag:$0x3] =	stream.linear.gather [spmem:s10], $0x2800, $0x38;
	[tilespmem:$0x1DF00] =	vst v63  }
0x8b: {  	_ =	swait.ge [sflag:s25], $0x2800  }
0x8c: {  	[sflag:s25] =	ssyncset.done $0x0  }
0x8d: {  	[sflag:s25] =	ssyncadd.s32 $0xFFFFD800  }
0x8e: {  	[hbm4b:s18+s4] =	stream.linear.scatter [tilespmem:s28], [sflag:$0x1], $0x2800, $0x38;
	[tilespmem:$0x1DF00] =	vst v63  }
0x8f: {  	_ =	swait.ge [sflag:s2], $0x2800  }
0x90: {  	[sflag:s2] =	ssyncset.done $0x0  }
0x91: {  	[sflag:s2] =	ssyncadd.s32 $0xFFFFD800  }
0x92: {  	[tilespmem:s30], [sflag:$0x3] =	stream.linear.gather [spmem:s11], $0x2800, $0x38;
	[tilespmem:$0x1DF00] =	vst v63  }
0x93: {  	_ =	swait.ge [sflag:s25], $0x2800  }
0x94: {  	[sflag:s25] =	ssyncset.done $0x0  }
0x95: {  	[sflag:s25] =	ssyncadd.s32 $0xFFFFD800  }
0x96: {  	[hbm4b:s19+s4] =	stream.linear.scatter [tilespmem:s30], [sflag:$0x2], $0x2800, $0x38;
	[tilespmem:$0x1DF00] =	vst v63  }
0x97: {  	_ =	swait.ge [sflag:s31], $0x2800  }
0x98: {  	[sflag:s31] =	ssyncset.done $0x0  }
0x99: {  	[sflag:s31] =	ssyncadd.s32 $0xFFFFD800  }
0x9a: {  	[tilespmem:s28], [sflag:$0x3] =	stream.linear.gather [spmem:s12], $0x2800, $0x38;
	[tilespmem:$0x1DF00] =	vst v63  }
0x9b: {  	_ =	swait.ge [sflag:s25], $0x2800  }
0x9c: {  	[sflag:s25] =	ssyncset.done $0x0  }
0x9d: {  	[sflag:s25] =	ssyncadd.s32 $0xFFFFD800  }
0x9e: {  	[hbm4b:s20+s4] =	stream.linear.scatter [tilespmem:s28], [sflag:$0x1], $0x2800, $0x38;
	[tilespmem:$0x1DF00] =	vst v63  }
0x9f: {  	_ =	swait.ge [sflag:s2], $0x2800  }
0xa0: {  	[sflag:s2] =	ssyncset.done $0x0  }
0xa1: {  	[sflag:s2] =	ssyncadd.s32 $0xFFFFD800  }
0xa2: {  	[tilespmem:s30], [sflag:$0x3] =	stream.linear.gather [spmem:s13], $0x2800, $0x38;
	[tilespmem:$0x1DF00] =	vst v63  }
0xa3: {  	_ =	swait.ge [sflag:s25], $0x2800  }
0xa4: {  	[sflag:s25] =	ssyncset.done $0x0  }
0xa5: {  	[sflag:s25] =	ssyncadd.s32 $0xFFFFD800  }
0xa6: {  	[hbm4b:s21+s4] =	stream.linear.scatter [tilespmem:s30], [sflag:$0x2], $0x2800, $0x38;
	[tilespmem:$0x1DF00] =	vst v63  }
0xa7: {  	_ =	swait.ge [sflag:s31], $0x2800  }
0xa8: {  	[sflag:s31] =	ssyncset.done $0x0  }
0xa9: {  	[sflag:s31] =	ssyncadd.s32 $0xFFFFD800  }
0xaa: {  	[tilespmem:s28], [sflag:$0x3] =	stream.linear.gather [spmem:s14], $0x2800, $0x38;
	[tilespmem:$0x1DF00] =	vst v63  }
0xab: {  	_ =	swait.ge [sflag:s25], $0x2800  }
0xac: {  	[sflag:s25] =	ssyncset.done $0x0  }
0xad: {  	[sflag:s25] =	ssyncadd.s32 $0xFFFFD800  }
0xae: {  	[hbm4b:s22+s4] =	stream.linear.scatter [tilespmem:s28], [sflag:$0x1], $0x2800, $0x38;
	[tilespmem:$0x1DF00] =	vst v63  }
0xaf: {  	_ =	swait.ge [sflag:s2], $0x2800  }
0xb0: {  	[sflag:s2] =	ssyncset.done $0x0  }
0xb1: {  	[sflag:s2] =	ssyncadd.s32 $0xFFFFD800  }
0xb2: {  	[tilespmem:s30], [sflag:$0x3] =	stream.linear.gather [spmem:s15], $0x2800, $0x38;
	[tilespmem:$0x1DF00] =	vst v63  }
0xb3: {  	_ =	swait.ge [sflag:s25], $0x2800  }
0xb4: {  	[sflag:s25] =	ssyncset.done $0x0  }
0xb5: {  	s0 =	sadd.s32 $0x1, s0;
	[sflag:s25] =	ssyncadd.s32 $0xFFFFD800  }
0xb6: {  	[hbm4b:s23+s4] =	stream.linear.scatter [tilespmem:s30], [sflag:$0x2], $0x2800, $0x38;
	[tilespmem:$0x1DF00] =	vst v63  }
0xb7: {  	p0 =	sne.s32 s0, s24;
	_ =	swait.ge [sflag:s31], $0x2800  }
.Ltmp1:
0xb8: {  	[sflag:s31] =	ssyncset.done $0x0;
	(pc) =	sbr.rel @p0 .LBB2_1-.Ltmp1, $4  }
0xb9: {  	[sflag:s31] =	ssyncadd.s32 $0xFFFFD800  }
0xba: {  	_ =	swait.ge [sflag:s2], $0x2800  }
0xbb: {  	[sflag:s2] =	ssyncset.done $0x0  }
0xbc: {  	[sflag:s2] =	ssyncadd.s32 $0xFFFFD800  }
0xbd: {  	_ =	sfence.sel $0x180000  }
0xbe: {  	[bflag:$0x0] =	sbarrier.arrive $0xFFFF  }
0xbf: {  	_ =	strace $0x9000004A  }
0xc0: {  	s0 =	stileid.u32;
	[bflag:$0x2] =	sbarrier.arrive $0xFFFF  }
0xc1: {  	p0 =	sne.s32 s0, $0x0;
	s0 =	rddreg [dreg:$0x3]  }
0xc2: {  	s0 =	sadd.s32 @!p0 $0x100000, s0  }
0xc3: {  	[sflag:s0] =	ssyncadd.tile.s32 @!p0 $0x1;
	_ =	shalt  }
.Lfunc_end2:
_tile_overlayer_lowered:
.L_overlay_start_2:
0xc4: {  	(tag) =	ssettag $0x2  }
0xc5: {  	s0 =	rddreg [dreg:$0x0];
	s2 =	stileid.u32  }
0xc6: {  	s1 =	rddreg [dreg:$0x1];
	p0 =	sne.s32 s2, $0x0  }
0xc7: {  	s3 =	rddreg [dreg:$0x2];
	[bflag:$0x3] =	sbarrier.arrive $0xFFFF;
	s2 =	simm.s32 @!p0 $0x1C03  }
0xc8: {  	[timem:s3], [sflag:s2] =	dma.local @!p0 [hbm:s0], s1  }
0xc9: {  	s0 =	simm.s32 @!p0 $0x3  }
0xca: {  	_ =	swait.ge @!p0 [sflag:s0], s1  }
0xcb: {  	s1 =	ssub.s32 @!p0 $0x0, s1;
	[sflag:s0] =	ssyncset.done @!p0 $0x0  }
0xcc: {  	[sflag:s0] =	ssyncadd.s32 @!p0 s1  }
0xcd: {  	[bflag:$0x3] =	sbarrier.arrive $0xFFFF  }
0xce: {  	_ =	shalt  }

// kernel: kernel.16.cloned.1.call-start
scs
__scs_entry_jumppad:
0x0: {  	(pc) =	sbr.rel $0x88, $3  }
0x1: {  	(tag) =	ssettag $0x0;
	lr =	simm.s32 $0x1  }
0x2: {  	[smem:$0x3F96] =	sst lr;
	_ =	strace $0xD0000000  }
0x3: {  	_ = 	snop  }
0x4: {  	_ = 	snop  }
0x5: {  	_ = 	snop  }
0x6: {  	_ = 	snop  }
0x7: {  	_ = 	snop  }
__scs_overlays_trampoline_lowered:
0x8: {  	[smem:$0x3FA5] =	sst s0  }
0x9: {  	[smem:$0x3FA6] =	sst s1  }
0xa: {  	[smem:$0x3FA7] =	sst s2  }
0xb: {  	[smem:$0x3FA8] =	sst s3  }
0xc: {  	[smem:$0x3FA9] =	sst s4  }
0xd: {  	[smem:$0x3FAA] =	sst s5  }
0xe: {  	[smem:$0x3FAB] =	sst s6  }
0xf: {  	[smem:$0x3FAC] =	sst s7  }
0x10: {  	[smem:$0x3FAD] =	sst s8  }
0x11: {  	[smem:$0x3FAE] =	sst s9;
	s0 =	simm.s32 @!p0 $0x0  }
0x12: {  	s1 =	sld [smem:$0x3F94];
	s0 =	simm.s32 @p0 $0x1  }
0x13: {  	[smem:$0x3FAF] =	sst s0;
	s0 =	simm.s32 @!p1 $0x0  }
0x14: {  	s2 =	sld [smem:$0x3F93];
	s0 =	simm.s32 @p1 $0x1  }
0x15: {  	[smem:$0x3FB0] =	sst s0;
	s0 =	simm.s32 @!p2 $0x0  }
0x16: {  	s3 =	sld [smem:$0x3FDB];
	s0 =	simm.s32 @p2 $0x1  }
0x17: {  	s4 =	simm.s32 $0x1BF5;
	[smem:$0x3FB2] =	sst s0  }
0x18: {  	s0 =	sld [smem:$0x3F95];
	_ =	swait.ge [sflag:s4], $0x0  }
0x19: {  	s7 =	sld [smem:$0x3F96]  }
0x1a: {  	s8 =	sadd.s32 $0xFFFFE003, lr  }
0x1b: {  	s9 =	sadd.s32 $0xFFFFFEF7, lr;
	s5 =	simm.s32 $0xFFFFFFFF;
	p2 =	slt.u32 s8, $0xFFFFF086  }
0x1c: {  	p1 =	slt.u32 s9, $0xF7A;
	s5 =	simm.s32 @!p2 $0x0  }
0x1d: {  	s5 =	simm.s32 @p1 $0x1;
	p0 =	seq.s32 s7, s2  }
0x1e: {  	s7 =	smul.u32 @!p0 $0xF7A, s2;
	p2 =	seq.s32 @!p0 s5, $0x0  }
0x1f: {  	s9 =	smul.u32 $0xF7A, s1;
	s8 =	simm.s32 @!p0 $0x1BF5;
	p2 =	por !p2, p0  }
0x20: {  	[sflag:s8] =	ssyncset.s32 @!p0 $0xFFFFF086;
	s6 =	sadd.s32 @!p0 s3, s7;
	s7 =	simm.s32 @!p0 $0x108  }
0x21: {  	s3 =	sadd.s32 s3, s9;
	s6 =	sadd.s32 @!p0 $0x88, s6;
	s7 =	simm.s32 @p2 $0x1082  }
0x22: {  	[simem:s7], [sflag:s8] =	dma.local @!p0 [hbm:s6], $0xF7A  }
0x23: {  	s9 =	sor.u32 $0xD0000000, s2;
	s6 =	simm.s32 $0x108;
	_ =	swait.ge @!p0 [sflag:s8], $0x0  }
0x24: {  	s3 =	sadd.s32 $0x88, s3;
	s6 =	simm.s32 @!p1 $0x1082;
	[sflag:s4] =	ssyncset.s32 $0xFFFFF086  }
0x25: {  	[simem:s6], [sflag:s4] =	dma.local [hbm:s3], $0xF7A  }
0x26: {  	[smem:$0x3F96] =	sst s1;
	(tag) =	ssettag s2;
	_ =	strace s9  }
0x27: {  	s1 =	sld [smem:$0x3FA6]  }
0x28: {  	s2 =	sld [smem:$0x3FA7]  }
0x29: {  	s4 =	sld [smem:$0x3FA9]  }
0x2a: {  	p0 =	seq.s32 s5, $0x0;
	s5 =	sld [smem:$0x3FAA]  }
0x2b: {  	s6 =	sld [smem:$0x3FAB]  }
0x2c: {  	s7 =	sld [smem:$0x3FAC]  }
0x2d: {  	s3 =	simm.s32 $0x108;
	s8 =	sld [smem:$0x3FAD]  }
0x2e: {  	s3 =	simm.s32 @!p0 $0x1082;
	s9 =	sld [smem:$0x3FAE]  }
0x2f: {  	lr =	sadd.s32 s0, s3;
	s0 =	sld [smem:$0x3FA5]  }
0x30: {  	s3 =	sld [smem:$0x3FA8]  }
0x31: {  	[smem:$0x3FB1] =	sst s10  }
0x32: {  	s10 =	sld [smem:$0x3FAF];
	_ =	sdelay $0x3  }
0x33: {  	p0 =	seq.s32 s10, $0x1;
	s10 =	sld [smem:$0x3FB1];
	_ =	sdelay $0x3  }
0x34: {  	[smem:$0x3FB1] =	sst s10  }
0x35: {  	s10 =	sld [smem:$0x3FB0];
	_ =	sdelay $0x3  }
0x36: {  	p1 =	seq.s32 s10, $0x1;
	s10 =	sld [smem:$0x3FB1];
	_ =	sdelay $0x3  }
0x37: {  	[smem:$0x3FB1] =	sst s10  }
0x38: {  	s10 =	sld [smem:$0x3FB2]  }
0x39: {  	_ = 	snop;
	(pc) =	sbr.ind lr, $3  }
0x3a: {  	_ = 	snop  }
0x3b: {  	_ = 	snop  }
0x3c: {  	p2 =	seq.s32 s10, $0x1;
	s10 =	sld [smem:$0x3FB1]  }
0x3d: {  	_ =	shalt  }
0x3e: {  	_ =	shalt  }
0x3f: {  	_ =	shalt  }
0x40: {  	_ =	shalt  }
0x41: {  	_ =	shalt  }
0x42: {  	_ =	shalt  }
0x43: {  	_ =	shalt  }
0x44: {  	_ =	shalt  }
0x45: {  	_ =	shalt  }
0x46: {  	_ =	shalt  }
0x47: {  	_ =	shalt  }
0x48: {  	_ =	shalt  }
0x49: {  	_ =	shalt  }
0x4a: {  	_ =	shalt  }
0x4b: {  	_ =	shalt  }
0x4c: {  	_ =	shalt  }
0x4d: {  	_ =	shalt  }
0x4e: {  	_ =	shalt  }
0x4f: {  	_ =	shalt  }
0x50: {  	_ =	shalt  }
0x51: {  	_ =	shalt  }
0x52: {  	_ =	shalt  }
0x53: {  	_ =	shalt  }
0x54: {  	_ =	shalt  }
0x55: {  	_ =	shalt  }
0x56: {  	_ =	shalt  }
0x57: {  	_ =	shalt  }
0x58: {  	_ =	shalt  }
0x59: {  	_ =	shalt  }
0x5a: {  	_ =	shalt  }
0x5b: {  	_ =	shalt  }
0x5c: {  	_ =	shalt  }
0x5d: {  	_ =	shalt  }
0x5e: {  	_ =	shalt  }
0x5f: {  	_ =	shalt  }
0x60: {  	_ =	shalt  }
0x61: {  	_ =	shalt  }
0x62: {  	_ =	shalt  }
0x63: {  	_ =	shalt  }
0x64: {  	_ =	shalt  }
0x65: {  	_ =	shalt  }
0x66: {  	_ =	shalt  }
0x67: {  	_ =	shalt  }
0x68: {  	_ =	shalt  }
0x69: {  	_ =	shalt  }
0x6a: {  	_ =	shalt  }
0x6b: {  	_ =	shalt  }
0x6c: {  	_ =	shalt  }
0x6d: {  	_ =	shalt  }
0x6e: {  	_ =	shalt  }
0x6f: {  	_ =	shalt  }
0x70: {  	_ =	shalt  }
0x71: {  	_ =	shalt  }
0x72: {  	_ =	shalt  }
0x73: {  	_ =	shalt  }
0x74: {  	_ =	shalt  }
0x75: {  	_ =	shalt  }
0x76: {  	_ =	shalt  }
0x77: {  	_ =	shalt  }
0x78: {  	_ =	shalt  }
0x79: {  	_ =	shalt  }
0x7a: {  	_ =	shalt  }
0x7b: {  	_ =	shalt  }
0x7c: {  	_ =	shalt  }
0x7d: {  	_ =	shalt  }
0x7e: {  	_ =	shalt  }
0x7f: {  	_ =	shalt  }
0x80: {  	_ =	shalt  }
0x81: {  	_ =	shalt  }
0x82: {  	_ =	shalt  }
0x83: {  	_ =	shalt  }
0x84: {  	_ =	shalt  }
0x85: {  	_ =	shalt  }
0x86: {  	_ =	shalt  }
0x87: {  	_ =	shalt  }
.Lfunc_end0:
.L_simem_size_0:
called_computation.2_lowered:
.L_overlay_start_0:
0x88: {  	s2 =	sld [smem:$0x3FD9]  }
0x89: {  	s3 =	sld [smem:$0x3FFE];
	_ =	sdelay $0x1  }
0x8a: {  	s1 =	srdreg.scid  }
0x8b: {  	s0 =	sand.u32 $0x1, s1  }
0x8c: {  	s16 =	sshll.u32 s0, $0xA;
	s2 =	sadd.s32 s3, s2  }
0x8d: {  	s2 =	sadd.s32 s2, s16  }
0x8e: {  	[smem:$0x3FBD] =	sst s2  }
0x8f: {  	_ = 	snop  }
0x90: {  	(tm) =	ssettm $0x1  }
0x91: {  	s17 =	sld [smem:$0x3FFB];
	_ =	sdelay $0x3  }
0x92: {  	_ =	strace s17  }
0x93: {  	s2 =	sld [smem:$0x3FFC];
	_ =	sdelay $0x3  }
0x94: {  	_ =	strace s2  }
0x95: {  	s2 =	sld [smem:$0x3FFD];
	_ =	sdelay $0x3  }
0x96: {  	_ =	strace s2  }
0x97: {  	_ =	strace $0x8FFFFFFF  }
0x98: {  	s18 =	sld [smem:$0x3FDB];
	_ =	sdelay $0x1  }
0x99: {  	s19 =	simm.s32 $_scs_section_size  }
0x9a: {  	s4 =	simm.s32 $_size__tile_overlayer_lowered;
	s5 =	simm.s32 $_tile_overlayer_lowered  }
0x9b: {  	s22 =	simm.s32 $0x1BFF;
	s21 =	sshll.u32 s5, $0x1;
	s2 =	sadd.s32 s19, s18  }
0x9c: {  	s6 =	simm.s32 $0x0;
	s20 =	sshll.u32 s4, $0x1;
	s4 =	sadd.s32 s21, s2  }
0x9d: {  	[timem:s6], [sflag:s22] =	dma.local [hbm:s4], s20  }
0x9e: {  	_ =	swait.ge [sflag:s22], s20  }
0x9f: {  	s3 =	ssub.s32 $0x0, s20;
	[sflag:s22] =	ssyncset.done $0x0  }
0xa0: {  	[sflag:s22] =	ssyncadd.s32 s3;
	_ =	sdelay $0x1  }
0xa1: {  	s23 =	simm.s32 $0x1B8B  }
0xa2: {  	_ =	swait.ge [sflag:s23], $0x1  }
0xa3: {  	[sflag:s23] =	ssyncset.done $0x0  }
0xa4: {  	s25 =	simm.s32 $0x1B8E;
	s24 =	sld [smem:$0x3FFE];
	[sflag:s23] =	ssyncadd.s32 $0xFFFFFFFF  }
0xa5: {  	s26 =	simm.s32 $execute0_lowered;
	[smem:$0x3FD2] =	sst s25  }
0xa6: {  	s4 =	sshll.u32 s26, $0x1;
	_ =	strace $0x8000004C;
	[dreg:$0x1] =	wrdreg $0xFFFFFFFF  }
0xa7: {  	s28 =	simm.s32 $_size_execute0_lowered;
	s2 =	sadd.s32 s2, s4;
	[dreg:$0x0] =	wrdreg $0x0  }
0xa8: {  	s4 =	sshll.u32 s28, $0x1;
	[dreg:$0x2] =	wrdreg s2  }
0xa9: {  	[dreg:$0x3] =	wrdreg s4  }
0xaa: {  	[dreg:$0x4] =	wrdreg $0xC0  }
0xab: {  	_ =	task [dreg:s6], $0x5FFFF  }
0xac: {  	[dreg:$0x1] =	wrdreg $0xFFFFFFFF  }
0xad: {  	[dreg:$0x0] =	wrdreg $0x60  }
0xae: {  	[dreg:$0x2] =	wrdreg s24  }
0xaf: {  	[dreg:$0x3] =	wrdreg $0x9F000  }
0xb0: {  	[dreg:$0x4] =	wrdreg $0x9  }
0xb1: {  	_ =	task.clear_ibuf [dreg:s6], $0x5FFFF;
	_ =	strace $0x9000004C  }
0xb2: {  	s29 =	simm.s32 $0x9;
	_ =	strace $0x8000004E  }
0xb3: {  	_ =	swait.ge [sflag:s29], $0x1  }
0xb4: {  	[sflag:s29] =	ssyncadd.s32 $0xFFFFFFFF  }
0xb5: {  	_ =	strace $0x9000004E  }
0xb6: {  	_ =	sfence  }
0xb7: {  	s30 =	sld [smem:$0x0];
	_ =	sdelay $0x2  }
0xb8: {  	s31 =	sshll.u32 s1, $0xD;
	s1 =	sshrl.u32 s1, $0x2  }
0xb9: {  	s3 =	sand.u32 $0x4000, s31;
	s1 =	sadd.s32 s1, s30  }
0xba: {  	s0 =	sor.u32 s3, s0;
	s1 =	sshll.u32 s1, $0x11  }
0xbb: {  	s0 =	sor.u32 s1, s0  }
0xbc: {  	s0 =	sadd.s32 $0x8F2B, s0  }
0xbd: {  	[sflag:s0] =	ssyncadd.remote.s32 $0x1  }
0xbe: {  	_ =	sfence.sel $0xFFFF  }
0xbf: {  	[dreg:$0x0] =	wrdreg $0xFFFFFFFF;
	(pc) =	sbr.abs _section_cstart, $3  }
0xc0: {  	[dreg:$0x1] =	wrdreg $0xFFFFFFFF  }
0xc1: {  	_ =	task.clear_ibuf [dreg:s6], $0x2FFFF;
	_ =	strace $0x9FFFFFFF  }
0xc2: {  	(tm) =	ssettm $0x7FFFFFFF  }
0xc3: {  	_ =	shalt  }
tec
execute0_lowered:
.L_overlay_start_1:
0x0: {  	(tag) =	ssettag $0x1  }
0x1: {  	s0 =	srdreg.scid;
	s1 =	rddreg [dreg:$0x0]  }
0x2: {  	s8 =	stileid.u32;
	s2 =	rddreg [dreg:$0x1]  }
0x3: {  	s28 =	simm.s32 $0x4F00;
	s29 =	simm.s32 $0x50;
	s30 =	simm.s32 $0x7700  }
0x4: {  	s31 =	simm.s32 $0x1;
	s0 =	sand.u32 $0x1, s0;
	s6 =	smul.u32 $0x280, s8  }
0x5: {  	s9 =	sadd.s32 $0x16800, s1;
	s3 =	sshll.u32 s0, $0x4;
	s7 =	smul.u32 $0x2800, s0  }
0x6: {  	s0 =	ssub.s32 $0x2, s0;
	s4 =	sor.u32 s8, s3;
	s8 =	smul.u32 $0x50000, s8  }
0x7: {  	s3 =	simm.s32 $0x0;
	s25 =	sshrl.u32 s0, $0x1;
	s5 =	smul.u32 $0x4E2, s4  }
0x8: {  	[smem:$0x7FF] =	sst s3;
	s4 =	sadd.s32 $0x3E800, s1;
	s6 =	sadd.s32 s6, s7  }
0x9: {  	s0 =	ssub.s32 s0, s25;
	s25 =	simm.s32 $0x3;
	_ =	strace $0x8000004D  }
0xa: {  	[dreg:$0x3] =	wrdreg s9;
	s6 =	sshll.u32 s6, $0x4;
	s8 =	sshrl.u32 s8, $0x2  }
0xb: {  	s24 =	smax.u32 s0, $0x1;
	s0 =	simm.s32 $0x0;
	s5 =	sadd.s32 s5, s1  }
0xc: {  	s1 =	sadd.s32 s6, s1;
	s6 =	sadd.s32 s8, s2;
	s26 =	sadd.s32 $0xCA00, s5  }
0xd: {  	s8 =	sadd.s32 $0x2C00, s5;
	s9 =	sadd.s32 $0x2800, s6;
	s10 =	sadd.s32 $0x5000, s6  }
0xe: {  	s11 =	sadd.s32 $0x7800, s6;
	s12 =	sadd.s32 $0xA000, s6;
	s13 =	sadd.s32 $0xC800, s6  }
0xf: {  	s14 =	sadd.s32 $0xF000, s6;
	s15 =	sadd.s32 $0x11800, s6;
	s16 =	sadd.s32 $0x65A00, s1  }
0x10: {  	s17 =	sadd.s32 $0x65F00, s1;
	s18 =	sadd.s32 $0x66400, s1;
	s19 =	sadd.s32 $0x66900, s1  }
0x11: {  	s20 =	sadd.s32 $0x66E00, s1;
	s21 =	sadd.s32 $0x67300, s1;
	s22 =	sadd.s32 $0x67800, s1  }
0x12: {  	s23 =	sadd.s32 $0x67D00, s1;
	s1 =	simm.s32 $0x2;
	[dreg:$0x4] =	wrdreg s26  }
.LBB2_1:
0x13: {  	s5 =	rddreg [dreg:$0x4]  }
0x14: {  	[tilespmem:s3], [sflag:$0x3] =	stream.linear.gather [hbm4b:s5+s3], $0x2710, $0x38;
	[tilespmem:$0x1DF00] =	vst v63  }
0x15: {  	_ =	swait.ge [sflag:s25], $0x2710  }
0x16: {  	[sflag:s25] =	ssyncset.done $0x0  }
0x17: {  	s26 =	simm.s32 $0x2780;
	[sflag:s25] =	ssyncadd.s32 $0xFFFFD8F0  }
0x18: {  	[tilespmem:s26], [sflag:$0x3] =	stream.linear.gather [hbm4b:s8+s3], $0x2710, $0x38;
	[tilespmem:$0x1DF00] =	vst v63  }
0x19: {  	_ =	swait.ge [sflag:s25], $0x2710  }
0x1a: {  	[sflag:s25] =	ssyncset.done $0x0  }
0x1b: {  	s7 =	rddreg [dreg:$0x3];
	[sflag:s25] =	ssyncadd.s32 $0xFFFFD8F0  }
0x1c: {  	[tilespmem:s28], [sflag:$0x3] =	stream.linear.gather [hbm4b:s7+s3], $0x2800, $0x38;
	[tilespmem:$0x1DF00] =	vst v63  }
0x1d: {  	_ =	swait.ge [sflag:s25], $0x2800  }
0x1e: {  	[sflag:s25] =	ssyncset.done $0x0  }
0x1f: {  	[sflag:s25] =	ssyncadd.s32 $0xFFFFD800  }
0x20: {  	[spmem:s6] =	stream.linear.scatter [tilespmem:s28], [sflag:$0x3], $0x2800, $0x38;
	[tilespmem:$0x1DF00] =	vst v63  }
0x21: {  	_ =	swait.ge [sflag:s25], $0x2800  }
0x22: {  	[sflag:s25] =	ssyncset.done $0x0  }
0x23: {  	[sflag:s25] =	ssyncadd.s32 $0xFFFFD800  }
0x24: {  	[spmem:s9] =	stream.linear.scatter [tilespmem:s28], [sflag:$0x3], $0x2800, $0x38;
	[tilespmem:$0x1DF00] =	vst v63  }
0x25: {  	_ =	swait.ge [sflag:s25], $0x2800  }
0x26: {  	[sflag:s25] =	ssyncset.done $0x0  }
0x27: {  	[sflag:s25] =	ssyncadd.s32 $0xFFFFD800  }
0x28: {  	[spmem:s10] =	stream.linear.scatter [tilespmem:s28], [sflag:$0x3], $0x2800, $0x38;
	[tilespmem:$0x1DF00] =	vst v63  }
0x29: {  	_ =	swait.ge [sflag:s25], $0x2800  }
0x2a: {  	[sflag:s25] =	ssyncset.done $0x0  }
0x2b: {  	[sflag:s25] =	ssyncadd.s32 $0xFFFFD800  }
0x2c: {  	[spmem:s11] =	stream.linear.scatter [tilespmem:s28], [sflag:$0x3], $0x2800, $0x38;
	[tilespmem:$0x1DF00] =	vst v63  }
0x2d: {  	_ =	swait.ge [sflag:s25], $0x2800  }
0x2e: {  	[sflag:s25] =	ssyncset.done $0x0  }
0x2f: {  	[sflag:s25] =	ssyncadd.s32 $0xFFFFD800  }
0x30: {  	[spmem:s12] =	stream.linear.scatter [tilespmem:s28], [sflag:$0x3], $0x2800, $0x38;
	[tilespmem:$0x1DF00] =	vst v63  }
0x31: {  	_ =	swait.ge [sflag:s25], $0x2800  }
0x32: {  	[sflag:s25] =	ssyncset.done $0x0  }
0x33: {  	[sflag:s25] =	ssyncadd.s32 $0xFFFFD800  }
0x34: {  	[spmem:s13] =	stream.linear.scatter [tilespmem:s28], [sflag:$0x3], $0x2800, $0x38;
	[tilespmem:$0x1DF00] =	vst v63  }
0x35: {  	_ =	swait.ge [sflag:s25], $0x2800  }
0x36: {  	[sflag:s25] =	ssyncset.done $0x0  }
0x37: {  	[sflag:s25] =	ssyncadd.s32 $0xFFFFD800  }
0x38: {  	[spmem:s14] =	stream.linear.scatter [tilespmem:s28], [sflag:$0x3], $0x2800, $0x38;
	[tilespmem:$0x1DF00] =	vst v63  }
0x39: {  	_ =	swait.ge [sflag:s25], $0x2800  }
0x3a: {  	[sflag:s25] =	ssyncset.done $0x0  }
0x3b: {  	[sflag:s25] =	ssyncadd.s32 $0xFFFFD800  }
0x3c: {  	[spmem:s15] =	stream.linear.scatter [tilespmem:s28], [sflag:$0x3], $0x2800, $0x38;
	[tilespmem:$0x1DF00] =	vst v63  }
0x3d: {  	_ =	swait.ge [sflag:s25], $0x2800  }
0x3e: {  	[sflag:s25] =	ssyncset.done $0x0  }
0x3f: {  	[sflag:s25] =	ssyncadd.s32 $0xFFFFD800  }
0x40: {  	[bflag:$0x0] =	sbarrier.arrive $0xFFFF  }
0x41: {  	[tilespmem:s28], [sflag:$0x1] =	stream.indirect.gather [hbm4b:s4+s29], $0x80, s3, s29, $0xb8;
	[tilespmem:$0x1DF00] =	vst v63  }
0x42: {  	_ = 	snop  }
0x43: {  	[tilespmem:s30], [sflag:$0x2] =	stream.indirect.gather [hbm4b:s4+s29], $0x80, s29, s29, $0xb8;
	[tilespmem:$0x1DF00] =	vst v63  }
0x44: {  	_ =	swait.ge [sflag:s31], $0x2800  }
0x45: {  	[sflag:s31] =	ssyncset.done $0x0  }
0x46: {  	s26 =	simm.s32 $0x2780;
	[sflag:s31] =	ssyncadd.s32 $0xFFFFD800  }
0x47: {  	[spmem:s2] =	stream.indirect.scatter.add.f32 [tilespmem:s28], [sflag:$0x3], $0x80, s26, s29, $0xb8;
	[tilespmem:$0x1DF00] =	vst v63  }
0x48: {  	_ =	swait.ge [sflag:s25], $0x2800  }
0x49: {  	[sflag:s25] =	ssyncset.done $0x0  }
0x4a: {  	s7 =	simm.s32 $0xA0;
	[sflag:s25] =	ssyncadd.s32 $0xFFFFD800  }
0x4b: {  	[tilespmem:s28], [sflag:$0x1] =	stream.indirect.gather [hbm4b:s4+s29], $0x80, s7, s29, $0xb8;
	[tilespmem:$0x1DF00] =	vst v63  }
0x4c: {  	_ =	swait.ge [sflag:s1], $0x2800  }
0x4d: {  	[sflag:s1] =	ssyncset.done $0x0  }
0x4e: {  	s26 =	simm.s32 $0x27D0;
	[sflag:s1] =	ssyncadd.s32 $0xFFFFD800  }
0x4f: {  	[spmem:s2] =	stream.indirect.scatter.add.f32 [tilespmem:s30], [sflag:$0x3], $0x80, s26, s29, $0xb8;
	[tilespmem:$0x1DF00] =	vst v63  }
0x50: {  	_ =	swait.ge [sflag:s25], $0x2800  }
0x51: {  	[sflag:s25] =	ssyncset.done $0x0  }
0x52: {  	s5 =	simm.s32 $0xF0;
	s26 =	simm.s32 $0x280;
	[sflag:s25] =	ssyncadd.s32 $0xFFFFD800  }
.LBB2_2:
0x53: {  	[tilespmem:s30], [sflag:$0x2] =	stream.indirect.gather [hbm4b:s4+s29], $0x80, s5, s29, $0xb8;
	[tilespmem:$0x1DF00] =	vst v63  }
0x54: {  	s5 =	smov.u32 s26  }
0x55: {  	p0 =	sne.s32 s26, $0x9600;
	s26 =	sadd.s32 $0x280, s26;
	_ =	swait.ge [sflag:s31], $0x2800  }
0x56: {  	s5 =	sshra.s32 s5, $0x2;
	[sflag:s31] =	ssyncset.done $0x0  }
0x57: {  	s7 =	sadd.s32 $0x2780, s5;
	[sflag:s31] =	ssyncadd.s32 $0xFFFFD800  }
0x58: {  	[spmem:s2] =	stream.indirect.scatter.add.f32 [tilespmem:s28], [sflag:$0x3], $0x80, s7, s29, $0xb8;
	[tilespmem:$0x1DF00] =	vst v63  }
0x59: {  	_ =	swait.ge [sflag:s25], $0x2800  }
0x5a: {  	[sflag:s25] =	ssyncset.done $0x0  }
0x5b: {  	s7 =	sadd.s32 $0xA0, s5;
	[sflag:s25] =	ssyncadd.s32 $0xFFFFD800  }
0x5c: {  	[tilespmem:s28], [sflag:$0x1] =	stream.indirect.gather [hbm4b:s4+s29], $0x80, s7, s29, $0xb8;
	[tilespmem:$0x1DF00] =	vst v63  }
0x5d: {  	_ =	swait.ge [sflag:s1], $0x2800  }
0x5e: {  	[sflag:s1] =	ssyncset.done $0x0  }
.Ltmp0:
0x5f: {  	s7 =	sadd.s32 $0x27D0, s5;
	[sflag:s1] =	ssyncadd.s32 $0xFFFFD800;
	(pc) =	sbr.rel @p0 .LBB2_2-.Ltmp0, $4  }
0x60: {  	[spmem:s2] =	stream.indirect.scatter.add.f32 [tilespmem:s30], [sflag:$0x3], $0x80, s7, s29, $0xb8;
	[tilespmem:$0x1DF00] =	vst v63  }
0x61: {  	_ =	swait.ge [sflag:s25], $0x2800  }
0x62: {  	[sflag:s25] =	ssyncset.done $0x0  }
0x63: {  	s5 =	sadd.s32 $0xF0, s5;
	[sflag:s25] =	ssyncadd.s32 $0xFFFFD800  }
0x64: {  	[tilespmem:s30], [sflag:$0x2] =	stream.indirect.gather [hbm4b:s4+s29], $0x80, s5, s29, $0xb8;
	[tilespmem:$0x1DF00] =	vst v63  }
0x65: {  	_ =	swait.ge [sflag:s31], $0x2800  }
0x66: {  	[sflag:s31] =	ssyncset.done $0x0  }
0x67: {  	s7 =	simm.s32 $0x4DA0;
	[sflag:s31] =	ssyncadd.s32 $0xFFFFD800  }
0x68: {  	[spmem:s2] =	stream.indirect.scatter.add.f32 [tilespmem:s28], [sflag:$0x3], $0x80, s7, s29, $0xb8;
	[tilespmem:$0x1DF00] =	vst v63  }
0x69: {  	_ =	swait.ge [sflag:s25], $0x2800  }
0x6a: {  	[sflag:s25] =	ssyncset.done $0x0  }
0x6b: {  	s26 =	simm.s32 $0x26C0;
	[sflag:s25] =	ssyncadd.s32 $0xFFFFD800  }
0x6c: {  	[tilespmem:s28], [sflag:$0x1] =	stream.indirect.gather [hbm4b:s4+s29], $0x80, s26, s29, $0xb8;
	[tilespmem:$0x1DF00] =	vst v63  }
0x6d: {  	_ =	swait.ge [sflag:s1], $0x2800  }
0x6e: {  	[sflag:s1] =	ssyncset.done $0x0  }
0x6f: {  	s7 =	simm.s32 $0x4DF0;
	[sflag:s1] =	ssyncadd.s32 $0xFFFFD800  }
0x70: {  	[spmem:s2] =	stream.indirect.scatter.add.f32 [tilespmem:s30], [sflag:$0x3], $0x80, s7, s29, $0xb8;
	[tilespmem:$0x1DF00] =	vst v63  }
0x71: {  	_ =	swait.ge [sflag:s25], $0x2800  }
0x72: {  	[sflag:s25] =	ssyncset.done $0x0  }
0x73: {  	[sflag:s25] =	ssyncadd.s32 $0xFFFFD800  }
0x74: {  	_ =	swait.ge [sflag:s31], $0x2800  }
0x75: {  	[sflag:s31] =	ssyncset.done $0x0  }
0x76: {  	s26 =	simm.s32 $0x4E40;
	[sflag:s31] =	ssyncadd.s32 $0xFFFFD800  }
0x77: {  	[spmem:s2] =	stream.indirect.scatter.add.f32 [tilespmem:s28], [sflag:$0x3], $0x80, s26, s29, $0xb8;
	[tilespmem:$0x1DF00] =	vst v63  }
0x78: {  	_ =	swait.ge [sflag:s25], $0x2800  }
0x79: {  	[sflag:s25] =	ssyncset.done $0x0  }
0x7a: {  	[sflag:s25] =	ssyncadd.s32 $0xFFFFD800  }
0x7b: {  	[bflag:$0x0] =	sbarrier.arrive $0xFFFF  }
0x7c: {  	[tilespmem:s28], [sflag:$0x3] =	stream.linear.gather [spmem:s6], $0x2800, $0x38;
	[tilespmem:$0x1DF00] =	vst v63  }
0x7d: {  	_ =	swait.ge [sflag:s25], $0x2800  }
0x7e: {  	[sflag:s25] =	ssyncset.done $0x0  }
0x7f: {  	[sflag:s25] =	ssyncadd.s32 $0xFFFFD800  }
0x80: {  	[hbm4b:s16+s3] =	stream.linear.scatter [tilespmem:s28], [sflag:$0x1], $0x2800, $0x38;
	[tilespmem:$0x1DF00] =	vst v63  }
0x81: {  	_ = 	snop  }
0x82: {  	[tilespmem:s30], [sflag:$0x3] =	stream.linear.gather [spmem:s9], $0x2800, $0x38;
	[tilespmem:$0x1DF00] =	vst v63  }
0x83: {  	_ =	swait.ge [sflag:s25], $0x2800  }
0x84: {  	[sflag:s25] =	ssyncset.done $0x0  }
0x85: {  	[sflag:s25] =	ssyncadd.s32 $0xFFFFD800  }
0x86: {  	[hbm4b:s17+s3] =	stream.linear.scatter [tilespmem:s30], [sflag:$0x2], $0x2800, $0x38;
	[tilespmem:$0x1DF00] =	vst v63  }
0x87: {  	_ =	swait.ge [sflag:s31], $0x2800  }
0x88: {  	[sflag:s31] =	ssyncset.done $0x0  }
0x89: {  	[sflag:s31] =	ssyncadd.s32 $0xFFFFD800  }
0x8a: {  	[tilespmem:s28], [sflag:$0x3] =	stream.linear.gather [spmem:s10], $0x2800, $0x38;
	[tilespmem:$0x1DF00] =	vst v63  }
0x8b: {  	_ =	swait.ge [sflag:s25], $0x2800  }
0x8c: {  	[sflag:s25] =	ssyncset.done $0x0  }
0x8d: {  	[sflag:s25] =	ssyncadd.s32 $0xFFFFD800  }
0x8e: {  	[hbm4b:s18+s3] =	stream.linear.scatter [tilespmem:s28], [sflag:$0x1], $0x2800, $0x38;
	[tilespmem:$0x1DF00] =	vst v63  }
0x8f: {  	_ =	swait.ge [sflag:s1], $0x2800  }
0x90: {  	[sflag:s1] =	ssyncset.done $0x0  }
0x91: {  	[sflag:s1] =	ssyncadd.s32 $0xFFFFD800  }
0x92: {  	[tilespmem:s30], [sflag:$0x3] =	stream.linear.gather [spmem:s11], $0x2800, $0x38;
	[tilespmem:$0x1DF00] =	vst v63  }
0x93: {  	_ =	swait.ge [sflag:s25], $0x2800  }
0x94: {  	[sflag:s25] =	ssyncset.done $0x0  }
0x95: {  	[sflag:s25] =	ssyncadd.s32 $0xFFFFD800  }
0x96: {  	[hbm4b:s19+s3] =	stream.linear.scatter [tilespmem:s30], [sflag:$0x2], $0x2800, $0x38;
	[tilespmem:$0x1DF00] =	vst v63  }
0x97: {  	_ =	swait.ge [sflag:s31], $0x2800  }
0x98: {  	[sflag:s31] =	ssyncset.done $0x0  }
0x99: {  	[sflag:s31] =	ssyncadd.s32 $0xFFFFD800  }
0x9a: {  	[tilespmem:s28], [sflag:$0x3] =	stream.linear.gather [spmem:s12], $0x2800, $0x38;
	[tilespmem:$0x1DF00] =	vst v63  }
0x9b: {  	_ =	swait.ge [sflag:s25], $0x2800  }
0x9c: {  	[sflag:s25] =	ssyncset.done $0x0  }
0x9d: {  	[sflag:s25] =	ssyncadd.s32 $0xFFFFD800  }
0x9e: {  	[hbm4b:s20+s3] =	stream.linear.scatter [tilespmem:s28], [sflag:$0x1], $0x2800, $0x38;
	[tilespmem:$0x1DF00] =	vst v63  }
0x9f: {  	_ =	swait.ge [sflag:s1], $0x2800  }
0xa0: {  	[sflag:s1] =	ssyncset.done $0x0  }
0xa1: {  	[sflag:s1] =	ssyncadd.s32 $0xFFFFD800  }
0xa2: {  	[tilespmem:s30], [sflag:$0x3] =	stream.linear.gather [spmem:s13], $0x2800, $0x38;
	[tilespmem:$0x1DF00] =	vst v63  }
0xa3: {  	_ =	swait.ge [sflag:s25], $0x2800  }
0xa4: {  	[sflag:s25] =	ssyncset.done $0x0  }
0xa5: {  	[sflag:s25] =	ssyncadd.s32 $0xFFFFD800  }
0xa6: {  	[hbm4b:s21+s3] =	stream.linear.scatter [tilespmem:s30], [sflag:$0x2], $0x2800, $0x38;
	[tilespmem:$0x1DF00] =	vst v63  }
0xa7: {  	_ =	swait.ge [sflag:s31], $0x2800  }
0xa8: {  	[sflag:s31] =	ssyncset.done $0x0  }
0xa9: {  	[sflag:s31] =	ssyncadd.s32 $0xFFFFD800  }
0xaa: {  	[tilespmem:s28], [sflag:$0x3] =	stream.linear.gather [spmem:s14], $0x2800, $0x38;
	[tilespmem:$0x1DF00] =	vst v63  }
0xab: {  	_ =	swait.ge [sflag:s25], $0x2800  }
0xac: {  	[sflag:s25] =	ssyncset.done $0x0  }
0xad: {  	[sflag:s25] =	ssyncadd.s32 $0xFFFFD800  }
0xae: {  	[hbm4b:s22+s3] =	stream.linear.scatter [tilespmem:s28], [sflag:$0x1], $0x2800, $0x38;
	[tilespmem:$0x1DF00] =	vst v63  }
0xaf: {  	_ =	swait.ge [sflag:s1], $0x2800  }
0xb0: {  	[sflag:s1] =	ssyncset.done $0x0  }
0xb1: {  	[sflag:s1] =	ssyncadd.s32 $0xFFFFD800  }
0xb2: {  	[tilespmem:s30], [sflag:$0x3] =	stream.linear.gather [spmem:s15], $0x2800, $0x38;
	[tilespmem:$0x1DF00] =	vst v63  }
0xb3: {  	_ =	swait.ge [sflag:s25], $0x2800  }
0xb4: {  	[sflag:s25] =	ssyncset.done $0x0  }
0xb5: {  	s0 =	sadd.s32 $0x1, s0;
	[sflag:s25] =	ssyncadd.s32 $0xFFFFD800  }
0xb6: {  	[hbm4b:s23+s3] =	stream.linear.scatter [tilespmem:s30], [sflag:$0x2], $0x2800, $0x38;
	[tilespmem:$0x1DF00] =	vst v63  }
0xb7: {  	p0 =	sne.s32 s0, s24;
	_ =	swait.ge [sflag:s31], $0x2800  }
.Ltmp1:
0xb8: {  	[sflag:s31] =	ssyncset.done $0x0;
	(pc) =	sbr.rel @p0 .LBB2_1-.Ltmp1, $4  }
0xb9: {  	[sflag:s31] =	ssyncadd.s32 $0xFFFFD800  }
0xba: {  	_ =	swait.ge [sflag:s1], $0x2800  }
0xbb: {  	[sflag:s1] =	ssyncset.done $0x0  }
0xbc: {  	[sflag:s1] =	ssyncadd.s32 $0xFFFFD800  }
0xbd: {  	_ =	sfence.sel $0x180000  }
0xbe: {  	[bflag:$0x0] =	sbarrier.arrive $0xFFFF  }
0xbf: {  	_ =	strace $0x9000004D  }
0xc0: {  	s0 =	stileid.u32;
	[bflag:$0x2] =	sbarrier.arrive $0xFFFF  }
0xc1: {  	p0 =	sne.s32 s0, $0x0;
	s0 =	rddreg [dreg:$0x2]  }
0xc2: {  	s0 =	sadd.s32 @!p0 $0x100000, s0  }
0xc3: {  	[sflag:s0] =	ssyncadd.tile.s32 @!p0 $0x1;
	_ =	shalt  }
.Lfunc_end2:
_tile_overlayer_lowered:
.L_overlay_start_2:
0xc4: {  	(tag) =	ssettag $0x2  }
0xc5: {  	s0 =	rddreg [dreg:$0x0];
	s2 =	stileid.u32  }
0xc6: {  	s1 =	rddreg [dreg:$0x1];
	p0 =	sne.s32 s2, $0x0  }
0xc7: {  	s3 =	rddreg [dreg:$0x2];
	[bflag:$0x3] =	sbarrier.arrive $0xFFFF;
	s2 =	simm.s32 @!p0 $0x1C03  }
0xc8: {  	[timem:s3], [sflag:s2] =	dma.local @!p0 [hbm:s0], s1  }
0xc9: {  	s0 =	simm.s32 @!p0 $0x3  }
0xca: {  	_ =	swait.ge @!p0 [sflag:s0], s1  }
0xcb: {  	s1 =	ssub.s32 @!p0 $0x0, s1;
	[sflag:s0] =	ssyncset.done @!p0 $0x0  }
0xcc: {  	[sflag:s0] =	ssyncadd.s32 @!p0 s1  }
0xcd: {  	[bflag:$0x3] =	sbarrier.arrive $0xFFFF  }
0xce: {  	_ =	shalt  }

// kernel: kernel.19.cloned.1.call-start
scs
__scs_entry_jumppad:
0x0: {  	(pc) =	sbr.rel $0x88, $3  }
0x1: {  	(tag) =	ssettag $0x0;
	lr =	simm.s32 $0x1  }
0x2: {  	[smem:$0x3F96] =	sst lr;
	_ =	strace $0xD0000000  }
0x3: {  	_ = 	snop  }
0x4: {  	_ = 	snop  }
0x5: {  	_ = 	snop  }
0x6: {  	_ = 	snop  }
0x7: {  	_ = 	snop  }
__scs_overlays_trampoline_lowered:
0x8: {  	[smem:$0x3FA5] =	sst s0  }
0x9: {  	[smem:$0x3FA6] =	sst s1  }
0xa: {  	[smem:$0x3FA7] =	sst s2  }
0xb: {  	[smem:$0x3FA8] =	sst s3  }
0xc: {  	[smem:$0x3FA9] =	sst s4  }
0xd: {  	[smem:$0x3FAA] =	sst s5  }
0xe: {  	[smem:$0x3FAB] =	sst s6  }
0xf: {  	[smem:$0x3FAC] =	sst s7  }
0x10: {  	[smem:$0x3FAD] =	sst s8  }
0x11: {  	[smem:$0x3FAE] =	sst s9;
	s0 =	simm.s32 @!p0 $0x0  }
0x12: {  	s1 =	sld [smem:$0x3F94];
	s0 =	simm.s32 @p0 $0x1  }
0x13: {  	[smem:$0x3FAF] =	sst s0;
	s0 =	simm.s32 @!p1 $0x0  }
0x14: {  	s2 =	sld [smem:$0x3F93];
	s0 =	simm.s32 @p1 $0x1  }
0x15: {  	[smem:$0x3FB0] =	sst s0;
	s0 =	simm.s32 @!p2 $0x0  }
0x16: {  	s3 =	sld [smem:$0x3FDB];
	s0 =	simm.s32 @p2 $0x1  }
0x17: {  	s4 =	simm.s32 $0x1BF5;
	[smem:$0x3FB2] =	sst s0  }
0x18: {  	s0 =	sld [smem:$0x3F95];
	_ =	swait.ge [sflag:s4], $0x0  }
0x19: {  	s7 =	sld [smem:$0x3F96]  }
0x1a: {  	s8 =	sadd.s32 $0xFFFFE003, lr  }
0x1b: {  	s9 =	sadd.s32 $0xFFFFFEF7, lr;
	s5 =	simm.s32 $0xFFFFFFFF;
	p2 =	slt.u32 s8, $0xFFFFF086  }
0x1c: {  	p1 =	slt.u32 s9, $0xF7A;
	s5 =	simm.s32 @!p2 $0x0  }
0x1d: {  	s5 =	simm.s32 @p1 $0x1;
	p0 =	seq.s32 s7, s2  }
0x1e: {  	s7 =	smul.u32 @!p0 $0xF7A, s2;
	p2 =	seq.s32 @!p0 s5, $0x0  }
0x1f: {  	s9 =	smul.u32 $0xF7A, s1;
	s8 =	simm.s32 @!p0 $0x1BF5;
	p2 =	por !p2, p0  }
0x20: {  	[sflag:s8] =	ssyncset.s32 @!p0 $0xFFFFF086;
	s6 =	sadd.s32 @!p0 s3, s7;
	s7 =	simm.s32 @!p0 $0x108  }
0x21: {  	s3 =	sadd.s32 s3, s9;
	s6 =	sadd.s32 @!p0 $0x88, s6;
	s7 =	simm.s32 @p2 $0x1082  }
0x22: {  	[simem:s7], [sflag:s8] =	dma.local @!p0 [hbm:s6], $0xF7A  }
0x23: {  	s9 =	sor.u32 $0xD0000000, s2;
	s6 =	simm.s32 $0x108;
	_ =	swait.ge @!p0 [sflag:s8], $0x0  }
0x24: {  	s3 =	sadd.s32 $0x88, s3;
	s6 =	simm.s32 @!p1 $0x1082;
	[sflag:s4] =	ssyncset.s32 $0xFFFFF086  }
0x25: {  	[simem:s6], [sflag:s4] =	dma.local [hbm:s3], $0xF7A  }
0x26: {  	[smem:$0x3F96] =	sst s1;
	(tag) =	ssettag s2;
	_ =	strace s9  }
0x27: {  	s1 =	sld [smem:$0x3FA6]  }
0x28: {  	s2 =	sld [smem:$0x3FA7]  }
0x29: {  	s4 =	sld [smem:$0x3FA9]  }
0x2a: {  	p0 =	seq.s32 s5, $0x0;
	s5 =	sld [smem:$0x3FAA]  }
0x2b: {  	s6 =	sld [smem:$0x3FAB]  }
0x2c: {  	s7 =	sld [smem:$0x3FAC]  }
0x2d: {  	s3 =	simm.s32 $0x108;
	s8 =	sld [smem:$0x3FAD]  }
0x2e: {  	s3 =	simm.s32 @!p0 $0x1082;
	s9 =	sld [smem:$0x3FAE]  }
0x2f: {  	lr =	sadd.s32 s0, s3;
	s0 =	sld [smem:$0x3FA5]  }
0x30: {  	s3 =	sld [smem:$0x3FA8]  }
0x31: {  	[smem:$0x3FB1] =	sst s10  }
0x32: {  	s10 =	sld [smem:$0x3FAF];
	_ =	sdelay $0x3  }
0x33: {  	p0 =	seq.s32 s10, $0x1;
	s10 =	sld [smem:$0x3FB1];
	_ =	sdelay $0x3  }
0x34: {  	[smem:$0x3FB1] =	sst s10  }
0x35: {  	s10 =	sld [smem:$0x3FB0];
	_ =	sdelay $0x3  }
0x36: {  	p1 =	seq.s32 s10, $0x1;
	s10 =	sld [smem:$0x3FB1];
	_ =	sdelay $0x3  }
0x37: {  	[smem:$0x3FB1] =	sst s10  }
0x38: {  	s10 =	sld [smem:$0x3FB2]  }
0x39: {  	_ = 	snop;
	(pc) =	sbr.ind lr, $3  }
0x3a: {  	_ = 	snop  }
0x3b: {  	_ = 	snop  }
0x3c: {  	p2 =	seq.s32 s10, $0x1;
	s10 =	sld [smem:$0x3FB1]  }
0x3d: {  	_ =	shalt  }
0x3e: {  	_ =	shalt  }
0x3f: {  	_ =	shalt  }
0x40: {  	_ =	shalt  }
0x41: {  	_ =	shalt  }
0x42: {  	_ =	shalt  }
0x43: {  	_ =	shalt  }
0x44: {  	_ =	shalt  }
0x45: {  	_ =	shalt  }
0x46: {  	_ =	shalt  }
0x47: {  	_ =	shalt  }
0x48: {  	_ =	shalt  }
0x49: {  	_ =	shalt  }
0x4a: {  	_ =	shalt  }
0x4b: {  	_ =	shalt  }
0x4c: {  	_ =	shalt  }
0x4d: {  	_ =	shalt  }
0x4e: {  	_ =	shalt  }
0x4f: {  	_ =	shalt  }
0x50: {  	_ =	shalt  }
0x51: {  	_ =	shalt  }
0x52: {  	_ =	shalt  }
0x53: {  	_ =	shalt  }
0x54: {  	_ =	shalt  }
0x55: {  	_ =	shalt  }
0x56: {  	_ =	shalt  }
0x57: {  	_ =	shalt  }
0x58: {  	_ =	shalt  }
0x59: {  	_ =	shalt  }
0x5a: {  	_ =	shalt  }
0x5b: {  	_ =	shalt  }
0x5c: {  	_ =	shalt  }
0x5d: {  	_ =	shalt  }
0x5e: {  	_ =	shalt  }
0x5f: {  	_ =	shalt  }
0x60: {  	_ =	shalt  }
0x61: {  	_ =	shalt  }
0x62: {  	_ =	shalt  }
0x63: {  	_ =	shalt  }
0x64: {  	_ =	shalt  }
0x65: {  	_ =	shalt  }
0x66: {  	_ =	shalt  }
0x67: {  	_ =	shalt  }
0x68: {  	_ =	shalt  }
0x69: {  	_ =	shalt  }
0x6a: {  	_ =	shalt  }
0x6b: {  	_ =	shalt  }
0x6c: {  	_ =	shalt  }
0x6d: {  	_ =	shalt  }
0x6e: {  	_ =	shalt  }
0x6f: {  	_ =	shalt  }
0x70: {  	_ =	shalt  }
0x71: {  	_ =	shalt  }
0x72: {  	_ =	shalt  }
0x73: {  	_ =	shalt  }
0x74: {  	_ =	shalt  }
0x75: {  	_ =	shalt  }
0x76: {  	_ =	shalt  }
0x77: {  	_ =	shalt  }
0x78: {  	_ =	shalt  }
0x79: {  	_ =	shalt  }
0x7a: {  	_ =	shalt  }
0x7b: {  	_ =	shalt  }
0x7c: {  	_ =	shalt  }
0x7d: {  	_ =	shalt  }
0x7e: {  	_ =	shalt  }
0x7f: {  	_ =	shalt  }
0x80: {  	_ =	shalt  }
0x81: {  	_ =	shalt  }
0x82: {  	_ =	shalt  }
0x83: {  	_ =	shalt  }
0x84: {  	_ =	shalt  }
0x85: {  	_ =	shalt  }
0x86: {  	_ =	shalt  }
0x87: {  	_ =	shalt  }
.Lfunc_end0:
.L_simem_size_0:
called_computation.3_lowered:
.L_overlay_start_0:
0x88: {  	s2 =	sld [smem:$0x3FD9]  }
0x89: {  	s3 =	sld [smem:$0x3FFE];
	_ =	sdelay $0x1  }
0x8a: {  	s1 =	srdreg.scid  }
0x8b: {  	s0 =	sand.u32 $0x1, s1  }
0x8c: {  	s16 =	sshll.u32 s0, $0xA;
	s2 =	sadd.s32 s3, s2  }
0x8d: {  	s2 =	sadd.s32 s2, s16  }
0x8e: {  	[smem:$0x3FBD] =	sst s2  }
0x8f: {  	_ = 	snop  }
0x90: {  	(tm) =	ssettm $0x1  }
0x91: {  	s17 =	sld [smem:$0x3FFB];
	_ =	sdelay $0x3  }
0x92: {  	_ =	strace s17  }
0x93: {  	s2 =	sld [smem:$0x3FFC];
	_ =	sdelay $0x3  }
0x94: {  	_ =	strace s2  }
0x95: {  	s2 =	sld [smem:$0x3FFD];
	_ =	sdelay $0x3  }
0x96: {  	_ =	strace s2  }
0x97: {  	_ =	strace $0x8FFFFFFF  }
0x98: {  	s18 =	sld [smem:$0x3FDB];
	_ =	sdelay $0x1  }
0x99: {  	s19 =	simm.s32 $_scs_section_size  }
0x9a: {  	s4 =	simm.s32 $_size__tile_overlayer_lowered;
	s5 =	simm.s32 $_tile_overlayer_lowered  }
0x9b: {  	s22 =	simm.s32 $0x1BFF;
	s21 =	sshll.u32 s5, $0x1;
	s2 =	sadd.s32 s19, s18  }
0x9c: {  	s6 =	simm.s32 $0x0;
	s20 =	sshll.u32 s4, $0x1;
	s4 =	sadd.s32 s21, s2  }
0x9d: {  	[timem:s6], [sflag:s22] =	dma.local [hbm:s4], s20  }
0x9e: {  	_ =	swait.ge [sflag:s22], s20  }
0x9f: {  	s3 =	ssub.s32 $0x0, s20;
	[sflag:s22] =	ssyncset.done $0x0  }
0xa0: {  	[sflag:s22] =	ssyncadd.s32 s3;
	_ =	sdelay $0x1  }
0xa1: {  	s23 =	simm.s32 $0x1B8B  }
0xa2: {  	_ =	swait.ge [sflag:s23], $0x1  }
0xa3: {  	[sflag:s23] =	ssyncset.done $0x0  }
0xa4: {  	s25 =	simm.s32 $0x1B8E;
	s24 =	sld [smem:$0x3FFE];
	[sflag:s23] =	ssyncadd.s32 $0xFFFFFFFF  }
0xa5: {  	s26 =	simm.s32 $execute0_lowered;
	[smem:$0x3FD2] =	sst s25  }
0xa6: {  	s4 =	sshll.u32 s26, $0x1;
	_ =	strace $0x8000004F;
	[dreg:$0x1] =	wrdreg $0xFFFFFFFF  }
0xa7: {  	s28 =	simm.s32 $_size_execute0_lowered;
	s2 =	sadd.s32 s2, s4;
	[dreg:$0x0] =	wrdreg $0x0  }
0xa8: {  	s4 =	sshll.u32 s28, $0x1;
	[dreg:$0x2] =	wrdreg s2  }
0xa9: {  	[dreg:$0x3] =	wrdreg s4  }
0xaa: {  	[dreg:$0x4] =	wrdreg $0xC0  }
0xab: {  	_ =	task [dreg:s6], $0x5FFFF  }
0xac: {  	[dreg:$0x1] =	wrdreg $0xFFFFFFFF  }
0xad: {  	[dreg:$0x0] =	wrdreg $0x60  }
0xae: {  	[dreg:$0x2] =	wrdreg s24  }
0xaf: {  	[dreg:$0x3] =	wrdreg $0x9F000  }
0xb0: {  	[dreg:$0x4] =	wrdreg $0x9  }
0xb1: {  	_ =	task.clear_ibuf [dreg:s6], $0x5FFFF;
	_ =	strace $0x9000004F  }
0xb2: {  	s29 =	simm.s32 $0x9;
	_ =	strace $0x80000051  }
0xb3: {  	_ =	swait.ge [sflag:s29], $0x1  }
0xb4: {  	[sflag:s29] =	ssyncadd.s32 $0xFFFFFFFF  }
0xb5: {  	_ =	strace $0x90000051  }
0xb6: {  	_ =	sfence  }
0xb7: {  	s30 =	sld [smem:$0x0];
	_ =	sdelay $0x2  }
0xb8: {  	s31 =	sshll.u32 s1, $0xD;
	s1 =	sshrl.u32 s1, $0x2  }
0xb9: {  	s3 =	sand.u32 $0x4000, s31;
	s1 =	sadd.s32 s1, s30  }
0xba: {  	s0 =	sor.u32 s3, s0;
	s1 =	sshll.u32 s1, $0x11  }
0xbb: {  	s0 =	sor.u32 s1, s0  }
0xbc: {  	s0 =	sadd.s32 $0x8F2B, s0  }
0xbd: {  	[sflag:s0] =	ssyncadd.remote.s32 $0x1  }
0xbe: {  	_ =	sfence.sel $0xFFFF  }
0xbf: {  	[dreg:$0x0] =	wrdreg $0xFFFFFFFF;
	(pc) =	sbr.abs _section_cstart, $3  }
0xc0: {  	[dreg:$0x1] =	wrdreg $0xFFFFFFFF  }
0xc1: {  	_ =	task.clear_ibuf [dreg:s6], $0x2FFFF;
	_ =	strace $0x9FFFFFFF  }
0xc2: {  	(tm) =	ssettm $0x7FFFFFFF  }
0xc3: {  	_ =	shalt  }
tec
execute0_lowered:
.L_overlay_start_1:
0x0: {  	(tag) =	ssettag $0x1  }
0x1: {  	s0 =	srdreg.scid;
	s1 =	rddreg [dreg:$0x0]  }
0x2: {  	s8 =	stileid.u32;
	s2 =	rddreg [dreg:$0x1]  }
0x3: {  	s28 =	simm.s32 $0x4F00;
	s29 =	simm.s32 $0x50;
	s30 =	simm.s32 $0x7700  }
0x4: {  	s31 =	simm.s32 $0x1;
	s0 =	sand.u32 $0x1, s0;
	s6 =	smul.u32 $0x280, s8  }
0x5: {  	s9 =	sadd.s32 $0x16800, s1;
	s3 =	sshll.u32 s0, $0x4;
	s7 =	smul.u32 $0x2800, s0  }
0x6: {  	s0 =	ssub.s32 $0x2, s0;
	s4 =	sor.u32 s8, s3;
	s8 =	smul.u32 $0x50000, s8  }
0x7: {  	s3 =	simm.s32 $0x0;
	s25 =	sshrl.u32 s0, $0x1;
	s5 =	smul.u32 $0x4E2, s4  }
0x8: {  	[smem:$0x7FF] =	sst s3;
	s4 =	sadd.s32 $0x3E800, s1;
	s6 =	sadd.s32 s6, s7  }
0x9: {  	s0 =	ssub.s32 s0, s25;
	s25 =	simm.s32 $0x3;
	_ =	strace $0x80000050  }
0xa: {  	[dreg:$0x3] =	wrdreg s9;
	s6 =	sshll.u32 s6, $0x4;
	s8 =	sshrl.u32 s8, $0x2  }
0xb: {  	s24 =	smax.u32 s0, $0x1;
	s0 =	simm.s32 $0x0;
	s5 =	sadd.s32 s5, s1  }
0xc: {  	s1 =	sadd.s32 s6, s1;
	s6 =	sadd.s32 s8, s2;
	s26 =	sadd.s32 $0xCA00, s5  }
0xd: {  	s8 =	sadd.s32 $0x2C00, s5;
	s9 =	sadd.s32 $0x2800, s6;
	s10 =	sadd.s32 $0x5000, s6  }
0xe: {  	s11 =	sadd.s32 $0x7800, s6;
	s12 =	sadd.s32 $0xA000, s6;
	s13 =	sadd.s32 $0xC800, s6  }
0xf: {  	s14 =	sadd.s32 $0xF000, s6;
	s15 =	sadd.s32 $0x11800, s6;
	s16 =	sadd.s32 $0x65A00, s1  }
0x10: {  	s17 =	sadd.s32 $0x65F00, s1;
	s18 =	sadd.s32 $0x66400, s1;
	s19 =	sadd.s32 $0x66900, s1  }
0x11: {  	s20 =	sadd.s32 $0x66E00, s1;
	s21 =	sadd.s32 $0x67300, s1;
	s22 =	sadd.s32 $0x67800, s1  }
0x12: {  	s23 =	sadd.s32 $0x67D00, s1;
	s1 =	simm.s32 $0x2;
	[dreg:$0x4] =	wrdreg s26  }
.LBB2_1:
0x13: {  	s5 =	rddreg [dreg:$0x4]  }
0x14: {  	[tilespmem:s3], [sflag:$0x3] =	stream.linear.gather [hbm4b:s5+s3], $0x2710, $0x38;
	[tilespmem:$0x1DF00] =	vst v63  }
0x15: {  	_ =	swait.ge [sflag:s25], $0x2710  }
0x16: {  	[sflag:s25] =	ssyncset.done $0x0  }
0x17: {  	s26 =	simm.s32 $0x2780;
	[sflag:s25] =	ssyncadd.s32 $0xFFFFD8F0  }
0x18: {  	[tilespmem:s26], [sflag:$0x3] =	stream.linear.gather [hbm4b:s8+s3], $0x2710, $0x38;
	[tilespmem:$0x1DF00] =	vst v63  }
0x19: {  	_ =	swait.ge [sflag:s25], $0x2710  }
0x1a: {  	[sflag:s25] =	ssyncset.done $0x0  }
0x1b: {  	s7 =	rddreg [dreg:$0x3];
	[sflag:s25] =	ssyncadd.s32 $0xFFFFD8F0  }
0x1c: {  	[tilespmem:s28], [sflag:$0x3] =	stream.linear.gather [hbm4b:s7+s3], $0x2800, $0x38;
	[tilespmem:$0x1DF00] =	vst v63  }
0x1d: {  	_ =	swait.ge [sflag:s25], $0x2800  }
0x1e: {  	[sflag:s25] =	ssyncset.done $0x0  }
0x1f: {  	[sflag:s25] =	ssyncadd.s32 $0xFFFFD800  }
0x20: {  	[spmem:s6] =	stream.linear.scatter [tilespmem:s28], [sflag:$0x3], $0x2800, $0x38;
	[tilespmem:$0x1DF00] =	vst v63  }
0x21: {  	_ =	swait.ge [sflag:s25], $0x2800  }
0x22: {  	[sflag:s25] =	ssyncset.done $0x0  }
0x23: {  	[sflag:s25] =	ssyncadd.s32 $0xFFFFD800  }
0x24: {  	[spmem:s9] =	stream.linear.scatter [tilespmem:s28], [sflag:$0x3], $0x2800, $0x38;
	[tilespmem:$0x1DF00] =	vst v63  }
0x25: {  	_ =	swait.ge [sflag:s25], $0x2800  }
0x26: {  	[sflag:s25] =	ssyncset.done $0x0  }
0x27: {  	[sflag:s25] =	ssyncadd.s32 $0xFFFFD800  }
0x28: {  	[spmem:s10] =	stream.linear.scatter [tilespmem:s28], [sflag:$0x3], $0x2800, $0x38;
	[tilespmem:$0x1DF00] =	vst v63  }
0x29: {  	_ =	swait.ge [sflag:s25], $0x2800  }
0x2a: {  	[sflag:s25] =	ssyncset.done $0x0  }
0x2b: {  	[sflag:s25] =	ssyncadd.s32 $0xFFFFD800  }
0x2c: {  	[spmem:s11] =	stream.linear.scatter [tilespmem:s28], [sflag:$0x3], $0x2800, $0x38;
	[tilespmem:$0x1DF00] =	vst v63  }
0x2d: {  	_ =	swait.ge [sflag:s25], $0x2800  }
0x2e: {  	[sflag:s25] =	ssyncset.done $0x0  }
0x2f: {  	[sflag:s25] =	ssyncadd.s32 $0xFFFFD800  }
0x30: {  	[spmem:s12] =	stream.linear.scatter [tilespmem:s28], [sflag:$0x3], $0x2800, $0x38;
	[tilespmem:$0x1DF00] =	vst v63  }
0x31: {  	_ =	swait.ge [sflag:s25], $0x2800  }
0x32: {  	[sflag:s25] =	ssyncset.done $0x0  }
0x33: {  	[sflag:s25] =	ssyncadd.s32 $0xFFFFD800  }
0x34: {  	[spmem:s13] =	stream.linear.scatter [tilespmem:s28], [sflag:$0x3], $0x2800, $0x38;
	[tilespmem:$0x1DF00] =	vst v63  }
0x35: {  	_ =	swait.ge [sflag:s25], $0x2800  }
0x36: {  	[sflag:s25] =	ssyncset.done $0x0  }
0x37: {  	[sflag:s25] =	ssyncadd.s32 $0xFFFFD800  }
0x38: {  	[spmem:s14] =	stream.linear.scatter [tilespmem:s28], [sflag:$0x3], $0x2800, $0x38;
	[tilespmem:$0x1DF00] =	vst v63  }
0x39: {  	_ =	swait.ge [sflag:s25], $0x2800  }
0x3a: {  	[sflag:s25] =	ssyncset.done $0x0  }
0x3b: {  	[sflag:s25] =	ssyncadd.s32 $0xFFFFD800  }
0x3c: {  	[spmem:s15] =	stream.linear.scatter [tilespmem:s28], [sflag:$0x3], $0x2800, $0x38;
	[tilespmem:$0x1DF00] =	vst v63  }
0x3d: {  	_ =	swait.ge [sflag:s25], $0x2800  }
0x3e: {  	[sflag:s25] =	ssyncset.done $0x0  }
0x3f: {  	[sflag:s25] =	ssyncadd.s32 $0xFFFFD800  }
0x40: {  	[bflag:$0x0] =	sbarrier.arrive $0xFFFF  }
0x41: {  	[tilespmem:s28], [sflag:$0x1] =	stream.indirect.gather [hbm4b:s4+s29], $0x80, s3, s29, $0xb8;
	[tilespmem:$0x1DF00] =	vst v63  }
0x42: {  	_ = 	snop  }
0x43: {  	[tilespmem:s30], [sflag:$0x2] =	stream.indirect.gather [hbm4b:s4+s29], $0x80, s29, s29, $0xb8;
	[tilespmem:$0x1DF00] =	vst v63  }
0x44: {  	_ =	swait.ge [sflag:s31], $0x2800  }
0x45: {  	[sflag:s31] =	ssyncset.done $0x0  }
0x46: {  	s26 =	simm.s32 $0x2780;
	[sflag:s31] =	ssyncadd.s32 $0xFFFFD800  }
0x47: {  	[spmem:s2] =	stream.indirect.scatter.add.f32 [tilespmem:s28], [sflag:$0x3], $0x80, s26, s29, $0xb8;
	[tilespmem:$0x1DF00] =	vst v63  }
0x48: {  	_ =	swait.ge [sflag:s25], $0x2800  }
0x49: {  	[sflag:s25] =	ssyncset.done $0x0  }
0x4a: {  	s7 =	simm.s32 $0xA0;
	[sflag:s25] =	ssyncadd.s32 $0xFFFFD800  }
0x4b: {  	[tilespmem:s28], [sflag:$0x1] =	stream.indirect.gather [hbm4b:s4+s29], $0x80, s7, s29, $0xb8;
	[tilespmem:$0x1DF00] =	vst v63  }
0x4c: {  	_ =	swait.ge [sflag:s1], $0x2800  }
0x4d: {  	[sflag:s1] =	ssyncset.done $0x0  }
0x4e: {  	s26 =	simm.s32 $0x27D0;
	[sflag:s1] =	ssyncadd.s32 $0xFFFFD800  }
0x4f: {  	[spmem:s2] =	stream.indirect.scatter.add.f32 [tilespmem:s30], [sflag:$0x3], $0x80, s26, s29, $0xb8;
	[tilespmem:$0x1DF00] =	vst v63  }
0x50: {  	_ =	swait.ge [sflag:s25], $0x2800  }
0x51: {  	[sflag:s25] =	ssyncset.done $0x0  }
0x52: {  	s5 =	simm.s32 $0xF0;
	s26 =	simm.s32 $0x280;
	[sflag:s25] =	ssyncadd.s32 $0xFFFFD800  }
.LBB2_2:
0x53: {  	[tilespmem:s30], [sflag:$0x2] =	stream.indirect.gather [hbm4b:s4+s29], $0x80, s5, s29, $0xb8;
	[tilespmem:$0x1DF00] =	vst v63  }
0x54: {  	s5 =	smov.u32 s26  }
0x55: {  	p0 =	sne.s32 s26, $0x9600;
	s26 =	sadd.s32 $0x280, s26;
	_ =	swait.ge [sflag:s31], $0x2800  }
0x56: {  	s5 =	sshra.s32 s5, $0x2;
	[sflag:s31] =	ssyncset.done $0x0  }
0x57: {  	s7 =	sadd.s32 $0x2780, s5;
	[sflag:s31] =	ssyncadd.s32 $0xFFFFD800  }
0x58: {  	[spmem:s2] =	stream.indirect.scatter.add.f32 [tilespmem:s28], [sflag:$0x3], $0x80, s7, s29, $0xb8;
	[tilespmem:$0x1DF00] =	vst v63  }
0x59: {  	_ =	swait.ge [sflag:s25], $0x2800  }
0x5a: {  	[sflag:s25] =	ssyncset.done $0x0  }
0x5b: {  	s7 =	sadd.s32 $0xA0, s5;
	[sflag:s25] =	ssyncadd.s32 $0xFFFFD800  }
0x5c: {  	[tilespmem:s28], [sflag:$0x1] =	stream.indirect.gather [hbm4b:s4+s29], $0x80, s7, s29, $0xb8;
	[tilespmem:$0x1DF00] =	vst v63  }
0x5d: {  	_ =	swait.ge [sflag:s1], $0x2800  }
0x5e: {  	[sflag:s1] =	ssyncset.done $0x0  }
.Ltmp0:
0x5f: {  	s7 =	sadd.s32 $0x27D0, s5;
	[sflag:s1] =	ssyncadd.s32 $0xFFFFD800;
	(pc) =	sbr.rel @p0 .LBB2_2-.Ltmp0, $4  }
0x60: {  	[spmem:s2] =	stream.indirect.scatter.add.f32 [tilespmem:s30], [sflag:$0x3], $0x80, s7, s29, $0xb8;
	[tilespmem:$0x1DF00] =	vst v63  }
0x61: {  	_ =	swait.ge [sflag:s25], $0x2800  }
0x62: {  	[sflag:s25] =	ssyncset.done $0x0  }
0x63: {  	s5 =	sadd.s32 $0xF0, s5;
	[sflag:s25] =	ssyncadd.s32 $0xFFFFD800  }
0x64: {  	[tilespmem:s30], [sflag:$0x2] =	stream.indirect.gather [hbm4b:s4+s29], $0x80, s5, s29, $0xb8;
	[tilespmem:$0x1DF00] =	vst v63  }
0x65: {  	_ =	swait.ge [sflag:s31], $0x2800  }
0x66: {  	[sflag:s31] =	ssyncset.done $0x0  }
0x67: {  	s7 =	simm.s32 $0x4DA0;
	[sflag:s31] =	ssyncadd.s32 $0xFFFFD800  }
0x68: {  	[spmem:s2] =	stream.indirect.scatter.add.f32 [tilespmem:s28], [sflag:$0x3], $0x80, s7, s29, $0xb8;
	[tilespmem:$0x1DF00] =	vst v63  }
0x69: {  	_ =	swait.ge [sflag:s25], $0x2800  }
0x6a: {  	[sflag:s25] =	ssyncset.done $0x0  }
0x6b: {  	s26 =	simm.s32 $0x26C0;
	[sflag:s25] =	ssyncadd.s32 $0xFFFFD800  }
0x6c: {  	[tilespmem:s28], [sflag:$0x1] =	stream.indirect.gather [hbm4b:s4+s29], $0x80, s26, s29, $0xb8;
	[tilespmem:$0x1DF00] =	vst v63  }
0x6d: {  	_ =	swait.ge [sflag:s1], $0x2800  }
0x6e: {  	[sflag:s1] =	ssyncset.done $0x0  }
0x6f: {  	s7 =	simm.s32 $0x4DF0;
	[sflag:s1] =	ssyncadd.s32 $0xFFFFD800  }
0x70: {  	[spmem:s2] =	stream.indirect.scatter.add.f32 [tilespmem:s30], [sflag:$0x3], $0x80, s7, s29, $0xb8;
	[tilespmem:$0x1DF00] =	vst v63  }
0x71: {  	_ =	swait.ge [sflag:s25], $0x2800  }
0x72: {  	[sflag:s25] =	ssyncset.done $0x0  }
0x73: {  	[sflag:s25] =	ssyncadd.s32 $0xFFFFD800  }
0x74: {  	_ =	swait.ge [sflag:s31], $0x2800  }
0x75: {  	[sflag:s31] =	ssyncset.done $0x0  }
0x76: {  	s26 =	simm.s32 $0x4E40;
	[sflag:s31] =	ssyncadd.s32 $0xFFFFD800  }
0x77: {  	[spmem:s2] =	stream.indirect.scatter.add.f32 [tilespmem:s28], [sflag:$0x3], $0x80, s26, s29, $0xb8;
	[tilespmem:$0x1DF00] =	vst v63  }
0x78: {  	_ =	swait.ge [sflag:s25], $0x2800  }
0x79: {  	[sflag:s25] =	ssyncset.done $0x0  }
0x7a: {  	[sflag:s25] =	ssyncadd.s32 $0xFFFFD800  }
0x7b: {  	[bflag:$0x0] =	sbarrier.arrive $0xFFFF  }
0x7c: {  	[tilespmem:s28], [sflag:$0x3] =	stream.linear.gather [spmem:s6], $0x2800, $0x38;
	[tilespmem:$0x1DF00] =	vst v63  }
0x7d: {  	_ =	swait.ge [sflag:s25], $0x2800  }
0x7e: {  	[sflag:s25] =	ssyncset.done $0x0  }
0x7f: {  	[sflag:s25] =	ssyncadd.s32 $0xFFFFD800  }
0x80: {  	[hbm4b:s16+s3] =	stream.linear.scatter [tilespmem:s28], [sflag:$0x1], $0x2800, $0x38;
	[tilespmem:$0x1DF00] =	vst v63  }
0x81: {  	_ = 	snop  }
0x82: {  	[tilespmem:s30], [sflag:$0x3] =	stream.linear.gather [spmem:s9], $0x2800, $0x38;
	[tilespmem:$0x1DF00] =	vst v63  }
0x83: {  	_ =	swait.ge [sflag:s25], $0x2800  }
0x84: {  	[sflag:s25] =	ssyncset.done $0x0  }
0x85: {  	[sflag:s25] =	ssyncadd.s32 $0xFFFFD800  }
0x86: {  	[hbm4b:s17+s3] =	stream.linear.scatter [tilespmem:s30], [sflag:$0x2], $0x2800, $0x38;
	[tilespmem:$0x1DF00] =	vst v63  }
0x87: {  	_ =	swait.ge [sflag:s31], $0x2800  }
0x88: {  	[sflag:s31] =	ssyncset.done $0x0  }
0x89: {  	[sflag:s31] =	ssyncadd.s32 $0xFFFFD800  }
0x8a: {  	[tilespmem:s28], [sflag:$0x3] =	stream.linear.gather [spmem:s10], $0x2800, $0x38;
	[tilespmem:$0x1DF00] =	vst v63  }
0x8b: {  	_ =	swait.ge [sflag:s25], $0x2800  }
0x8c: {  	[sflag:s25] =	ssyncset.done $0x0  }
0x8d: {  	[sflag:s25] =	ssyncadd.s32 $0xFFFFD800  }
0x8e: {  	[hbm4b:s18+s3] =	stream.linear.scatter [tilespmem:s28], [sflag:$0x1], $0x2800, $0x38;
	[tilespmem:$0x1DF00] =	vst v63  }
0x8f: {  	_ =	swait.ge [sflag:s1], $0x2800  }
0x90: {  	[sflag:s1] =	ssyncset.done $0x0  }
0x91: {  	[sflag:s1] =	ssyncadd.s32 $0xFFFFD800  }
0x92: {  	[tilespmem:s30], [sflag:$0x3] =	stream.linear.gather [spmem:s11], $0x2800, $0x38;
	[tilespmem:$0x1DF00] =	vst v63  }
0x93: {  	_ =	swait.ge [sflag:s25], $0x2800  }
0x94: {  	[sflag:s25] =	ssyncset.done $0x0  }
0x95: {  	[sflag:s25] =	ssyncadd.s32 $0xFFFFD800  }
0x96: {  	[hbm4b:s19+s3] =	stream.linear.scatter [tilespmem:s30], [sflag:$0x2], $0x2800, $0x38;
	[tilespmem:$0x1DF00] =	vst v63  }
0x97: {  	_ =	swait.ge [sflag:s31], $0x2800  }
0x98: {  	[sflag:s31] =	ssyncset.done $0x0  }
0x99: {  	[sflag:s31] =	ssyncadd.s32 $0xFFFFD800  }
0x9a: {  	[tilespmem:s28], [sflag:$0x3] =	stream.linear.gather [spmem:s12], $0x2800, $0x38;
	[tilespmem:$0x1DF00] =	vst v63  }
0x9b: {  	_ =	swait.ge [sflag:s25], $0x2800  }
0x9c: {  	[sflag:s25] =	ssyncset.done $0x0  }
0x9d: {  	[sflag:s25] =	ssyncadd.s32 $0xFFFFD800  }
0x9e: {  	[hbm4b:s20+s3] =	stream.linear.scatter [tilespmem:s28], [sflag:$0x1], $0x2800, $0x38;
	[tilespmem:$0x1DF00] =	vst v63  }
0x9f: {  	_ =	swait.ge [sflag:s1], $0x2800  }
0xa0: {  	[sflag:s1] =	ssyncset.done $0x0  }
0xa1: {  	[sflag:s1] =	ssyncadd.s32 $0xFFFFD800  }
0xa2: {  	[tilespmem:s30], [sflag:$0x3] =	stream.linear.gather [spmem:s13], $0x2800, $0x38;
	[tilespmem:$0x1DF00] =	vst v63  }
0xa3: {  	_ =	swait.ge [sflag:s25], $0x2800  }
0xa4: {  	[sflag:s25] =	ssyncset.done $0x0  }
0xa5: {  	[sflag:s25] =	ssyncadd.s32 $0xFFFFD800  }
0xa6: {  	[hbm4b:s21+s3] =	stream.linear.scatter [tilespmem:s30], [sflag:$0x2], $0x2800, $0x38;
	[tilespmem:$0x1DF00] =	vst v63  }
0xa7: {  	_ =	swait.ge [sflag:s31], $0x2800  }
0xa8: {  	[sflag:s31] =	ssyncset.done $0x0  }
0xa9: {  	[sflag:s31] =	ssyncadd.s32 $0xFFFFD800  }
0xaa: {  	[tilespmem:s28], [sflag:$0x3] =	stream.linear.gather [spmem:s14], $0x2800, $0x38;
	[tilespmem:$0x1DF00] =	vst v63  }
0xab: {  	_ =	swait.ge [sflag:s25], $0x2800  }
0xac: {  	[sflag:s25] =	ssyncset.done $0x0  }
0xad: {  	[sflag:s25] =	ssyncadd.s32 $0xFFFFD800  }
0xae: {  	[hbm4b:s22+s3] =	stream.linear.scatter [tilespmem:s28], [sflag:$0x1], $0x2800, $0x38;
	[tilespmem:$0x1DF00] =	vst v63  }
0xaf: {  	_ =	swait.ge [sflag:s1], $0x2800  }
0xb0: {  	[sflag:s1] =	ssyncset.done $0x0  }
0xb1: {  	[sflag:s1] =	ssyncadd.s32 $0xFFFFD800  }
0xb2: {  	[tilespmem:s30], [sflag:$0x3] =	stream.linear.gather [spmem:s15], $0x2800, $0x38;
	[tilespmem:$0x1DF00] =	vst v63  }
0xb3: {  	_ =	swait.ge [sflag:s25], $0x2800  }
0xb4: {  	[sflag:s25] =	ssyncset.done $0x0  }
0xb5: {  	s0 =	sadd.s32 $0x1, s0;
	[sflag:s25] =	ssyncadd.s32 $0xFFFFD800  }
0xb6: {  	[hbm4b:s23+s3] =	stream.linear.scatter [tilespmem:s30], [sflag:$0x2], $0x2800, $0x38;
	[tilespmem:$0x1DF00] =	vst v63  }
0xb7: {  	p0 =	sne.s32 s0, s24;
	_ =	swait.ge [sflag:s31], $0x2800  }
.Ltmp1:
0xb8: {  	[sflag:s31] =	ssyncset.done $0x0;
	(pc) =	sbr.rel @p0 .LBB2_1-.Ltmp1, $4  }
0xb9: {  	[sflag:s31] =	ssyncadd.s32 $0xFFFFD800  }
0xba: {  	_ =	swait.ge [sflag:s1], $0x2800  }
0xbb: {  	[sflag:s1] =	ssyncset.done $0x0  }
0xbc: {  	[sflag:s1] =	ssyncadd.s32 $0xFFFFD800  }
0xbd: {  	_ =	sfence.sel $0x180000  }
0xbe: {  	[bflag:$0x0] =	sbarrier.arrive $0xFFFF  }
0xbf: {  	_ =	strace $0x90000050  }
0xc0: {  	s0 =	stileid.u32;
	[bflag:$0x2] =	sbarrier.arrive $0xFFFF  }
0xc1: {  	p0 =	sne.s32 s0, $0x0;
	s0 =	rddreg [dreg:$0x2]  }
0xc2: {  	s0 =	sadd.s32 @!p0 $0x100000, s0  }
0xc3: {  	[sflag:s0] =	ssyncadd.tile.s32 @!p0 $0x1;
	_ =	shalt  }
.Lfunc_end2:
_tile_overlayer_lowered:
.L_overlay_start_2:
0xc4: {  	(tag) =	ssettag $0x2  }
0xc5: {  	s0 =	rddreg [dreg:$0x0];
	s2 =	stileid.u32  }
0xc6: {  	s1 =	rddreg [dreg:$0x1];
	p0 =	sne.s32 s2, $0x0  }
0xc7: {  	s3 =	rddreg [dreg:$0x2];
	[bflag:$0x3] =	sbarrier.arrive $0xFFFF;
	s2 =	simm.s32 @!p0 $0x1C03  }
0xc8: {  	[timem:s3], [sflag:s2] =	dma.local @!p0 [hbm:s0], s1  }
0xc9: {  	s0 =	simm.s32 @!p0 $0x3  }
0xca: {  	_ =	swait.ge @!p0 [sflag:s0], s1  }
0xcb: {  	s1 =	ssub.s32 @!p0 $0x0, s1;
	[sflag:s0] =	ssyncset.done @!p0 $0x0  }
0xcc: {  	[sflag:s0] =	ssyncadd.s32 @!p0 s1  }
0xcd: {  	[bflag:$0x3] =	sbarrier.arrive $0xFFFF  }
0xce: {  	_ =	shalt  }

</sc_bundles>
